<compile_context>
chip_gen: v7x
topology: tpu7x:2x2x1
jax: 0.10.2.dev20260603
libtpu: 0.0.44.dev20260713+nightly
codegen_flags: <defaults>
</compile_context>

<pallas_src>
import jax
import jax.numpy as jnp
from jax import lax
from jax.experimental import pallas as pl
from jax.experimental.pallas import tpu as pltpu
from jax.experimental.pallas import tpu_sc as plsc

_N = 10000
_E = 320000
_D = 128
_NC = 2
_NS = 16
_NW = _NC * _NS
_C = 128
_J = 80
_EPW = _J * _C
_JW = _EPW // 128
_EP = _NW * _EPW
_NP = 10240
_RPT = _NP // _NS
_AR = 10112
_ART = _AR // _NS
_ZR = _RPT
_G = 2
_J0 = 128
_J1 = 32
_JMX = 128
_IPW = 80
_IP = _NW * _IPW

_MESH = plsc.VectorSubcoreMesh(
    core_axis_name="c", subcore_axis_name="s", num_cores=_NC, num_subcores=_NS
)



def _stage_idx(dst1d, src2d, g):
    r = g // (128 // _C)
    cb = (g % (128 // _C)) * _C
    for k in range(_C // 16):
        dst1d[pl.ds(k * 16, 16)] = src2d[r, pl.ds(cb + k * 16, 16)]



def _deg_body(dstp, ones_hbm, zeros_hbm, deg, dst_v, didx, ones_v, acc):
    c = lax.axis_index("c")
    s = lax.axis_index("s")
    wid = c * _NS + s
    pltpu.sync_copy(dstp.at[wid], dst_v)
    pltpu.sync_copy(ones_hbm, ones_v)
    pltpu.sync_copy(zeros_hbm, acc.at[pl.ds(s * _ZR, _ZR)])
    plsc.subcore_barrier()

    def body(j, carry):
        _stage_idx(didx, dst_v, j)
        pltpu.sync_copy(ones_v, acc.at[didx], add=True)
        return carry

    lax.fori_loop(0, _J, body, 0)
    plsc.subcore_barrier()
    pltpu.sync_copy(acc.at[pl.ds(s * _RPT, _RPT)], deg.at[c, pl.ds(s * _RPT, _RPT)])


_deg_call = pl.kernel(
    _deg_body,
    out_type=jax.ShapeDtypeStruct((_NC, _NP, _D), jnp.float32),
    mesh=_MESH,
    scratch_types=[
        pltpu.VMEM((_JW, 128), jnp.int32),
        pltpu.VMEM((_C,), jnp.int32),
        pltpu.VMEM((_C, _D), jnp.float32),
        pltpu.VMEM_SHARED((_NP, _D), jnp.float32),
    ],
)


def _prop_body(y_hbm, srcf, dstf, out,
               dst_v, sidx0, sidx1, didx0, didx1, rows0, rows1, acc,
               isem0, isem1, gsem0, gsem1, ssem0, ssem1):
    c = lax.axis_index("c")
    s = lax.axis_index("s")
    jn = lax.select(c == 0, _J0, _J1)
    base = lax.select(c == 0, s * _J0, _NS * _J0 + s * _J1)
    pltpu.sync_copy(dstf.at[pl.ds(base, _JMX)], dst_v)
    pltpu.sync_copy(y_hbm.at[pl.ds(s * _ART, _ART)], acc.at[pl.ds(s * _ART, _ART)])
    sidx = (sidx0, sidx1)
    didx = (didx0, didx1)
    rows = (rows0, rows1)
    isem = (isem0, isem1)
    gsem = (gsem0, gsem1)
    ssem = (ssem0, ssem1)
    for b in range(2):
        pltpu.async_copy(srcf.at[base + b], sidx[b], isem[b])
    plsc.subcore_barrier()

    def group(t, carry):
        for b in range(2):
            @pl.when(t > 0)
            def _():
                pltpu.make_async_copy(rows[b], acc.at[didx[b]], ssem[b]).wait()

            _stage_idx(didx[b], dst_v, 2 * t + b)
        for b in range(2):
            pltpu.make_async_copy(srcf.at[base + 2 * t + b], sidx[b], isem[b]).wait()
            pltpu.async_copy(y_hbm.at[sidx[b]], rows[b], gsem[b])
        for b in range(2):
            g = 2 * t + b
            pltpu.make_async_copy(y_hbm.at[sidx[b]], rows[b], gsem[b]).wait()
            pltpu.async_copy(rows[b], acc.at[didx[b]], ssem[b], add=True)

            @pl.when(g + 2 < jn)
            def _():
                pltpu.async_copy(srcf.at[base + g + 2], sidx[b], isem[b])

        return carry

    lax.fori_loop(0, jn // 2, group, 0)
    for b in range(2):
        pltpu.make_async_copy(rows[b], acc.at[didx[b]], ssem[b]).wait()
    plsc.subcore_barrier()
    pltpu.sync_copy(acc.at[pl.ds(s * _ART, _ART)], out.at[c, pl.ds(s * _ART, _ART)])


_prop_call = pl.kernel(
    _prop_body,
    out_type=jax.ShapeDtypeStruct((_NC, _NP, _D), jnp.float32),
    mesh=_MESH,
    scratch_types=(
        [pltpu.VMEM((_JMX, 128), jnp.int32)]
        + [pltpu.VMEM((_C,), jnp.int32)] * 4
        + [pltpu.VMEM((_C, _D), jnp.float32)] * 2
        + [pltpu.VMEM_SHARED((_AR, _D), jnp.float32)]
        + [pltpu.SemaphoreType.DMA] * 6
    ),
)


def _gat_body(h_hbm, pb_hbm, idxp, hout, pbout, idx_v, hrows, prows, sem):
    c = lax.axis_index("c")
    s = lax.axis_index("s")
    wid = c * _NS + s
    pltpu.sync_copy(idxp.at[wid], idx_v)
    pltpu.async_copy(h_hbm.at[idx_v], hrows, sem).wait()
    pltpu.async_copy(pb_hbm.at[idx_v], prows, sem).wait()
    pltpu.sync_copy(hrows, hout.at[pl.ds(wid * _IPW, _IPW)])
    pltpu.sync_copy(prows, pbout.at[pl.ds(wid * _IPW, _IPW)])


_gat_call = pl.kernel(
    _gat_body,
    out_type=(
        jax.ShapeDtypeStruct((_IP, _D), jnp.float32),
        jax.ShapeDtypeStruct((_IP, _D), jnp.float32),
    ),
    mesh=_MESH,
    scratch_types=[
        pltpu.VMEM((_IPW,), jnp.int32),
        pltpu.VMEM((_IPW, _D), jnp.float32),
        pltpu.VMEM((_IPW, _D), jnp.float32),
        pltpu.SemaphoreType.DMA,
    ],
)



_BR = 1024


def _stage1_body(deg, x, pos8, w1x, w1p, y, dinv):
    d2 = deg[...]
    dg = d2[0][:, 0:1] + d2[1][:, 0:1] + 1.0
    di = lax.rsqrt(dg)
    h = jnp.dot(x[...], w1x[...], preferred_element_type=jnp.float32,
                precision=lax.Precision.HIGHEST)
    h = h + jnp.dot(pos8[...], w1p[...], preferred_element_type=jnp.float32,
                    precision=lax.Precision.HIGHEST)
    y[...] = h * di
    dinv[...] = di


_stage1_call = pl.pallas_call(
    _stage1_body,
    grid=(_NP // _BR,),
    in_specs=[
        pl.BlockSpec((_NC, _BR, _D), lambda i: (0, i, 0)),
        pl.BlockSpec((_BR, _D), lambda i: (i, 0)),
        pl.BlockSpec((_BR, 8), lambda i: (i, 0)),
        pl.BlockSpec((_D, _D), lambda i: (0, 0)),
        pl.BlockSpec((8, _D), lambda i: (0, 0)),
    ],
    out_specs=[
        pl.BlockSpec((_BR, _D), lambda i: (i, 0)),
        pl.BlockSpec((_BR, 1), lambda i: (i, 0)),
    ],
    out_shape=[
        jax.ShapeDtypeStruct((_NP, _D), jnp.float32),
        jax.ShapeDtypeStruct((_NP, 1), jnp.float32),
    ],
)


def _mid_body(p, yin, dinv, w, b, y):
    p2 = p[...]
    di = dinv[...]
    h = jnp.maximum((p2[0] + p2[1] - yin[...]) * di + b[...], 0.0)
    y[...] = jnp.dot(h, w[...], preferred_element_type=jnp.float32,
                     precision=lax.Precision.HIGHEST) * di


_mid_call = pl.pallas_call(
    _mid_body,
    grid=(_NP // _BR,),
    in_specs=[
        pl.BlockSpec((_NC, _BR, _D), lambda i: (0, i, 0)),
        pl.BlockSpec((_BR, _D), lambda i: (i, 0)),
        pl.BlockSpec((_BR, 1), lambda i: (i, 0)),
        pl.BlockSpec((_D, _D), lambda i: (0, 0)),
        pl.BlockSpec((1, _D), lambda i: (0, 0)),
    ],
    out_specs=pl.BlockSpec((_BR, _D), lambda i: (i, 0)),
    out_shape=jax.ShapeDtypeStruct((_NP, _D), jnp.float32),
)


def _last_body(p, yin, dinv, b, h):
    p2 = p[...]
    h[...] = jnp.maximum((p2[0] + p2[1] - yin[...]) * dinv[...] + b[...], 0.0)


_last_call = pl.pallas_call(
    _last_body,
    grid=(_NP // _BR,),
    in_specs=[
        pl.BlockSpec((_NC, _BR, _D), lambda i: (0, i, 0)),
        pl.BlockSpec((_BR, _D), lambda i: (i, 0)),
        pl.BlockSpec((_BR, 1), lambda i: (i, 0)),
        pl.BlockSpec((1, _D), lambda i: (0, 0)),
    ],
    out_specs=pl.BlockSpec((_BR, _D), lambda i: (i, 0)),
    out_shape=jax.ShapeDtypeStruct((_NP, _D), jnp.float32),
)




def kernel(x, pos, batch, idx, edge_index, W1, b1, W2, b2, W3, b3):
    m = idx.shape[0]
    src = edge_index[0].astype(jnp.int32)
    dst = edge_index[1].astype(jnp.int32)
    srcf = jnp.pad(src, (0, _EP - _E)).reshape(_NW * _J, _C)
    dstp = jnp.pad(dst, (0, _EP - _E), constant_values=_N).reshape(_NW, _JW, 128)
    dstf = dstp.reshape(_NW * _J, _C)
    zeros128 = jnp.zeros((_ZR, _D), jnp.float32)
    ones128 = jnp.ones((_C, _D), jnp.float32)
    xp = jnp.pad(x, ((0, _NP - _N), (0, 0)))
    pos8 = jnp.pad(pos, ((0, _NP - _N), (0, 5)))
    w1x = W1[:_D]
    w1p = jnp.pad(W1[_D:], ((0, 5), (0, 0)))
    posb = jnp.concatenate(
        [pos, batch.astype(jnp.float32)[:, None],
         jnp.zeros((_N, _D - 4), jnp.float32)], axis=1)
    idxp = jnp.pad(idx.astype(jnp.int32), (0, _IP - m)).reshape(_NW, _IPW)
    b1r = b1.reshape(1, _D)
    b2r = b2.reshape(1, _D)
    b3r = b3.reshape(1, _D)

    deg = _deg_call(dstp, ones128, zeros128)
    y1, dinv = _stage1_call(deg, xp, pos8, w1x, w1p)
    p = _prop_call(y1, srcf, dstf)
    y2 = _mid_call(p, y1, dinv, W2, b1r)
    p = _prop_call(y2, srcf, dstf)
    y3 = _mid_call(p, y2, dinv, W3, b2r)
    p = _prop_call(y3, srcf, dstf)
    h3 = _last_call(p, y3, dinv, b3r)
    hout, pbout = _gat_call(h3, posb, idxp)
    return (
        hout[:m],
        pbout[:m, :3],
        pbout[:m, 3].astype(jnp.int32),
    )

# --- scband reference (transcript-rebuilt; emitter-appended) ---
"""Pipeline reference for scband-samodule-68410239091224 (READ-ONLY COPY).

The authoritative reference and input builder live on the scoring server;
editing this copy changes nothing except your own understanding.
"""

import jax, jax.numpy as jnp
import numpy as np

N = 10000
E = 320000
DF = 128
DIN = DF + 3
H = 128
OUT = 128
M = 2500


def setup_inputs(seed: int = 0) -> dict:
    key = jax.random.key(seed)
    ks = jax.random.split(key, 12)
    x = jax.random.normal(ks[0], (N, DF), dtype=jnp.float32)
    pos = jax.random.normal(ks[1], (N, 3), dtype=jnp.float32)
    batch = jnp.sort(jax.random.randint(ks[2], (N,), 0, 16))
    idx = jax.random.randint(ks[3], (M,), 0, N)
    edge_index = jax.random.randint(ks[4], (2, E), 0, N)
    W1 = jax.random.normal(ks[5], (DIN, H), dtype=jnp.float32) / np.sqrt(DIN)
    b1 = jnp.zeros((H,), dtype=jnp.float32)
    W2 = jax.random.normal(ks[6], (H, H), dtype=jnp.float32) / np.sqrt(H)
    b2 = jnp.zeros((H,), dtype=jnp.float32)
    W3 = jax.random.normal(ks[7], (H, OUT), dtype=jnp.float32) / np.sqrt(H)
    b3 = jnp.zeros((OUT,), dtype=jnp.float32)
    return {"x": x, "pos": pos, "batch": batch, "idx": idx, "edge_index": edge_index,
            "W1": W1, "b1": b1, "W2": W2, "b2": b2, "W3": W3, "b3": b3}


def gcn_layer(h, W, b, src, dst, num_nodes):
    # PyG GCNConv: x' = D^{-1/2} (A + I) D^{-1/2} X W + b  (self-loops in src/dst)
    h = h @ W
    deg = jnp.zeros((num_nodes,), h.dtype).at[dst].add(1.0)
    dinv = jnp.where(deg > 0, 1.0 / jnp.sqrt(deg), 0.0)
    coef = dinv[src] * dinv[dst]
    msg = h[src] * coef[:, None]
    out = jnp.zeros((num_nodes, h.shape[1]), h.dtype).at[dst].add(msg)
    return out + b


def reference(x, pos, batch, idx, edge_index, W1, b1, W2, b2, W3, b3):
    xin = jnp.concatenate([x, pos], axis=1)
    loop = jnp.arange(N, dtype=edge_index.dtype)
    src = jnp.concatenate([edge_index[0], loop])
    dst = jnp.concatenate([edge_index[1], loop])
    h = jax.nn.relu(gcn_layer(xin, W1, b1, src, dst, N))
    h = jax.nn.relu(gcn_layer(h, W2, b2, src, dst, N))
    h = jax.nn.relu(gcn_layer(h, W3, b3, src, dst, N))  # drop_act=False -> relu after last layer too
    return (h[idx], pos[idx], batch[idx])

if __name__ == "__main__":
    import jax
    _d = setup_inputs()
    print(jax.jit(kernel)(*tuple(_d.values())))

</pallas_src>

<mosaic_0001>
#map = affine_map<(d0, d1) -> (0, 0, 0)>
#map1 = affine_map<(d0, d1) -> (0, 0)>
module attributes {stable_mosaic.version = 14 : i64} {
  func.func @_deg_body(%arg0: i32, %arg1: i32, %arg2: memref<32x80x128xi32, #tpu.memory_space<hbm>>, %arg3: memref<128x128xf32, #tpu.memory_space<hbm>>, %arg4: memref<640x128xf32, #tpu.memory_space<hbm>>, %arg5: memref<2x10240x128xf32, #tpu.memory_space<hbm>>, %arg6: memref<80x128xi32, #tpu.memory_space<vmem>>, %arg7: memref<128xi32, #tpu.memory_space<vmem>>, %arg8: memref<128x128xf32, #tpu.memory_space<vmem>>, %arg9: memref<10240x128xf32, #tpu.memory_space<vmem_shared>>) attributes {dimension_semantics = [#tpu.dimension_semantics<core_parallel>, #tpu.dimension_semantics<subcore_parallel>], iteration_bounds = array<i64: 2, 16>, scalar_prefetch = 0 : i64, scratch_operands = 4 : i64, tpu.core_type = #tpu.core_type<sc_vector_subcore>, window_params = [{transform_indices = #map}, {transform_indices = #map1}, {transform_indices = #map1}, {transform_indices = #map}]} {
    %mul3A = arith.constant 16 : i32
    %mul3A_0 = arith.muli %arg0, %mul3A : i32
    %add3A = arith.addi %mul3A_0, %arg1 : i32
    "tpu.region"() ({
      %run_scoped3A = tpu.sem_alloc : memref<!tpu.dma_semaphore, #tpu.memory_space<semaphore_mem>>
      %dma_start3A = arith.constant 0 : i32
      %dma_start3A_13 = arith.constant 0 : i32
      %dma_start3A_14 = tpu.memref_slice %arg2[%add3A, %dma_start3A, %dma_start3A_13] : memref<32x80x128xi32, #tpu.memory_space<hbm>> -> memref<1x80x128xi32, #tpu.memory_space<hbm>>
      %dma_start3A_15 = tpu.memref_squeeze %dma_start3A_14 : memref<1x80x128xi32, #tpu.memory_space<hbm>> -> memref<80x128xi32, #tpu.memory_space<hbm>>
      %dma_start3A_16 = arith.constant 0 : i32
      %dma_start3A_17 = arith.constant 0 : i32
      %dma_start3A_18 = tpu.memref_slice %arg2[%add3A, %dma_start3A_16, %dma_start3A_17] : memref<32x80x128xi32, #tpu.memory_space<hbm>> -> memref<1x80x128xi32, #tpu.memory_space<hbm>>
      %dma_start3A_19 = tpu.memref_squeeze %dma_start3A_18 : memref<1x80x128xi32, #tpu.memory_space<hbm>> -> memref<80x128xi32, #tpu.memory_space<hbm>>
      tpu.enqueue_dma source(%dma_start3A_19 : memref<80x128xi32, #tpu.memory_space<hbm>>) target(%arg6 : memref<80x128xi32, #tpu.memory_space<vmem>>) target_semaphore(%run_scoped3A : memref<!tpu.dma_semaphore, #tpu.memory_space<semaphore_mem>>)
      %dma_wait3A = arith.constant 0 : i32
      %dma_wait3A_20 = arith.constant 0 : i32
      %dma_wait3A_21 = tpu.memref_slice %arg2[%add3A, %dma_wait3A, %dma_wait3A_20] : memref<32x80x128xi32, #tpu.memory_space<hbm>> -> memref<1x80x128xi32, #tpu.memory_space<hbm>>
      %dma_wait3A_22 = tpu.memref_squeeze %dma_wait3A_21 : memref<1x80x128xi32, #tpu.memory_space<hbm>> -> memref<80x128xi32, #tpu.memory_space<hbm>>
      %dma_wait3A_23 = arith.constant 0 : i32
      %dma_wait3A_24 = arith.constant 0 : i32
      %dma_wait3A_25 = tpu.memref_slice %arg2[%add3A, %dma_wait3A_23, %dma_wait3A_24] : memref<32x80x128xi32, #tpu.memory_space<hbm>> -> memref<1x80x128xi32, #tpu.memory_space<hbm>>
      %dma_wait3A_26 = tpu.memref_squeeze %dma_wait3A_25 : memref<1x80x128xi32, #tpu.memory_space<hbm>> -> memref<80x128xi32, #tpu.memory_space<hbm>>
      tpu.wait_dma2 semaphore(%run_scoped3A : memref<!tpu.dma_semaphore, #tpu.memory_space<semaphore_mem>>) src(%dma_wait3A_26 : memref<80x128xi32, #tpu.memory_space<hbm>>) dst(%arg6 : memref<80x128xi32, #tpu.memory_space<vmem>>)
      tpu.yield
    }) : () -> ()
    "tpu.region"() ({
      %run_scoped3A = tpu.sem_alloc : memref<!tpu.dma_semaphore, #tpu.memory_space<semaphore_mem>>
      tpu.enqueue_dma source(%arg3 : memref<128x128xf32, #tpu.memory_space<hbm>>) target(%arg8 : memref<128x128xf32, #tpu.memory_space<vmem>>) target_semaphore(%run_scoped3A : memref<!tpu.dma_semaphore, #tpu.memory_space<semaphore_mem>>)
      tpu.wait_dma2 semaphore(%run_scoped3A : memref<!tpu.dma_semaphore, #tpu.memory_space<semaphore_mem>>) src(%arg3 : memref<128x128xf32, #tpu.memory_space<hbm>>) dst(%arg8 : memref<128x128xf32, #tpu.memory_space<vmem>>)
      tpu.yield
    }) : () -> ()
    %mul3A_1 = arith.constant 640 : i32
    %mul3A_2 = arith.muli %arg1, %mul3A_1 : i32
    "tpu.region"() ({
      %run_scoped3A = tpu.sem_alloc : memref<!tpu.dma_semaphore, #tpu.memory_space<semaphore_mem>>
      %dma_start3A = arith.constant 0 : i32
      %dma_start3A_13 = tpu.memref_slice %arg9[%mul3A_2, %dma_start3A] : memref<10240x128xf32, #tpu.memory_space<vmem_shared>> -> memref<640x128xf32, #tpu.memory_space<vmem_shared>>
      tpu.enqueue_dma source(%arg4 : memref<640x128xf32, #tpu.memory_space<hbm>>) target(%dma_start3A_13 : memref<640x128xf32, #tpu.memory_space<vmem_shared>>) target_semaphore(%run_scoped3A : memref<!tpu.dma_semaphore, #tpu.memory_space<semaphore_mem>>)
      %dma_wait3A = arith.constant 0 : i32
      %dma_wait3A_14 = tpu.memref_slice %arg9[%mul3A_2, %dma_wait3A] : memref<10240x128xf32, #tpu.memory_space<vmem_shared>> -> memref<640x128xf32, #tpu.memory_space<vmem_shared>>
      tpu.wait_dma2 semaphore(%run_scoped3A : memref<!tpu.dma_semaphore, #tpu.memory_space<semaphore_mem>>) src(%arg4 : memref<640x128xf32, #tpu.memory_space<hbm>>) dst(%dma_wait3A_14 : memref<640x128xf32, #tpu.memory_space<vmem_shared>>)
      tpu.yield
    }) : () -> ()
    %barrier3A = arith.constant 0 : index
    tpu.barrier barrier_id(%barrier3A)
    %scan3A = arith.constant 0 : i32
    %scan3A_3 = arith.constant 0 : i32
    %scan3A_4 = arith.constant 80 : i32
    %scan3A_5 = arith.addi %scan3A_3, %scan3A_4 : i32
    %scan3A_6 = arith.constant 1 : i32
    scf.for %scan3A_13 = %scan3A_3 to %scan3A_5 step %scan3A_6  : i32 {
      %jit3A = arith.constant 1 : i32
      %div3A = arith.divsi %scan3A_13, %jit3A : i32
      %sign3A = arith.constant 0 : i32
      %sign3A_14 = arith.cmpi sgt, %scan3A_13, %sign3A : i32
      %sign3A_15 = arith.extui %sign3A_14 : i1 to i32
      %sign3A_16 = arith.constant 0 : i32
      %sign3A_17 = arith.cmpi slt, %scan3A_13, %sign3A_16 : i32
      %sign3A_18 = arith.extui %sign3A_17 : i1 to i32
      %sign3A_19 = arith.subi %sign3A_15, %sign3A_18 : i32
      %sign3A_20 = arith.constant 0 : i32
      %sign3A_21 = arith.cmpi sgt, %jit3A, %sign3A_20 : i32
      %sign3A_22 = arith.extui %sign3A_21 : i1 to i32
      %sign3A_23 = arith.constant 0 : i32
      %sign3A_24 = arith.cmpi slt, %jit3A, %sign3A_23 : i32
      %sign3A_25 = arith.extui %sign3A_24 : i1 to i32
      %sign3A_26 = arith.subi %sign3A_22, %sign3A_25 : i32
      %ne3A = arith.cmpi ne, %sign3A_19, %sign3A_26 : i32
      %rem3A = arith.remsi %scan3A_13, %jit3A : i32
      %ne3A_27 = arith.constant 0 : i32
      %ne3A_28 = arith.cmpi ne, %rem3A, %ne3A_27 : i32
      %and3A = arith.andi %ne3A, %ne3A_28 : i1
      %sub3A = arith.constant 1 : i32
      %sub3A_29 = arith.subi %div3A, %sub3A : i32
      %select_n3A = arith.select %and3A, %sub3A_29, %div3A : i32
      %jit3A_30 = arith.constant 1 : i32
      %eq3A = arith.constant 0 : i32
      %eq3A_31 = arith.cmpi eq, %jit3A_30, %eq3A : i32
      %jit3A_32 = arith.constant 1 : i32
      %select_n3A_33 = arith.select %eq3A_31, %jit3A_32, %jit3A_30 : i32
      %rem3A_34 = arith.remsi %scan3A_13, %select_n3A_33 : i32
      %ne3A_35 = arith.constant 0 : i32
      %ne3A_36 = arith.cmpi ne, %rem3A_34, %ne3A_35 : i32
      %lt3A = arith.constant 0 : i32
      %lt3A_37 = arith.cmpi slt, %rem3A_34, %lt3A : i32
      %lt3A_38 = arith.constant 0 : i32
      %lt3A_39 = arith.cmpi slt, %select_n3A_33, %lt3A_38 : i32
      %ne3A_40 = arith.xori %lt3A_37, %lt3A_39 : i1
      %and3A_41 = arith.andi %ne3A_40, %ne3A_36 : i1
      %add3A_42 = arith.addi %rem3A_34, %select_n3A_33 : i32
      %select_n3A_43 = arith.select %and3A_41, %add3A_42, %rem3A_34 : i32
      %mul3A_44 = arith.constant 128 : i32
      %mul3A_45 = arith.muli %select_n3A_43, %mul3A_44 : i32
      %add3A_46 = arith.constant 0 : i32
      %add3A_47 = arith.addi %mul3A_45, %add3A_46 : i32
      %get3A = arith.index_cast %select_n3A : i32 to index
      %get3A_48 = arith.index_cast %add3A_47 : i32 to index
      %get3A_49 = tpu.vector_load %arg6[%get3A, %get3A_48] {strides = array<i32>} : memref<80x128xi32, #tpu.memory_space<vmem>>, vector<1x16xi32>,
      %get3A_50 = vector.shape_cast %get3A_49 : vector<1x16xi32> to vector<16xi32>
      %swap3A = arith.constant 0 : index
      %swap3A_51 = tpu.vector_load %arg7[%swap3A] {strides = array<i32>} : memref<128xi32, #tpu.memory_space<vmem>>, vector<16xi32>,
      %swap3A_52 = vector.shape_cast %swap3A_51 : vector<16xi32> to vector<16xi32>
      %swap3A_53 = vector.shape_cast %get3A_50 : vector<16xi32> to vector<16xi32>
      tpu.vector_store %arg7[%swap3A], %swap3A_53 {strides = array<i32>} : memref<128xi32, #tpu.memory_space<vmem>>, vector<16xi32>,
      %add3A_54 = arith.constant 16 : i32
      %add3A_55 = arith.addi %mul3A_45, %add3A_54 : i32
      %get3A_56 = arith.index_cast %select_n3A : i32 to index
      %get3A_57 = arith.index_cast %add3A_55 : i32 to index
      %get3A_58 = tpu.vector_load %arg6[%get3A_56, %get3A_57] {strides = array<i32>} : memref<80x128xi32, #tpu.memory_space<vmem>>, vector<1x16xi32>,
      %get3A_59 = vector.shape_cast %get3A_58 : vector<1x16xi32> to vector<16xi32>
      %swap3A_60 = arith.constant 16 : index
      %swap3A_61 = tpu.vector_load %arg7[%swap3A_60] {strides = array<i32>} : memref<128xi32, #tpu.memory_space<vmem>>, vector<16xi32>,
      %swap3A_62 = vector.shape_cast %swap3A_61 : vector<16xi32> to vector<16xi32>
      %swap3A_63 = vector.shape_cast %get3A_59 : vector<16xi32> to vector<16xi32>
      tpu.vector_store %arg7[%swap3A_60], %swap3A_63 {strides = array<i32>} : memref<128xi32, #tpu.memory_space<vmem>>, vector<16xi32>,
      %add3A_64 = arith.constant 32 : i32
      %add3A_65 = arith.addi %mul3A_45, %add3A_64 : i32
      %get3A_66 = arith.index_cast %select_n3A : i32 to index
      %get3A_67 = arith.index_cast %add3A_65 : i32 to index
      %get3A_68 = tpu.vector_load %arg6[%get3A_66, %get3A_67] {strides = array<i32>} : memref<80x128xi32, #tpu.memory_space<vmem>>, vector<1x16xi32>,
      %get3A_69 = vector.shape_cast %get3A_68 : vector<1x16xi32> to vector<16xi32>
      %swap3A_70 = arith.constant 32 : index
      %swap3A_71 = tpu.vector_load %arg7[%swap3A_70] {strides = array<i32>} : memref<128xi32, #tpu.memory_space<vmem>>, vector<16xi32>,
      %swap3A_72 = vector.shape_cast %swap3A_71 : vector<16xi32> to vector<16xi32>
      %swap3A_73 = vector.shape_cast %get3A_69 : vector<16xi32> to vector<16xi32>
      tpu.vector_store %arg7[%swap3A_70], %swap3A_73 {strides = array<i32>} : memref<128xi32, #tpu.memory_space<vmem>>, vector<16xi32>,
      %add3A_74 = arith.constant 48 : i32
      %add3A_75 = arith.addi %mul3A_45, %add3A_74 : i32
      %get3A_76 = arith.index_cast %select_n3A : i32 to index
      %get3A_77 = arith.index_cast %add3A_75 : i32 to index
      %get3A_78 = tpu.vector_load %arg6[%get3A_76, %get3A_77] {strides = array<i32>} : memref<80x128xi32, #tpu.memory_space<vmem>>, vector<1x16xi32>,
      %get3A_79 = vector.shape_cast %get3A_78 : vector<1x16xi32> to vector<16xi32>
      %swap3A_80 = arith.constant 48 : index
      %swap3A_81 = tpu.vector_load %arg7[%swap3A_80] {strides = array<i32>} : memref<128xi32, #tpu.memory_space<vmem>>, vector<16xi32>,
      %swap3A_82 = vector.shape_cast %swap3A_81 : vector<16xi32> to vector<16xi32>
      %swap3A_83 = vector.shape_cast %get3A_79 : vector<16xi32> to vector<16xi32>
      tpu.vector_store %arg7[%swap3A_80], %swap3A_83 {strides = array<i32>} : memref<128xi32, #tpu.memory_space<vmem>>, vector<16xi32>,
      %add3A_84 = arith.constant 64 : i32
      %add3A_85 = arith.addi %mul3A_45, %add3A_84 : i32
      %get3A_86 = arith.index_cast %select_n3A : i32 to index
      %get3A_87 = arith.index_cast %add3A_85 : i32 to index
      %get3A_88 = tpu.vector_load %arg6[%get3A_86, %get3A_87] {strides = array<i32>} : memref<80x128xi32, #tpu.memory_space<vmem>>, vector<1x16xi32>,
      %get3A_89 = vector.shape_cast %get3A_88 : vector<1x16xi32> to vector<16xi32>
      %swap3A_90 = arith.constant 64 : index
      %swap3A_91 = tpu.vector_load %arg7[%swap3A_90] {strides = array<i32>} : memref<128xi32, #tpu.memory_space<vmem>>, vector<16xi32>,
      %swap3A_92 = vector.shape_cast %swap3A_91 : vector<16xi32> to vector<16xi32>
      %swap3A_93 = vector.shape_cast %get3A_89 : vector<16xi32> to vector<16xi32>
      tpu.vector_store %arg7[%swap3A_90], %swap3A_93 {strides = array<i32>} : memref<128xi32, #tpu.memory_space<vmem>>, vector<16xi32>,
      %add3A_94 = arith.constant 80 : i32
      %add3A_95 = arith.addi %mul3A_45, %add3A_94 : i32
      %get3A_96 = arith.index_cast %select_n3A : i32 to index
      %get3A_97 = arith.index_cast %add3A_95 : i32 to index
      %get3A_98 = tpu.vector_load %arg6[%get3A_96, %get3A_97] {strides = array<i32>} : memref<80x128xi32, #tpu.memory_space<vmem>>, vector<1x16xi32>,
      %get3A_99 = vector.shape_cast %get3A_98 : vector<1x16xi32> to vector<16xi32>
      %swap3A_100 = arith.constant 80 : index
      %swap3A_101 = tpu.vector_load %arg7[%swap3A_100] {strides = array<i32>} : memref<128xi32, #tpu.memory_space<vmem>>, vector<16xi32>,
      %swap3A_102 = vector.shape_cast %swap3A_101 : vector<16xi32> to vector<16xi32>
      %swap3A_103 = vector.shape_cast %get3A_99 : vector<16xi32> to vector<16xi32>
      tpu.vector_store %arg7[%swap3A_100], %swap3A_103 {strides = array<i32>} : memref<128xi32, #tpu.memory_space<vmem>>, vector<16xi32>,
      %add3A_104 = arith.constant 96 : i32
      %add3A_105 = arith.addi %mul3A_45, %add3A_104 : i32
      %get3A_106 = arith.index_cast %select_n3A : i32 to index
      %get3A_107 = arith.index_cast %add3A_105 : i32 to index
      %get3A_108 = tpu.vector_load %arg6[%get3A_106, %get3A_107] {strides = array<i32>} : memref<80x128xi32, #tpu.memory_space<vmem>>, vector<1x16xi32>,
      %get3A_109 = vector.shape_cast %get3A_108 : vector<1x16xi32> to vector<16xi32>
      %swap3A_110 = arith.constant 96 : index
      %swap3A_111 = tpu.vector_load %arg7[%swap3A_110] {strides = array<i32>} : memref<128xi32, #tpu.memory_space<vmem>>, vector<16xi32>,
      %swap3A_112 = vector.shape_cast %swap3A_111 : vector<16xi32> to vector<16xi32>
      %swap3A_113 = vector.shape_cast %get3A_109 : vector<16xi32> to vector<16xi32>
      tpu.vector_store %arg7[%swap3A_110], %swap3A_113 {strides = array<i32>} : memref<128xi32, #tpu.memory_space<vmem>>, vector<16xi32>,
      %add3A_114 = arith.constant 112 : i32
      %add3A_115 = arith.addi %mul3A_45, %add3A_114 : i32
      %get3A_116 = arith.index_cast %select_n3A : i32 to index
      %get3A_117 = arith.index_cast %add3A_115 : i32 to index
      %get3A_118 = tpu.vector_load %arg6[%get3A_116, %get3A_117] {strides = array<i32>} : memref<80x128xi32, #tpu.memory_space<vmem>>, vector<1x16xi32>,
      %get3A_119 = vector.shape_cast %get3A_118 : vector<1x16xi32> to vector<16xi32>
      %swap3A_120 = arith.constant 112 : index
      %swap3A_121 = tpu.vector_load %arg7[%swap3A_120] {strides = array<i32>} : memref<128xi32, #tpu.memory_space<vmem>>, vector<16xi32>,
      %swap3A_122 = vector.shape_cast %swap3A_121 : vector<16xi32> to vector<16xi32>
      %swap3A_123 = vector.shape_cast %get3A_119 : vector<16xi32> to vector<16xi32>
      tpu.vector_store %arg7[%swap3A_120], %swap3A_123 {strides = array<i32>} : memref<128xi32, #tpu.memory_space<vmem>>, vector<16xi32>,
      "tpu.region"() ({
        %run_scoped3A = tpu.sem_alloc : memref<!tpu.dma_semaphore, #tpu.memory_space<semaphore_mem>>
        %dma_start3A = arith.constant 0 : i32
        %dma_start3A_124 = arith.constant 0 : i32
        %dma_start3A_125 = tpu.memref_slice %arg9[%dma_start3A, %dma_start3A_124] : memref<10240x128xf32, #tpu.memory_space<vmem_shared>> -> memref<10240x128xf32, #tpu.memory_space<vmem_shared>>
        tpu.enqueue_indirect_dma source(%arg8 : memref<128x128xf32, #tpu.memory_space<vmem>>) target(%dma_start3A_125 : memref<10240x128xf32, #tpu.memory_space<vmem_shared>>) offsets(%arg7 : memref<128xi32, #tpu.memory_space<vmem>>) semaphore(%run_scoped3A : memref<!tpu.dma_semaphore, #tpu.memory_space<semaphore_mem>>) {add = true}
        %dma_wait3A = arith.constant 0 : i32
        %dma_wait3A_126 = arith.constant 0 : i32
        %dma_wait3A_127 = tpu.memref_slice %arg9[%dma_wait3A, %dma_wait3A_126] : memref<10240x128xf32, #tpu.memory_space<vmem_shared>> -> memref<10240x128xf32, #tpu.memory_space<vmem_shared>>
        tpu.wait_indirect_dma semaphore(%run_scoped3A : memref<!tpu.dma_semaphore, #tpu.memory_space<semaphore_mem>>) src(%arg8 : memref<128x128xf32, #tpu.memory_space<vmem>>) dst(%dma_wait3A_127 : memref<10240x128xf32, #tpu.memory_space<vmem_shared>>)
        tpu.yield
      }) : () -> ()
    }
    %scan3A_7 = arith.constant 80 : i32
    %barrier3A_8 = arith.constant 0 : index
    tpu.barrier barrier_id(%barrier3A_8)
    %mul3A_9 = arith.constant 640 : i32
    %mul3A_10 = arith.muli %arg1, %mul3A_9 : i32
    %mul3A_11 = arith.constant 640 : i32
    %mul3A_12 = arith.muli %arg1, %mul3A_11 : i32
    "tpu.region"() ({
      %run_scoped3A = tpu.sem_alloc : memref<!tpu.dma_semaphore, #tpu.memory_space<semaphore_mem>>
      %dma_start3A = arith.constant 0 : i32
      %dma_start3A_13 = tpu.memref_slice %arg5[%arg0, %mul3A_12, %dma_start3A] : memref<2x10240x128xf32, #tpu.memory_space<hbm>> -> memref<1x640x128xf32, #tpu.memory_space<hbm>>
      %dma_start3A_14 = tpu.memref_squeeze %dma_start3A_13 : memref<1x640x128xf32, #tpu.memory_space<hbm>> -> memref<640x128xf32, #tpu.memory_space<hbm>>
      %dma_start3A_15 = arith.constant 0 : i32
      %dma_start3A_16 = tpu.memref_slice %arg9[%mul3A_10, %dma_start3A_15] : memref<10240x128xf32, #tpu.memory_space<vmem_shared>> -> memref<640x128xf32, #tpu.memory_space<vmem_shared>>
      tpu.enqueue_dma source(%dma_start3A_16 : memref<640x128xf32, #tpu.memory_space<vmem_shared>>) target(%dma_start3A_14 : memref<640x128xf32, #tpu.memory_space<hbm>>) target_semaphore(%run_scoped3A : memref<!tpu.dma_semaphore, #tpu.memory_space<semaphore_mem>>)
      %dma_wait3A = arith.constant 0 : i32
      %dma_wait3A_17 = tpu.memref_slice %arg5[%arg0, %mul3A_12, %dma_wait3A] : memref<2x10240x128xf32, #tpu.memory_space<hbm>> -> memref<1x640x128xf32, #tpu.memory_space<hbm>>
      %dma_wait3A_18 = tpu.memref_squeeze %dma_wait3A_17 : memref<1x640x128xf32, #tpu.memory_space<hbm>> -> memref<640x128xf32, #tpu.memory_space<hbm>>
      %dma_wait3A_19 = arith.constant 0 : i32
      %dma_wait3A_20 = tpu.memref_slice %arg9[%mul3A_10, %dma_wait3A_19] : memref<10240x128xf32, #tpu.memory_space<vmem_shared>> -> memref<640x128xf32, #tpu.memory_space<vmem_shared>>
      tpu.wait_dma2 semaphore(%run_scoped3A : memref<!tpu.dma_semaphore, #tpu.memory_space<semaphore_mem>>) src(%dma_wait3A_20 : memref<640x128xf32, #tpu.memory_space<vmem_shared>>) dst(%dma_wait3A_18 : memref<640x128xf32, #tpu.memory_space<hbm>>)
      tpu.yield
    }) : () -> ()
    return
  }
}

#map = affine_map<(d0, d1) -> (0, 0)>
#map1 = affine_map<(d0, d1) -> (0, 0, 0)>
module attributes {stable_mosaic.version = 14 : i64} {
  func.func @_prop_body(%arg0: i32, %arg1: i32, %arg2: memref<10240x128xf32, #tpu.memory_space<hbm>>, %arg3: memref<2560x128xi32, #tpu.memory_space<hbm>>, %arg4: memref<2560x128xi32, #tpu.memory_space<hbm>>, %arg5: memref<2x10240x128xf32, #tpu.memory_space<hbm>>, %arg6: memref<128x128xi32, #tpu.memory_space<vmem>>, %arg7: memref<128xi32, #tpu.memory_space<vmem>>, %arg8: memref<128xi32, #tpu.memory_space<vmem>>, %arg9: memref<128xi32, #tpu.memory_space<vmem>>, %arg10: memref<128xi32, #tpu.memory_space<vmem>>, %arg11: memref<128x128xf32, #tpu.memory_space<vmem>>, %arg12: memref<128x128xf32, #tpu.memory_space<vmem>>, %arg13: memref<10112x128xf32, #tpu.memory_space<vmem_shared>>, %arg14: memref<!tpu.dma_semaphore, #tpu.memory_space<semaphore_mem>>, %arg15: memref<!tpu.dma_semaphore, #tpu.memory_space<semaphore_mem>>, %arg16: memref<!tpu.dma_semaphore, #tpu.memory_space<semaphore_mem>>, %arg17: memref<!tpu.dma_semaphore, #tpu.memory_space<semaphore_mem>>, %arg18: memref<!tpu.dma_semaphore, #tpu.memory_space<semaphore_mem>>, %arg19: memref<!tpu.dma_semaphore, #tpu.memory_space<semaphore_mem>>) attributes {dimension_semantics = [#tpu.dimension_semantics<core_parallel>, #tpu.dimension_semantics<subcore_parallel>], iteration_bounds = array<i64: 2, 16>, scalar_prefetch = 0 : i64, scratch_operands = 14 : i64, tpu.core_type = #tpu.core_type<sc_vector_subcore>, window_params = [{transform_indices = #map}, {transform_indices = #map}, {transform_indices = #map}, {transform_indices = #map1}]} {
    %eq3A = arith.constant 0 : i32
    %eq3A_0 = arith.cmpi eq, %arg0, %eq3A : i32
    %select_n3A = arith.constant 32 : i32
    %select_n3A_1 = arith.constant 128 : i32
    %select_n3A_2 = arith.select %eq3A_0, %select_n3A_1, %select_n3A : i32
    %eq3A_3 = arith.constant 0 : i32
    %eq3A_4 = arith.cmpi eq, %arg0, %eq3A_3 : i32
    %mul3A = arith.constant 128 : i32
    %mul3A_5 = arith.muli %arg1, %mul3A : i32
    %mul3A_6 = arith.constant 32 : i32
    %mul3A_7 = arith.muli %arg1, %mul3A_6 : i32
    %add3A = arith.constant 2048 : i32
    %add3A_8 = arith.addi %add3A, %mul3A_7 : i32
    %select_n3A_9 = arith.select %eq3A_4, %mul3A_5, %add3A_8 : i32
    "tpu.region"() ({
      %run_scoped3A = tpu.sem_alloc : memref<!tpu.dma_semaphore, #tpu.memory_space<semaphore_mem>>
      %dma_start3A_65 = arith.constant 0 : i32
      %dma_start3A_66 = tpu.memref_slice %arg4[%select_n3A_9, %dma_start3A_65] : memref<2560x128xi32, #tpu.memory_space<hbm>> -> memref<128x128xi32, #tpu.memory_space<hbm>>
      %dma_start3A_67 = arith.constant 0 : i32
      %dma_start3A_68 = tpu.memref_slice %arg4[%select_n3A_9, %dma_start3A_67] : memref<2560x128xi32, #tpu.memory_space<hbm>> -> memref<128x128xi32, #tpu.memory_space<hbm>>
      tpu.enqueue_dma source(%dma_start3A_68 : memref<128x128xi32, #tpu.memory_space<hbm>>) target(%arg6 : memref<128x128xi32, #tpu.memory_space<vmem>>) target_semaphore(%run_scoped3A : memref<!tpu.dma_semaphore, #tpu.memory_space<semaphore_mem>>)
      %dma_wait3A_69 = arith.constant 0 : i32
      %dma_wait3A_70 = tpu.memref_slice %arg4[%select_n3A_9, %dma_wait3A_69] : memref<2560x128xi32, #tpu.memory_space<hbm>> -> memref<128x128xi32, #tpu.memory_space<hbm>>
      %dma_wait3A_71 = arith.constant 0 : i32
      %dma_wait3A_72 = tpu.memref_slice %arg4[%select_n3A_9, %dma_wait3A_71] : memref<2560x128xi32, #tpu.memory_space<hbm>> -> memref<128x128xi32, #tpu.memory_space<hbm>>
      tpu.wait_dma2 semaphore(%run_scoped3A : memref<!tpu.dma_semaphore, #tpu.memory_space<semaphore_mem>>) src(%dma_wait3A_72 : memref<128x128xi32, #tpu.memory_space<hbm>>) dst(%arg6 : memref<128x128xi32, #tpu.memory_space<vmem>>)
      tpu.yield
    }) : () -> ()
    %mul3A_10 = arith.constant 632 : i32
    %mul3A_11 = arith.muli %arg1, %mul3A_10 : i32
    %mul3A_12 = arith.constant 632 : i32
    %mul3A_13 = arith.muli %arg1, %mul3A_12 : i32
    "tpu.region"() ({
      %run_scoped3A = tpu.sem_alloc : memref<!tpu.dma_semaphore, #tpu.memory_space<semaphore_mem>>
      %dma_start3A_65 = arith.constant 0 : i32
      %dma_start3A_66 = tpu.memref_slice %arg13[%mul3A_13, %dma_start3A_65] : memref<10112x128xf32, #tpu.memory_space<vmem_shared>> -> memref<632x128xf32, #tpu.memory_space<vmem_shared>>
      %dma_start3A_67 = arith.constant 0 : i32
      %dma_start3A_68 = tpu.memref_slice %arg2[%mul3A_11, %dma_start3A_67] : memref<10240x128xf32, #tpu.memory_space<hbm>> -> memref<632x128xf32, #tpu.memory_space<hbm>>
      tpu.enqueue_dma source(%dma_start3A_68 : memref<632x128xf32, #tpu.memory_space<hbm>>) target(%dma_start3A_66 : memref<632x128xf32, #tpu.memory_space<vmem_shared>>) target_semaphore(%run_scoped3A : memref<!tpu.dma_semaphore, #tpu.memory_space<semaphore_mem>>)
      %dma_wait3A_69 = arith.constant 0 : i32
      %dma_wait3A_70 = tpu.memref_slice %arg13[%mul3A_13, %dma_wait3A_69] : memref<10112x128xf32, #tpu.memory_space<vmem_shared>> -> memref<632x128xf32, #tpu.memory_space<vmem_shared>>
      %dma_wait3A_71 = arith.constant 0 : i32
      %dma_wait3A_72 = tpu.memref_slice %arg2[%mul3A_11, %dma_wait3A_71] : memref<10240x128xf32, #tpu.memory_space<hbm>> -> memref<632x128xf32, #tpu.memory_space<hbm>>
      tpu.wait_dma2 semaphore(%run_scoped3A : memref<!tpu.dma_semaphore, #tpu.memory_space<semaphore_mem>>) src(%dma_wait3A_72 : memref<632x128xf32, #tpu.memory_space<hbm>>) dst(%dma_wait3A_70 : memref<632x128xf32, #tpu.memory_space<vmem_shared>>)
      tpu.yield
    }) : () -> ()
    %add3A_14 = arith.constant 0 : i32
    %add3A_15 = arith.addi %select_n3A_9, %add3A_14 : i32
    %dma_start3A = arith.constant 0 : i32
    %dma_start3A_16 = tpu.memref_slice %arg3[%add3A_15, %dma_start3A] : memref<2560x128xi32, #tpu.memory_space<hbm>> -> memref<1x128xi32, #tpu.memory_space<hbm>>
    %dma_start3A_17 = tpu.memref_squeeze %dma_start3A_16 : memref<1x128xi32, #tpu.memory_space<hbm>> -> memref<128xi32, #tpu.memory_space<hbm>>
    %dma_start3A_18 = arith.constant 0 : i32
    %dma_start3A_19 = tpu.memref_slice %arg3[%add3A_15, %dma_start3A_18] : memref<2560x128xi32, #tpu.memory_space<hbm>> -> memref<1x128xi32, #tpu.memory_space<hbm>>
    %dma_start3A_20 = tpu.memref_squeeze %dma_start3A_19 : memref<1x128xi32, #tpu.memory_space<hbm>> -> memref<128xi32, #tpu.memory_space<hbm>>
    tpu.enqueue_dma source(%dma_start3A_20 : memref<128xi32, #tpu.memory_space<hbm>>) target(%arg7 : memref<128xi32, #tpu.memory_space<vmem>>) target_semaphore(%arg14 : memref<!tpu.dma_semaphore, #tpu.memory_space<semaphore_mem>>)
    %add3A_21 = arith.constant 1 : i32
    %add3A_22 = arith.addi %select_n3A_9, %add3A_21 : i32
    %dma_start3A_23 = arith.constant 0 : i32
    %dma_start3A_24 = tpu.memref_slice %arg3[%add3A_22, %dma_start3A_23] : memref<2560x128xi32, #tpu.memory_space<hbm>> -> memref<1x128xi32, #tpu.memory_space<hbm>>
    %dma_start3A_25 = tpu.memref_squeeze %dma_start3A_24 : memref<1x128xi32, #tpu.memory_space<hbm>> -> memref<128xi32, #tpu.memory_space<hbm>>
    %dma_start3A_26 = arith.constant 0 : i32
    %dma_start3A_27 = tpu.memref_slice %arg3[%add3A_22, %dma_start3A_26] : memref<2560x128xi32, #tpu.memory_space<hbm>> -> memref<1x128xi32, #tpu.memory_space<hbm>>
    %dma_start3A_28 = tpu.memref_squeeze %dma_start3A_27 : memref<1x128xi32, #tpu.memory_space<hbm>> -> memref<128xi32, #tpu.memory_space<hbm>>
    tpu.enqueue_dma source(%dma_start3A_28 : memref<128xi32, #tpu.memory_space<hbm>>) target(%arg8 : memref<128xi32, #tpu.memory_space<vmem>>) target_semaphore(%arg15 : memref<!tpu.dma_semaphore, #tpu.memory_space<semaphore_mem>>)
    %barrier3A = arith.constant 0 : index
    tpu.barrier barrier_id(%barrier3A)
    %jit3A = arith.constant 2 : i32
    %div3A = arith.divsi %select_n3A_2, %jit3A : i32
    %sign3A = arith.constant 0 : i32
    %sign3A_29 = arith.cmpi sgt, %select_n3A_2, %sign3A : i32
    %sign3A_30 = arith.extui %sign3A_29 : i1 to i32
    %sign3A_31 = arith.constant 0 : i32
    %sign3A_32 = arith.cmpi slt, %select_n3A_2, %sign3A_31 : i32
    %sign3A_33 = arith.extui %sign3A_32 : i1 to i32
    %sign3A_34 = arith.subi %sign3A_30, %sign3A_33 : i32
    %sign3A_35 = arith.constant 0 : i32
    %sign3A_36 = arith.cmpi sgt, %jit3A, %sign3A_35 : i32
    %sign3A_37 = arith.extui %sign3A_36 : i1 to i32
    %sign3A_38 = arith.constant 0 : i32
    %sign3A_39 = arith.cmpi slt, %jit3A, %sign3A_38 : i32
    %sign3A_40 = arith.extui %sign3A_39 : i1 to i32
    %sign3A_41 = arith.subi %sign3A_37, %sign3A_40 : i32
    %ne3A = arith.cmpi ne, %sign3A_34, %sign3A_41 : i32
    %rem3A = arith.remsi %select_n3A_2, %jit3A : i32
    %ne3A_42 = arith.constant 0 : i32
    %ne3A_43 = arith.cmpi ne, %rem3A, %ne3A_42 : i32
    %and3A = arith.andi %ne3A, %ne3A_43 : i1
    %sub3A = arith.constant 1 : i32
    %sub3A_44 = arith.subi %div3A, %sub3A : i32
    %select_n3A_45 = arith.select %and3A, %sub3A_44, %div3A : i32
    %while3A = arith.constant 0 : i32
    %while3A_46 = arith.constant 0 : i32
    %while3A_47 = arith.subi %select_n3A_45, %while3A_46 : i32
    %while3A_48 = arith.addi %while3A_46, %while3A_47 : i32
    %while3A_49 = arith.constant 1 : i32
    %while3A_50 = arith.divsi %while3A_47, %while3A_49 : i32
    %while3A_51 = arith.muli %while3A_50, %while3A_49 : i32
    %while3A_52 = arith.addi %while3A_46, %while3A_51 : i32
    %while3A_53 = arith.constant 1 : i32
    scf.for %while3A_65 = %while3A_46 to %while3A_52 step %while3A_53  : i32 {
      %gt3A = arith.constant 0 : i32
      %gt3A_66 = arith.cmpi sgt, %while3A_65, %gt3A : i32
      %convert_element_type3A = arith.extui %gt3A_66 : i1 to i32
      %cond3A = arith.constant 0 : i32
      %cond3A_67 = arith.cmpi ne, %convert_element_type3A, %cond3A : i32
      scf.if %cond3A_67 {
        %dma_wait3A_382 = arith.constant 0 : i32
        %dma_wait3A_383 = arith.constant 0 : i32
        %dma_wait3A_384 = tpu.memref_slice %arg13[%dma_wait3A_382, %dma_wait3A_383] : memref<10112x128xf32, #tpu.memory_space<vmem_shared>> -> memref<10112x128xf32, #tpu.memory_space<vmem_shared>>
        tpu.wait_indirect_dma semaphore(%arg18 : memref<!tpu.dma_semaphore, #tpu.memory_space<semaphore_mem>>) src(%arg11 : memref<128x128xf32, #tpu.memory_space<vmem>>) dst(%dma_wait3A_384 : memref<10112x128xf32, #tpu.memory_space<vmem_shared>>)
      } else {
      }
      %mul3A_68 = arith.constant 2 : i32
      %mul3A_69 = arith.muli %mul3A_68, %while3A_65 : i32
      %add3A_70 = arith.constant 0 : i32
      %add3A_71 = arith.addi %mul3A_69, %add3A_70 : i32
      %jit3A_72 = arith.constant 1 : i32
      %div3A_73 = arith.divsi %add3A_71, %jit3A_72 : i32
      %sign3A_74 = arith.constant 0 : i32
      %sign3A_75 = arith.cmpi sgt, %add3A_71, %sign3A_74 : i32
      %sign3A_76 = arith.extui %sign3A_75 : i1 to i32
      %sign3A_77 = arith.constant 0 : i32
      %sign3A_78 = arith.cmpi slt, %add3A_71, %sign3A_77 : i32
      %sign3A_79 = arith.extui %sign3A_78 : i1 to i32
      %sign3A_80 = arith.subi %sign3A_76, %sign3A_79 : i32
      %sign3A_81 = arith.constant 0 : i32
      %sign3A_82 = arith.cmpi sgt, %jit3A_72, %sign3A_81 : i32
      %sign3A_83 = arith.extui %sign3A_82 : i1 to i32
      %sign3A_84 = arith.constant 0 : i32
      %sign3A_85 = arith.cmpi slt, %jit3A_72, %sign3A_84 : i32
      %sign3A_86 = arith.extui %sign3A_85 : i1 to i32
      %sign3A_87 = arith.subi %sign3A_83, %sign3A_86 : i32
      %ne3A_88 = arith.cmpi ne, %sign3A_80, %sign3A_87 : i32
      %rem3A_89 = arith.remsi %add3A_71, %jit3A_72 : i32
      %ne3A_90 = arith.constant 0 : i32
      %ne3A_91 = arith.cmpi ne, %rem3A_89, %ne3A_90 : i32
      %and3A_92 = arith.andi %ne3A_88, %ne3A_91 : i1
      %sub3A_93 = arith.constant 1 : i32
      %sub3A_94 = arith.subi %div3A_73, %sub3A_93 : i32
      %select_n3A_95 = arith.select %and3A_92, %sub3A_94, %div3A_73 : i32
      %jit3A_96 = arith.constant 1 : i32
      %eq3A_97 = arith.constant 0 : i32
      %eq3A_98 = arith.cmpi eq, %jit3A_96, %eq3A_97 : i32
      %jit3A_99 = arith.constant 1 : i32
      %select_n3A_100 = arith.select %eq3A_98, %jit3A_99, %jit3A_96 : i32
      %rem3A_101 = arith.remsi %add3A_71, %select_n3A_100 : i32
      %ne3A_102 = arith.constant 0 : i32
      %ne3A_103 = arith.cmpi ne, %rem3A_101, %ne3A_102 : i32
      %lt3A = arith.constant 0 : i32
      %lt3A_104 = arith.cmpi slt, %rem3A_101, %lt3A : i32
      %lt3A_105 = arith.constant 0 : i32
      %lt3A_106 = arith.cmpi slt, %select_n3A_100, %lt3A_105 : i32
      %ne3A_107 = arith.xori %lt3A_104, %lt3A_106 : i1
      %and3A_108 = arith.andi %ne3A_107, %ne3A_103 : i1
      %add3A_109 = arith.addi %rem3A_101, %select_n3A_100 : i32
      %select_n3A_110 = arith.select %and3A_108, %add3A_109, %rem3A_101 : i32
      %mul3A_111 = arith.constant 128 : i32
      %mul3A_112 = arith.muli %select_n3A_110, %mul3A_111 : i32
      %add3A_113 = arith.constant 0 : i32
      %add3A_114 = arith.addi %mul3A_112, %add3A_113 : i32
      %get3A = arith.index_cast %select_n3A_95 : i32 to index
      %get3A_115 = arith.index_cast %add3A_114 : i32 to index
      %get3A_116 = tpu.vector_load %arg6[%get3A, %get3A_115] {strides = array<i32>} : memref<128x128xi32, #tpu.memory_space<vmem>>, vector<1x16xi32>,
      %get3A_117 = vector.shape_cast %get3A_116 : vector<1x16xi32> to vector<16xi32>
      %swap3A = arith.constant 0 : index
      %swap3A_118 = tpu.vector_load %arg9[%swap3A] {strides = array<i32>} : memref<128xi32, #tpu.memory_space<vmem>>, vector<16xi32>,
      %swap3A_119 = vector.shape_cast %swap3A_118 : vector<16xi32> to vector<16xi32>
      %swap3A_120 = vector.shape_cast %get3A_117 : vector<16xi32> to vector<16xi32>
      tpu.vector_store %arg9[%swap3A], %swap3A_120 {strides = array<i32>} : memref<128xi32, #tpu.memory_space<vmem>>, vector<16xi32>,
      %add3A_121 = arith.constant 16 : i32
      %add3A_122 = arith.addi %mul3A_112, %add3A_121 : i32
      %get3A_123 = arith.index_cast %select_n3A_95 : i32 to index
      %get3A_124 = arith.index_cast %add3A_122 : i32 to index
      %get3A_125 = tpu.vector_load %arg6[%get3A_123, %get3A_124] {strides = array<i32>} : memref<128x128xi32, #tpu.memory_space<vmem>>, vector<1x16xi32>,
      %get3A_126 = vector.shape_cast %get3A_125 : vector<1x16xi32> to vector<16xi32>
      %swap3A_127 = arith.constant 16 : index
      %swap3A_128 = tpu.vector_load %arg9[%swap3A_127] {strides = array<i32>} : memref<128xi32, #tpu.memory_space<vmem>>, vector<16xi32>,
      %swap3A_129 = vector.shape_cast %swap3A_128 : vector<16xi32> to vector<16xi32>
      %swap3A_130 = vector.shape_cast %get3A_126 : vector<16xi32> to vector<16xi32>
      tpu.vector_store %arg9[%swap3A_127], %swap3A_130 {strides = array<i32>} : memref<128xi32, #tpu.memory_space<vmem>>, vector<16xi32>,
      %add3A_131 = arith.constant 32 : i32
      %add3A_132 = arith.addi %mul3A_112, %add3A_131 : i32
      %get3A_133 = arith.index_cast %select_n3A_95 : i32 to index
      %get3A_134 = arith.index_cast %add3A_132 : i32 to index
      %get3A_135 = tpu.vector_load %arg6[%get3A_133, %get3A_134] {strides = array<i32>} : memref<128x128xi32, #tpu.memory_space<vmem>>, vector<1x16xi32>,
      %get3A_136 = vector.shape_cast %get3A_135 : vector<1x16xi32> to vector<16xi32>
      %swap3A_137 = arith.constant 32 : index
      %swap3A_138 = tpu.vector_load %arg9[%swap3A_137] {strides = array<i32>} : memref<128xi32, #tpu.memory_space<vmem>>, vector<16xi32>,
      %swap3A_139 = vector.shape_cast %swap3A_138 : vector<16xi32> to vector<16xi32>
      %swap3A_140 = vector.shape_cast %get3A_136 : vector<16xi32> to vector<16xi32>
      tpu.vector_store %arg9[%swap3A_137], %swap3A_140 {strides = array<i32>} : memref<128xi32, #tpu.memory_space<vmem>>, vector<16xi32>,
      %add3A_141 = arith.constant 48 : i32
      %add3A_142 = arith.addi %mul3A_112, %add3A_141 : i32
      %get3A_143 = arith.index_cast %select_n3A_95 : i32 to index
      %get3A_144 = arith.index_cast %add3A_142 : i32 to index
      %get3A_145 = tpu.vector_load %arg6[%get3A_143, %get3A_144] {strides = array<i32>} : memref<128x128xi32, #tpu.memory_space<vmem>>, vector<1x16xi32>,
      %get3A_146 = vector.shape_cast %get3A_145 : vector<1x16xi32> to vector<16xi32>
      %swap3A_147 = arith.constant 48 : index
      %swap3A_148 = tpu.vector_load %arg9[%swap3A_147] {strides = array<i32>} : memref<128xi32, #tpu.memory_space<vmem>>, vector<16xi32>,
      %swap3A_149 = vector.shape_cast %swap3A_148 : vector<16xi32> to vector<16xi32>
      %swap3A_150 = vector.shape_cast %get3A_146 : vector<16xi32> to vector<16xi32>
      tpu.vector_store %arg9[%swap3A_147], %swap3A_150 {strides = array<i32>} : memref<128xi32, #tpu.memory_space<vmem>>, vector<16xi32>,
      %add3A_151 = arith.constant 64 : i32
      %add3A_152 = arith.addi %mul3A_112, %add3A_151 : i32
      %get3A_153 = arith.index_cast %select_n3A_95 : i32 to index
      %get3A_154 = arith.index_cast %add3A_152 : i32 to index
      %get3A_155 = tpu.vector_load %arg6[%get3A_153, %get3A_154] {strides = array<i32>} : memref<128x128xi32, #tpu.memory_space<vmem>>, vector<1x16xi32>,
      %get3A_156 = vector.shape_cast %get3A_155 : vector<1x16xi32> to vector<16xi32>
      %swap3A_157 = arith.constant 64 : index
      %swap3A_158 = tpu.vector_load %arg9[%swap3A_157] {strides = array<i32>} : memref<128xi32, #tpu.memory_space<vmem>>, vector<16xi32>,
      %swap3A_159 = vector.shape_cast %swap3A_158 : vector<16xi32> to vector<16xi32>
      %swap3A_160 = vector.shape_cast %get3A_156 : vector<16xi32> to vector<16xi32>
      tpu.vector_store %arg9[%swap3A_157], %swap3A_160 {strides = array<i32>} : memref<128xi32, #tpu.memory_space<vmem>>, vector<16xi32>,
      %add3A_161 = arith.constant 80 : i32
      %add3A_162 = arith.addi %mul3A_112, %add3A_161 : i32
      %get3A_163 = arith.index_cast %select_n3A_95 : i32 to index
      %get3A_164 = arith.index_cast %add3A_162 : i32 to index
      %get3A_165 = tpu.vector_load %arg6[%get3A_163, %get3A_164] {strides = array<i32>} : memref<128x128xi32, #tpu.memory_space<vmem>>, vector<1x16xi32>,
      %get3A_166 = vector.shape_cast %get3A_165 : vector<1x16xi32> to vector<16xi32>
      %swap3A_167 = arith.constant 80 : index
      %swap3A_168 = tpu.vector_load %arg9[%swap3A_167] {strides = array<i32>} : memref<128xi32, #tpu.memory_space<vmem>>, vector<16xi32>,
      %swap3A_169 = vector.shape_cast %swap3A_168 : vector<16xi32> to vector<16xi32>
      %swap3A_170 = vector.shape_cast %get3A_166 : vector<16xi32> to vector<16xi32>
      tpu.vector_store %arg9[%swap3A_167], %swap3A_170 {strides = array<i32>} : memref<128xi32, #tpu.memory_space<vmem>>, vector<16xi32>,
      %add3A_171 = arith.constant 96 : i32
      %add3A_172 = arith.addi %mul3A_112, %add3A_171 : i32
      %get3A_173 = arith.index_cast %select_n3A_95 : i32 to index
      %get3A_174 = arith.index_cast %add3A_172 : i32 to index
      %get3A_175 = tpu.vector_load %arg6[%get3A_173, %get3A_174] {strides = array<i32>} : memref<128x128xi32, #tpu.memory_space<vmem>>, vector<1x16xi32>,
      %get3A_176 = vector.shape_cast %get3A_175 : vector<1x16xi32> to vector<16xi32>
      %swap3A_177 = arith.constant 96 : index
      %swap3A_178 = tpu.vector_load %arg9[%swap3A_177] {strides = array<i32>} : memref<128xi32, #tpu.memory_space<vmem>>, vector<16xi32>,
      %swap3A_179 = vector.shape_cast %swap3A_178 : vector<16xi32> to vector<16xi32>
      %swap3A_180 = vector.shape_cast %get3A_176 : vector<16xi32> to vector<16xi32>
      tpu.vector_store %arg9[%swap3A_177], %swap3A_180 {strides = array<i32>} : memref<128xi32, #tpu.memory_space<vmem>>, vector<16xi32>,
      %add3A_181 = arith.constant 112 : i32
      %add3A_182 = arith.addi %mul3A_112, %add3A_181 : i32
      %get3A_183 = arith.index_cast %select_n3A_95 : i32 to index
      %get3A_184 = arith.index_cast %add3A_182 : i32 to index
      %get3A_185 = tpu.vector_load %arg6[%get3A_183, %get3A_184] {strides = array<i32>} : memref<128x128xi32, #tpu.memory_space<vmem>>, vector<1x16xi32>,
      %get3A_186 = vector.shape_cast %get3A_185 : vector<1x16xi32> to vector<16xi32>
      %swap3A_187 = arith.constant 112 : index
      %swap3A_188 = tpu.vector_load %arg9[%swap3A_187] {strides = array<i32>} : memref<128xi32, #tpu.memory_space<vmem>>, vector<16xi32>,
      %swap3A_189 = vector.shape_cast %swap3A_188 : vector<16xi32> to vector<16xi32>
      %swap3A_190 = vector.shape_cast %get3A_186 : vector<16xi32> to vector<16xi32>
      tpu.vector_store %arg9[%swap3A_187], %swap3A_190 {strides = array<i32>} : memref<128xi32, #tpu.memory_space<vmem>>, vector<16xi32>,
      %gt3A_191 = arith.constant 0 : i32
      %gt3A_192 = arith.cmpi sgt, %while3A_65, %gt3A_191 : i32
      %convert_element_type3A_193 = arith.extui %gt3A_192 : i1 to i32
      %cond3A_194 = arith.constant 0 : i32
      %cond3A_195 = arith.cmpi ne, %convert_element_type3A_193, %cond3A_194 : i32
      scf.if %cond3A_195 {
        %dma_wait3A_382 = arith.constant 0 : i32
        %dma_wait3A_383 = arith.constant 0 : i32
        %dma_wait3A_384 = tpu.memref_slice %arg13[%dma_wait3A_382, %dma_wait3A_383] : memref<10112x128xf32, #tpu.memory_space<vmem_shared>> -> memref<10112x128xf32, #tpu.memory_space<vmem_shared>>
        tpu.wait_indirect_dma semaphore(%arg19 : memref<!tpu.dma_semaphore, #tpu.memory_space<semaphore_mem>>) src(%arg12 : memref<128x128xf32, #tpu.memory_space<vmem>>) dst(%dma_wait3A_384 : memref<10112x128xf32, #tpu.memory_space<vmem_shared>>)
      } else {
      }
      %mul3A_196 = arith.constant 2 : i32
      %mul3A_197 = arith.muli %mul3A_196, %while3A_65 : i32
      %add3A_198 = arith.constant 1 : i32
      %add3A_199 = arith.addi %mul3A_197, %add3A_198 : i32
      %jit3A_200 = arith.constant 1 : i32
      %div3A_201 = arith.divsi %add3A_199, %jit3A_200 : i32
      %sign3A_202 = arith.constant 0 : i32
      %sign3A_203 = arith.cmpi sgt, %add3A_199, %sign3A_202 : i32
      %sign3A_204 = arith.extui %sign3A_203 : i1 to i32
      %sign3A_205 = arith.constant 0 : i32
      %sign3A_206 = arith.cmpi slt, %add3A_199, %sign3A_205 : i32
      %sign3A_207 = arith.extui %sign3A_206 : i1 to i32
      %sign3A_208 = arith.subi %sign3A_204, %sign3A_207 : i32
      %sign3A_209 = arith.constant 0 : i32
      %sign3A_210 = arith.cmpi sgt, %jit3A_200, %sign3A_209 : i32
      %sign3A_211 = arith.extui %sign3A_210 : i1 to i32
      %sign3A_212 = arith.constant 0 : i32
      %sign3A_213 = arith.cmpi slt, %jit3A_200, %sign3A_212 : i32
      %sign3A_214 = arith.extui %sign3A_213 : i1 to i32
      %sign3A_215 = arith.subi %sign3A_211, %sign3A_214 : i32
      %ne3A_216 = arith.cmpi ne, %sign3A_208, %sign3A_215 : i32
      %rem3A_217 = arith.remsi %add3A_199, %jit3A_200 : i32
      %ne3A_218 = arith.constant 0 : i32
      %ne3A_219 = arith.cmpi ne, %rem3A_217, %ne3A_218 : i32
      %and3A_220 = arith.andi %ne3A_216, %ne3A_219 : i1
      %sub3A_221 = arith.constant 1 : i32
      %sub3A_222 = arith.subi %div3A_201, %sub3A_221 : i32
      %select_n3A_223 = arith.select %and3A_220, %sub3A_222, %div3A_201 : i32
      %jit3A_224 = arith.constant 1 : i32
      %eq3A_225 = arith.constant 0 : i32
      %eq3A_226 = arith.cmpi eq, %jit3A_224, %eq3A_225 : i32
      %jit3A_227 = arith.constant 1 : i32
      %select_n3A_228 = arith.select %eq3A_226, %jit3A_227, %jit3A_224 : i32
      %rem3A_229 = arith.remsi %add3A_199, %select_n3A_228 : i32
      %ne3A_230 = arith.constant 0 : i32
      %ne3A_231 = arith.cmpi ne, %rem3A_229, %ne3A_230 : i32
      %lt3A_232 = arith.constant 0 : i32
      %lt3A_233 = arith.cmpi slt, %rem3A_229, %lt3A_232 : i32
      %lt3A_234 = arith.constant 0 : i32
      %lt3A_235 = arith.cmpi slt, %select_n3A_228, %lt3A_234 : i32
      %ne3A_236 = arith.xori %lt3A_233, %lt3A_235 : i1
      %and3A_237 = arith.andi %ne3A_236, %ne3A_231 : i1
      %add3A_238 = arith.addi %rem3A_229, %select_n3A_228 : i32
      %select_n3A_239 = arith.select %and3A_237, %add3A_238, %rem3A_229 : i32
      %mul3A_240 = arith.constant 128 : i32
      %mul3A_241 = arith.muli %select_n3A_239, %mul3A_240 : i32
      %add3A_242 = arith.constant 0 : i32
      %add3A_243 = arith.addi %mul3A_241, %add3A_242 : i32
      %get3A_244 = arith.index_cast %select_n3A_223 : i32 to index
      %get3A_245 = arith.index_cast %add3A_243 : i32 to index
      %get3A_246 = tpu.vector_load %arg6[%get3A_244, %get3A_245] {strides = array<i32>} : memref<128x128xi32, #tpu.memory_space<vmem>>, vector<1x16xi32>,
      %get3A_247 = vector.shape_cast %get3A_246 : vector<1x16xi32> to vector<16xi32>
      %swap3A_248 = arith.constant 0 : index
      %swap3A_249 = tpu.vector_load %arg10[%swap3A_248] {strides = array<i32>} : memref<128xi32, #tpu.memory_space<vmem>>, vector<16xi32>,
      %swap3A_250 = vector.shape_cast %swap3A_249 : vector<16xi32> to vector<16xi32>
      %swap3A_251 = vector.shape_cast %get3A_247 : vector<16xi32> to vector<16xi32>
      tpu.vector_store %arg10[%swap3A_248], %swap3A_251 {strides = array<i32>} : memref<128xi32, #tpu.memory_space<vmem>>, vector<16xi32>,
      %add3A_252 = arith.constant 16 : i32
      %add3A_253 = arith.addi %mul3A_241, %add3A_252 : i32
      %get3A_254 = arith.index_cast %select_n3A_223 : i32 to index
      %get3A_255 = arith.index_cast %add3A_253 : i32 to index
      %get3A_256 = tpu.vector_load %arg6[%get3A_254, %get3A_255] {strides = array<i32>} : memref<128x128xi32, #tpu.memory_space<vmem>>, vector<1x16xi32>,
      %get3A_257 = vector.shape_cast %get3A_256 : vector<1x16xi32> to vector<16xi32>
      %swap3A_258 = arith.constant 16 : index
      %swap3A_259 = tpu.vector_load %arg10[%swap3A_258] {strides = array<i32>} : memref<128xi32, #tpu.memory_space<vmem>>, vector<16xi32>,
      %swap3A_260 = vector.shape_cast %swap3A_259 : vector<16xi32> to vector<16xi32>
      %swap3A_261 = vector.shape_cast %get3A_257 : vector<16xi32> to vector<16xi32>
      tpu.vector_store %arg10[%swap3A_258], %swap3A_261 {strides = array<i32>} : memref<128xi32, #tpu.memory_space<vmem>>, vector<16xi32>,
      %add3A_262 = arith.constant 32 : i32
      %add3A_263 = arith.addi %mul3A_241, %add3A_262 : i32
      %get3A_264 = arith.index_cast %select_n3A_223 : i32 to index
      %get3A_265 = arith.index_cast %add3A_263 : i32 to index
      %get3A_266 = tpu.vector_load %arg6[%get3A_264, %get3A_265] {strides = array<i32>} : memref<128x128xi32, #tpu.memory_space<vmem>>, vector<1x16xi32>,
      %get3A_267 = vector.shape_cast %get3A_266 : vector<1x16xi32> to vector<16xi32>
      %swap3A_268 = arith.constant 32 : index
      %swap3A_269 = tpu.vector_load %arg10[%swap3A_268] {strides = array<i32>} : memref<128xi32, #tpu.memory_space<vmem>>, vector<16xi32>,
      %swap3A_270 = vector.shape_cast %swap3A_269 : vector<16xi32> to vector<16xi32>
      %swap3A_271 = vector.shape_cast %get3A_267 : vector<16xi32> to vector<16xi32>
      tpu.vector_store %arg10[%swap3A_268], %swap3A_271 {strides = array<i32>} : memref<128xi32, #tpu.memory_space<vmem>>, vector<16xi32>,
      %add3A_272 = arith.constant 48 : i32
      %add3A_273 = arith.addi %mul3A_241, %add3A_272 : i32
      %get3A_274 = arith.index_cast %select_n3A_223 : i32 to index
      %get3A_275 = arith.index_cast %add3A_273 : i32 to index
      %get3A_276 = tpu.vector_load %arg6[%get3A_274, %get3A_275] {strides = array<i32>} : memref<128x128xi32, #tpu.memory_space<vmem>>, vector<1x16xi32>,
      %get3A_277 = vector.shape_cast %get3A_276 : vector<1x16xi32> to vector<16xi32>
      %swap3A_278 = arith.constant 48 : index
      %swap3A_279 = tpu.vector_load %arg10[%swap3A_278] {strides = array<i32>} : memref<128xi32, #tpu.memory_space<vmem>>, vector<16xi32>,
      %swap3A_280 = vector.shape_cast %swap3A_279 : vector<16xi32> to vector<16xi32>
      %swap3A_281 = vector.shape_cast %get3A_277 : vector<16xi32> to vector<16xi32>
      tpu.vector_store %arg10[%swap3A_278], %swap3A_281 {strides = array<i32>} : memref<128xi32, #tpu.memory_space<vmem>>, vector<16xi32>,
      %add3A_282 = arith.constant 64 : i32
      %add3A_283 = arith.addi %mul3A_241, %add3A_282 : i32
      %get3A_284 = arith.index_cast %select_n3A_223 : i32 to index
      %get3A_285 = arith.index_cast %add3A_283 : i32 to index
      %get3A_286 = tpu.vector_load %arg6[%get3A_284, %get3A_285] {strides = array<i32>} : memref<128x128xi32, #tpu.memory_space<vmem>>, vector<1x16xi32>,
      %get3A_287 = vector.shape_cast %get3A_286 : vector<1x16xi32> to vector<16xi32>
      %swap3A_288 = arith.constant 64 : index
      %swap3A_289 = tpu.vector_load %arg10[%swap3A_288] {strides = array<i32>} : memref<128xi32, #tpu.memory_space<vmem>>, vector<16xi32>,
      %swap3A_290 = vector.shape_cast %swap3A_289 : vector<16xi32> to vector<16xi32>
      %swap3A_291 = vector.shape_cast %get3A_287 : vector<16xi32> to vector<16xi32>
      tpu.vector_store %arg10[%swap3A_288], %swap3A_291 {strides = array<i32>} : memref<128xi32, #tpu.memory_space<vmem>>, vector<16xi32>,
      %add3A_292 = arith.constant 80 : i32
      %add3A_293 = arith.addi %mul3A_241, %add3A_292 : i32
      %get3A_294 = arith.index_cast %select_n3A_223 : i32 to index
      %get3A_295 = arith.index_cast %add3A_293 : i32 to index
      %get3A_296 = tpu.vector_load %arg6[%get3A_294, %get3A_295] {strides = array<i32>} : memref<128x128xi32, #tpu.memory_space<vmem>>, vector<1x16xi32>,
      %get3A_297 = vector.shape_cast %get3A_296 : vector<1x16xi32> to vector<16xi32>
      %swap3A_298 = arith.constant 80 : index
      %swap3A_299 = tpu.vector_load %arg10[%swap3A_298] {strides = array<i32>} : memref<128xi32, #tpu.memory_space<vmem>>, vector<16xi32>,
      %swap3A_300 = vector.shape_cast %swap3A_299 : vector<16xi32> to vector<16xi32>
      %swap3A_301 = vector.shape_cast %get3A_297 : vector<16xi32> to vector<16xi32>
      tpu.vector_store %arg10[%swap3A_298], %swap3A_301 {strides = array<i32>} : memref<128xi32, #tpu.memory_space<vmem>>, vector<16xi32>,
      %add3A_302 = arith.constant 96 : i32
      %add3A_303 = arith.addi %mul3A_241, %add3A_302 : i32
      %get3A_304 = arith.index_cast %select_n3A_223 : i32 to index
      %get3A_305 = arith.index_cast %add3A_303 : i32 to index
      %get3A_306 = tpu.vector_load %arg6[%get3A_304, %get3A_305] {strides = array<i32>} : memref<128x128xi32, #tpu.memory_space<vmem>>, vector<1x16xi32>,
      %get3A_307 = vector.shape_cast %get3A_306 : vector<1x16xi32> to vector<16xi32>
      %swap3A_308 = arith.constant 96 : index
      %swap3A_309 = tpu.vector_load %arg10[%swap3A_308] {strides = array<i32>} : memref<128xi32, #tpu.memory_space<vmem>>, vector<16xi32>,
      %swap3A_310 = vector.shape_cast %swap3A_309 : vector<16xi32> to vector<16xi32>
      %swap3A_311 = vector.shape_cast %get3A_307 : vector<16xi32> to vector<16xi32>
      tpu.vector_store %arg10[%swap3A_308], %swap3A_311 {strides = array<i32>} : memref<128xi32, #tpu.memory_space<vmem>>, vector<16xi32>,
      %add3A_312 = arith.constant 112 : i32
      %add3A_313 = arith.addi %mul3A_241, %add3A_312 : i32
      %get3A_314 = arith.index_cast %select_n3A_223 : i32 to index
      %get3A_315 = arith.index_cast %add3A_313 : i32 to index
      %get3A_316 = tpu.vector_load %arg6[%get3A_314, %get3A_315] {strides = array<i32>} : memref<128x128xi32, #tpu.memory_space<vmem>>, vector<1x16xi32>,
      %get3A_317 = vector.shape_cast %get3A_316 : vector<1x16xi32> to vector<16xi32>
      %swap3A_318 = arith.constant 112 : index
      %swap3A_319 = tpu.vector_load %arg10[%swap3A_318] {strides = array<i32>} : memref<128xi32, #tpu.memory_space<vmem>>, vector<16xi32>,
      %swap3A_320 = vector.shape_cast %swap3A_319 : vector<16xi32> to vector<16xi32>
      %swap3A_321 = vector.shape_cast %get3A_317 : vector<16xi32> to vector<16xi32>
      tpu.vector_store %arg10[%swap3A_318], %swap3A_321 {strides = array<i32>} : memref<128xi32, #tpu.memory_space<vmem>>, vector<16xi32>,
      %mul3A_322 = arith.constant 2 : i32
      %mul3A_323 = arith.muli %mul3A_322, %while3A_65 : i32
      %add3A_324 = arith.addi %select_n3A_9, %mul3A_323 : i32
      %add3A_325 = arith.constant 0 : i32
      %add3A_326 = arith.addi %add3A_324, %add3A_325 : i32
      %dma_wait3A_327 = arith.constant 0 : i32
      %dma_wait3A_328 = tpu.memref_slice %arg3[%add3A_326, %dma_wait3A_327] : memref<2560x128xi32, #tpu.memory_space<hbm>> -> memref<1x128xi32, #tpu.memory_space<hbm>>
      %dma_wait3A_329 = tpu.memref_squeeze %dma_wait3A_328 : memref<1x128xi32, #tpu.memory_space<hbm>> -> memref<128xi32, #tpu.memory_space<hbm>>
      %dma_wait3A_330 = arith.constant 0 : i32
      %dma_wait3A_331 = tpu.memref_slice %arg3[%add3A_326, %dma_wait3A_330] : memref<2560x128xi32, #tpu.memory_space<hbm>> -> memref<1x128xi32, #tpu.memory_space<hbm>>
      %dma_wait3A_332 = tpu.memref_squeeze %dma_wait3A_331 : memref<1x128xi32, #tpu.memory_space<hbm>> -> memref<128xi32, #tpu.memory_space<hbm>>
      tpu.wait_dma2 semaphore(%arg14 : memref<!tpu.dma_semaphore, #tpu.memory_space<semaphore_mem>>) src(%dma_wait3A_332 : memref<128xi32, #tpu.memory_space<hbm>>) dst(%arg7 : memref<128xi32, #tpu.memory_space<vmem>>)
      %dma_start3A_333 = arith.constant 0 : i32
      %dma_start3A_334 = arith.constant 0 : i32
      %dma_start3A_335 = tpu.memref_slice %arg2[%dma_start3A_333, %dma_start3A_334] : memref<10240x128xf32, #tpu.memory_space<hbm>> -> memref<10240x128xf32, #tpu.memory_space<hbm>>
      tpu.enqueue_indirect_dma source(%dma_start3A_335 : memref<10240x128xf32, #tpu.memory_space<hbm>>) target(%arg11 : memref<128x128xf32, #tpu.memory_space<vmem>>) offsets(%arg7 : memref<128xi32, #tpu.memory_space<vmem>>) semaphore(%arg16 : memref<!tpu.dma_semaphore, #tpu.memory_space<semaphore_mem>>)
      %mul3A_336 = arith.constant 2 : i32
      %mul3A_337 = arith.muli %mul3A_336, %while3A_65 : i32
      %add3A_338 = arith.addi %select_n3A_9, %mul3A_337 : i32
      %add3A_339 = arith.constant 1 : i32
      %add3A_340 = arith.addi %add3A_338, %add3A_339 : i32
      %dma_wait3A_341 = arith.constant 0 : i32
      %dma_wait3A_342 = tpu.memref_slice %arg3[%add3A_340, %dma_wait3A_341] : memref<2560x128xi32, #tpu.memory_space<hbm>> -> memref<1x128xi32, #tpu.memory_space<hbm>>
      %dma_wait3A_343 = tpu.memref_squeeze %dma_wait3A_342 : memref<1x128xi32, #tpu.memory_space<hbm>> -> memref<128xi32, #tpu.memory_space<hbm>>
      %dma_wait3A_344 = arith.constant 0 : i32
      %dma_wait3A_345 = tpu.memref_slice %arg3[%add3A_340, %dma_wait3A_344] : memref<2560x128xi32, #tpu.memory_space<hbm>> -> memref<1x128xi32, #tpu.memory_space<hbm>>
      %dma_wait3A_346 = tpu.memref_squeeze %dma_wait3A_345 : memref<1x128xi32, #tpu.memory_space<hbm>> -> memref<128xi32, #tpu.memory_space<hbm>>
      tpu.wait_dma2 semaphore(%arg15 : memref<!tpu.dma_semaphore, #tpu.memory_space<semaphore_mem>>) src(%dma_wait3A_346 : memref<128xi32, #tpu.memory_space<hbm>>) dst(%arg8 : memref<128xi32, #tpu.memory_space<vmem>>)
      %dma_start3A_347 = arith.constant 0 : i32
      %dma_start3A_348 = arith.constant 0 : i32
      %dma_start3A_349 = tpu.memref_slice %arg2[%dma_start3A_347, %dma_start3A_348] : memref<10240x128xf32, #tpu.memory_space<hbm>> -> memref<10240x128xf32, #tpu.memory_space<hbm>>
      tpu.enqueue_indirect_dma source(%dma_start3A_349 : memref<10240x128xf32, #tpu.memory_space<hbm>>) target(%arg12 : memref<128x128xf32, #tpu.memory_space<vmem>>) offsets(%arg8 : memref<128xi32, #tpu.memory_space<vmem>>) semaphore(%arg17 : memref<!tpu.dma_semaphore, #tpu.memory_space<semaphore_mem>>)
      %mul3A_350 = arith.constant 2 : i32
      %mul3A_351 = arith.muli %mul3A_350, %while3A_65 : i32
      %add3A_352 = arith.constant 0 : i32
      %add3A_353 = arith.addi %mul3A_351, %add3A_352 : i32
      %dma_wait3A_354 = arith.constant 0 : i32
      %dma_wait3A_355 = arith.constant 0 : i32
      %dma_wait3A_356 = tpu.memref_slice %arg2[%dma_wait3A_354, %dma_wait3A_355] : memref<10240x128xf32, #tpu.memory_space<hbm>> -> memref<10240x128xf32, #tpu.memory_space<hbm>>
      tpu.wait_indirect_dma semaphore(%arg16 : memref<!tpu.dma_semaphore, #tpu.memory_space<semaphore_mem>>) src(%dma_wait3A_356 : memref<10240x128xf32, #tpu.memory_space<hbm>>) dst(%arg11 : memref<128x128xf32, #tpu.memory_space<vmem>>)
      %dma_start3A_357 = arith.constant 0 : i32
      %dma_start3A_358 = arith.constant 0 : i32
      %dma_start3A_359 = tpu.memref_slice %arg13[%dma_start3A_357, %dma_start3A_358] : memref<10112x128xf32, #tpu.memory_space<vmem_shared>> -> memref<10112x128xf32, #tpu.memory_space<vmem_shared>>
      tpu.enqueue_indirect_dma source(%arg11 : memref<128x128xf32, #tpu.memory_space<vmem>>) target(%dma_start3A_359 : memref<10112x128xf32, #tpu.memory_space<vmem_shared>>) offsets(%arg9 : memref<128xi32, #tpu.memory_space<vmem>>) semaphore(%arg18 : memref<!tpu.dma_semaphore, #tpu.memory_space<semaphore_mem>>) {add = true}
      %add3A_360 = arith.constant 2 : i32
      %add3A_361 = arith.addi %add3A_353, %add3A_360 : i32
      %lt3A_362 = arith.cmpi slt, %add3A_361, %select_n3A_2 : i32
      %convert_element_type3A_363 = arith.extui %lt3A_362 : i1 to i32
      %cond3A_364 = arith.constant 0 : i32
      %cond3A_365 = arith.cmpi ne, %convert_element_type3A_363, %cond3A_364 : i32
      scf.if %cond3A_365 {
        %add3A_382 = arith.addi %select_n3A_9, %add3A_353 : i32
        %add3A_383 = arith.constant 2 : i32
        %add3A_384 = arith.addi %add3A_382, %add3A_383 : i32
        %dma_start3A_385 = arith.constant 0 : i32
        %dma_start3A_386 = tpu.memref_slice %arg3[%add3A_384, %dma_start3A_385] : memref<2560x128xi32, #tpu.memory_space<hbm>> -> memref<1x128xi32, #tpu.memory_space<hbm>>
        %dma_start3A_387 = tpu.memref_squeeze %dma_start3A_386 : memref<1x128xi32, #tpu.memory_space<hbm>> -> memref<128xi32, #tpu.memory_space<hbm>>
        %dma_start3A_388 = arith.constant 0 : i32
        %dma_start3A_389 = tpu.memref_slice %arg3[%add3A_384, %dma_start3A_388] : memref<2560x128xi32, #tpu.memory_space<hbm>> -> memref<1x128xi32, #tpu.memory_space<hbm>>
        %dma_start3A_390 = tpu.memref_squeeze %dma_start3A_389 : memref<1x128xi32, #tpu.memory_space<hbm>> -> memref<128xi32, #tpu.memory_space<hbm>>
        tpu.enqueue_dma source(%dma_start3A_390 : memref<128xi32, #tpu.memory_space<hbm>>) target(%arg7 : memref<128xi32, #tpu.memory_space<vmem>>) target_semaphore(%arg14 : memref<!tpu.dma_semaphore, #tpu.memory_space<semaphore_mem>>)
      } else {
      }
      %mul3A_366 = arith.constant 2 : i32
      %mul3A_367 = arith.muli %mul3A_366, %while3A_65 : i32
      %add3A_368 = arith.constant 1 : i32
      %add3A_369 = arith.addi %mul3A_367, %add3A_368 : i32
      %dma_wait3A_370 = arith.constant 0 : i32
      %dma_wait3A_371 = arith.constant 0 : i32
      %dma_wait3A_372 = tpu.memref_slice %arg2[%dma_wait3A_370, %dma_wait3A_371] : memref<10240x128xf32, #tpu.memory_space<hbm>> -> memref<10240x128xf32, #tpu.memory_space<hbm>>
      tpu.wait_indirect_dma semaphore(%arg17 : memref<!tpu.dma_semaphore, #tpu.memory_space<semaphore_mem>>) src(%dma_wait3A_372 : memref<10240x128xf32, #tpu.memory_space<hbm>>) dst(%arg12 : memref<128x128xf32, #tpu.memory_space<vmem>>)
      %dma_start3A_373 = arith.constant 0 : i32
      %dma_start3A_374 = arith.constant 0 : i32
      %dma_start3A_375 = tpu.memref_slice %arg13[%dma_start3A_373, %dma_start3A_374] : memref<10112x128xf32, #tpu.memory_space<vmem_shared>> -> memref<10112x128xf32, #tpu.memory_space<vmem_shared>>
      tpu.enqueue_indirect_dma source(%arg12 : memref<128x128xf32, #tpu.memory_space<vmem>>) target(%dma_start3A_375 : memref<10112x128xf32, #tpu.memory_space<vmem_shared>>) offsets(%arg10 : memref<128xi32, #tpu.memory_space<vmem>>) semaphore(%arg19 : memref<!tpu.dma_semaphore, #tpu.memory_space<semaphore_mem>>) {add = true}
      %add3A_376 = arith.constant 2 : i32
      %add3A_377 = arith.addi %add3A_369, %add3A_376 : i32
      %lt3A_378 = arith.cmpi slt, %add3A_377, %select_n3A_2 : i32
      %convert_element_type3A_379 = arith.extui %lt3A_378 : i1 to i32
      %cond3A_380 = arith.constant 0 : i32
      %cond3A_381 = arith.cmpi ne, %convert_element_type3A_379, %cond3A_380 : i32
      scf.if %cond3A_381 {
        %add3A_382 = arith.addi %select_n3A_9, %add3A_369 : i32
        %add3A_383 = arith.constant 2 : i32
        %add3A_384 = arith.addi %add3A_382, %add3A_383 : i32
        %dma_start3A_385 = arith.constant 0 : i32
        %dma_start3A_386 = tpu.memref_slice %arg3[%add3A_384, %dma_start3A_385] : memref<2560x128xi32, #tpu.memory_space<hbm>> -> memref<1x128xi32, #tpu.memory_space<hbm>>
        %dma_start3A_387 = tpu.memref_squeeze %dma_start3A_386 : memref<1x128xi32, #tpu.memory_space<hbm>> -> memref<128xi32, #tpu.memory_space<hbm>>
        %dma_start3A_388 = arith.constant 0 : i32
        %dma_start3A_389 = tpu.memref_slice %arg3[%add3A_384, %dma_start3A_388] : memref<2560x128xi32, #tpu.memory_space<hbm>> -> memref<1x128xi32, #tpu.memory_space<hbm>>
        %dma_start3A_390 = tpu.memref_squeeze %dma_start3A_389 : memref<1x128xi32, #tpu.memory_space<hbm>> -> memref<128xi32, #tpu.memory_space<hbm>>
        tpu.enqueue_dma source(%dma_start3A_390 : memref<128xi32, #tpu.memory_space<hbm>>) target(%arg8 : memref<128xi32, #tpu.memory_space<vmem>>) target_semaphore(%arg15 : memref<!tpu.dma_semaphore, #tpu.memory_space<semaphore_mem>>)
      } else {
      }
    }
    %while3A_54 = arith.constant 1 : i32
    scf.for %while3A_65 = %while3A_52 to %while3A_48 step %while3A_54  : i32 {
      %gt3A = arith.constant 0 : i32
      %gt3A_66 = arith.cmpi sgt, %while3A_65, %gt3A : i32
      %convert_element_type3A = arith.extui %gt3A_66 : i1 to i32
      %cond3A = arith.constant 0 : i32
      %cond3A_67 = arith.cmpi ne, %convert_element_type3A, %cond3A : i32
      scf.if %cond3A_67 {
        %dma_wait3A_382 = arith.constant 0 : i32
        %dma_wait3A_383 = arith.constant 0 : i32
        %dma_wait3A_384 = tpu.memref_slice %arg13[%dma_wait3A_382, %dma_wait3A_383] : memref<10112x128xf32, #tpu.memory_space<vmem_shared>> -> memref<10112x128xf32, #tpu.memory_space<vmem_shared>>
        tpu.wait_indirect_dma semaphore(%arg18 : memref<!tpu.dma_semaphore, #tpu.memory_space<semaphore_mem>>) src(%arg11 : memref<128x128xf32, #tpu.memory_space<vmem>>) dst(%dma_wait3A_384 : memref<10112x128xf32, #tpu.memory_space<vmem_shared>>)
      } else {
      }
      %mul3A_68 = arith.constant 2 : i32
      %mul3A_69 = arith.muli %mul3A_68, %while3A_65 : i32
      %add3A_70 = arith.constant 0 : i32
      %add3A_71 = arith.addi %mul3A_69, %add3A_70 : i32
      %jit3A_72 = arith.constant 1 : i32
      %div3A_73 = arith.divsi %add3A_71, %jit3A_72 : i32
      %sign3A_74 = arith.constant 0 : i32
      %sign3A_75 = arith.cmpi sgt, %add3A_71, %sign3A_74 : i32
      %sign3A_76 = arith.extui %sign3A_75 : i1 to i32
      %sign3A_77 = arith.constant 0 : i32
      %sign3A_78 = arith.cmpi slt, %add3A_71, %sign3A_77 : i32
      %sign3A_79 = arith.extui %sign3A_78 : i1 to i32
      %sign3A_80 = arith.subi %sign3A_76, %sign3A_79 : i32
      %sign3A_81 = arith.constant 0 : i32
      %sign3A_82 = arith.cmpi sgt, %jit3A_72, %sign3A_81 : i32
      %sign3A_83 = arith.extui %sign3A_82 : i1 to i32
      %sign3A_84 = arith.constant 0 : i32
      %sign3A_85 = arith.cmpi slt, %jit3A_72, %sign3A_84 : i32
      %sign3A_86 = arith.extui %sign3A_85 : i1 to i32
      %sign3A_87 = arith.subi %sign3A_83, %sign3A_86 : i32
      %ne3A_88 = arith.cmpi ne, %sign3A_80, %sign3A_87 : i32
      %rem3A_89 = arith.remsi %add3A_71, %jit3A_72 : i32
      %ne3A_90 = arith.constant 0 : i32
      %ne3A_91 = arith.cmpi ne, %rem3A_89, %ne3A_90 : i32
      %and3A_92 = arith.andi %ne3A_88, %ne3A_91 : i1
      %sub3A_93 = arith.constant 1 : i32
      %sub3A_94 = arith.subi %div3A_73, %sub3A_93 : i32
      %select_n3A_95 = arith.select %and3A_92, %sub3A_94, %div3A_73 : i32
      %jit3A_96 = arith.constant 1 : i32
      %eq3A_97 = arith.constant 0 : i32
      %eq3A_98 = arith.cmpi eq, %jit3A_96, %eq3A_97 : i32
      %jit3A_99 = arith.constant 1 : i32
      %select_n3A_100 = arith.select %eq3A_98, %jit3A_99, %jit3A_96 : i32
      %rem3A_101 = arith.remsi %add3A_71, %select_n3A_100 : i32
      %ne3A_102 = arith.constant 0 : i32
      %ne3A_103 = arith.cmpi ne, %rem3A_101, %ne3A_102 : i32
      %lt3A = arith.constant 0 : i32
      %lt3A_104 = arith.cmpi slt, %rem3A_101, %lt3A : i32
      %lt3A_105 = arith.constant 0 : i32
      %lt3A_106 = arith.cmpi slt, %select_n3A_100, %lt3A_105 : i32
      %ne3A_107 = arith.xori %lt3A_104, %lt3A_106 : i1
      %and3A_108 = arith.andi %ne3A_107, %ne3A_103 : i1
      %add3A_109 = arith.addi %rem3A_101, %select_n3A_100 : i32
      %select_n3A_110 = arith.select %and3A_108, %add3A_109, %rem3A_101 : i32
      %mul3A_111 = arith.constant 128 : i32
      %mul3A_112 = arith.muli %select_n3A_110, %mul3A_111 : i32
      %add3A_113 = arith.constant 0 : i32
      %add3A_114 = arith.addi %mul3A_112, %add3A_113 : i32
      %get3A = arith.index_cast %select_n3A_95 : i32 to index
      %get3A_115 = arith.index_cast %add3A_114 : i32 to index
      %get3A_116 = tpu.vector_load %arg6[%get3A, %get3A_115] {strides = array<i32>} : memref<128x128xi32, #tpu.memory_space<vmem>>, vector<1x16xi32>,
      %get3A_117 = vector.shape_cast %get3A_116 : vector<1x16xi32> to vector<16xi32>
      %swap3A = arith.constant 0 : index
      %swap3A_118 = tpu.vector_load %arg9[%swap3A] {strides = array<i32>} : memref<128xi32, #tpu.memory_space<vmem>>, vector<16xi32>,
      %swap3A_119 = vector.shape_cast %swap3A_118 : vector<16xi32> to vector<16xi32>
      %swap3A_120 = vector.shape_cast %get3A_117 : vector<16xi32> to vector<16xi32>
      tpu.vector_store %arg9[%swap3A], %swap3A_120 {strides = array<i32>} : memref<128xi32, #tpu.memory_space<vmem>>, vector<16xi32>,
      %add3A_121 = arith.constant 16 : i32
      %add3A_122 = arith.addi %mul3A_112, %add3A_121 : i32
      %get3A_123 = arith.index_cast %select_n3A_95 : i32 to index
      %get3A_124 = arith.index_cast %add3A_122 : i32 to index
      %get3A_125 = tpu.vector_load %arg6[%get3A_123, %get3A_124] {strides = array<i32>} : memref<128x128xi32, #tpu.memory_space<vmem>>, vector<1x16xi32>,
      %get3A_126 = vector.shape_cast %get3A_125 : vector<1x16xi32> to vector<16xi32>
      %swap3A_127 = arith.constant 16 : index
      %swap3A_128 = tpu.vector_load %arg9[%swap3A_127] {strides = array<i32>} : memref<128xi32, #tpu.memory_space<vmem>>, vector<16xi32>,
      %swap3A_129 = vector.shape_cast %swap3A_128 : vector<16xi32> to vector<16xi32>
      %swap3A_130 = vector.shape_cast %get3A_126 : vector<16xi32> to vector<16xi32>
      tpu.vector_store %arg9[%swap3A_127], %swap3A_130 {strides = array<i32>} : memref<128xi32, #tpu.memory_space<vmem>>, vector<16xi32>,
      %add3A_131 = arith.constant 32 : i32
      %add3A_132 = arith.addi %mul3A_112, %add3A_131 : i32
      %get3A_133 = arith.index_cast %select_n3A_95 : i32 to index
      %get3A_134 = arith.index_cast %add3A_132 : i32 to index
      %get3A_135 = tpu.vector_load %arg6[%get3A_133, %get3A_134] {strides = array<i32>} : memref<128x128xi32, #tpu.memory_space<vmem>>, vector<1x16xi32>,
      %get3A_136 = vector.shape_cast %get3A_135 : vector<1x16xi32> to vector<16xi32>
      %swap3A_137 = arith.constant 32 : index
      %swap3A_138 = tpu.vector_load %arg9[%swap3A_137] {strides = array<i32>} : memref<128xi32, #tpu.memory_space<vmem>>, vector<16xi32>,
      %swap3A_139 = vector.shape_cast %swap3A_138 : vector<16xi32> to vector<16xi32>
      %swap3A_140 = vector.shape_cast %get3A_136 : vector<16xi32> to vector<16xi32>
      tpu.vector_store %arg9[%swap3A_137], %swap3A_140 {strides = array<i32>} : memref<128xi32, #tpu.memory_space<vmem>>, vector<16xi32>,
      %add3A_141 = arith.constant 48 : i32
      %add3A_142 = arith.addi %mul3A_112, %add3A_141 : i32
      %get3A_143 = arith.index_cast %select_n3A_95 : i32 to index
      %get3A_144 = arith.index_cast %add3A_142 : i32 to index
      %get3A_145 = tpu.vector_load %arg6[%get3A_143, %get3A_144] {strides = array<i32>} : memref<128x128xi32, #tpu.memory_space<vmem>>, vector<1x16xi32>,
      %get3A_146 = vector.shape_cast %get3A_145 : vector<1x16xi32> to vector<16xi32>
      %swap3A_147 = arith.constant 48 : index
      %swap3A_148 = tpu.vector_load %arg9[%swap3A_147] {strides = array<i32>} : memref<128xi32, #tpu.memory_space<vmem>>, vector<16xi32>,
      %swap3A_149 = vector.shape_cast %swap3A_148 : vector<16xi32> to vector<16xi32>
      %swap3A_150 = vector.shape_cast %get3A_146 : vector<16xi32> to vector<16xi32>
      tpu.vector_store %arg9[%swap3A_147], %swap3A_150 {strides = array<i32>} : memref<128xi32, #tpu.memory_space<vmem>>, vector<16xi32>,
      %add3A_151 = arith.constant 64 : i32
      %add3A_152 = arith.addi %mul3A_112, %add3A_151 : i32
      %get3A_153 = arith.index_cast %select_n3A_95 : i32 to index
      %get3A_154 = arith.index_cast %add3A_152 : i32 to index
      %get3A_155 = tpu.vector_load %arg6[%get3A_153, %get3A_154] {strides = array<i32>} : memref<128x128xi32, #tpu.memory_space<vmem>>, vector<1x16xi32>,
      %get3A_156 = vector.shape_cast %get3A_155 : vector<1x16xi32> to vector<16xi32>
      %swap3A_157 = arith.constant 64 : index
      %swap3A_158 = tpu.vector_load %arg9[%swap3A_157] {strides = array<i32>} : memref<128xi32, #tpu.memory_space<vmem>>, vector<16xi32>,
      %swap3A_159 = vector.shape_cast %swap3A_158 : vector<16xi32> to vector<16xi32>
      %swap3A_160 = vector.shape_cast %get3A_156 : vector<16xi32> to vector<16xi32>
      tpu.vector_store %arg9[%swap3A_157], %swap3A_160 {strides = array<i32>} : memref<128xi32, #tpu.memory_space<vmem>>, vector<16xi32>,
      %add3A_161 = arith.constant 80 : i32
      %add3A_162 = arith.addi %mul3A_112, %add3A_161 : i32
      %get3A_163 = arith.index_cast %select_n3A_95 : i32 to index
      %get3A_164 = arith.index_cast %add3A_162 : i32 to index
      %get3A_165 = tpu.vector_load %arg6[%get3A_163, %get3A_164] {strides = array<i32>} : memref<128x128xi32, #tpu.memory_space<vmem>>, vector<1x16xi32>,
      %get3A_166 = vector.shape_cast %get3A_165 : vector<1x16xi32> to vector<16xi32>
      %swap3A_167 = arith.constant 80 : index
      %swap3A_168 = tpu.vector_load %arg9[%swap3A_167] {strides = array<i32>} : memref<128xi32, #tpu.memory_space<vmem>>, vector<16xi32>,
      %swap3A_169 = vector.shape_cast %swap3A_168 : vector<16xi32> to vector<16xi32>
      %swap3A_170 = vector.shape_cast %get3A_166 : vector<16xi32> to vector<16xi32>
      tpu.vector_store %arg9[%swap3A_167], %swap3A_170 {strides = array<i32>} : memref<128xi32, #tpu.memory_space<vmem>>, vector<16xi32>,
      %add3A_171 = arith.constant 96 : i32
      %add3A_172 = arith.addi %mul3A_112, %add3A_171 : i32
      %get3A_173 = arith.index_cast %select_n3A_95 : i32 to index
      %get3A_174 = arith.index_cast %add3A_172 : i32 to index
      %get3A_175 = tpu.vector_load %arg6[%get3A_173, %get3A_174] {strides = array<i32>} : memref<128x128xi32, #tpu.memory_space<vmem>>, vector<1x16xi32>,
      %get3A_176 = vector.shape_cast %get3A_175 : vector<1x16xi32> to vector<16xi32>
      %swap3A_177 = arith.constant 96 : index
      %swap3A_178 = tpu.vector_load %arg9[%swap3A_177] {strides = array<i32>} : memref<128xi32, #tpu.memory_space<vmem>>, vector<16xi32>,
      %swap3A_179 = vector.shape_cast %swap3A_178 : vector<16xi32> to vector<16xi32>
      %swap3A_180 = vector.shape_cast %get3A_176 : vector<16xi32> to vector<16xi32>
      tpu.vector_store %arg9[%swap3A_177], %swap3A_180 {strides = array<i32>} : memref<128xi32, #tpu.memory_space<vmem>>, vector<16xi32>,
      %add3A_181 = arith.constant 112 : i32
      %add3A_182 = arith.addi %mul3A_112, %add3A_181 : i32
      %get3A_183 = arith.index_cast %select_n3A_95 : i32 to index
      %get3A_184 = arith.index_cast %add3A_182 : i32 to index
      %get3A_185 = tpu.vector_load %arg6[%get3A_183, %get3A_184] {strides = array<i32>} : memref<128x128xi32, #tpu.memory_space<vmem>>, vector<1x16xi32>,
      %get3A_186 = vector.shape_cast %get3A_185 : vector<1x16xi32> to vector<16xi32>
      %swap3A_187 = arith.constant 112 : index
      %swap3A_188 = tpu.vector_load %arg9[%swap3A_187] {strides = array<i32>} : memref<128xi32, #tpu.memory_space<vmem>>, vector<16xi32>,
      %swap3A_189 = vector.shape_cast %swap3A_188 : vector<16xi32> to vector<16xi32>
      %swap3A_190 = vector.shape_cast %get3A_186 : vector<16xi32> to vector<16xi32>
      tpu.vector_store %arg9[%swap3A_187], %swap3A_190 {strides = array<i32>} : memref<128xi32, #tpu.memory_space<vmem>>, vector<16xi32>,
      %gt3A_191 = arith.constant 0 : i32
      %gt3A_192 = arith.cmpi sgt, %while3A_65, %gt3A_191 : i32
      %convert_element_type3A_193 = arith.extui %gt3A_192 : i1 to i32
      %cond3A_194 = arith.constant 0 : i32
      %cond3A_195 = arith.cmpi ne, %convert_element_type3A_193, %cond3A_194 : i32
      scf.if %cond3A_195 {
        %dma_wait3A_382 = arith.constant 0 : i32
        %dma_wait3A_383 = arith.constant 0 : i32
        %dma_wait3A_384 = tpu.memref_slice %arg13[%dma_wait3A_382, %dma_wait3A_383] : memref<10112x128xf32, #tpu.memory_space<vmem_shared>> -> memref<10112x128xf32, #tpu.memory_space<vmem_shared>>
        tpu.wait_indirect_dma semaphore(%arg19 : memref<!tpu.dma_semaphore, #tpu.memory_space<semaphore_mem>>) src(%arg12 : memref<128x128xf32, #tpu.memory_space<vmem>>) dst(%dma_wait3A_384 : memref<10112x128xf32, #tpu.memory_space<vmem_shared>>)
      } else {
      }
      %mul3A_196 = arith.constant 2 : i32
      %mul3A_197 = arith.muli %mul3A_196, %while3A_65 : i32
      %add3A_198 = arith.constant 1 : i32
      %add3A_199 = arith.addi %mul3A_197, %add3A_198 : i32
      %jit3A_200 = arith.constant 1 : i32
      %div3A_201 = arith.divsi %add3A_199, %jit3A_200 : i32
      %sign3A_202 = arith.constant 0 : i32
      %sign3A_203 = arith.cmpi sgt, %add3A_199, %sign3A_202 : i32
      %sign3A_204 = arith.extui %sign3A_203 : i1 to i32
      %sign3A_205 = arith.constant 0 : i32
      %sign3A_206 = arith.cmpi slt, %add3A_199, %sign3A_205 : i32
      %sign3A_207 = arith.extui %sign3A_206 : i1 to i32
      %sign3A_208 = arith.subi %sign3A_204, %sign3A_207 : i32
      %sign3A_209 = arith.constant 0 : i32
      %sign3A_210 = arith.cmpi sgt, %jit3A_200, %sign3A_209 : i32
      %sign3A_211 = arith.extui %sign3A_210 : i1 to i32
      %sign3A_212 = arith.constant 0 : i32
      %sign3A_213 = arith.cmpi slt, %jit3A_200, %sign3A_212 : i32
      %sign3A_214 = arith.extui %sign3A_213 : i1 to i32
      %sign3A_215 = arith.subi %sign3A_211, %sign3A_214 : i32
      %ne3A_216 = arith.cmpi ne, %sign3A_208, %sign3A_215 : i32
      %rem3A_217 = arith.remsi %add3A_199, %jit3A_200 : i32
      %ne3A_218 = arith.constant 0 : i32
      %ne3A_219 = arith.cmpi ne, %rem3A_217, %ne3A_218 : i32
      %and3A_220 = arith.andi %ne3A_216, %ne3A_219 : i1
      %sub3A_221 = arith.constant 1 : i32
      %sub3A_222 = arith.subi %div3A_201, %sub3A_221 : i32
      %select_n3A_223 = arith.select %and3A_220, %sub3A_222, %div3A_201 : i32
      %jit3A_224 = arith.constant 1 : i32
      %eq3A_225 = arith.constant 0 : i32
      %eq3A_226 = arith.cmpi eq, %jit3A_224, %eq3A_225 : i32
      %jit3A_227 = arith.constant 1 : i32
      %select_n3A_228 = arith.select %eq3A_226, %jit3A_227, %jit3A_224 : i32
      %rem3A_229 = arith.remsi %add3A_199, %select_n3A_228 : i32
      %ne3A_230 = arith.constant 0 : i32
      %ne3A_231 = arith.cmpi ne, %rem3A_229, %ne3A_230 : i32
      %lt3A_232 = arith.constant 0 : i32
      %lt3A_233 = arith.cmpi slt, %rem3A_229, %lt3A_232 : i32
      %lt3A_234 = arith.constant 0 : i32
      %lt3A_235 = arith.cmpi slt, %select_n3A_228, %lt3A_234 : i32
      %ne3A_236 = arith.xori %lt3A_233, %lt3A_235 : i1
      %and3A_237 = arith.andi %ne3A_236, %ne3A_231 : i1
      %add3A_238 = arith.addi %rem3A_229, %select_n3A_228 : i32
      %select_n3A_239 = arith.select %and3A_237, %add3A_238, %rem3A_229 : i32
      %mul3A_240 = arith.constant 128 : i32
      %mul3A_241 = arith.muli %select_n3A_239, %mul3A_240 : i32
      %add3A_242 = arith.constant 0 : i32
      %add3A_243 = arith.addi %mul3A_241, %add3A_242 : i32
      %get3A_244 = arith.index_cast %select_n3A_223 : i32 to index
      %get3A_245 = arith.index_cast %add3A_243 : i32 to index
      %get3A_246 = tpu.vector_load %arg6[%get3A_244, %get3A_245] {strides = array<i32>} : memref<128x128xi32, #tpu.memory_space<vmem>>, vector<1x16xi32>,
      %get3A_247 = vector.shape_cast %get3A_246 : vector<1x16xi32> to vector<16xi32>
      %swap3A_248 = arith.constant 0 : index
      %swap3A_249 = tpu.vector_load %arg10[%swap3A_248] {strides = array<i32>} : memref<128xi32, #tpu.memory_space<vmem>>, vector<16xi32>,
      %swap3A_250 = vector.shape_cast %swap3A_249 : vector<16xi32> to vector<16xi32>
      %swap3A_251 = vector.shape_cast %get3A_247 : vector<16xi32> to vector<16xi32>
      tpu.vector_store %arg10[%swap3A_248], %swap3A_251 {strides = array<i32>} : memref<128xi32, #tpu.memory_space<vmem>>, vector<16xi32>,
      %add3A_252 = arith.constant 16 : i32
      %add3A_253 = arith.addi %mul3A_241, %add3A_252 : i32
      %get3A_254 = arith.index_cast %select_n3A_223 : i32 to index
      %get3A_255 = arith.index_cast %add3A_253 : i32 to index
      %get3A_256 = tpu.vector_load %arg6[%get3A_254, %get3A_255] {strides = array<i32>} : memref<128x128xi32, #tpu.memory_space<vmem>>, vector<1x16xi32>,
      %get3A_257 = vector.shape_cast %get3A_256 : vector<1x16xi32> to vector<16xi32>
      %swap3A_258 = arith.constant 16 : index
      %swap3A_259 = tpu.vector_load %arg10[%swap3A_258] {strides = array<i32>} : memref<128xi32, #tpu.memory_space<vmem>>, vector<16xi32>,
      %swap3A_260 = vector.shape_cast %swap3A_259 : vector<16xi32> to vector<16xi32>
      %swap3A_261 = vector.shape_cast %get3A_257 : vector<16xi32> to vector<16xi32>
      tpu.vector_store %arg10[%swap3A_258], %swap3A_261 {strides = array<i32>} : memref<128xi32, #tpu.memory_space<vmem>>, vector<16xi32>,
      %add3A_262 = arith.constant 32 : i32
      %add3A_263 = arith.addi %mul3A_241, %add3A_262 : i32
      %get3A_264 = arith.index_cast %select_n3A_223 : i32 to index
      %get3A_265 = arith.index_cast %add3A_263 : i32 to index
      %get3A_266 = tpu.vector_load %arg6[%get3A_264, %get3A_265] {strides = array<i32>} : memref<128x128xi32, #tpu.memory_space<vmem>>, vector<1x16xi32>,
      %get3A_267 = vector.shape_cast %get3A_266 : vector<1x16xi32> to vector<16xi32>
      %swap3A_268 = arith.constant 32 : index
      %swap3A_269 = tpu.vector_load %arg10[%swap3A_268] {strides = array<i32>} : memref<128xi32, #tpu.memory_space<vmem>>, vector<16xi32>,
      %swap3A_270 = vector.shape_cast %swap3A_269 : vector<16xi32> to vector<16xi32>
      %swap3A_271 = vector.shape_cast %get3A_267 : vector<16xi32> to vector<16xi32>
      tpu.vector_store %arg10[%swap3A_268], %swap3A_271 {strides = array<i32>} : memref<128xi32, #tpu.memory_space<vmem>>, vector<16xi32>,
      %add3A_272 = arith.constant 48 : i32
      %add3A_273 = arith.addi %mul3A_241, %add3A_272 : i32
      %get3A_274 = arith.index_cast %select_n3A_223 : i32 to index
      %get3A_275 = arith.index_cast %add3A_273 : i32 to index
      %get3A_276 = tpu.vector_load %arg6[%get3A_274, %get3A_275] {strides = array<i32>} : memref<128x128xi32, #tpu.memory_space<vmem>>, vector<1x16xi32>,
      %get3A_277 = vector.shape_cast %get3A_276 : vector<1x16xi32> to vector<16xi32>
      %swap3A_278 = arith.constant 48 : index
      %swap3A_279 = tpu.vector_load %arg10[%swap3A_278] {strides = array<i32>} : memref<128xi32, #tpu.memory_space<vmem>>, vector<16xi32>,
      %swap3A_280 = vector.shape_cast %swap3A_279 : vector<16xi32> to vector<16xi32>
      %swap3A_281 = vector.shape_cast %get3A_277 : vector<16xi32> to vector<16xi32>
      tpu.vector_store %arg10[%swap3A_278], %swap3A_281 {strides = array<i32>} : memref<128xi32, #tpu.memory_space<vmem>>, vector<16xi32>,
      %add3A_282 = arith.constant 64 : i32
      %add3A_283 = arith.addi %mul3A_241, %add3A_282 : i32
      %get3A_284 = arith.index_cast %select_n3A_223 : i32 to index
      %get3A_285 = arith.index_cast %add3A_283 : i32 to index
      %get3A_286 = tpu.vector_load %arg6[%get3A_284, %get3A_285] {strides = array<i32>} : memref<128x128xi32, #tpu.memory_space<vmem>>, vector<1x16xi32>,
      %get3A_287 = vector.shape_cast %get3A_286 : vector<1x16xi32> to vector<16xi32>
      %swap3A_288 = arith.constant 64 : index
      %swap3A_289 = tpu.vector_load %arg10[%swap3A_288] {strides = array<i32>} : memref<128xi32, #tpu.memory_space<vmem>>, vector<16xi32>,
      %swap3A_290 = vector.shape_cast %swap3A_289 : vector<16xi32> to vector<16xi32>
      %swap3A_291 = vector.shape_cast %get3A_287 : vector<16xi32> to vector<16xi32>
      tpu.vector_store %arg10[%swap3A_288], %swap3A_291 {strides = array<i32>} : memref<128xi32, #tpu.memory_space<vmem>>, vector<16xi32>,
      %add3A_292 = arith.constant 80 : i32
      %add3A_293 = arith.addi %mul3A_241, %add3A_292 : i32
      %get3A_294 = arith.index_cast %select_n3A_223 : i32 to index
      %get3A_295 = arith.index_cast %add3A_293 : i32 to index
      %get3A_296 = tpu.vector_load %arg6[%get3A_294, %get3A_295] {strides = array<i32>} : memref<128x128xi32, #tpu.memory_space<vmem>>, vector<1x16xi32>,
      %get3A_297 = vector.shape_cast %get3A_296 : vector<1x16xi32> to vector<16xi32>
      %swap3A_298 = arith.constant 80 : index
      %swap3A_299 = tpu.vector_load %arg10[%swap3A_298] {strides = array<i32>} : memref<128xi32, #tpu.memory_space<vmem>>, vector<16xi32>,
      %swap3A_300 = vector.shape_cast %swap3A_299 : vector<16xi32> to vector<16xi32>
      %swap3A_301 = vector.shape_cast %get3A_297 : vector<16xi32> to vector<16xi32>
      tpu.vector_store %arg10[%swap3A_298], %swap3A_301 {strides = array<i32>} : memref<128xi32, #tpu.memory_space<vmem>>, vector<16xi32>,
      %add3A_302 = arith.constant 96 : i32
      %add3A_303 = arith.addi %mul3A_241, %add3A_302 : i32
      %get3A_304 = arith.index_cast %select_n3A_223 : i32 to index
      %get3A_305 = arith.index_cast %add3A_303 : i32 to index
      %get3A_306 = tpu.vector_load %arg6[%get3A_304, %get3A_305] {strides = array<i32>} : memref<128x128xi32, #tpu.memory_space<vmem>>, vector<1x16xi32>,
      %get3A_307 = vector.shape_cast %get3A_306 : vector<1x16xi32> to vector<16xi32>
      %swap3A_308 = arith.constant 96 : index
      %swap3A_309 = tpu.vector_load %arg10[%swap3A_308] {strides = array<i32>} : memref<128xi32, #tpu.memory_space<vmem>>, vector<16xi32>,
      %swap3A_310 = vector.shape_cast %swap3A_309 : vector<16xi32> to vector<16xi32>
      %swap3A_311 = vector.shape_cast %get3A_307 : vector<16xi32> to vector<16xi32>
      tpu.vector_store %arg10[%swap3A_308], %swap3A_311 {strides = array<i32>} : memref<128xi32, #tpu.memory_space<vmem>>, vector<16xi32>,
      %add3A_312 = arith.constant 112 : i32
      %add3A_313 = arith.addi %mul3A_241, %add3A_312 : i32
      %get3A_314 = arith.index_cast %select_n3A_223 : i32 to index
      %get3A_315 = arith.index_cast %add3A_313 : i32 to index
      %get3A_316 = tpu.vector_load %arg6[%get3A_314, %get3A_315] {strides = array<i32>} : memref<128x128xi32, #tpu.memory_space<vmem>>, vector<1x16xi32>,
      %get3A_317 = vector.shape_cast %get3A_316 : vector<1x16xi32> to vector<16xi32>
      %swap3A_318 = arith.constant 112 : index
      %swap3A_319 = tpu.vector_load %arg10[%swap3A_318] {strides = array<i32>} : memref<128xi32, #tpu.memory_space<vmem>>, vector<16xi32>,
      %swap3A_320 = vector.shape_cast %swap3A_319 : vector<16xi32> to vector<16xi32>
      %swap3A_321 = vector.shape_cast %get3A_317 : vector<16xi32> to vector<16xi32>
      tpu.vector_store %arg10[%swap3A_318], %swap3A_321 {strides = array<i32>} : memref<128xi32, #tpu.memory_space<vmem>>, vector<16xi32>,
      %mul3A_322 = arith.constant 2 : i32
      %mul3A_323 = arith.muli %mul3A_322, %while3A_65 : i32
      %add3A_324 = arith.addi %select_n3A_9, %mul3A_323 : i32
      %add3A_325 = arith.constant 0 : i32
      %add3A_326 = arith.addi %add3A_324, %add3A_325 : i32
      %dma_wait3A_327 = arith.constant 0 : i32
      %dma_wait3A_328 = tpu.memref_slice %arg3[%add3A_326, %dma_wait3A_327] : memref<2560x128xi32, #tpu.memory_space<hbm>> -> memref<1x128xi32, #tpu.memory_space<hbm>>
      %dma_wait3A_329 = tpu.memref_squeeze %dma_wait3A_328 : memref<1x128xi32, #tpu.memory_space<hbm>> -> memref<128xi32, #tpu.memory_space<hbm>>
      %dma_wait3A_330 = arith.constant 0 : i32
      %dma_wait3A_331 = tpu.memref_slice %arg3[%add3A_326, %dma_wait3A_330] : memref<2560x128xi32, #tpu.memory_space<hbm>> -> memref<1x128xi32, #tpu.memory_space<hbm>>
      %dma_wait3A_332 = tpu.memref_squeeze %dma_wait3A_331 : memref<1x128xi32, #tpu.memory_space<hbm>> -> memref<128xi32, #tpu.memory_space<hbm>>
      tpu.wait_dma2 semaphore(%arg14 : memref<!tpu.dma_semaphore, #tpu.memory_space<semaphore_mem>>) src(%dma_wait3A_332 : memref<128xi32, #tpu.memory_space<hbm>>) dst(%arg7 : memref<128xi32, #tpu.memory_space<vmem>>)
      %dma_start3A_333 = arith.constant 0 : i32
      %dma_start3A_334 = arith.constant 0 : i32
      %dma_start3A_335 = tpu.memref_slice %arg2[%dma_start3A_333, %dma_start3A_334] : memref<10240x128xf32, #tpu.memory_space<hbm>> -> memref<10240x128xf32, #tpu.memory_space<hbm>>
      tpu.enqueue_indirect_dma source(%dma_start3A_335 : memref<10240x128xf32, #tpu.memory_space<hbm>>) target(%arg11 : memref<128x128xf32, #tpu.memory_space<vmem>>) offsets(%arg7 : memref<128xi32, #tpu.memory_space<vmem>>) semaphore(%arg16 : memref<!tpu.dma_semaphore, #tpu.memory_space<semaphore_mem>>)
      %mul3A_336 = arith.constant 2 : i32
      %mul3A_337 = arith.muli %mul3A_336, %while3A_65 : i32
      %add3A_338 = arith.addi %select_n3A_9, %mul3A_337 : i32
      %add3A_339 = arith.constant 1 : i32
      %add3A_340 = arith.addi %add3A_338, %add3A_339 : i32
      %dma_wait3A_341 = arith.constant 0 : i32
      %dma_wait3A_342 = tpu.memref_slice %arg3[%add3A_340, %dma_wait3A_341] : memref<2560x128xi32, #tpu.memory_space<hbm>> -> memref<1x128xi32, #tpu.memory_space<hbm>>
      %dma_wait3A_343 = tpu.memref_squeeze %dma_wait3A_342 : memref<1x128xi32, #tpu.memory_space<hbm>> -> memref<128xi32, #tpu.memory_space<hbm>>
      %dma_wait3A_344 = arith.constant 0 : i32
      %dma_wait3A_345 = tpu.memref_slice %arg3[%add3A_340, %dma_wait3A_344] : memref<2560x128xi32, #tpu.memory_space<hbm>> -> memref<1x128xi32, #tpu.memory_space<hbm>>
      %dma_wait3A_346 = tpu.memref_squeeze %dma_wait3A_345 : memref<1x128xi32, #tpu.memory_space<hbm>> -> memref<128xi32, #tpu.memory_space<hbm>>
      tpu.wait_dma2 semaphore(%arg15 : memref<!tpu.dma_semaphore, #tpu.memory_space<semaphore_mem>>) src(%dma_wait3A_346 : memref<128xi32, #tpu.memory_space<hbm>>) dst(%arg8 : memref<128xi32, #tpu.memory_space<vmem>>)
      %dma_start3A_347 = arith.constant 0 : i32
      %dma_start3A_348 = arith.constant 0 : i32
      %dma_start3A_349 = tpu.memref_slice %arg2[%dma_start3A_347, %dma_start3A_348] : memref<10240x128xf32, #tpu.memory_space<hbm>> -> memref<10240x128xf32, #tpu.memory_space<hbm>>
      tpu.enqueue_indirect_dma source(%dma_start3A_349 : memref<10240x128xf32, #tpu.memory_space<hbm>>) target(%arg12 : memref<128x128xf32, #tpu.memory_space<vmem>>) offsets(%arg8 : memref<128xi32, #tpu.memory_space<vmem>>) semaphore(%arg17 : memref<!tpu.dma_semaphore, #tpu.memory_space<semaphore_mem>>)
      %mul3A_350 = arith.constant 2 : i32
      %mul3A_351 = arith.muli %mul3A_350, %while3A_65 : i32
      %add3A_352 = arith.constant 0 : i32
      %add3A_353 = arith.addi %mul3A_351, %add3A_352 : i32
      %dma_wait3A_354 = arith.constant 0 : i32
      %dma_wait3A_355 = arith.constant 0 : i32
      %dma_wait3A_356 = tpu.memref_slice %arg2[%dma_wait3A_354, %dma_wait3A_355] : memref<10240x128xf32, #tpu.memory_space<hbm>> -> memref<10240x128xf32, #tpu.memory_space<hbm>>
      tpu.wait_indirect_dma semaphore(%arg16 : memref<!tpu.dma_semaphore, #tpu.memory_space<semaphore_mem>>) src(%dma_wait3A_356 : memref<10240x128xf32, #tpu.memory_space<hbm>>) dst(%arg11 : memref<128x128xf32, #tpu.memory_space<vmem>>)
      %dma_start3A_357 = arith.constant 0 : i32
      %dma_start3A_358 = arith.constant 0 : i32
      %dma_start3A_359 = tpu.memref_slice %arg13[%dma_start3A_357, %dma_start3A_358] : memref<10112x128xf32, #tpu.memory_space<vmem_shared>> -> memref<10112x128xf32, #tpu.memory_space<vmem_shared>>
      tpu.enqueue_indirect_dma source(%arg11 : memref<128x128xf32, #tpu.memory_space<vmem>>) target(%dma_start3A_359 : memref<10112x128xf32, #tpu.memory_space<vmem_shared>>) offsets(%arg9 : memref<128xi32, #tpu.memory_space<vmem>>) semaphore(%arg18 : memref<!tpu.dma_semaphore, #tpu.memory_space<semaphore_mem>>) {add = true}
      %add3A_360 = arith.constant 2 : i32
      %add3A_361 = arith.addi %add3A_353, %add3A_360 : i32
      %lt3A_362 = arith.cmpi slt, %add3A_361, %select_n3A_2 : i32
      %convert_element_type3A_363 = arith.extui %lt3A_362 : i1 to i32
      %cond3A_364 = arith.constant 0 : i32
      %cond3A_365 = arith.cmpi ne, %convert_element_type3A_363, %cond3A_364 : i32
      scf.if %cond3A_365 {
        %add3A_382 = arith.addi %select_n3A_9, %add3A_353 : i32
        %add3A_383 = arith.constant 2 : i32
        %add3A_384 = arith.addi %add3A_382, %add3A_383 : i32
        %dma_start3A_385 = arith.constant 0 : i32
        %dma_start3A_386 = tpu.memref_slice %arg3[%add3A_384, %dma_start3A_385] : memref<2560x128xi32, #tpu.memory_space<hbm>> -> memref<1x128xi32, #tpu.memory_space<hbm>>
        %dma_start3A_387 = tpu.memref_squeeze %dma_start3A_386 : memref<1x128xi32, #tpu.memory_space<hbm>> -> memref<128xi32, #tpu.memory_space<hbm>>
        %dma_start3A_388 = arith.constant 0 : i32
        %dma_start3A_389 = tpu.memref_slice %arg3[%add3A_384, %dma_start3A_388] : memref<2560x128xi32, #tpu.memory_space<hbm>> -> memref<1x128xi32, #tpu.memory_space<hbm>>
        %dma_start3A_390 = tpu.memref_squeeze %dma_start3A_389 : memref<1x128xi32, #tpu.memory_space<hbm>> -> memref<128xi32, #tpu.memory_space<hbm>>
        tpu.enqueue_dma source(%dma_start3A_390 : memref<128xi32, #tpu.memory_space<hbm>>) target(%arg7 : memref<128xi32, #tpu.memory_space<vmem>>) target_semaphore(%arg14 : memref<!tpu.dma_semaphore, #tpu.memory_space<semaphore_mem>>)
      } else {
      }
      %mul3A_366 = arith.constant 2 : i32
      %mul3A_367 = arith.muli %mul3A_366, %while3A_65 : i32
      %add3A_368 = arith.constant 1 : i32
      %add3A_369 = arith.addi %mul3A_367, %add3A_368 : i32
      %dma_wait3A_370 = arith.constant 0 : i32
      %dma_wait3A_371 = arith.constant 0 : i32
      %dma_wait3A_372 = tpu.memref_slice %arg2[%dma_wait3A_370, %dma_wait3A_371] : memref<10240x128xf32, #tpu.memory_space<hbm>> -> memref<10240x128xf32, #tpu.memory_space<hbm>>
      tpu.wait_indirect_dma semaphore(%arg17 : memref<!tpu.dma_semaphore, #tpu.memory_space<semaphore_mem>>) src(%dma_wait3A_372 : memref<10240x128xf32, #tpu.memory_space<hbm>>) dst(%arg12 : memref<128x128xf32, #tpu.memory_space<vmem>>)
      %dma_start3A_373 = arith.constant 0 : i32
      %dma_start3A_374 = arith.constant 0 : i32
      %dma_start3A_375 = tpu.memref_slice %arg13[%dma_start3A_373, %dma_start3A_374] : memref<10112x128xf32, #tpu.memory_space<vmem_shared>> -> memref<10112x128xf32, #tpu.memory_space<vmem_shared>>
      tpu.enqueue_indirect_dma source(%arg12 : memref<128x128xf32, #tpu.memory_space<vmem>>) target(%dma_start3A_375 : memref<10112x128xf32, #tpu.memory_space<vmem_shared>>) offsets(%arg10 : memref<128xi32, #tpu.memory_space<vmem>>) semaphore(%arg19 : memref<!tpu.dma_semaphore, #tpu.memory_space<semaphore_mem>>) {add = true}
      %add3A_376 = arith.constant 2 : i32
      %add3A_377 = arith.addi %add3A_369, %add3A_376 : i32
      %lt3A_378 = arith.cmpi slt, %add3A_377, %select_n3A_2 : i32
      %convert_element_type3A_379 = arith.extui %lt3A_378 : i1 to i32
      %cond3A_380 = arith.constant 0 : i32
      %cond3A_381 = arith.cmpi ne, %convert_element_type3A_379, %cond3A_380 : i32
      scf.if %cond3A_381 {
        %add3A_382 = arith.addi %select_n3A_9, %add3A_369 : i32
        %add3A_383 = arith.constant 2 : i32
        %add3A_384 = arith.addi %add3A_382, %add3A_383 : i32
        %dma_start3A_385 = arith.constant 0 : i32
        %dma_start3A_386 = tpu.memref_slice %arg3[%add3A_384, %dma_start3A_385] : memref<2560x128xi32, #tpu.memory_space<hbm>> -> memref<1x128xi32, #tpu.memory_space<hbm>>
        %dma_start3A_387 = tpu.memref_squeeze %dma_start3A_386 : memref<1x128xi32, #tpu.memory_space<hbm>> -> memref<128xi32, #tpu.memory_space<hbm>>
        %dma_start3A_388 = arith.constant 0 : i32
        %dma_start3A_389 = tpu.memref_slice %arg3[%add3A_384, %dma_start3A_388] : memref<2560x128xi32, #tpu.memory_space<hbm>> -> memref<1x128xi32, #tpu.memory_space<hbm>>
        %dma_start3A_390 = tpu.memref_squeeze %dma_start3A_389 : memref<1x128xi32, #tpu.memory_space<hbm>> -> memref<128xi32, #tpu.memory_space<hbm>>
        tpu.enqueue_dma source(%dma_start3A_390 : memref<128xi32, #tpu.memory_space<hbm>>) target(%arg8 : memref<128xi32, #tpu.memory_space<vmem>>) target_semaphore(%arg15 : memref<!tpu.dma_semaphore, #tpu.memory_space<semaphore_mem>>)
      } else {
      }
    }
    %dma_wait3A = arith.constant 0 : i32
    %dma_wait3A_55 = arith.constant 0 : i32
    %dma_wait3A_56 = tpu.memref_slice %arg13[%dma_wait3A, %dma_wait3A_55] : memref<10112x128xf32, #tpu.memory_space<vmem_shared>> -> memref<10112x128xf32, #tpu.memory_space<vmem_shared>>
    tpu.wait_indirect_dma semaphore(%arg18 : memref<!tpu.dma_semaphore, #tpu.memory_space<semaphore_mem>>) src(%arg11 : memref<128x128xf32, #tpu.memory_space<vmem>>) dst(%dma_wait3A_56 : memref<10112x128xf32, #tpu.memory_space<vmem_shared>>)
    %dma_wait3A_57 = arith.constant 0 : i32
    %dma_wait3A_58 = arith.constant 0 : i32
    %dma_wait3A_59 = tpu.memref_slice %arg13[%dma_wait3A_57, %dma_wait3A_58] : memref<10112x128xf32, #tpu.memory_space<vmem_shared>> -> memref<10112x128xf32, #tpu.memory_space<vmem_shared>>
    tpu.wait_indirect_dma semaphore(%arg19 : memref<!tpu.dma_semaphore, #tpu.memory_space<semaphore_mem>>) src(%arg12 : memref<128x128xf32, #tpu.memory_space<vmem>>) dst(%dma_wait3A_59 : memref<10112x128xf32, #tpu.memory_space<vmem_shared>>)
    %barrier3A_60 = arith.constant 0 : index
    tpu.barrier barrier_id(%barrier3A_60)
    %mul3A_61 = arith.constant 632 : i32
    %mul3A_62 = arith.muli %arg1, %mul3A_61 : i32
    %mul3A_63 = arith.constant 632 : i32
    %mul3A_64 = arith.muli %arg1, %mul3A_63 : i32
    "tpu.region"() ({
      %run_scoped3A = tpu.sem_alloc : memref<!tpu.dma_semaphore, #tpu.memory_space<semaphore_mem>>
      %dma_start3A_65 = arith.constant 0 : i32
      %dma_start3A_66 = tpu.memref_slice %arg5[%arg0, %mul3A_64, %dma_start3A_65] : memref<2x10240x128xf32, #tpu.memory_space<hbm>> -> memref<1x632x128xf32, #tpu.memory_space<hbm>>
      %dma_start3A_67 = tpu.memref_squeeze %dma_start3A_66 : memref<1x632x128xf32, #tpu.memory_space<hbm>> -> memref<632x128xf32, #tpu.memory_space<hbm>>
      %dma_start3A_68 = arith.constant 0 : i32
      %dma_start3A_69 = tpu.memref_slice %arg13[%mul3A_62, %dma_start3A_68] : memref<10112x128xf32, #tpu.memory_space<vmem_shared>> -> memref<632x128xf32, #tpu.memory_space<vmem_shared>>
      tpu.enqueue_dma source(%dma_start3A_69 : memref<632x128xf32, #tpu.memory_space<vmem_shared>>) target(%dma_start3A_67 : memref<632x128xf32, #tpu.memory_space<hbm>>) target_semaphore(%run_scoped3A : memref<!tpu.dma_semaphore, #tpu.memory_space<semaphore_mem>>)
      %dma_wait3A_70 = arith.constant 0 : i32
      %dma_wait3A_71 = tpu.memref_slice %arg5[%arg0, %mul3A_64, %dma_wait3A_70] : memref<2x10240x128xf32, #tpu.memory_space<hbm>> -> memref<1x632x128xf32, #tpu.memory_space<hbm>>
      %dma_wait3A_72 = tpu.memref_squeeze %dma_wait3A_71 : memref<1x632x128xf32, #tpu.memory_space<hbm>> -> memref<632x128xf32, #tpu.memory_space<hbm>>
      %dma_wait3A_73 = arith.constant 0 : i32
      %dma_wait3A_74 = tpu.memref_slice %arg13[%mul3A_62, %dma_wait3A_73] : memref<10112x128xf32, #tpu.memory_space<vmem_shared>> -> memref<632x128xf32, #tpu.memory_space<vmem_shared>>
      tpu.wait_dma2 semaphore(%run_scoped3A : memref<!tpu.dma_semaphore, #tpu.memory_space<semaphore_mem>>) src(%dma_wait3A_74 : memref<632x128xf32, #tpu.memory_space<vmem_shared>>) dst(%dma_wait3A_72 : memref<632x128xf32, #tpu.memory_space<hbm>>)
      tpu.yield
    }) : () -> ()
    return
  }
}

#map = affine_map<(d0, d1) -> (0, 0)>
#map1 = affine_map<(d0, d1) -> (0, 0, 0)>
module attributes {stable_mosaic.version = 14 : i64} {
  func.func @_prop_body(%arg0: i32, %arg1: i32, %arg2: memref<10240x128xf32, #tpu.memory_space<hbm>>, %arg3: memref<2560x128xi32, #tpu.memory_space<hbm>>, %arg4: memref<2560x128xi32, #tpu.memory_space<hbm>>, %arg5: memref<2x10240x128xf32, #tpu.memory_space<hbm>>, %arg6: memref<128x128xi32, #tpu.memory_space<vmem>>, %arg7: memref<128xi32, #tpu.memory_space<vmem>>, %arg8: memref<128xi32, #tpu.memory_space<vmem>>, %arg9: memref<128xi32, #tpu.memory_space<vmem>>, %arg10: memref<128xi32, #tpu.memory_space<vmem>>, %arg11: memref<128x128xf32, #tpu.memory_space<vmem>>, %arg12: memref<128x128xf32, #tpu.memory_space<vmem>>, %arg13: memref<10112x128xf32, #tpu.memory_space<vmem_shared>>, %arg14: memref<!tpu.dma_semaphore, #tpu.memory_space<semaphore_mem>>, %arg15: memref<!tpu.dma_semaphore, #tpu.memory_space<semaphore_mem>>, %arg16: memref<!tpu.dma_semaphore, #tpu.memory_space<semaphore_mem>>, %arg17: memref<!tpu.dma_semaphore, #tpu.memory_space<semaphore_mem>>, %arg18: memref<!tpu.dma_semaphore, #tpu.memory_space<semaphore_mem>>, %arg19: memref<!tpu.dma_semaphore, #tpu.memory_space<semaphore_mem>>) attributes {dimension_semantics = [#tpu.dimension_semantics<core_parallel>, #tpu.dimension_semantics<subcore_parallel>], iteration_bounds = array<i64: 2, 16>, scalar_prefetch = 0 : i64, scratch_operands = 14 : i64, tpu.core_type = #tpu.core_type<sc_vector_subcore>, window_params = [{transform_indices = #map}, {transform_indices = #map}, {transform_indices = #map}, {transform_indices = #map1}]} {
    %eq3A = arith.constant 0 : i32
    %eq3A_0 = arith.cmpi eq, %arg0, %eq3A : i32
    %select_n3A = arith.constant 32 : i32
    %select_n3A_1 = arith.constant 128 : i32
    %select_n3A_2 = arith.select %eq3A_0, %select_n3A_1, %select_n3A : i32
    %eq3A_3 = arith.constant 0 : i32
    %eq3A_4 = arith.cmpi eq, %arg0, %eq3A_3 : i32
    %mul3A = arith.constant 128 : i32
    %mul3A_5 = arith.muli %arg1, %mul3A : i32
    %mul3A_6 = arith.constant 32 : i32
    %mul3A_7 = arith.muli %arg1, %mul3A_6 : i32
    %add3A = arith.constant 2048 : i32
    %add3A_8 = arith.addi %add3A, %mul3A_7 : i32
    %select_n3A_9 = arith.select %eq3A_4, %mul3A_5, %add3A_8 : i32
    "tpu.region"() ({
      %run_scoped3A = tpu.sem_alloc : memref<!tpu.dma_semaphore, #tpu.memory_space<semaphore_mem>>
      %dma_start3A_65 = arith.constant 0 : i32
      %dma_start3A_66 = tpu.memref_slice %arg4[%select_n3A_9, %dma_start3A_65] : memref<2560x128xi32, #tpu.memory_space<hbm>> -> memref<128x128xi32, #tpu.memory_space<hbm>>
      %dma_start3A_67 = arith.constant 0 : i32
      %dma_start3A_68 = tpu.memref_slice %arg4[%select_n3A_9, %dma_start3A_67] : memref<2560x128xi32, #tpu.memory_space<hbm>> -> memref<128x128xi32, #tpu.memory_space<hbm>>
      tpu.enqueue_dma source(%dma_start3A_68 : memref<128x128xi32, #tpu.memory_space<hbm>>) target(%arg6 : memref<128x128xi32, #tpu.memory_space<vmem>>) target_semaphore(%run_scoped3A : memref<!tpu.dma_semaphore, #tpu.memory_space<semaphore_mem>>)
      %dma_wait3A_69 = arith.constant 0 : i32
      %dma_wait3A_70 = tpu.memref_slice %arg4[%select_n3A_9, %dma_wait3A_69] : memref<2560x128xi32, #tpu.memory_space<hbm>> -> memref<128x128xi32, #tpu.memory_space<hbm>>
      %dma_wait3A_71 = arith.constant 0 : i32
      %dma_wait3A_72 = tpu.memref_slice %arg4[%select_n3A_9, %dma_wait3A_71] : memref<2560x128xi32, #tpu.memory_space<hbm>> -> memref<128x128xi32, #tpu.memory_space<hbm>>
      tpu.wait_dma2 semaphore(%run_scoped3A : memref<!tpu.dma_semaphore, #tpu.memory_space<semaphore_mem>>) src(%dma_wait3A_72 : memref<128x128xi32, #tpu.memory_space<hbm>>) dst(%arg6 : memref<128x128xi32, #tpu.memory_space<vmem>>)
      tpu.yield
    }) : () -> ()
    %mul3A_10 = arith.constant 632 : i32
    %mul3A_11 = arith.muli %arg1, %mul3A_10 : i32
    %mul3A_12 = arith.constant 632 : i32
    %mul3A_13 = arith.muli %arg1, %mul3A_12 : i32
    "tpu.region"() ({
      %run_scoped3A = tpu.sem_alloc : memref<!tpu.dma_semaphore, #tpu.memory_space<semaphore_mem>>
      %dma_start3A_65 = arith.constant 0 : i32
      %dma_start3A_66 = tpu.memref_slice %arg13[%mul3A_13, %dma_start3A_65] : memref<10112x128xf32, #tpu.memory_space<vmem_shared>> -> memref<632x128xf32, #tpu.memory_space<vmem_shared>>
      %dma_start3A_67 = arith.constant 0 : i32
      %dma_start3A_68 = tpu.memref_slice %arg2[%mul3A_11, %dma_start3A_67] : memref<10240x128xf32, #tpu.memory_space<hbm>> -> memref<632x128xf32, #tpu.memory_space<hbm>>
      tpu.enqueue_dma source(%dma_start3A_68 : memref<632x128xf32, #tpu.memory_space<hbm>>) target(%dma_start3A_66 : memref<632x128xf32, #tpu.memory_space<vmem_shared>>) target_semaphore(%run_scoped3A : memref<!tpu.dma_semaphore, #tpu.memory_space<semaphore_mem>>)
      %dma_wait3A_69 = arith.constant 0 : i32
      %dma_wait3A_70 = tpu.memref_slice %arg13[%mul3A_13, %dma_wait3A_69] : memref<10112x128xf32, #tpu.memory_space<vmem_shared>> -> memref<632x128xf32, #tpu.memory_space<vmem_shared>>
      %dma_wait3A_71 = arith.constant 0 : i32
      %dma_wait3A_72 = tpu.memref_slice %arg2[%mul3A_11, %dma_wait3A_71] : memref<10240x128xf32, #tpu.memory_space<hbm>> -> memref<632x128xf32, #tpu.memory_space<hbm>>
      tpu.wait_dma2 semaphore(%run_scoped3A : memref<!tpu.dma_semaphore, #tpu.memory_space<semaphore_mem>>) src(%dma_wait3A_72 : memref<632x128xf32, #tpu.memory_space<hbm>>) dst(%dma_wait3A_70 : memref<632x128xf32, #tpu.memory_space<vmem_shared>>)
      tpu.yield
    }) : () -> ()
    %add3A_14 = arith.constant 0 : i32
    %add3A_15 = arith.addi %select_n3A_9, %add3A_14 : i32
    %dma_start3A = arith.constant 0 : i32
    %dma_start3A_16 = tpu.memref_slice %arg3[%add3A_15, %dma_start3A] : memref<2560x128xi32, #tpu.memory_space<hbm>> -> memref<1x128xi32, #tpu.memory_space<hbm>>
    %dma_start3A_17 = tpu.memref_squeeze %dma_start3A_16 : memref<1x128xi32, #tpu.memory_space<hbm>> -> memref<128xi32, #tpu.memory_space<hbm>>
    %dma_start3A_18 = arith.constant 0 : i32
    %dma_start3A_19 = tpu.memref_slice %arg3[%add3A_15, %dma_start3A_18] : memref<2560x128xi32, #tpu.memory_space<hbm>> -> memref<1x128xi32, #tpu.memory_space<hbm>>
    %dma_start3A_20 = tpu.memref_squeeze %dma_start3A_19 : memref<1x128xi32, #tpu.memory_space<hbm>> -> memref<128xi32, #tpu.memory_space<hbm>>
    tpu.enqueue_dma source(%dma_start3A_20 : memref<128xi32, #tpu.memory_space<hbm>>) target(%arg7 : memref<128xi32, #tpu.memory_space<vmem>>) target_semaphore(%arg14 : memref<!tpu.dma_semaphore, #tpu.memory_space<semaphore_mem>>)
    %add3A_21 = arith.constant 1 : i32
    %add3A_22 = arith.addi %select_n3A_9, %add3A_21 : i32
    %dma_start3A_23 = arith.constant 0 : i32
    %dma_start3A_24 = tpu.memref_slice %arg3[%add3A_22, %dma_start3A_23] : memref<2560x128xi32, #tpu.memory_space<hbm>> -> memref<1x128xi32, #tpu.memory_space<hbm>>
    %dma_start3A_25 = tpu.memref_squeeze %dma_start3A_24 : memref<1x128xi32, #tpu.memory_space<hbm>> -> memref<128xi32, #tpu.memory_space<hbm>>
    %dma_start3A_26 = arith.constant 0 : i32
    %dma_start3A_27 = tpu.memref_slice %arg3[%add3A_22, %dma_start3A_26] : memref<2560x128xi32, #tpu.memory_space<hbm>> -> memref<1x128xi32, #tpu.memory_space<hbm>>
    %dma_start3A_28 = tpu.memref_squeeze %dma_start3A_27 : memref<1x128xi32, #tpu.memory_space<hbm>> -> memref<128xi32, #tpu.memory_space<hbm>>
    tpu.enqueue_dma source(%dma_start3A_28 : memref<128xi32, #tpu.memory_space<hbm>>) target(%arg8 : memref<128xi32, #tpu.memory_space<vmem>>) target_semaphore(%arg15 : memref<!tpu.dma_semaphore, #tpu.memory_space<semaphore_mem>>)
    %barrier3A = arith.constant 0 : index
    tpu.barrier barrier_id(%barrier3A)
    %jit3A = arith.constant 2 : i32
    %div3A = arith.divsi %select_n3A_2, %jit3A : i32
    %sign3A = arith.constant 0 : i32
    %sign3A_29 = arith.cmpi sgt, %select_n3A_2, %sign3A : i32
    %sign3A_30 = arith.extui %sign3A_29 : i1 to i32
    %sign3A_31 = arith.constant 0 : i32
    %sign3A_32 = arith.cmpi slt, %select_n3A_2, %sign3A_31 : i32
    %sign3A_33 = arith.extui %sign3A_32 : i1 to i32
    %sign3A_34 = arith.subi %sign3A_30, %sign3A_33 : i32
    %sign3A_35 = arith.constant 0 : i32
    %sign3A_36 = arith.cmpi sgt, %jit3A, %sign3A_35 : i32
    %sign3A_37 = arith.extui %sign3A_36 : i1 to i32
    %sign3A_38 = arith.constant 0 : i32
    %sign3A_39 = arith.cmpi slt, %jit3A, %sign3A_38 : i32
    %sign3A_40 = arith.extui %sign3A_39 : i1 to i32
    %sign3A_41 = arith.subi %sign3A_37, %sign3A_40 : i32
    %ne3A = arith.cmpi ne, %sign3A_34, %sign3A_41 : i32
    %rem3A = arith.remsi %select_n3A_2, %jit3A : i32
    %ne3A_42 = arith.constant 0 : i32
    %ne3A_43 = arith.cmpi ne, %rem3A, %ne3A_42 : i32
    %and3A = arith.andi %ne3A, %ne3A_43 : i1
    %sub3A = arith.constant 1 : i32
    %sub3A_44 = arith.subi %div3A, %sub3A : i32
    %select_n3A_45 = arith.select %and3A, %sub3A_44, %div3A : i32
    %while3A = arith.constant 0 : i32
    %while3A_46 = arith.constant 0 : i32
    %while3A_47 = arith.subi %select_n3A_45, %while3A_46 : i32
    %while3A_48 = arith.addi %while3A_46, %while3A_47 : i32
    %while3A_49 = arith.constant 1 : i32
    %while3A_50 = arith.divsi %while3A_47, %while3A_49 : i32
    %while3A_51 = arith.muli %while3A_50, %while3A_49 : i32
    %while3A_52 = arith.addi %while3A_46, %while3A_51 : i32
    %while3A_53 = arith.constant 1 : i32
    scf.for %while3A_65 = %while3A_46 to %while3A_52 step %while3A_53  : i32 {
      %gt3A = arith.constant 0 : i32
      %gt3A_66 = arith.cmpi sgt, %while3A_65, %gt3A : i32
      %convert_element_type3A = arith.extui %gt3A_66 : i1 to i32
      %cond3A = arith.constant 0 : i32
      %cond3A_67 = arith.cmpi ne, %convert_element_type3A, %cond3A : i32
      scf.if %cond3A_67 {
        %dma_wait3A_382 = arith.constant 0 : i32
        %dma_wait3A_383 = arith.constant 0 : i32
        %dma_wait3A_384 = tpu.memref_slice %arg13[%dma_wait3A_382, %dma_wait3A_383] : memref<10112x128xf32, #tpu.memory_space<vmem_shared>> -> memref<10112x128xf32, #tpu.memory_space<vmem_shared>>
        tpu.wait_indirect_dma semaphore(%arg18 : memref<!tpu.dma_semaphore, #tpu.memory_space<semaphore_mem>>) src(%arg11 : memref<128x128xf32, #tpu.memory_space<vmem>>) dst(%dma_wait3A_384 : memref<10112x128xf32, #tpu.memory_space<vmem_shared>>)
      } else {
      }
      %mul3A_68 = arith.constant 2 : i32
      %mul3A_69 = arith.muli %mul3A_68, %while3A_65 : i32
      %add3A_70 = arith.constant 0 : i32
      %add3A_71 = arith.addi %mul3A_69, %add3A_70 : i32
      %jit3A_72 = arith.constant 1 : i32
      %div3A_73 = arith.divsi %add3A_71, %jit3A_72 : i32
      %sign3A_74 = arith.constant 0 : i32
      %sign3A_75 = arith.cmpi sgt, %add3A_71, %sign3A_74 : i32
      %sign3A_76 = arith.extui %sign3A_75 : i1 to i32
      %sign3A_77 = arith.constant 0 : i32
      %sign3A_78 = arith.cmpi slt, %add3A_71, %sign3A_77 : i32
      %sign3A_79 = arith.extui %sign3A_78 : i1 to i32
      %sign3A_80 = arith.subi %sign3A_76, %sign3A_79 : i32
      %sign3A_81 = arith.constant 0 : i32
      %sign3A_82 = arith.cmpi sgt, %jit3A_72, %sign3A_81 : i32
      %sign3A_83 = arith.extui %sign3A_82 : i1 to i32
      %sign3A_84 = arith.constant 0 : i32
      %sign3A_85 = arith.cmpi slt, %jit3A_72, %sign3A_84 : i32
      %sign3A_86 = arith.extui %sign3A_85 : i1 to i32
      %sign3A_87 = arith.subi %sign3A_83, %sign3A_86 : i32
      %ne3A_88 = arith.cmpi ne, %sign3A_80, %sign3A_87 : i32
      %rem3A_89 = arith.remsi %add3A_71, %jit3A_72 : i32
      %ne3A_90 = arith.constant 0 : i32
      %ne3A_91 = arith.cmpi ne, %rem3A_89, %ne3A_90 : i32
      %and3A_92 = arith.andi %ne3A_88, %ne3A_91 : i1
      %sub3A_93 = arith.constant 1 : i32
      %sub3A_94 = arith.subi %div3A_73, %sub3A_93 : i32
      %select_n3A_95 = arith.select %and3A_92, %sub3A_94, %div3A_73 : i32
      %jit3A_96 = arith.constant 1 : i32
      %eq3A_97 = arith.constant 0 : i32
      %eq3A_98 = arith.cmpi eq, %jit3A_96, %eq3A_97 : i32
      %jit3A_99 = arith.constant 1 : i32
      %select_n3A_100 = arith.select %eq3A_98, %jit3A_99, %jit3A_96 : i32
      %rem3A_101 = arith.remsi %add3A_71, %select_n3A_100 : i32
      %ne3A_102 = arith.constant 0 : i32
      %ne3A_103 = arith.cmpi ne, %rem3A_101, %ne3A_102 : i32
      %lt3A = arith.constant 0 : i32
      %lt3A_104 = arith.cmpi slt, %rem3A_101, %lt3A : i32
      %lt3A_105 = arith.constant 0 : i32
      %lt3A_106 = arith.cmpi slt, %select_n3A_100, %lt3A_105 : i32
      %ne3A_107 = arith.xori %lt3A_104, %lt3A_106 : i1
      %and3A_108 = arith.andi %ne3A_107, %ne3A_103 : i1
      %add3A_109 = arith.addi %rem3A_101, %select_n3A_100 : i32
      %select_n3A_110 = arith.select %and3A_108, %add3A_109, %rem3A_101 : i32
      %mul3A_111 = arith.constant 128 : i32
      %mul3A_112 = arith.muli %select_n3A_110, %mul3A_111 : i32
      %add3A_113 = arith.constant 0 : i32
      %add3A_114 = arith.addi %mul3A_112, %add3A_113 : i32
      %get3A = arith.index_cast %select_n3A_95 : i32 to index
      %get3A_115 = arith.index_cast %add3A_114 : i32 to index
      %get3A_116 = tpu.vector_load %arg6[%get3A, %get3A_115] {strides = array<i32>} : memref<128x128xi32, #tpu.memory_space<vmem>>, vector<1x16xi32>,
      %get3A_117 = vector.shape_cast %get3A_116 : vector<1x16xi32> to vector<16xi32>
      %swap3A = arith.constant 0 : index
      %swap3A_118 = tpu.vector_load %arg9[%swap3A] {strides = array<i32>} : memref<128xi32, #tpu.memory_space<vmem>>, vector<16xi32>,
      %swap3A_119 = vector.shape_cast %swap3A_118 : vector<16xi32> to vector<16xi32>
      %swap3A_120 = vector.shape_cast %get3A_117 : vector<16xi32> to vector<16xi32>
      tpu.vector_store %arg9[%swap3A], %swap3A_120 {strides = array<i32>} : memref<128xi32, #tpu.memory_space<vmem>>, vector<16xi32>,
      %add3A_121 = arith.constant 16 : i32
      %add3A_122 = arith.addi %mul3A_112, %add3A_121 : i32
      %get3A_123 = arith.index_cast %select_n3A_95 : i32 to index
      %get3A_124 = arith.index_cast %add3A_122 : i32 to index
      %get3A_125 = tpu.vector_load %arg6[%get3A_123, %get3A_124] {strides = array<i32>} : memref<128x128xi32, #tpu.memory_space<vmem>>, vector<1x16xi32>,
      %get3A_126 = vector.shape_cast %get3A_125 : vector<1x16xi32> to vector<16xi32>
      %swap3A_127 = arith.constant 16 : index
      %swap3A_128 = tpu.vector_load %arg9[%swap3A_127] {strides = array<i32>} : memref<128xi32, #tpu.memory_space<vmem>>, vector<16xi32>,
      %swap3A_129 = vector.shape_cast %swap3A_128 : vector<16xi32> to vector<16xi32>
      %swap3A_130 = vector.shape_cast %get3A_126 : vector<16xi32> to vector<16xi32>
      tpu.vector_store %arg9[%swap3A_127], %swap3A_130 {strides = array<i32>} : memref<128xi32, #tpu.memory_space<vmem>>, vector<16xi32>,
      %add3A_131 = arith.constant 32 : i32
      %add3A_132 = arith.addi %mul3A_112, %add3A_131 : i32
      %get3A_133 = arith.index_cast %select_n3A_95 : i32 to index
      %get3A_134 = arith.index_cast %add3A_132 : i32 to index
      %get3A_135 = tpu.vector_load %arg6[%get3A_133, %get3A_134] {strides = array<i32>} : memref<128x128xi32, #tpu.memory_space<vmem>>, vector<1x16xi32>,
      %get3A_136 = vector.shape_cast %get3A_135 : vector<1x16xi32> to vector<16xi32>
      %swap3A_137 = arith.constant 32 : index
      %swap3A_138 = tpu.vector_load %arg9[%swap3A_137] {strides = array<i32>} : memref<128xi32, #tpu.memory_space<vmem>>, vector<16xi32>,
      %swap3A_139 = vector.shape_cast %swap3A_138 : vector<16xi32> to vector<16xi32>
      %swap3A_140 = vector.shape_cast %get3A_136 : vector<16xi32> to vector<16xi32>
      tpu.vector_store %arg9[%swap3A_137], %swap3A_140 {strides = array<i32>} : memref<128xi32, #tpu.memory_space<vmem>>, vector<16xi32>,
      %add3A_141 = arith.constant 48 : i32
      %add3A_142 = arith.addi %mul3A_112, %add3A_141 : i32
      %get3A_143 = arith.index_cast %select_n3A_95 : i32 to index
      %get3A_144 = arith.index_cast %add3A_142 : i32 to index
      %get3A_145 = tpu.vector_load %arg6[%get3A_143, %get3A_144] {strides = array<i32>} : memref<128x128xi32, #tpu.memory_space<vmem>>, vector<1x16xi32>,
      %get3A_146 = vector.shape_cast %get3A_145 : vector<1x16xi32> to vector<16xi32>
      %swap3A_147 = arith.constant 48 : index
      %swap3A_148 = tpu.vector_load %arg9[%swap3A_147] {strides = array<i32>} : memref<128xi32, #tpu.memory_space<vmem>>, vector<16xi32>,
      %swap3A_149 = vector.shape_cast %swap3A_148 : vector<16xi32> to vector<16xi32>
      %swap3A_150 = vector.shape_cast %get3A_146 : vector<16xi32> to vector<16xi32>
      tpu.vector_store %arg9[%swap3A_147], %swap3A_150 {strides = array<i32>} : memref<128xi32, #tpu.memory_space<vmem>>, vector<16xi32>,
      %add3A_151 = arith.constant 64 : i32
      %add3A_152 = arith.addi %mul3A_112, %add3A_151 : i32
      %get3A_153 = arith.index_cast %select_n3A_95 : i32 to index
      %get3A_154 = arith.index_cast %add3A_152 : i32 to index
      %get3A_155 = tpu.vector_load %arg6[%get3A_153, %get3A_154] {strides = array<i32>} : memref<128x128xi32, #tpu.memory_space<vmem>>, vector<1x16xi32>,
      %get3A_156 = vector.shape_cast %get3A_155 : vector<1x16xi32> to vector<16xi32>
      %swap3A_157 = arith.constant 64 : index
      %swap3A_158 = tpu.vector_load %arg9[%swap3A_157] {strides = array<i32>} : memref<128xi32, #tpu.memory_space<vmem>>, vector<16xi32>,
      %swap3A_159 = vector.shape_cast %swap3A_158 : vector<16xi32> to vector<16xi32>
      %swap3A_160 = vector.shape_cast %get3A_156 : vector<16xi32> to vector<16xi32>
      tpu.vector_store %arg9[%swap3A_157], %swap3A_160 {strides = array<i32>} : memref<128xi32, #tpu.memory_space<vmem>>, vector<16xi32>,
      %add3A_161 = arith.constant 80 : i32
      %add3A_162 = arith.addi %mul3A_112, %add3A_161 : i32
      %get3A_163 = arith.index_cast %select_n3A_95 : i32 to index
      %get3A_164 = arith.index_cast %add3A_162 : i32 to index
      %get3A_165 = tpu.vector_load %arg6[%get3A_163, %get3A_164] {strides = array<i32>} : memref<128x128xi32, #tpu.memory_space<vmem>>, vector<1x16xi32>,
      %get3A_166 = vector.shape_cast %get3A_165 : vector<1x16xi32> to vector<16xi32>
      %swap3A_167 = arith.constant 80 : index
      %swap3A_168 = tpu.vector_load %arg9[%swap3A_167] {strides = array<i32>} : memref<128xi32, #tpu.memory_space<vmem>>, vector<16xi32>,
      %swap3A_169 = vector.shape_cast %swap3A_168 : vector<16xi32> to vector<16xi32>
      %swap3A_170 = vector.shape_cast %get3A_166 : vector<16xi32> to vector<16xi32>
      tpu.vector_store %arg9[%swap3A_167], %swap3A_170 {strides = array<i32>} : memref<128xi32, #tpu.memory_space<vmem>>, vector<16xi32>,
      %add3A_171 = arith.constant 96 : i32
      %add3A_172 = arith.addi %mul3A_112, %add3A_171 : i32
      %get3A_173 = arith.index_cast %select_n3A_95 : i32 to index
      %get3A_174 = arith.index_cast %add3A_172 : i32 to index
      %get3A_175 = tpu.vector_load %arg6[%get3A_173, %get3A_174] {strides = array<i32>} : memref<128x128xi32, #tpu.memory_space<vmem>>, vector<1x16xi32>,
      %get3A_176 = vector.shape_cast %get3A_175 : vector<1x16xi32> to vector<16xi32>
      %swap3A_177 = arith.constant 96 : index
      %swap3A_178 = tpu.vector_load %arg9[%swap3A_177] {strides = array<i32>} : memref<128xi32, #tpu.memory_space<vmem>>, vector<16xi32>,
      %swap3A_179 = vector.shape_cast %swap3A_178 : vector<16xi32> to vector<16xi32>
      %swap3A_180 = vector.shape_cast %get3A_176 : vector<16xi32> to vector<16xi32>
      tpu.vector_store %arg9[%swap3A_177], %swap3A_180 {strides = array<i32>} : memref<128xi32, #tpu.memory_space<vmem>>, vector<16xi32>,
      %add3A_181 = arith.constant 112 : i32
      %add3A_182 = arith.addi %mul3A_112, %add3A_181 : i32
      %get3A_183 = arith.index_cast %select_n3A_95 : i32 to index
      %get3A_184 = arith.index_cast %add3A_182 : i32 to index
      %get3A_185 = tpu.vector_load %arg6[%get3A_183, %get3A_184] {strides = array<i32>} : memref<128x128xi32, #tpu.memory_space<vmem>>, vector<1x16xi32>,
      %get3A_186 = vector.shape_cast %get3A_185 : vector<1x16xi32> to vector<16xi32>
      %swap3A_187 = arith.constant 112 : index
      %swap3A_188 = tpu.vector_load %arg9[%swap3A_187] {strides = array<i32>} : memref<128xi32, #tpu.memory_space<vmem>>, vector<16xi32>,
      %swap3A_189 = vector.shape_cast %swap3A_188 : vector<16xi32> to vector<16xi32>
      %swap3A_190 = vector.shape_cast %get3A_186 : vector<16xi32> to vector<16xi32>
      tpu.vector_store %arg9[%swap3A_187], %swap3A_190 {strides = array<i32>} : memref<128xi32, #tpu.memory_space<vmem>>, vector<16xi32>,
      %gt3A_191 = arith.constant 0 : i32
      %gt3A_192 = arith.cmpi sgt, %while3A_65, %gt3A_191 : i32
      %convert_element_type3A_193 = arith.extui %gt3A_192 : i1 to i32
      %cond3A_194 = arith.constant 0 : i32
      %cond3A_195 = arith.cmpi ne, %convert_element_type3A_193, %cond3A_194 : i32
      scf.if %cond3A_195 {
        %dma_wait3A_382 = arith.constant 0 : i32
        %dma_wait3A_383 = arith.constant 0 : i32
        %dma_wait3A_384 = tpu.memref_slice %arg13[%dma_wait3A_382, %dma_wait3A_383] : memref<10112x128xf32, #tpu.memory_space<vmem_shared>> -> memref<10112x128xf32, #tpu.memory_space<vmem_shared>>
        tpu.wait_indirect_dma semaphore(%arg19 : memref<!tpu.dma_semaphore, #tpu.memory_space<semaphore_mem>>) src(%arg12 : memref<128x128xf32, #tpu.memory_space<vmem>>) dst(%dma_wait3A_384 : memref<10112x128xf32, #tpu.memory_space<vmem_shared>>)
      } else {
      }
      %mul3A_196 = arith.constant 2 : i32
      %mul3A_197 = arith.muli %mul3A_196, %while3A_65 : i32
      %add3A_198 = arith.constant 1 : i32
      %add3A_199 = arith.addi %mul3A_197, %add3A_198 : i32
      %jit3A_200 = arith.constant 1 : i32
      %div3A_201 = arith.divsi %add3A_199, %jit3A_200 : i32
      %sign3A_202 = arith.constant 0 : i32
      %sign3A_203 = arith.cmpi sgt, %add3A_199, %sign3A_202 : i32
      %sign3A_204 = arith.extui %sign3A_203 : i1 to i32
      %sign3A_205 = arith.constant 0 : i32
      %sign3A_206 = arith.cmpi slt, %add3A_199, %sign3A_205 : i32
      %sign3A_207 = arith.extui %sign3A_206 : i1 to i32
      %sign3A_208 = arith.subi %sign3A_204, %sign3A_207 : i32
      %sign3A_209 = arith.constant 0 : i32
      %sign3A_210 = arith.cmpi sgt, %jit3A_200, %sign3A_209 : i32
      %sign3A_211 = arith.extui %sign3A_210 : i1 to i32
      %sign3A_212 = arith.constant 0 : i32
      %sign3A_213 = arith.cmpi slt, %jit3A_200, %sign3A_212 : i32
      %sign3A_214 = arith.extui %sign3A_213 : i1 to i32
      %sign3A_215 = arith.subi %sign3A_211, %sign3A_214 : i32
      %ne3A_216 = arith.cmpi ne, %sign3A_208, %sign3A_215 : i32
      %rem3A_217 = arith.remsi %add3A_199, %jit3A_200 : i32
      %ne3A_218 = arith.constant 0 : i32
      %ne3A_219 = arith.cmpi ne, %rem3A_217, %ne3A_218 : i32
      %and3A_220 = arith.andi %ne3A_216, %ne3A_219 : i1
      %sub3A_221 = arith.constant 1 : i32
      %sub3A_222 = arith.subi %div3A_201, %sub3A_221 : i32
      %select_n3A_223 = arith.select %and3A_220, %sub3A_222, %div3A_201 : i32
      %jit3A_224 = arith.constant 1 : i32
      %eq3A_225 = arith.constant 0 : i32
      %eq3A_226 = arith.cmpi eq, %jit3A_224, %eq3A_225 : i32
      %jit3A_227 = arith.constant 1 : i32
      %select_n3A_228 = arith.select %eq3A_226, %jit3A_227, %jit3A_224 : i32
      %rem3A_229 = arith.remsi %add3A_199, %select_n3A_228 : i32
      %ne3A_230 = arith.constant 0 : i32
      %ne3A_231 = arith.cmpi ne, %rem3A_229, %ne3A_230 : i32
      %lt3A_232 = arith.constant 0 : i32
      %lt3A_233 = arith.cmpi slt, %rem3A_229, %lt3A_232 : i32
      %lt3A_234 = arith.constant 0 : i32
      %lt3A_235 = arith.cmpi slt, %select_n3A_228, %lt3A_234 : i32
      %ne3A_236 = arith.xori %lt3A_233, %lt3A_235 : i1
      %and3A_237 = arith.andi %ne3A_236, %ne3A_231 : i1
      %add3A_238 = arith.addi %rem3A_229, %select_n3A_228 : i32
      %select_n3A_239 = arith.select %and3A_237, %add3A_238, %rem3A_229 : i32
      %mul3A_240 = arith.constant 128 : i32
      %mul3A_241 = arith.muli %select_n3A_239, %mul3A_240 : i32
      %add3A_242 = arith.constant 0 : i32
      %add3A_243 = arith.addi %mul3A_241, %add3A_242 : i32
      %get3A_244 = arith.index_cast %select_n3A_223 : i32 to index
      %get3A_245 = arith.index_cast %add3A_243 : i32 to index
      %get3A_246 = tpu.vector_load %arg6[%get3A_244, %get3A_245] {strides = array<i32>} : memref<128x128xi32, #tpu.memory_space<vmem>>, vector<1x16xi32>,
      %get3A_247 = vector.shape_cast %get3A_246 : vector<1x16xi32> to vector<16xi32>
      %swap3A_248 = arith.constant 0 : index
      %swap3A_249 = tpu.vector_load %arg10[%swap3A_248] {strides = array<i32>} : memref<128xi32, #tpu.memory_space<vmem>>, vector<16xi32>,
      %swap3A_250 = vector.shape_cast %swap3A_249 : vector<16xi32> to vector<16xi32>
      %swap3A_251 = vector.shape_cast %get3A_247 : vector<16xi32> to vector<16xi32>
      tpu.vector_store %arg10[%swap3A_248], %swap3A_251 {strides = array<i32>} : memref<128xi32, #tpu.memory_space<vmem>>, vector<16xi32>,
      %add3A_252 = arith.constant 16 : i32
      %add3A_253 = arith.addi %mul3A_241, %add3A_252 : i32
      %get3A_254 = arith.index_cast %select_n3A_223 : i32 to index
      %get3A_255 = arith.index_cast %add3A_253 : i32 to index
      %get3A_256 = tpu.vector_load %arg6[%get3A_254, %get3A_255] {strides = array<i32>} : memref<128x128xi32, #tpu.memory_space<vmem>>, vector<1x16xi32>,
      %get3A_257 = vector.shape_cast %get3A_256 : vector<1x16xi32> to vector<16xi32>
      %swap3A_258 = arith.constant 16 : index
      %swap3A_259 = tpu.vector_load %arg10[%swap3A_258] {strides = array<i32>} : memref<128xi32, #tpu.memory_space<vmem>>, vector<16xi32>,
      %swap3A_260 = vector.shape_cast %swap3A_259 : vector<16xi32> to vector<16xi32>
      %swap3A_261 = vector.shape_cast %get3A_257 : vector<16xi32> to vector<16xi32>
      tpu.vector_store %arg10[%swap3A_258], %swap3A_261 {strides = array<i32>} : memref<128xi32, #tpu.memory_space<vmem>>, vector<16xi32>,
      %add3A_262 = arith.constant 32 : i32
      %add3A_263 = arith.addi %mul3A_241, %add3A_262 : i32
      %get3A_264 = arith.index_cast %select_n3A_223 : i32 to index
      %get3A_265 = arith.index_cast %add3A_263 : i32 to index
      %get3A_266 = tpu.vector_load %arg6[%get3A_264, %get3A_265] {strides = array<i32>} : memref<128x128xi32, #tpu.memory_space<vmem>>, vector<1x16xi32>,
      %get3A_267 = vector.shape_cast %get3A_266 : vector<1x16xi32> to vector<16xi32>
      %swap3A_268 = arith.constant 32 : index
      %swap3A_269 = tpu.vector_load %arg10[%swap3A_268] {strides = array<i32>} : memref<128xi32, #tpu.memory_space<vmem>>, vector<16xi32>,
      %swap3A_270 = vector.shape_cast %swap3A_269 : vector<16xi32> to vector<16xi32>
      %swap3A_271 = vector.shape_cast %get3A_267 : vector<16xi32> to vector<16xi32>
      tpu.vector_store %arg10[%swap3A_268], %swap3A_271 {strides = array<i32>} : memref<128xi32, #tpu.memory_space<vmem>>, vector<16xi32>,
      %add3A_272 = arith.constant 48 : i32
      %add3A_273 = arith.addi %mul3A_241, %add3A_272 : i32
      %get3A_274 = arith.index_cast %select_n3A_223 : i32 to index
      %get3A_275 = arith.index_cast %add3A_273 : i32 to index
      %get3A_276 = tpu.vector_load %arg6[%get3A_274, %get3A_275] {strides = array<i32>} : memref<128x128xi32, #tpu.memory_space<vmem>>, vector<1x16xi32>,
      %get3A_277 = vector.shape_cast %get3A_276 : vector<1x16xi32> to vector<16xi32>
      %swap3A_278 = arith.constant 48 : index
      %swap3A_279 = tpu.vector_load %arg10[%swap3A_278] {strides = array<i32>} : memref<128xi32, #tpu.memory_space<vmem>>, vector<16xi32>,
      %swap3A_280 = vector.shape_cast %swap3A_279 : vector<16xi32> to vector<16xi32>
      %swap3A_281 = vector.shape_cast %get3A_277 : vector<16xi32> to vector<16xi32>
      tpu.vector_store %arg10[%swap3A_278], %swap3A_281 {strides = array<i32>} : memref<128xi32, #tpu.memory_space<vmem>>, vector<16xi32>,
      %add3A_282 = arith.constant 64 : i32
      %add3A_283 = arith.addi %mul3A_241, %add3A_282 : i32
      %get3A_284 = arith.index_cast %select_n3A_223 : i32 to index
      %get3A_285 = arith.index_cast %add3A_283 : i32 to index
      %get3A_286 = tpu.vector_load %arg6[%get3A_284, %get3A_285] {strides = array<i32>} : memref<128x128xi32, #tpu.memory_space<vmem>>, vector<1x16xi32>,
      %get3A_287 = vector.shape_cast %get3A_286 : vector<1x16xi32> to vector<16xi32>
      %swap3A_288 = arith.constant 64 : index
      %swap3A_289 = tpu.vector_load %arg10[%swap3A_288] {strides = array<i32>} : memref<128xi32, #tpu.memory_space<vmem>>, vector<16xi32>,
      %swap3A_290 = vector.shape_cast %swap3A_289 : vector<16xi32> to vector<16xi32>
      %swap3A_291 = vector.shape_cast %get3A_287 : vector<16xi32> to vector<16xi32>
      tpu.vector_store %arg10[%swap3A_288], %swap3A_291 {strides = array<i32>} : memref<128xi32, #tpu.memory_space<vmem>>, vector<16xi32>,
      %add3A_292 = arith.constant 80 : i32
      %add3A_293 = arith.addi %mul3A_241, %add3A_292 : i32
      %get3A_294 = arith.index_cast %select_n3A_223 : i32 to index
      %get3A_295 = arith.index_cast %add3A_293 : i32 to index
      %get3A_296 = tpu.vector_load %arg6[%get3A_294, %get3A_295] {strides = array<i32>} : memref<128x128xi32, #tpu.memory_space<vmem>>, vector<1x16xi32>,
      %get3A_297 = vector.shape_cast %get3A_296 : vector<1x16xi32> to vector<16xi32>
      %swap3A_298 = arith.constant 80 : index
      %swap3A_299 = tpu.vector_load %arg10[%swap3A_298] {strides = array<i32>} : memref<128xi32, #tpu.memory_space<vmem>>, vector<16xi32>,
      %swap3A_300 = vector.shape_cast %swap3A_299 : vector<16xi32> to vector<16xi32>
      %swap3A_301 = vector.shape_cast %get3A_297 : vector<16xi32> to vector<16xi32>
      tpu.vector_store %arg10[%swap3A_298], %swap3A_301 {strides = array<i32>} : memref<128xi32, #tpu.memory_space<vmem>>, vector<16xi32>,
      %add3A_302 = arith.constant 96 : i32
      %add3A_303 = arith.addi %mul3A_241, %add3A_302 : i32
      %get3A_304 = arith.index_cast %select_n3A_223 : i32 to index
      %get3A_305 = arith.index_cast %add3A_303 : i32 to index
      %get3A_306 = tpu.vector_load %arg6[%get3A_304, %get3A_305] {strides = array<i32>} : memref<128x128xi32, #tpu.memory_space<vmem>>, vector<1x16xi32>,
      %get3A_307 = vector.shape_cast %get3A_306 : vector<1x16xi32> to vector<16xi32>
      %swap3A_308 = arith.constant 96 : index
      %swap3A_309 = tpu.vector_load %arg10[%swap3A_308] {strides = array<i32>} : memref<128xi32, #tpu.memory_space<vmem>>, vector<16xi32>,
      %swap3A_310 = vector.shape_cast %swap3A_309 : vector<16xi32> to vector<16xi32>
      %swap3A_311 = vector.shape_cast %get3A_307 : vector<16xi32> to vector<16xi32>
      tpu.vector_store %arg10[%swap3A_308], %swap3A_311 {strides = array<i32>} : memref<128xi32, #tpu.memory_space<vmem>>, vector<16xi32>,
      %add3A_312 = arith.constant 112 : i32
      %add3A_313 = arith.addi %mul3A_241, %add3A_312 : i32
      %get3A_314 = arith.index_cast %select_n3A_223 : i32 to index
      %get3A_315 = arith.index_cast %add3A_313 : i32 to index
      %get3A_316 = tpu.vector_load %arg6[%get3A_314, %get3A_315] {strides = array<i32>} : memref<128x128xi32, #tpu.memory_space<vmem>>, vector<1x16xi32>,
      %get3A_317 = vector.shape_cast %get3A_316 : vector<1x16xi32> to vector<16xi32>
      %swap3A_318 = arith.constant 112 : index
      %swap3A_319 = tpu.vector_load %arg10[%swap3A_318] {strides = array<i32>} : memref<128xi32, #tpu.memory_space<vmem>>, vector<16xi32>,
      %swap3A_320 = vector.shape_cast %swap3A_319 : vector<16xi32> to vector<16xi32>
      %swap3A_321 = vector.shape_cast %get3A_317 : vector<16xi32> to vector<16xi32>
      tpu.vector_store %arg10[%swap3A_318], %swap3A_321 {strides = array<i32>} : memref<128xi32, #tpu.memory_space<vmem>>, vector<16xi32>,
      %mul3A_322 = arith.constant 2 : i32
      %mul3A_323 = arith.muli %mul3A_322, %while3A_65 : i32
      %add3A_324 = arith.addi %select_n3A_9, %mul3A_323 : i32
      %add3A_325 = arith.constant 0 : i32
      %add3A_326 = arith.addi %add3A_324, %add3A_325 : i32
      %dma_wait3A_327 = arith.constant 0 : i32
      %dma_wait3A_328 = tpu.memref_slice %arg3[%add3A_326, %dma_wait3A_327] : memref<2560x128xi32, #tpu.memory_space<hbm>> -> memref<1x128xi32, #tpu.memory_space<hbm>>
      %dma_wait3A_329 = tpu.memref_squeeze %dma_wait3A_328 : memref<1x128xi32, #tpu.memory_space<hbm>> -> memref<128xi32, #tpu.memory_space<hbm>>
      %dma_wait3A_330 = arith.constant 0 : i32
      %dma_wait3A_331 = tpu.memref_slice %arg3[%add3A_326, %dma_wait3A_330] : memref<2560x128xi32, #tpu.memory_space<hbm>> -> memref<1x128xi32, #tpu.memory_space<hbm>>
      %dma_wait3A_332 = tpu.memref_squeeze %dma_wait3A_331 : memref<1x128xi32, #tpu.memory_space<hbm>> -> memref<128xi32, #tpu.memory_space<hbm>>
      tpu.wait_dma2 semaphore(%arg14 : memref<!tpu.dma_semaphore, #tpu.memory_space<semaphore_mem>>) src(%dma_wait3A_332 : memref<128xi32, #tpu.memory_space<hbm>>) dst(%arg7 : memref<128xi32, #tpu.memory_space<vmem>>)
      %dma_start3A_333 = arith.constant 0 : i32
      %dma_start3A_334 = arith.constant 0 : i32
      %dma_start3A_335 = tpu.memref_slice %arg2[%dma_start3A_333, %dma_start3A_334] : memref<10240x128xf32, #tpu.memory_space<hbm>> -> memref<10240x128xf32, #tpu.memory_space<hbm>>
      tpu.enqueue_indirect_dma source(%dma_start3A_335 : memref<10240x128xf32, #tpu.memory_space<hbm>>) target(%arg11 : memref<128x128xf32, #tpu.memory_space<vmem>>) offsets(%arg7 : memref<128xi32, #tpu.memory_space<vmem>>) semaphore(%arg16 : memref<!tpu.dma_semaphore, #tpu.memory_space<semaphore_mem>>)
      %mul3A_336 = arith.constant 2 : i32
      %mul3A_337 = arith.muli %mul3A_336, %while3A_65 : i32
      %add3A_338 = arith.addi %select_n3A_9, %mul3A_337 : i32
      %add3A_339 = arith.constant 1 : i32
      %add3A_340 = arith.addi %add3A_338, %add3A_339 : i32
      %dma_wait3A_341 = arith.constant 0 : i32
      %dma_wait3A_342 = tpu.memref_slice %arg3[%add3A_340, %dma_wait3A_341] : memref<2560x128xi32, #tpu.memory_space<hbm>> -> memref<1x128xi32, #tpu.memory_space<hbm>>
      %dma_wait3A_343 = tpu.memref_squeeze %dma_wait3A_342 : memref<1x128xi32, #tpu.memory_space<hbm>> -> memref<128xi32, #tpu.memory_space<hbm>>
      %dma_wait3A_344 = arith.constant 0 : i32
      %dma_wait3A_345 = tpu.memref_slice %arg3[%add3A_340, %dma_wait3A_344] : memref<2560x128xi32, #tpu.memory_space<hbm>> -> memref<1x128xi32, #tpu.memory_space<hbm>>
      %dma_wait3A_346 = tpu.memref_squeeze %dma_wait3A_345 : memref<1x128xi32, #tpu.memory_space<hbm>> -> memref<128xi32, #tpu.memory_space<hbm>>
      tpu.wait_dma2 semaphore(%arg15 : memref<!tpu.dma_semaphore, #tpu.memory_space<semaphore_mem>>) src(%dma_wait3A_346 : memref<128xi32, #tpu.memory_space<hbm>>) dst(%arg8 : memref<128xi32, #tpu.memory_space<vmem>>)
      %dma_start3A_347 = arith.constant 0 : i32
      %dma_start3A_348 = arith.constant 0 : i32
      %dma_start3A_349 = tpu.memref_slice %arg2[%dma_start3A_347, %dma_start3A_348] : memref<10240x128xf32, #tpu.memory_space<hbm>> -> memref<10240x128xf32, #tpu.memory_space<hbm>>
      tpu.enqueue_indirect_dma source(%dma_start3A_349 : memref<10240x128xf32, #tpu.memory_space<hbm>>) target(%arg12 : memref<128x128xf32, #tpu.memory_space<vmem>>) offsets(%arg8 : memref<128xi32, #tpu.memory_space<vmem>>) semaphore(%arg17 : memref<!tpu.dma_semaphore, #tpu.memory_space<semaphore_mem>>)
      %mul3A_350 = arith.constant 2 : i32
      %mul3A_351 = arith.muli %mul3A_350, %while3A_65 : i32
      %add3A_352 = arith.constant 0 : i32
      %add3A_353 = arith.addi %mul3A_351, %add3A_352 : i32
      %dma_wait3A_354 = arith.constant 0 : i32
      %dma_wait3A_355 = arith.constant 0 : i32
      %dma_wait3A_356 = tpu.memref_slice %arg2[%dma_wait3A_354, %dma_wait3A_355] : memref<10240x128xf32, #tpu.memory_space<hbm>> -> memref<10240x128xf32, #tpu.memory_space<hbm>>
      tpu.wait_indirect_dma semaphore(%arg16 : memref<!tpu.dma_semaphore, #tpu.memory_space<semaphore_mem>>) src(%dma_wait3A_356 : memref<10240x128xf32, #tpu.memory_space<hbm>>) dst(%arg11 : memref<128x128xf32, #tpu.memory_space<vmem>>)
      %dma_start3A_357 = arith.constant 0 : i32
      %dma_start3A_358 = arith.constant 0 : i32
      %dma_start3A_359 = tpu.memref_slice %arg13[%dma_start3A_357, %dma_start3A_358] : memref<10112x128xf32, #tpu.memory_space<vmem_shared>> -> memref<10112x128xf32, #tpu.memory_space<vmem_shared>>
      tpu.enqueue_indirect_dma source(%arg11 : memref<128x128xf32, #tpu.memory_space<vmem>>) target(%dma_start3A_359 : memref<10112x128xf32, #tpu.memory_space<vmem_shared>>) offsets(%arg9 : memref<128xi32, #tpu.memory_space<vmem>>) semaphore(%arg18 : memref<!tpu.dma_semaphore, #tpu.memory_space<semaphore_mem>>) {add = true}
      %add3A_360 = arith.constant 2 : i32
      %add3A_361 = arith.addi %add3A_353, %add3A_360 : i32
      %lt3A_362 = arith.cmpi slt, %add3A_361, %select_n3A_2 : i32
      %convert_element_type3A_363 = arith.extui %lt3A_362 : i1 to i32
      %cond3A_364 = arith.constant 0 : i32
      %cond3A_365 = arith.cmpi ne, %convert_element_type3A_363, %cond3A_364 : i32
      scf.if %cond3A_365 {
        %add3A_382 = arith.addi %select_n3A_9, %add3A_353 : i32
        %add3A_383 = arith.constant 2 : i32
        %add3A_384 = arith.addi %add3A_382, %add3A_383 : i32
        %dma_start3A_385 = arith.constant 0 : i32
        %dma_start3A_386 = tpu.memref_slice %arg3[%add3A_384, %dma_start3A_385] : memref<2560x128xi32, #tpu.memory_space<hbm>> -> memref<1x128xi32, #tpu.memory_space<hbm>>
        %dma_start3A_387 = tpu.memref_squeeze %dma_start3A_386 : memref<1x128xi32, #tpu.memory_space<hbm>> -> memref<128xi32, #tpu.memory_space<hbm>>
        %dma_start3A_388 = arith.constant 0 : i32
        %dma_start3A_389 = tpu.memref_slice %arg3[%add3A_384, %dma_start3A_388] : memref<2560x128xi32, #tpu.memory_space<hbm>> -> memref<1x128xi32, #tpu.memory_space<hbm>>
        %dma_start3A_390 = tpu.memref_squeeze %dma_start3A_389 : memref<1x128xi32, #tpu.memory_space<hbm>> -> memref<128xi32, #tpu.memory_space<hbm>>
        tpu.enqueue_dma source(%dma_start3A_390 : memref<128xi32, #tpu.memory_space<hbm>>) target(%arg7 : memref<128xi32, #tpu.memory_space<vmem>>) target_semaphore(%arg14 : memref<!tpu.dma_semaphore, #tpu.memory_space<semaphore_mem>>)
      } else {
      }
      %mul3A_366 = arith.constant 2 : i32
      %mul3A_367 = arith.muli %mul3A_366, %while3A_65 : i32
      %add3A_368 = arith.constant 1 : i32
      %add3A_369 = arith.addi %mul3A_367, %add3A_368 : i32
      %dma_wait3A_370 = arith.constant 0 : i32
      %dma_wait3A_371 = arith.constant 0 : i32
      %dma_wait3A_372 = tpu.memref_slice %arg2[%dma_wait3A_370, %dma_wait3A_371] : memref<10240x128xf32, #tpu.memory_space<hbm>> -> memref<10240x128xf32, #tpu.memory_space<hbm>>
      tpu.wait_indirect_dma semaphore(%arg17 : memref<!tpu.dma_semaphore, #tpu.memory_space<semaphore_mem>>) src(%dma_wait3A_372 : memref<10240x128xf32, #tpu.memory_space<hbm>>) dst(%arg12 : memref<128x128xf32, #tpu.memory_space<vmem>>)
      %dma_start3A_373 = arith.constant 0 : i32
      %dma_start3A_374 = arith.constant 0 : i32
      %dma_start3A_375 = tpu.memref_slice %arg13[%dma_start3A_373, %dma_start3A_374] : memref<10112x128xf32, #tpu.memory_space<vmem_shared>> -> memref<10112x128xf32, #tpu.memory_space<vmem_shared>>
      tpu.enqueue_indirect_dma source(%arg12 : memref<128x128xf32, #tpu.memory_space<vmem>>) target(%dma_start3A_375 : memref<10112x128xf32, #tpu.memory_space<vmem_shared>>) offsets(%arg10 : memref<128xi32, #tpu.memory_space<vmem>>) semaphore(%arg19 : memref<!tpu.dma_semaphore, #tpu.memory_space<semaphore_mem>>) {add = true}
      %add3A_376 = arith.constant 2 : i32
      %add3A_377 = arith.addi %add3A_369, %add3A_376 : i32
      %lt3A_378 = arith.cmpi slt, %add3A_377, %select_n3A_2 : i32
      %convert_element_type3A_379 = arith.extui %lt3A_378 : i1 to i32
      %cond3A_380 = arith.constant 0 : i32
      %cond3A_381 = arith.cmpi ne, %convert_element_type3A_379, %cond3A_380 : i32
      scf.if %cond3A_381 {
        %add3A_382 = arith.addi %select_n3A_9, %add3A_369 : i32
        %add3A_383 = arith.constant 2 : i32
        %add3A_384 = arith.addi %add3A_382, %add3A_383 : i32
        %dma_start3A_385 = arith.constant 0 : i32
        %dma_start3A_386 = tpu.memref_slice %arg3[%add3A_384, %dma_start3A_385] : memref<2560x128xi32, #tpu.memory_space<hbm>> -> memref<1x128xi32, #tpu.memory_space<hbm>>
        %dma_start3A_387 = tpu.memref_squeeze %dma_start3A_386 : memref<1x128xi32, #tpu.memory_space<hbm>> -> memref<128xi32, #tpu.memory_space<hbm>>
        %dma_start3A_388 = arith.constant 0 : i32
        %dma_start3A_389 = tpu.memref_slice %arg3[%add3A_384, %dma_start3A_388] : memref<2560x128xi32, #tpu.memory_space<hbm>> -> memref<1x128xi32, #tpu.memory_space<hbm>>
        %dma_start3A_390 = tpu.memref_squeeze %dma_start3A_389 : memref<1x128xi32, #tpu.memory_space<hbm>> -> memref<128xi32, #tpu.memory_space<hbm>>
        tpu.enqueue_dma source(%dma_start3A_390 : memref<128xi32, #tpu.memory_space<hbm>>) target(%arg8 : memref<128xi32, #tpu.memory_space<vmem>>) target_semaphore(%arg15 : memref<!tpu.dma_semaphore, #tpu.memory_space<semaphore_mem>>)
      } else {
      }
    }
    %while3A_54 = arith.constant 1 : i32
    scf.for %while3A_65 = %while3A_52 to %while3A_48 step %while3A_54  : i32 {
      %gt3A = arith.constant 0 : i32
      %gt3A_66 = arith.cmpi sgt, %while3A_65, %gt3A : i32
      %convert_element_type3A = arith.extui %gt3A_66 : i1 to i32
      %cond3A = arith.constant 0 : i32
      %cond3A_67 = arith.cmpi ne, %convert_element_type3A, %cond3A : i32
      scf.if %cond3A_67 {
        %dma_wait3A_382 = arith.constant 0 : i32
        %dma_wait3A_383 = arith.constant 0 : i32
        %dma_wait3A_384 = tpu.memref_slice %arg13[%dma_wait3A_382, %dma_wait3A_383] : memref<10112x128xf32, #tpu.memory_space<vmem_shared>> -> memref<10112x128xf32, #tpu.memory_space<vmem_shared>>
        tpu.wait_indirect_dma semaphore(%arg18 : memref<!tpu.dma_semaphore, #tpu.memory_space<semaphore_mem>>) src(%arg11 : memref<128x128xf32, #tpu.memory_space<vmem>>) dst(%dma_wait3A_384 : memref<10112x128xf32, #tpu.memory_space<vmem_shared>>)
      } else {
      }
      %mul3A_68 = arith.constant 2 : i32
      %mul3A_69 = arith.muli %mul3A_68, %while3A_65 : i32
      %add3A_70 = arith.constant 0 : i32
      %add3A_71 = arith.addi %mul3A_69, %add3A_70 : i32
      %jit3A_72 = arith.constant 1 : i32
      %div3A_73 = arith.divsi %add3A_71, %jit3A_72 : i32
      %sign3A_74 = arith.constant 0 : i32
      %sign3A_75 = arith.cmpi sgt, %add3A_71, %sign3A_74 : i32
      %sign3A_76 = arith.extui %sign3A_75 : i1 to i32
      %sign3A_77 = arith.constant 0 : i32
      %sign3A_78 = arith.cmpi slt, %add3A_71, %sign3A_77 : i32
      %sign3A_79 = arith.extui %sign3A_78 : i1 to i32
      %sign3A_80 = arith.subi %sign3A_76, %sign3A_79 : i32
      %sign3A_81 = arith.constant 0 : i32
      %sign3A_82 = arith.cmpi sgt, %jit3A_72, %sign3A_81 : i32
      %sign3A_83 = arith.extui %sign3A_82 : i1 to i32
      %sign3A_84 = arith.constant 0 : i32
      %sign3A_85 = arith.cmpi slt, %jit3A_72, %sign3A_84 : i32
      %sign3A_86 = arith.extui %sign3A_85 : i1 to i32
      %sign3A_87 = arith.subi %sign3A_83, %sign3A_86 : i32
      %ne3A_88 = arith.cmpi ne, %sign3A_80, %sign3A_87 : i32
      %rem3A_89 = arith.remsi %add3A_71, %jit3A_72 : i32
      %ne3A_90 = arith.constant 0 : i32
      %ne3A_91 = arith.cmpi ne, %rem3A_89, %ne3A_90 : i32
      %and3A_92 = arith.andi %ne3A_88, %ne3A_91 : i1
      %sub3A_93 = arith.constant 1 : i32
      %sub3A_94 = arith.subi %div3A_73, %sub3A_93 : i32
      %select_n3A_95 = arith.select %and3A_92, %sub3A_94, %div3A_73 : i32
      %jit3A_96 = arith.constant 1 : i32
      %eq3A_97 = arith.constant 0 : i32
      %eq3A_98 = arith.cmpi eq, %jit3A_96, %eq3A_97 : i32
      %jit3A_99 = arith.constant 1 : i32
      %select_n3A_100 = arith.select %eq3A_98, %jit3A_99, %jit3A_96 : i32
      %rem3A_101 = arith.remsi %add3A_71, %select_n3A_100 : i32
      %ne3A_102 = arith.constant 0 : i32
      %ne3A_103 = arith.cmpi ne, %rem3A_101, %ne3A_102 : i32
      %lt3A = arith.constant 0 : i32
      %lt3A_104 = arith.cmpi slt, %rem3A_101, %lt3A : i32
      %lt3A_105 = arith.constant 0 : i32
      %lt3A_106 = arith.cmpi slt, %select_n3A_100, %lt3A_105 : i32
      %ne3A_107 = arith.xori %lt3A_104, %lt3A_106 : i1
      %and3A_108 = arith.andi %ne3A_107, %ne3A_103 : i1
      %add3A_109 = arith.addi %rem3A_101, %select_n3A_100 : i32
      %select_n3A_110 = arith.select %and3A_108, %add3A_109, %rem3A_101 : i32
      %mul3A_111 = arith.constant 128 : i32
      %mul3A_112 = arith.muli %select_n3A_110, %mul3A_111 : i32
      %add3A_113 = arith.constant 0 : i32
      %add3A_114 = arith.addi %mul3A_112, %add3A_113 : i32
      %get3A = arith.index_cast %select_n3A_95 : i32 to index
      %get3A_115 = arith.index_cast %add3A_114 : i32 to index
      %get3A_116 = tpu.vector_load %arg6[%get3A, %get3A_115] {strides = array<i32>} : memref<128x128xi32, #tpu.memory_space<vmem>>, vector<1x16xi32>,
      %get3A_117 = vector.shape_cast %get3A_116 : vector<1x16xi32> to vector<16xi32>
      %swap3A = arith.constant 0 : index
      %swap3A_118 = tpu.vector_load %arg9[%swap3A] {strides = array<i32>} : memref<128xi32, #tpu.memory_space<vmem>>, vector<16xi32>,
      %swap3A_119 = vector.shape_cast %swap3A_118 : vector<16xi32> to vector<16xi32>
      %swap3A_120 = vector.shape_cast %get3A_117 : vector<16xi32> to vector<16xi32>
      tpu.vector_store %arg9[%swap3A], %swap3A_120 {strides = array<i32>} : memref<128xi32, #tpu.memory_space<vmem>>, vector<16xi32>,
      %add3A_121 = arith.constant 16 : i32
      %add3A_122 = arith.addi %mul3A_112, %add3A_121 : i32
      %get3A_123 = arith.index_cast %select_n3A_95 : i32 to index
      %get3A_124 = arith.index_cast %add3A_122 : i32 to index
      %get3A_125 = tpu.vector_load %arg6[%get3A_123, %get3A_124] {strides = array<i32>} : memref<128x128xi32, #tpu.memory_space<vmem>>, vector<1x16xi32>,
      %get3A_126 = vector.shape_cast %get3A_125 : vector<1x16xi32> to vector<16xi32>
      %swap3A_127 = arith.constant 16 : index
      %swap3A_128 = tpu.vector_load %arg9[%swap3A_127] {strides = array<i32>} : memref<128xi32, #tpu.memory_space<vmem>>, vector<16xi32>,
      %swap3A_129 = vector.shape_cast %swap3A_128 : vector<16xi32> to vector<16xi32>
      %swap3A_130 = vector.shape_cast %get3A_126 : vector<16xi32> to vector<16xi32>
      tpu.vector_store %arg9[%swap3A_127], %swap3A_130 {strides = array<i32>} : memref<128xi32, #tpu.memory_space<vmem>>, vector<16xi32>,
      %add3A_131 = arith.constant 32 : i32
      %add3A_132 = arith.addi %mul3A_112, %add3A_131 : i32
      %get3A_133 = arith.index_cast %select_n3A_95 : i32 to index
      %get3A_134 = arith.index_cast %add3A_132 : i32 to index
      %get3A_135 = tpu.vector_load %arg6[%get3A_133, %get3A_134] {strides = array<i32>} : memref<128x128xi32, #tpu.memory_space<vmem>>, vector<1x16xi32>,
      %get3A_136 = vector.shape_cast %get3A_135 : vector<1x16xi32> to vector<16xi32>
      %swap3A_137 = arith.constant 32 : index
      %swap3A_138 = tpu.vector_load %arg9[%swap3A_137] {strides = array<i32>} : memref<128xi32, #tpu.memory_space<vmem>>, vector<16xi32>,
      %swap3A_139 = vector.shape_cast %swap3A_138 : vector<16xi32> to vector<16xi32>
      %swap3A_140 = vector.shape_cast %get3A_136 : vector<16xi32> to vector<16xi32>
      tpu.vector_store %arg9[%swap3A_137], %swap3A_140 {strides = array<i32>} : memref<128xi32, #tpu.memory_space<vmem>>, vector<16xi32>,
      %add3A_141 = arith.constant 48 : i32
      %add3A_142 = arith.addi %mul3A_112, %add3A_141 : i32
      %get3A_143 = arith.index_cast %select_n3A_95 : i32 to index
      %get3A_144 = arith.index_cast %add3A_142 : i32 to index
      %get3A_145 = tpu.vector_load %arg6[%get3A_143, %get3A_144] {strides = array<i32>} : memref<128x128xi32, #tpu.memory_space<vmem>>, vector<1x16xi32>,
      %get3A_146 = vector.shape_cast %get3A_145 : vector<1x16xi32> to vector<16xi32>
      %swap3A_147 = arith.constant 48 : index
      %swap3A_148 = tpu.vector_load %arg9[%swap3A_147] {strides = array<i32>} : memref<128xi32, #tpu.memory_space<vmem>>, vector<16xi32>,
      %swap3A_149 = vector.shape_cast %swap3A_148 : vector<16xi32> to vector<16xi32>
      %swap3A_150 = vector.shape_cast %get3A_146 : vector<16xi32> to vector<16xi32>
      tpu.vector_store %arg9[%swap3A_147], %swap3A_150 {strides = array<i32>} : memref<128xi32, #tpu.memory_space<vmem>>, vector<16xi32>,
      %add3A_151 = arith.constant 64 : i32
      %add3A_152 = arith.addi %mul3A_112, %add3A_151 : i32
      %get3A_153 = arith.index_cast %select_n3A_95 : i32 to index
      %get3A_154 = arith.index_cast %add3A_152 : i32 to index
      %get3A_155 = tpu.vector_load %arg6[%get3A_153, %get3A_154] {strides = array<i32>} : memref<128x128xi32, #tpu.memory_space<vmem>>, vector<1x16xi32>,
      %get3A_156 = vector.shape_cast %get3A_155 : vector<1x16xi32> to vector<16xi32>
      %swap3A_157 = arith.constant 64 : index
      %swap3A_158 = tpu.vector_load %arg9[%swap3A_157] {strides = array<i32>} : memref<128xi32, #tpu.memory_space<vmem>>, vector<16xi32>,
      %swap3A_159 = vector.shape_cast %swap3A_158 : vector<16xi32> to vector<16xi32>
      %swap3A_160 = vector.shape_cast %get3A_156 : vector<16xi32> to vector<16xi32>
      tpu.vector_store %arg9[%swap3A_157], %swap3A_160 {strides = array<i32>} : memref<128xi32, #tpu.memory_space<vmem>>, vector<16xi32>,
      %add3A_161 = arith.constant 80 : i32
      %add3A_162 = arith.addi %mul3A_112, %add3A_161 : i32
      %get3A_163 = arith.index_cast %select_n3A_95 : i32 to index
      %get3A_164 = arith.index_cast %add3A_162 : i32 to index
      %get3A_165 = tpu.vector_load %arg6[%get3A_163, %get3A_164] {strides = array<i32>} : memref<128x128xi32, #tpu.memory_space<vmem>>, vector<1x16xi32>,
      %get3A_166 = vector.shape_cast %get3A_165 : vector<1x16xi32> to vector<16xi32>
      %swap3A_167 = arith.constant 80 : index
      %swap3A_168 = tpu.vector_load %arg9[%swap3A_167] {strides = array<i32>} : memref<128xi32, #tpu.memory_space<vmem>>, vector<16xi32>,
      %swap3A_169 = vector.shape_cast %swap3A_168 : vector<16xi32> to vector<16xi32>
      %swap3A_170 = vector.shape_cast %get3A_166 : vector<16xi32> to vector<16xi32>
      tpu.vector_store %arg9[%swap3A_167], %swap3A_170 {strides = array<i32>} : memref<128xi32, #tpu.memory_space<vmem>>, vector<16xi32>,
      %add3A_171 = arith.constant 96 : i32
      %add3A_172 = arith.addi %mul3A_112, %add3A_171 : i32
      %get3A_173 = arith.index_cast %select_n3A_95 : i32 to index
      %get3A_174 = arith.index_cast %add3A_172 : i32 to index
      %get3A_175 = tpu.vector_load %arg6[%get3A_173, %get3A_174] {strides = array<i32>} : memref<128x128xi32, #tpu.memory_space<vmem>>, vector<1x16xi32>,
      %get3A_176 = vector.shape_cast %get3A_175 : vector<1x16xi32> to vector<16xi32>
      %swap3A_177 = arith.constant 96 : index
      %swap3A_178 = tpu.vector_load %arg9[%swap3A_177] {strides = array<i32>} : memref<128xi32, #tpu.memory_space<vmem>>, vector<16xi32>,
      %swap3A_179 = vector.shape_cast %swap3A_178 : vector<16xi32> to vector<16xi32>
      %swap3A_180 = vector.shape_cast %get3A_176 : vector<16xi32> to vector<16xi32>
      tpu.vector_store %arg9[%swap3A_177], %swap3A_180 {strides = array<i32>} : memref<128xi32, #tpu.memory_space<vmem>>, vector<16xi32>,
      %add3A_181 = arith.constant 112 : i32
      %add3A_182 = arith.addi %mul3A_112, %add3A_181 : i32
      %get3A_183 = arith.index_cast %select_n3A_95 : i32 to index
      %get3A_184 = arith.index_cast %add3A_182 : i32 to index
      %get3A_185 = tpu.vector_load %arg6[%get3A_183, %get3A_184] {strides = array<i32>} : memref<128x128xi32, #tpu.memory_space<vmem>>, vector<1x16xi32>,
      %get3A_186 = vector.shape_cast %get3A_185 : vector<1x16xi32> to vector<16xi32>
      %swap3A_187 = arith.constant 112 : index
      %swap3A_188 = tpu.vector_load %arg9[%swap3A_187] {strides = array<i32>} : memref<128xi32, #tpu.memory_space<vmem>>, vector<16xi32>,
      %swap3A_189 = vector.shape_cast %swap3A_188 : vector<16xi32> to vector<16xi32>
      %swap3A_190 = vector.shape_cast %get3A_186 : vector<16xi32> to vector<16xi32>
      tpu.vector_store %arg9[%swap3A_187], %swap3A_190 {strides = array<i32>} : memref<128xi32, #tpu.memory_space<vmem>>, vector<16xi32>,
      %gt3A_191 = arith.constant 0 : i32
      %gt3A_192 = arith.cmpi sgt, %while3A_65, %gt3A_191 : i32
      %convert_element_type3A_193 = arith.extui %gt3A_192 : i1 to i32
      %cond3A_194 = arith.constant 0 : i32
      %cond3A_195 = arith.cmpi ne, %convert_element_type3A_193, %cond3A_194 : i32
      scf.if %cond3A_195 {
        %dma_wait3A_382 = arith.constant 0 : i32
        %dma_wait3A_383 = arith.constant 0 : i32
        %dma_wait3A_384 = tpu.memref_slice %arg13[%dma_wait3A_382, %dma_wait3A_383] : memref<10112x128xf32, #tpu.memory_space<vmem_shared>> -> memref<10112x128xf32, #tpu.memory_space<vmem_shared>>
        tpu.wait_indirect_dma semaphore(%arg19 : memref<!tpu.dma_semaphore, #tpu.memory_space<semaphore_mem>>) src(%arg12 : memref<128x128xf32, #tpu.memory_space<vmem>>) dst(%dma_wait3A_384 : memref<10112x128xf32, #tpu.memory_space<vmem_shared>>)
      } else {
      }
      %mul3A_196 = arith.constant 2 : i32
      %mul3A_197 = arith.muli %mul3A_196, %while3A_65 : i32
      %add3A_198 = arith.constant 1 : i32
      %add3A_199 = arith.addi %mul3A_197, %add3A_198 : i32
      %jit3A_200 = arith.constant 1 : i32
      %div3A_201 = arith.divsi %add3A_199, %jit3A_200 : i32
      %sign3A_202 = arith.constant 0 : i32
      %sign3A_203 = arith.cmpi sgt, %add3A_199, %sign3A_202 : i32
      %sign3A_204 = arith.extui %sign3A_203 : i1 to i32
      %sign3A_205 = arith.constant 0 : i32
      %sign3A_206 = arith.cmpi slt, %add3A_199, %sign3A_205 : i32
      %sign3A_207 = arith.extui %sign3A_206 : i1 to i32
      %sign3A_208 = arith.subi %sign3A_204, %sign3A_207 : i32
      %sign3A_209 = arith.constant 0 : i32
      %sign3A_210 = arith.cmpi sgt, %jit3A_200, %sign3A_209 : i32
      %sign3A_211 = arith.extui %sign3A_210 : i1 to i32
      %sign3A_212 = arith.constant 0 : i32
      %sign3A_213 = arith.cmpi slt, %jit3A_200, %sign3A_212 : i32
      %sign3A_214 = arith.extui %sign3A_213 : i1 to i32
      %sign3A_215 = arith.subi %sign3A_211, %sign3A_214 : i32
      %ne3A_216 = arith.cmpi ne, %sign3A_208, %sign3A_215 : i32
      %rem3A_217 = arith.remsi %add3A_199, %jit3A_200 : i32
      %ne3A_218 = arith.constant 0 : i32
      %ne3A_219 = arith.cmpi ne, %rem3A_217, %ne3A_218 : i32
      %and3A_220 = arith.andi %ne3A_216, %ne3A_219 : i1
      %sub3A_221 = arith.constant 1 : i32
      %sub3A_222 = arith.subi %div3A_201, %sub3A_221 : i32
      %select_n3A_223 = arith.select %and3A_220, %sub3A_222, %div3A_201 : i32
      %jit3A_224 = arith.constant 1 : i32
      %eq3A_225 = arith.constant 0 : i32
      %eq3A_226 = arith.cmpi eq, %jit3A_224, %eq3A_225 : i32
      %jit3A_227 = arith.constant 1 : i32
      %select_n3A_228 = arith.select %eq3A_226, %jit3A_227, %jit3A_224 : i32
      %rem3A_229 = arith.remsi %add3A_199, %select_n3A_228 : i32
      %ne3A_230 = arith.constant 0 : i32
      %ne3A_231 = arith.cmpi ne, %rem3A_229, %ne3A_230 : i32
      %lt3A_232 = arith.constant 0 : i32
      %lt3A_233 = arith.cmpi slt, %rem3A_229, %lt3A_232 : i32
      %lt3A_234 = arith.constant 0 : i32
      %lt3A_235 = arith.cmpi slt, %select_n3A_228, %lt3A_234 : i32
      %ne3A_236 = arith.xori %lt3A_233, %lt3A_235 : i1
      %and3A_237 = arith.andi %ne3A_236, %ne3A_231 : i1
      %add3A_238 = arith.addi %rem3A_229, %select_n3A_228 : i32
      %select_n3A_239 = arith.select %and3A_237, %add3A_238, %rem3A_229 : i32
      %mul3A_240 = arith.constant 128 : i32
      %mul3A_241 = arith.muli %select_n3A_239, %mul3A_240 : i32
      %add3A_242 = arith.constant 0 : i32
      %add3A_243 = arith.addi %mul3A_241, %add3A_242 : i32
      %get3A_244 = arith.index_cast %select_n3A_223 : i32 to index
      %get3A_245 = arith.index_cast %add3A_243 : i32 to index
      %get3A_246 = tpu.vector_load %arg6[%get3A_244, %get3A_245] {strides = array<i32>} : memref<128x128xi32, #tpu.memory_space<vmem>>, vector<1x16xi32>,
      %get3A_247 = vector.shape_cast %get3A_246 : vector<1x16xi32> to vector<16xi32>
      %swap3A_248 = arith.constant 0 : index
      %swap3A_249 = tpu.vector_load %arg10[%swap3A_248] {strides = array<i32>} : memref<128xi32, #tpu.memory_space<vmem>>, vector<16xi32>,
      %swap3A_250 = vector.shape_cast %swap3A_249 : vector<16xi32> to vector<16xi32>
      %swap3A_251 = vector.shape_cast %get3A_247 : vector<16xi32> to vector<16xi32>
      tpu.vector_store %arg10[%swap3A_248], %swap3A_251 {strides = array<i32>} : memref<128xi32, #tpu.memory_space<vmem>>, vector<16xi32>,
      %add3A_252 = arith.constant 16 : i32
      %add3A_253 = arith.addi %mul3A_241, %add3A_252 : i32
      %get3A_254 = arith.index_cast %select_n3A_223 : i32 to index
      %get3A_255 = arith.index_cast %add3A_253 : i32 to index
      %get3A_256 = tpu.vector_load %arg6[%get3A_254, %get3A_255] {strides = array<i32>} : memref<128x128xi32, #tpu.memory_space<vmem>>, vector<1x16xi32>,
      %get3A_257 = vector.shape_cast %get3A_256 : vector<1x16xi32> to vector<16xi32>
      %swap3A_258 = arith.constant 16 : index
      %swap3A_259 = tpu.vector_load %arg10[%swap3A_258] {strides = array<i32>} : memref<128xi32, #tpu.memory_space<vmem>>, vector<16xi32>,
      %swap3A_260 = vector.shape_cast %swap3A_259 : vector<16xi32> to vector<16xi32>
      %swap3A_261 = vector.shape_cast %get3A_257 : vector<16xi32> to vector<16xi32>
      tpu.vector_store %arg10[%swap3A_258], %swap3A_261 {strides = array<i32>} : memref<128xi32, #tpu.memory_space<vmem>>, vector<16xi32>,
      %add3A_262 = arith.constant 32 : i32
      %add3A_263 = arith.addi %mul3A_241, %add3A_262 : i32
      %get3A_264 = arith.index_cast %select_n3A_223 : i32 to index
      %get3A_265 = arith.index_cast %add3A_263 : i32 to index
      %get3A_266 = tpu.vector_load %arg6[%get3A_264, %get3A_265] {strides = array<i32>} : memref<128x128xi32, #tpu.memory_space<vmem>>, vector<1x16xi32>,
      %get3A_267 = vector.shape_cast %get3A_266 : vector<1x16xi32> to vector<16xi32>
      %swap3A_268 = arith.constant 32 : index
      %swap3A_269 = tpu.vector_load %arg10[%swap3A_268] {strides = array<i32>} : memref<128xi32, #tpu.memory_space<vmem>>, vector<16xi32>,
      %swap3A_270 = vector.shape_cast %swap3A_269 : vector<16xi32> to vector<16xi32>
      %swap3A_271 = vector.shape_cast %get3A_267 : vector<16xi32> to vector<16xi32>
      tpu.vector_store %arg10[%swap3A_268], %swap3A_271 {strides = array<i32>} : memref<128xi32, #tpu.memory_space<vmem>>, vector<16xi32>,
      %add3A_272 = arith.constant 48 : i32
      %add3A_273 = arith.addi %mul3A_241, %add3A_272 : i32
      %get3A_274 = arith.index_cast %select_n3A_223 : i32 to index
      %get3A_275 = arith.index_cast %add3A_273 : i32 to index
      %get3A_276 = tpu.vector_load %arg6[%get3A_274, %get3A_275] {strides = array<i32>} : memref<128x128xi32, #tpu.memory_space<vmem>>, vector<1x16xi32>,
      %get3A_277 = vector.shape_cast %get3A_276 : vector<1x16xi32> to vector<16xi32>
      %swap3A_278 = arith.constant 48 : index
      %swap3A_279 = tpu.vector_load %arg10[%swap3A_278] {strides = array<i32>} : memref<128xi32, #tpu.memory_space<vmem>>, vector<16xi32>,
      %swap3A_280 = vector.shape_cast %swap3A_279 : vector<16xi32> to vector<16xi32>
      %swap3A_281 = vector.shape_cast %get3A_277 : vector<16xi32> to vector<16xi32>
      tpu.vector_store %arg10[%swap3A_278], %swap3A_281 {strides = array<i32>} : memref<128xi32, #tpu.memory_space<vmem>>, vector<16xi32>,
      %add3A_282 = arith.constant 64 : i32
      %add3A_283 = arith.addi %mul3A_241, %add3A_282 : i32
      %get3A_284 = arith.index_cast %select_n3A_223 : i32 to index
      %get3A_285 = arith.index_cast %add3A_283 : i32 to index
      %get3A_286 = tpu.vector_load %arg6[%get3A_284, %get3A_285] {strides = array<i32>} : memref<128x128xi32, #tpu.memory_space<vmem>>, vector<1x16xi32>,
      %get3A_287 = vector.shape_cast %get3A_286 : vector<1x16xi32> to vector<16xi32>
      %swap3A_288 = arith.constant 64 : index
      %swap3A_289 = tpu.vector_load %arg10[%swap3A_288] {strides = array<i32>} : memref<128xi32, #tpu.memory_space<vmem>>, vector<16xi32>,
      %swap3A_290 = vector.shape_cast %swap3A_289 : vector<16xi32> to vector<16xi32>
      %swap3A_291 = vector.shape_cast %get3A_287 : vector<16xi32> to vector<16xi32>
      tpu.vector_store %arg10[%swap3A_288], %swap3A_291 {strides = array<i32>} : memref<128xi32, #tpu.memory_space<vmem>>, vector<16xi32>,
      %add3A_292 = arith.constant 80 : i32
      %add3A_293 = arith.addi %mul3A_241, %add3A_292 : i32
      %get3A_294 = arith.index_cast %select_n3A_223 : i32 to index
      %get3A_295 = arith.index_cast %add3A_293 : i32 to index
      %get3A_296 = tpu.vector_load %arg6[%get3A_294, %get3A_295] {strides = array<i32>} : memref<128x128xi32, #tpu.memory_space<vmem>>, vector<1x16xi32>,
      %get3A_297 = vector.shape_cast %get3A_296 : vector<1x16xi32> to vector<16xi32>
      %swap3A_298 = arith.constant 80 : index
      %swap3A_299 = tpu.vector_load %arg10[%swap3A_298] {strides = array<i32>} : memref<128xi32, #tpu.memory_space<vmem>>, vector<16xi32>,
      %swap3A_300 = vector.shape_cast %swap3A_299 : vector<16xi32> to vector<16xi32>
      %swap3A_301 = vector.shape_cast %get3A_297 : vector<16xi32> to vector<16xi32>
      tpu.vector_store %arg10[%swap3A_298], %swap3A_301 {strides = array<i32>} : memref<128xi32, #tpu.memory_space<vmem>>, vector<16xi32>,
      %add3A_302 = arith.constant 96 : i32
      %add3A_303 = arith.addi %mul3A_241, %add3A_302 : i32
      %get3A_304 = arith.index_cast %select_n3A_223 : i32 to index
      %get3A_305 = arith.index_cast %add3A_303 : i32 to index
      %get3A_306 = tpu.vector_load %arg6[%get3A_304, %get3A_305] {strides = array<i32>} : memref<128x128xi32, #tpu.memory_space<vmem>>, vector<1x16xi32>,
      %get3A_307 = vector.shape_cast %get3A_306 : vector<1x16xi32> to vector<16xi32>
      %swap3A_308 = arith.constant 96 : index
      %swap3A_309 = tpu.vector_load %arg10[%swap3A_308] {strides = array<i32>} : memref<128xi32, #tpu.memory_space<vmem>>, vector<16xi32>,
      %swap3A_310 = vector.shape_cast %swap3A_309 : vector<16xi32> to vector<16xi32>
      %swap3A_311 = vector.shape_cast %get3A_307 : vector<16xi32> to vector<16xi32>
      tpu.vector_store %arg10[%swap3A_308], %swap3A_311 {strides = array<i32>} : memref<128xi32, #tpu.memory_space<vmem>>, vector<16xi32>,
      %add3A_312 = arith.constant 112 : i32
      %add3A_313 = arith.addi %mul3A_241, %add3A_312 : i32
      %get3A_314 = arith.index_cast %select_n3A_223 : i32 to index
      %get3A_315 = arith.index_cast %add3A_313 : i32 to index
      %get3A_316 = tpu.vector_load %arg6[%get3A_314, %get3A_315] {strides = array<i32>} : memref<128x128xi32, #tpu.memory_space<vmem>>, vector<1x16xi32>,
      %get3A_317 = vector.shape_cast %get3A_316 : vector<1x16xi32> to vector<16xi32>
      %swap3A_318 = arith.constant 112 : index
      %swap3A_319 = tpu.vector_load %arg10[%swap3A_318] {strides = array<i32>} : memref<128xi32, #tpu.memory_space<vmem>>, vector<16xi32>,
      %swap3A_320 = vector.shape_cast %swap3A_319 : vector<16xi32> to vector<16xi32>
      %swap3A_321 = vector.shape_cast %get3A_317 : vector<16xi32> to vector<16xi32>
      tpu.vector_store %arg10[%swap3A_318], %swap3A_321 {strides = array<i32>} : memref<128xi32, #tpu.memory_space<vmem>>, vector<16xi32>,
      %mul3A_322 = arith.constant 2 : i32
      %mul3A_323 = arith.muli %mul3A_322, %while3A_65 : i32
      %add3A_324 = arith.addi %select_n3A_9, %mul3A_323 : i32
      %add3A_325 = arith.constant 0 : i32
      %add3A_326 = arith.addi %add3A_324, %add3A_325 : i32
      %dma_wait3A_327 = arith.constant 0 : i32
      %dma_wait3A_328 = tpu.memref_slice %arg3[%add3A_326, %dma_wait3A_327] : memref<2560x128xi32, #tpu.memory_space<hbm>> -> memref<1x128xi32, #tpu.memory_space<hbm>>
      %dma_wait3A_329 = tpu.memref_squeeze %dma_wait3A_328 : memref<1x128xi32, #tpu.memory_space<hbm>> -> memref<128xi32, #tpu.memory_space<hbm>>
      %dma_wait3A_330 = arith.constant 0 : i32
      %dma_wait3A_331 = tpu.memref_slice %arg3[%add3A_326, %dma_wait3A_330] : memref<2560x128xi32, #tpu.memory_space<hbm>> -> memref<1x128xi32, #tpu.memory_space<hbm>>
      %dma_wait3A_332 = tpu.memref_squeeze %dma_wait3A_331 : memref<1x128xi32, #tpu.memory_space<hbm>> -> memref<128xi32, #tpu.memory_space<hbm>>
      tpu.wait_dma2 semaphore(%arg14 : memref<!tpu.dma_semaphore, #tpu.memory_space<semaphore_mem>>) src(%dma_wait3A_332 : memref<128xi32, #tpu.memory_space<hbm>>) dst(%arg7 : memref<128xi32, #tpu.memory_space<vmem>>)
      %dma_start3A_333 = arith.constant 0 : i32
      %dma_start3A_334 = arith.constant 0 : i32
      %dma_start3A_335 = tpu.memref_slice %arg2[%dma_start3A_333, %dma_start3A_334] : memref<10240x128xf32, #tpu.memory_space<hbm>> -> memref<10240x128xf32, #tpu.memory_space<hbm>>
      tpu.enqueue_indirect_dma source(%dma_start3A_335 : memref<10240x128xf32, #tpu.memory_space<hbm>>) target(%arg11 : memref<128x128xf32, #tpu.memory_space<vmem>>) offsets(%arg7 : memref<128xi32, #tpu.memory_space<vmem>>) semaphore(%arg16 : memref<!tpu.dma_semaphore, #tpu.memory_space<semaphore_mem>>)
      %mul3A_336 = arith.constant 2 : i32
      %mul3A_337 = arith.muli %mul3A_336, %while3A_65 : i32
      %add3A_338 = arith.addi %select_n3A_9, %mul3A_337 : i32
      %add3A_339 = arith.constant 1 : i32
      %add3A_340 = arith.addi %add3A_338, %add3A_339 : i32
      %dma_wait3A_341 = arith.constant 0 : i32
      %dma_wait3A_342 = tpu.memref_slice %arg3[%add3A_340, %dma_wait3A_341] : memref<2560x128xi32, #tpu.memory_space<hbm>> -> memref<1x128xi32, #tpu.memory_space<hbm>>
      %dma_wait3A_343 = tpu.memref_squeeze %dma_wait3A_342 : memref<1x128xi32, #tpu.memory_space<hbm>> -> memref<128xi32, #tpu.memory_space<hbm>>
      %dma_wait3A_344 = arith.constant 0 : i32
      %dma_wait3A_345 = tpu.memref_slice %arg3[%add3A_340, %dma_wait3A_344] : memref<2560x128xi32, #tpu.memory_space<hbm>> -> memref<1x128xi32, #tpu.memory_space<hbm>>
      %dma_wait3A_346 = tpu.memref_squeeze %dma_wait3A_345 : memref<1x128xi32, #tpu.memory_space<hbm>> -> memref<128xi32, #tpu.memory_space<hbm>>
      tpu.wait_dma2 semaphore(%arg15 : memref<!tpu.dma_semaphore, #tpu.memory_space<semaphore_mem>>) src(%dma_wait3A_346 : memref<128xi32, #tpu.memory_space<hbm>>) dst(%arg8 : memref<128xi32, #tpu.memory_space<vmem>>)
      %dma_start3A_347 = arith.constant 0 : i32
      %dma_start3A_348 = arith.constant 0 : i32
      %dma_start3A_349 = tpu.memref_slice %arg2[%dma_start3A_347, %dma_start3A_348] : memref<10240x128xf32, #tpu.memory_space<hbm>> -> memref<10240x128xf32, #tpu.memory_space<hbm>>
      tpu.enqueue_indirect_dma source(%dma_start3A_349 : memref<10240x128xf32, #tpu.memory_space<hbm>>) target(%arg12 : memref<128x128xf32, #tpu.memory_space<vmem>>) offsets(%arg8 : memref<128xi32, #tpu.memory_space<vmem>>) semaphore(%arg17 : memref<!tpu.dma_semaphore, #tpu.memory_space<semaphore_mem>>)
      %mul3A_350 = arith.constant 2 : i32
      %mul3A_351 = arith.muli %mul3A_350, %while3A_65 : i32
      %add3A_352 = arith.constant 0 : i32
      %add3A_353 = arith.addi %mul3A_351, %add3A_352 : i32
      %dma_wait3A_354 = arith.constant 0 : i32
      %dma_wait3A_355 = arith.constant 0 : i32
      %dma_wait3A_356 = tpu.memref_slice %arg2[%dma_wait3A_354, %dma_wait3A_355] : memref<10240x128xf32, #tpu.memory_space<hbm>> -> memref<10240x128xf32, #tpu.memory_space<hbm>>
      tpu.wait_indirect_dma semaphore(%arg16 : memref<!tpu.dma_semaphore, #tpu.memory_space<semaphore_mem>>) src(%dma_wait3A_356 : memref<10240x128xf32, #tpu.memory_space<hbm>>) dst(%arg11 : memref<128x128xf32, #tpu.memory_space<vmem>>)
      %dma_start3A_357 = arith.constant 0 : i32
      %dma_start3A_358 = arith.constant 0 : i32
      %dma_start3A_359 = tpu.memref_slice %arg13[%dma_start3A_357, %dma_start3A_358] : memref<10112x128xf32, #tpu.memory_space<vmem_shared>> -> memref<10112x128xf32, #tpu.memory_space<vmem_shared>>
      tpu.enqueue_indirect_dma source(%arg11 : memref<128x128xf32, #tpu.memory_space<vmem>>) target(%dma_start3A_359 : memref<10112x128xf32, #tpu.memory_space<vmem_shared>>) offsets(%arg9 : memref<128xi32, #tpu.memory_space<vmem>>) semaphore(%arg18 : memref<!tpu.dma_semaphore, #tpu.memory_space<semaphore_mem>>) {add = true}
      %add3A_360 = arith.constant 2 : i32
      %add3A_361 = arith.addi %add3A_353, %add3A_360 : i32
      %lt3A_362 = arith.cmpi slt, %add3A_361, %select_n3A_2 : i32
      %convert_element_type3A_363 = arith.extui %lt3A_362 : i1 to i32
      %cond3A_364 = arith.constant 0 : i32
      %cond3A_365 = arith.cmpi ne, %convert_element_type3A_363, %cond3A_364 : i32
      scf.if %cond3A_365 {
        %add3A_382 = arith.addi %select_n3A_9, %add3A_353 : i32
        %add3A_383 = arith.constant 2 : i32
        %add3A_384 = arith.addi %add3A_382, %add3A_383 : i32
        %dma_start3A_385 = arith.constant 0 : i32
        %dma_start3A_386 = tpu.memref_slice %arg3[%add3A_384, %dma_start3A_385] : memref<2560x128xi32, #tpu.memory_space<hbm>> -> memref<1x128xi32, #tpu.memory_space<hbm>>
        %dma_start3A_387 = tpu.memref_squeeze %dma_start3A_386 : memref<1x128xi32, #tpu.memory_space<hbm>> -> memref<128xi32, #tpu.memory_space<hbm>>
        %dma_start3A_388 = arith.constant 0 : i32
        %dma_start3A_389 = tpu.memref_slice %arg3[%add3A_384, %dma_start3A_388] : memref<2560x128xi32, #tpu.memory_space<hbm>> -> memref<1x128xi32, #tpu.memory_space<hbm>>
        %dma_start3A_390 = tpu.memref_squeeze %dma_start3A_389 : memref<1x128xi32, #tpu.memory_space<hbm>> -> memref<128xi32, #tpu.memory_space<hbm>>
        tpu.enqueue_dma source(%dma_start3A_390 : memref<128xi32, #tpu.memory_space<hbm>>) target(%arg7 : memref<128xi32, #tpu.memory_space<vmem>>) target_semaphore(%arg14 : memref<!tpu.dma_semaphore, #tpu.memory_space<semaphore_mem>>)
      } else {
      }
      %mul3A_366 = arith.constant 2 : i32
      %mul3A_367 = arith.muli %mul3A_366, %while3A_65 : i32
      %add3A_368 = arith.constant 1 : i32
      %add3A_369 = arith.addi %mul3A_367, %add3A_368 : i32
      %dma_wait3A_370 = arith.constant 0 : i32
      %dma_wait3A_371 = arith.constant 0 : i32
      %dma_wait3A_372 = tpu.memref_slice %arg2[%dma_wait3A_370, %dma_wait3A_371] : memref<10240x128xf32, #tpu.memory_space<hbm>> -> memref<10240x128xf32, #tpu.memory_space<hbm>>
      tpu.wait_indirect_dma semaphore(%arg17 : memref<!tpu.dma_semaphore, #tpu.memory_space<semaphore_mem>>) src(%dma_wait3A_372 : memref<10240x128xf32, #tpu.memory_space<hbm>>) dst(%arg12 : memref<128x128xf32, #tpu.memory_space<vmem>>)
      %dma_start3A_373 = arith.constant 0 : i32
      %dma_start3A_374 = arith.constant 0 : i32
      %dma_start3A_375 = tpu.memref_slice %arg13[%dma_start3A_373, %dma_start3A_374] : memref<10112x128xf32, #tpu.memory_space<vmem_shared>> -> memref<10112x128xf32, #tpu.memory_space<vmem_shared>>
      tpu.enqueue_indirect_dma source(%arg12 : memref<128x128xf32, #tpu.memory_space<vmem>>) target(%dma_start3A_375 : memref<10112x128xf32, #tpu.memory_space<vmem_shared>>) offsets(%arg10 : memref<128xi32, #tpu.memory_space<vmem>>) semaphore(%arg19 : memref<!tpu.dma_semaphore, #tpu.memory_space<semaphore_mem>>) {add = true}
      %add3A_376 = arith.constant 2 : i32
      %add3A_377 = arith.addi %add3A_369, %add3A_376 : i32
      %lt3A_378 = arith.cmpi slt, %add3A_377, %select_n3A_2 : i32
      %convert_element_type3A_379 = arith.extui %lt3A_378 : i1 to i32
      %cond3A_380 = arith.constant 0 : i32
      %cond3A_381 = arith.cmpi ne, %convert_element_type3A_379, %cond3A_380 : i32
      scf.if %cond3A_381 {
        %add3A_382 = arith.addi %select_n3A_9, %add3A_369 : i32
        %add3A_383 = arith.constant 2 : i32
        %add3A_384 = arith.addi %add3A_382, %add3A_383 : i32
        %dma_start3A_385 = arith.constant 0 : i32
        %dma_start3A_386 = tpu.memref_slice %arg3[%add3A_384, %dma_start3A_385] : memref<2560x128xi32, #tpu.memory_space<hbm>> -> memref<1x128xi32, #tpu.memory_space<hbm>>
        %dma_start3A_387 = tpu.memref_squeeze %dma_start3A_386 : memref<1x128xi32, #tpu.memory_space<hbm>> -> memref<128xi32, #tpu.memory_space<hbm>>
        %dma_start3A_388 = arith.constant 0 : i32
        %dma_start3A_389 = tpu.memref_slice %arg3[%add3A_384, %dma_start3A_388] : memref<2560x128xi32, #tpu.memory_space<hbm>> -> memref<1x128xi32, #tpu.memory_space<hbm>>
        %dma_start3A_390 = tpu.memref_squeeze %dma_start3A_389 : memref<1x128xi32, #tpu.memory_space<hbm>> -> memref<128xi32, #tpu.memory_space<hbm>>
        tpu.enqueue_dma source(%dma_start3A_390 : memref<128xi32, #tpu.memory_space<hbm>>) target(%arg8 : memref<128xi32, #tpu.memory_space<vmem>>) target_semaphore(%arg15 : memref<!tpu.dma_semaphore, #tpu.memory_space<semaphore_mem>>)
      } else {
      }
    }
    %dma_wait3A = arith.constant 0 : i32
    %dma_wait3A_55 = arith.constant 0 : i32
    %dma_wait3A_56 = tpu.memref_slice %arg13[%dma_wait3A, %dma_wait3A_55] : memref<10112x128xf32, #tpu.memory_space<vmem_shared>> -> memref<10112x128xf32, #tpu.memory_space<vmem_shared>>
    tpu.wait_indirect_dma semaphore(%arg18 : memref<!tpu.dma_semaphore, #tpu.memory_space<semaphore_mem>>) src(%arg11 : memref<128x128xf32, #tpu.memory_space<vmem>>) dst(%dma_wait3A_56 : memref<10112x128xf32, #tpu.memory_space<vmem_shared>>)
    %dma_wait3A_57 = arith.constant 0 : i32
    %dma_wait3A_58 = arith.constant 0 : i32
    %dma_wait3A_59 = tpu.memref_slice %arg13[%dma_wait3A_57, %dma_wait3A_58] : memref<10112x128xf32, #tpu.memory_space<vmem_shared>> -> memref<10112x128xf32, #tpu.memory_space<vmem_shared>>
    tpu.wait_indirect_dma semaphore(%arg19 : memref<!tpu.dma_semaphore, #tpu.memory_space<semaphore_mem>>) src(%arg12 : memref<128x128xf32, #tpu.memory_space<vmem>>) dst(%dma_wait3A_59 : memref<10112x128xf32, #tpu.memory_space<vmem_shared>>)
    %barrier3A_60 = arith.constant 0 : index
    tpu.barrier barrier_id(%barrier3A_60)
    %mul3A_61 = arith.constant 632 : i32
    %mul3A_62 = arith.muli %arg1, %mul3A_61 : i32
    %mul3A_63 = arith.constant 632 : i32
    %mul3A_64 = arith.muli %arg1, %mul3A_63 : i32
    "tpu.region"() ({
      %run_scoped3A = tpu.sem_alloc : memref<!tpu.dma_semaphore, #tpu.memory_space<semaphore_mem>>
      %dma_start3A_65 = arith.constant 0 : i32
      %dma_start3A_66 = tpu.memref_slice %arg5[%arg0, %mul3A_64, %dma_start3A_65] : memref<2x10240x128xf32, #tpu.memory_space<hbm>> -> memref<1x632x128xf32, #tpu.memory_space<hbm>>
      %dma_start3A_67 = tpu.memref_squeeze %dma_start3A_66 : memref<1x632x128xf32, #tpu.memory_space<hbm>> -> memref<632x128xf32, #tpu.memory_space<hbm>>
      %dma_start3A_68 = arith.constant 0 : i32
      %dma_start3A_69 = tpu.memref_slice %arg13[%mul3A_62, %dma_start3A_68] : memref<10112x128xf32, #tpu.memory_space<vmem_shared>> -> memref<632x128xf32, #tpu.memory_space<vmem_shared>>
      tpu.enqueue_dma source(%dma_start3A_69 : memref<632x128xf32, #tpu.memory_space<vmem_shared>>) target(%dma_start3A_67 : memref<632x128xf32, #tpu.memory_space<hbm>>) target_semaphore(%run_scoped3A : memref<!tpu.dma_semaphore, #tpu.memory_space<semaphore_mem>>)
      %dma_wait3A_70 = arith.constant 0 : i32
      %dma_wait3A_71 = tpu.memref_slice %arg5[%arg0, %mul3A_64, %dma_wait3A_70] : memref<2x10240x128xf32, #tpu.memory_space<hbm>> -> memref<1x632x128xf32, #tpu.memory_space<hbm>>
      %dma_wait3A_72 = tpu.memref_squeeze %dma_wait3A_71 : memref<1x632x128xf32, #tpu.memory_space<hbm>> -> memref<632x128xf32, #tpu.memory_space<hbm>>
      %dma_wait3A_73 = arith.constant 0 : i32
      %dma_wait3A_74 = tpu.memref_slice %arg13[%mul3A_62, %dma_wait3A_73] : memref<10112x128xf32, #tpu.memory_space<vmem_shared>> -> memref<632x128xf32, #tpu.memory_space<vmem_shared>>
      tpu.wait_dma2 semaphore(%run_scoped3A : memref<!tpu.dma_semaphore, #tpu.memory_space<semaphore_mem>>) src(%dma_wait3A_74 : memref<632x128xf32, #tpu.memory_space<vmem_shared>>) dst(%dma_wait3A_72 : memref<632x128xf32, #tpu.memory_space<hbm>>)
      tpu.yield
    }) : () -> ()
    return
  }
}

#map = affine_map<(d0, d1) -> (0, 0)>
#map1 = affine_map<(d0, d1) -> (0, 0, 0)>
module attributes {stable_mosaic.version = 14 : i64} {
  func.func @_prop_body(%arg0: i32, %arg1: i32, %arg2: memref<10240x128xf32, #tpu.memory_space<hbm>>, %arg3: memref<2560x128xi32, #tpu.memory_space<hbm>>, %arg4: memref<2560x128xi32, #tpu.memory_space<hbm>>, %arg5: memref<2x10240x128xf32, #tpu.memory_space<hbm>>, %arg6: memref<128x128xi32, #tpu.memory_space<vmem>>, %arg7: memref<128xi32, #tpu.memory_space<vmem>>, %arg8: memref<128xi32, #tpu.memory_space<vmem>>, %arg9: memref<128xi32, #tpu.memory_space<vmem>>, %arg10: memref<128xi32, #tpu.memory_space<vmem>>, %arg11: memref<128x128xf32, #tpu.memory_space<vmem>>, %arg12: memref<128x128xf32, #tpu.memory_space<vmem>>, %arg13: memref<10112x128xf32, #tpu.memory_space<vmem_shared>>, %arg14: memref<!tpu.dma_semaphore, #tpu.memory_space<semaphore_mem>>, %arg15: memref<!tpu.dma_semaphore, #tpu.memory_space<semaphore_mem>>, %arg16: memref<!tpu.dma_semaphore, #tpu.memory_space<semaphore_mem>>, %arg17: memref<!tpu.dma_semaphore, #tpu.memory_space<semaphore_mem>>, %arg18: memref<!tpu.dma_semaphore, #tpu.memory_space<semaphore_mem>>, %arg19: memref<!tpu.dma_semaphore, #tpu.memory_space<semaphore_mem>>) attributes {dimension_semantics = [#tpu.dimension_semantics<core_parallel>, #tpu.dimension_semantics<subcore_parallel>], iteration_bounds = array<i64: 2, 16>, scalar_prefetch = 0 : i64, scratch_operands = 14 : i64, tpu.core_type = #tpu.core_type<sc_vector_subcore>, window_params = [{transform_indices = #map}, {transform_indices = #map}, {transform_indices = #map}, {transform_indices = #map1}]} {
    %eq3A = arith.constant 0 : i32
    %eq3A_0 = arith.cmpi eq, %arg0, %eq3A : i32
    %select_n3A = arith.constant 32 : i32
    %select_n3A_1 = arith.constant 128 : i32
    %select_n3A_2 = arith.select %eq3A_0, %select_n3A_1, %select_n3A : i32
    %eq3A_3 = arith.constant 0 : i32
    %eq3A_4 = arith.cmpi eq, %arg0, %eq3A_3 : i32
    %mul3A = arith.constant 128 : i32
    %mul3A_5 = arith.muli %arg1, %mul3A : i32
    %mul3A_6 = arith.constant 32 : i32
    %mul3A_7 = arith.muli %arg1, %mul3A_6 : i32
    %add3A = arith.constant 2048 : i32
    %add3A_8 = arith.addi %add3A, %mul3A_7 : i32
    %select_n3A_9 = arith.select %eq3A_4, %mul3A_5, %add3A_8 : i32
    "tpu.region"() ({
      %run_scoped3A = tpu.sem_alloc : memref<!tpu.dma_semaphore, #tpu.memory_space<semaphore_mem>>
      %dma_start3A_65 = arith.constant 0 : i32
      %dma_start3A_66 = tpu.memref_slice %arg4[%select_n3A_9, %dma_start3A_65] : memref<2560x128xi32, #tpu.memory_space<hbm>> -> memref<128x128xi32, #tpu.memory_space<hbm>>
      %dma_start3A_67 = arith.constant 0 : i32
      %dma_start3A_68 = tpu.memref_slice %arg4[%select_n3A_9, %dma_start3A_67] : memref<2560x128xi32, #tpu.memory_space<hbm>> -> memref<128x128xi32, #tpu.memory_space<hbm>>
      tpu.enqueue_dma source(%dma_start3A_68 : memref<128x128xi32, #tpu.memory_space<hbm>>) target(%arg6 : memref<128x128xi32, #tpu.memory_space<vmem>>) target_semaphore(%run_scoped3A : memref<!tpu.dma_semaphore, #tpu.memory_space<semaphore_mem>>)
      %dma_wait3A_69 = arith.constant 0 : i32
      %dma_wait3A_70 = tpu.memref_slice %arg4[%select_n3A_9, %dma_wait3A_69] : memref<2560x128xi32, #tpu.memory_space<hbm>> -> memref<128x128xi32, #tpu.memory_space<hbm>>
      %dma_wait3A_71 = arith.constant 0 : i32
      %dma_wait3A_72 = tpu.memref_slice %arg4[%select_n3A_9, %dma_wait3A_71] : memref<2560x128xi32, #tpu.memory_space<hbm>> -> memref<128x128xi32, #tpu.memory_space<hbm>>
      tpu.wait_dma2 semaphore(%run_scoped3A : memref<!tpu.dma_semaphore, #tpu.memory_space<semaphore_mem>>) src(%dma_wait3A_72 : memref<128x128xi32, #tpu.memory_space<hbm>>) dst(%arg6 : memref<128x128xi32, #tpu.memory_space<vmem>>)
      tpu.yield
    }) : () -> ()
    %mul3A_10 = arith.constant 632 : i32
    %mul3A_11 = arith.muli %arg1, %mul3A_10 : i32
    %mul3A_12 = arith.constant 632 : i32
    %mul3A_13 = arith.muli %arg1, %mul3A_12 : i32
    "tpu.region"() ({
      %run_scoped3A = tpu.sem_alloc : memref<!tpu.dma_semaphore, #tpu.memory_space<semaphore_mem>>
      %dma_start3A_65 = arith.constant 0 : i32
      %dma_start3A_66 = tpu.memref_slice %arg13[%mul3A_13, %dma_start3A_65] : memref<10112x128xf32, #tpu.memory_space<vmem_shared>> -> memref<632x128xf32, #tpu.memory_space<vmem_shared>>
      %dma_start3A_67 = arith.constant 0 : i32
      %dma_start3A_68 = tpu.memref_slice %arg2[%mul3A_11, %dma_start3A_67] : memref<10240x128xf32, #tpu.memory_space<hbm>> -> memref<632x128xf32, #tpu.memory_space<hbm>>
      tpu.enqueue_dma source(%dma_start3A_68 : memref<632x128xf32, #tpu.memory_space<hbm>>) target(%dma_start3A_66 : memref<632x128xf32, #tpu.memory_space<vmem_shared>>) target_semaphore(%run_scoped3A : memref<!tpu.dma_semaphore, #tpu.memory_space<semaphore_mem>>)
      %dma_wait3A_69 = arith.constant 0 : i32
      %dma_wait3A_70 = tpu.memref_slice %arg13[%mul3A_13, %dma_wait3A_69] : memref<10112x128xf32, #tpu.memory_space<vmem_shared>> -> memref<632x128xf32, #tpu.memory_space<vmem_shared>>
      %dma_wait3A_71 = arith.constant 0 : i32
      %dma_wait3A_72 = tpu.memref_slice %arg2[%mul3A_11, %dma_wait3A_71] : memref<10240x128xf32, #tpu.memory_space<hbm>> -> memref<632x128xf32, #tpu.memory_space<hbm>>
      tpu.wait_dma2 semaphore(%run_scoped3A : memref<!tpu.dma_semaphore, #tpu.memory_space<semaphore_mem>>) src(%dma_wait3A_72 : memref<632x128xf32, #tpu.memory_space<hbm>>) dst(%dma_wait3A_70 : memref<632x128xf32, #tpu.memory_space<vmem_shared>>)
      tpu.yield
    }) : () -> ()
    %add3A_14 = arith.constant 0 : i32
    %add3A_15 = arith.addi %select_n3A_9, %add3A_14 : i32
    %dma_start3A = arith.constant 0 : i32
    %dma_start3A_16 = tpu.memref_slice %arg3[%add3A_15, %dma_start3A] : memref<2560x128xi32, #tpu.memory_space<hbm>> -> memref<1x128xi32, #tpu.memory_space<hbm>>
    %dma_start3A_17 = tpu.memref_squeeze %dma_start3A_16 : memref<1x128xi32, #tpu.memory_space<hbm>> -> memref<128xi32, #tpu.memory_space<hbm>>
    %dma_start3A_18 = arith.constant 0 : i32
    %dma_start3A_19 = tpu.memref_slice %arg3[%add3A_15, %dma_start3A_18] : memref<2560x128xi32, #tpu.memory_space<hbm>> -> memref<1x128xi32, #tpu.memory_space<hbm>>
    %dma_start3A_20 = tpu.memref_squeeze %dma_start3A_19 : memref<1x128xi32, #tpu.memory_space<hbm>> -> memref<128xi32, #tpu.memory_space<hbm>>
    tpu.enqueue_dma source(%dma_start3A_20 : memref<128xi32, #tpu.memory_space<hbm>>) target(%arg7 : memref<128xi32, #tpu.memory_space<vmem>>) target_semaphore(%arg14 : memref<!tpu.dma_semaphore, #tpu.memory_space<semaphore_mem>>)
    %add3A_21 = arith.constant 1 : i32
    %add3A_22 = arith.addi %select_n3A_9, %add3A_21 : i32
    %dma_start3A_23 = arith.constant 0 : i32
    %dma_start3A_24 = tpu.memref_slice %arg3[%add3A_22, %dma_start3A_23] : memref<2560x128xi32, #tpu.memory_space<hbm>> -> memref<1x128xi32, #tpu.memory_space<hbm>>
    %dma_start3A_25 = tpu.memref_squeeze %dma_start3A_24 : memref<1x128xi32, #tpu.memory_space<hbm>> -> memref<128xi32, #tpu.memory_space<hbm>>
    %dma_start3A_26 = arith.constant 0 : i32
    %dma_start3A_27 = tpu.memref_slice %arg3[%add3A_22, %dma_start3A_26] : memref<2560x128xi32, #tpu.memory_space<hbm>> -> memref<1x128xi32, #tpu.memory_space<hbm>>
    %dma_start3A_28 = tpu.memref_squeeze %dma_start3A_27 : memref<1x128xi32, #tpu.memory_space<hbm>> -> memref<128xi32, #tpu.memory_space<hbm>>
    tpu.enqueue_dma source(%dma_start3A_28 : memref<128xi32, #tpu.memory_space<hbm>>) target(%arg8 : memref<128xi32, #tpu.memory_space<vmem>>) target_semaphore(%arg15 : memref<!tpu.dma_semaphore, #tpu.memory_space<semaphore_mem>>)
    %barrier3A = arith.constant 0 : index
    tpu.barrier barrier_id(%barrier3A)
    %jit3A = arith.constant 2 : i32
    %div3A = arith.divsi %select_n3A_2, %jit3A : i32
    %sign3A = arith.constant 0 : i32
    %sign3A_29 = arith.cmpi sgt, %select_n3A_2, %sign3A : i32
    %sign3A_30 = arith.extui %sign3A_29 : i1 to i32
    %sign3A_31 = arith.constant 0 : i32
    %sign3A_32 = arith.cmpi slt, %select_n3A_2, %sign3A_31 : i32
    %sign3A_33 = arith.extui %sign3A_32 : i1 to i32
    %sign3A_34 = arith.subi %sign3A_30, %sign3A_33 : i32
    %sign3A_35 = arith.constant 0 : i32
    %sign3A_36 = arith.cmpi sgt, %jit3A, %sign3A_35 : i32
    %sign3A_37 = arith.extui %sign3A_36 : i1 to i32
    %sign3A_38 = arith.constant 0 : i32
    %sign3A_39 = arith.cmpi slt, %jit3A, %sign3A_38 : i32
    %sign3A_40 = arith.extui %sign3A_39 : i1 to i32
    %sign3A_41 = arith.subi %sign3A_37, %sign3A_40 : i32
    %ne3A = arith.cmpi ne, %sign3A_34, %sign3A_41 : i32
    %rem3A = arith.remsi %select_n3A_2, %jit3A : i32
    %ne3A_42 = arith.constant 0 : i32
    %ne3A_43 = arith.cmpi ne, %rem3A, %ne3A_42 : i32
    %and3A = arith.andi %ne3A, %ne3A_43 : i1
    %sub3A = arith.constant 1 : i32
    %sub3A_44 = arith.subi %div3A, %sub3A : i32
    %select_n3A_45 = arith.select %and3A, %sub3A_44, %div3A : i32
    %while3A = arith.constant 0 : i32
    %while3A_46 = arith.constant 0 : i32
    %while3A_47 = arith.subi %select_n3A_45, %while3A_46 : i32
    %while3A_48 = arith.addi %while3A_46, %while3A_47 : i32
    %while3A_49 = arith.constant 1 : i32
    %while3A_50 = arith.divsi %while3A_47, %while3A_49 : i32
    %while3A_51 = arith.muli %while3A_50, %while3A_49 : i32
    %while3A_52 = arith.addi %while3A_46, %while3A_51 : i32
    %while3A_53 = arith.constant 1 : i32
    scf.for %while3A_65 = %while3A_46 to %while3A_52 step %while3A_53  : i32 {
      %gt3A = arith.constant 0 : i32
      %gt3A_66 = arith.cmpi sgt, %while3A_65, %gt3A : i32
      %convert_element_type3A = arith.extui %gt3A_66 : i1 to i32
      %cond3A = arith.constant 0 : i32
      %cond3A_67 = arith.cmpi ne, %convert_element_type3A, %cond3A : i32
      scf.if %cond3A_67 {
        %dma_wait3A_382 = arith.constant 0 : i32
        %dma_wait3A_383 = arith.constant 0 : i32
        %dma_wait3A_384 = tpu.memref_slice %arg13[%dma_wait3A_382, %dma_wait3A_383] : memref<10112x128xf32, #tpu.memory_space<vmem_shared>> -> memref<10112x128xf32, #tpu.memory_space<vmem_shared>>
        tpu.wait_indirect_dma semaphore(%arg18 : memref<!tpu.dma_semaphore, #tpu.memory_space<semaphore_mem>>) src(%arg11 : memref<128x128xf32, #tpu.memory_space<vmem>>) dst(%dma_wait3A_384 : memref<10112x128xf32, #tpu.memory_space<vmem_shared>>)
      } else {
      }
      %mul3A_68 = arith.constant 2 : i32
      %mul3A_69 = arith.muli %mul3A_68, %while3A_65 : i32
      %add3A_70 = arith.constant 0 : i32
      %add3A_71 = arith.addi %mul3A_69, %add3A_70 : i32
      %jit3A_72 = arith.constant 1 : i32
      %div3A_73 = arith.divsi %add3A_71, %jit3A_72 : i32
      %sign3A_74 = arith.constant 0 : i32
      %sign3A_75 = arith.cmpi sgt, %add3A_71, %sign3A_74 : i32
      %sign3A_76 = arith.extui %sign3A_75 : i1 to i32
      %sign3A_77 = arith.constant 0 : i32
      %sign3A_78 = arith.cmpi slt, %add3A_71, %sign3A_77 : i32
      %sign3A_79 = arith.extui %sign3A_78 : i1 to i32
      %sign3A_80 = arith.subi %sign3A_76, %sign3A_79 : i32
      %sign3A_81 = arith.constant 0 : i32
      %sign3A_82 = arith.cmpi sgt, %jit3A_72, %sign3A_81 : i32
      %sign3A_83 = arith.extui %sign3A_82 : i1 to i32
      %sign3A_84 = arith.constant 0 : i32
      %sign3A_85 = arith.cmpi slt, %jit3A_72, %sign3A_84 : i32
      %sign3A_86 = arith.extui %sign3A_85 : i1 to i32
      %sign3A_87 = arith.subi %sign3A_83, %sign3A_86 : i32
      %ne3A_88 = arith.cmpi ne, %sign3A_80, %sign3A_87 : i32
      %rem3A_89 = arith.remsi %add3A_71, %jit3A_72 : i32
      %ne3A_90 = arith.constant 0 : i32
      %ne3A_91 = arith.cmpi ne, %rem3A_89, %ne3A_90 : i32
      %and3A_92 = arith.andi %ne3A_88, %ne3A_91 : i1
      %sub3A_93 = arith.constant 1 : i32
      %sub3A_94 = arith.subi %div3A_73, %sub3A_93 : i32
      %select_n3A_95 = arith.select %and3A_92, %sub3A_94, %div3A_73 : i32
      %jit3A_96 = arith.constant 1 : i32
      %eq3A_97 = arith.constant 0 : i32
      %eq3A_98 = arith.cmpi eq, %jit3A_96, %eq3A_97 : i32
      %jit3A_99 = arith.constant 1 : i32
      %select_n3A_100 = arith.select %eq3A_98, %jit3A_99, %jit3A_96 : i32
      %rem3A_101 = arith.remsi %add3A_71, %select_n3A_100 : i32
      %ne3A_102 = arith.constant 0 : i32
      %ne3A_103 = arith.cmpi ne, %rem3A_101, %ne3A_102 : i32
      %lt3A = arith.constant 0 : i32
      %lt3A_104 = arith.cmpi slt, %rem3A_101, %lt3A : i32
      %lt3A_105 = arith.constant 0 : i32
      %lt3A_106 = arith.cmpi slt, %select_n3A_100, %lt3A_105 : i32
      %ne3A_107 = arith.xori %lt3A_104, %lt3A_106 : i1
      %and3A_108 = arith.andi %ne3A_107, %ne3A_103 : i1
      %add3A_109 = arith.addi %rem3A_101, %select_n3A_100 : i32
      %select_n3A_110 = arith.select %and3A_108, %add3A_109, %rem3A_101 : i32
      %mul3A_111 = arith.constant 128 : i32
      %mul3A_112 = arith.muli %select_n3A_110, %mul3A_111 : i32
      %add3A_113 = arith.constant 0 : i32
      %add3A_114 = arith.addi %mul3A_112, %add3A_113 : i32
      %get3A = arith.index_cast %select_n3A_95 : i32 to index
      %get3A_115 = arith.index_cast %add3A_114 : i32 to index
      %get3A_116 = tpu.vector_load %arg6[%get3A, %get3A_115] {strides = array<i32>} : memref<128x128xi32, #tpu.memory_space<vmem>>, vector<1x16xi32>,
      %get3A_117 = vector.shape_cast %get3A_116 : vector<1x16xi32> to vector<16xi32>
      %swap3A = arith.constant 0 : index
      %swap3A_118 = tpu.vector_load %arg9[%swap3A] {strides = array<i32>} : memref<128xi32, #tpu.memory_space<vmem>>, vector<16xi32>,
      %swap3A_119 = vector.shape_cast %swap3A_118 : vector<16xi32> to vector<16xi32>
      %swap3A_120 = vector.shape_cast %get3A_117 : vector<16xi32> to vector<16xi32>
      tpu.vector_store %arg9[%swap3A], %swap3A_120 {strides = array<i32>} : memref<128xi32, #tpu.memory_space<vmem>>, vector<16xi32>,
      %add3A_121 = arith.constant 16 : i32
      %add3A_122 = arith.addi %mul3A_112, %add3A_121 : i32
      %get3A_123 = arith.index_cast %select_n3A_95 : i32 to index
      %get3A_124 = arith.index_cast %add3A_122 : i32 to index
      %get3A_125 = tpu.vector_load %arg6[%get3A_123, %get3A_124] {strides = array<i32>} : memref<128x128xi32, #tpu.memory_space<vmem>>, vector<1x16xi32>,
      %get3A_126 = vector.shape_cast %get3A_125 : vector<1x16xi32> to vector<16xi32>
      %swap3A_127 = arith.constant 16 : index
      %swap3A_128 = tpu.vector_load %arg9[%swap3A_127] {strides = array<i32>} : memref<128xi32, #tpu.memory_space<vmem>>, vector<16xi32>,
      %swap3A_129 = vector.shape_cast %swap3A_128 : vector<16xi32> to vector<16xi32>
      %swap3A_130 = vector.shape_cast %get3A_126 : vector<16xi32> to vector<16xi32>
      tpu.vector_store %arg9[%swap3A_127], %swap3A_130 {strides = array<i32>} : memref<128xi32, #tpu.memory_space<vmem>>, vector<16xi32>,
      %add3A_131 = arith.constant 32 : i32
      %add3A_132 = arith.addi %mul3A_112, %add3A_131 : i32
      %get3A_133 = arith.index_cast %select_n3A_95 : i32 to index
      %get3A_134 = arith.index_cast %add3A_132 : i32 to index
      %get3A_135 = tpu.vector_load %arg6[%get3A_133, %get3A_134] {strides = array<i32>} : memref<128x128xi32, #tpu.memory_space<vmem>>, vector<1x16xi32>,
      %get3A_136 = vector.shape_cast %get3A_135 : vector<1x16xi32> to vector<16xi32>
      %swap3A_137 = arith.constant 32 : index
      %swap3A_138 = tpu.vector_load %arg9[%swap3A_137] {strides = array<i32>} : memref<128xi32, #tpu.memory_space<vmem>>, vector<16xi32>,
      %swap3A_139 = vector.shape_cast %swap3A_138 : vector<16xi32> to vector<16xi32>
      %swap3A_140 = vector.shape_cast %get3A_136 : vector<16xi32> to vector<16xi32>
      tpu.vector_store %arg9[%swap3A_137], %swap3A_140 {strides = array<i32>} : memref<128xi32, #tpu.memory_space<vmem>>, vector<16xi32>,
      %add3A_141 = arith.constant 48 : i32
      %add3A_142 = arith.addi %mul3A_112, %add3A_141 : i32
      %get3A_143 = arith.index_cast %select_n3A_95 : i32 to index
      %get3A_144 = arith.index_cast %add3A_142 : i32 to index
      %get3A_145 = tpu.vector_load %arg6[%get3A_143, %get3A_144] {strides = array<i32>} : memref<128x128xi32, #tpu.memory_space<vmem>>, vector<1x16xi32>,
      %get3A_146 = vector.shape_cast %get3A_145 : vector<1x16xi32> to vector<16xi32>
      %swap3A_147 = arith.constant 48 : index
      %swap3A_148 = tpu.vector_load %arg9[%swap3A_147] {strides = array<i32>} : memref<128xi32, #tpu.memory_space<vmem>>, vector<16xi32>,
      %swap3A_149 = vector.shape_cast %swap3A_148 : vector<16xi32> to vector<16xi32>
      %swap3A_150 = vector.shape_cast %get3A_146 : vector<16xi32> to vector<16xi32>
      tpu.vector_store %arg9[%swap3A_147], %swap3A_150 {strides = array<i32>} : memref<128xi32, #tpu.memory_space<vmem>>, vector<16xi32>,
      %add3A_151 = arith.constant 64 : i32
      %add3A_152 = arith.addi %mul3A_112, %add3A_151 : i32
      %get3A_153 = arith.index_cast %select_n3A_95 : i32 to index
      %get3A_154 = arith.index_cast %add3A_152 : i32 to index
      %get3A_155 = tpu.vector_load %arg6[%get3A_153, %get3A_154] {strides = array<i32>} : memref<128x128xi32, #tpu.memory_space<vmem>>, vector<1x16xi32>,
      %get3A_156 = vector.shape_cast %get3A_155 : vector<1x16xi32> to vector<16xi32>
      %swap3A_157 = arith.constant 64 : index
      %swap3A_158 = tpu.vector_load %arg9[%swap3A_157] {strides = array<i32>} : memref<128xi32, #tpu.memory_space<vmem>>, vector<16xi32>,
      %swap3A_159 = vector.shape_cast %swap3A_158 : vector<16xi32> to vector<16xi32>
      %swap3A_160 = vector.shape_cast %get3A_156 : vector<16xi32> to vector<16xi32>
      tpu.vector_store %arg9[%swap3A_157], %swap3A_160 {strides = array<i32>} : memref<128xi32, #tpu.memory_space<vmem>>, vector<16xi32>,
      %add3A_161 = arith.constant 80 : i32
      %add3A_162 = arith.addi %mul3A_112, %add3A_161 : i32
      %get3A_163 = arith.index_cast %select_n3A_95 : i32 to index
      %get3A_164 = arith.index_cast %add3A_162 : i32 to index
      %get3A_165 = tpu.vector_load %arg6[%get3A_163, %get3A_164] {strides = array<i32>} : memref<128x128xi32, #tpu.memory_space<vmem>>, vector<1x16xi32>,
      %get3A_166 = vector.shape_cast %get3A_165 : vector<1x16xi32> to vector<16xi32>
      %swap3A_167 = arith.constant 80 : index
      %swap3A_168 = tpu.vector_load %arg9[%swap3A_167] {strides = array<i32>} : memref<128xi32, #tpu.memory_space<vmem>>, vector<16xi32>,
      %swap3A_169 = vector.shape_cast %swap3A_168 : vector<16xi32> to vector<16xi32>
      %swap3A_170 = vector.shape_cast %get3A_166 : vector<16xi32> to vector<16xi32>
      tpu.vector_store %arg9[%swap3A_167], %swap3A_170 {strides = array<i32>} : memref<128xi32, #tpu.memory_space<vmem>>, vector<16xi32>,
      %add3A_171 = arith.constant 96 : i32
      %add3A_172 = arith.addi %mul3A_112, %add3A_171 : i32
      %get3A_173 = arith.index_cast %select_n3A_95 : i32 to index
      %get3A_174 = arith.index_cast %add3A_172 : i32 to index
      %get3A_175 = tpu.vector_load %arg6[%get3A_173, %get3A_174] {strides = array<i32>} : memref<128x128xi32, #tpu.memory_space<vmem>>, vector<1x16xi32>,
      %get3A_176 = vector.shape_cast %get3A_175 : vector<1x16xi32> to vector<16xi32>
      %swap3A_177 = arith.constant 96 : index
      %swap3A_178 = tpu.vector_load %arg9[%swap3A_177] {strides = array<i32>} : memref<128xi32, #tpu.memory_space<vmem>>, vector<16xi32>,
      %swap3A_179 = vector.shape_cast %swap3A_178 : vector<16xi32> to vector<16xi32>
      %swap3A_180 = vector.shape_cast %get3A_176 : vector<16xi32> to vector<16xi32>
      tpu.vector_store %arg9[%swap3A_177], %swap3A_180 {strides = array<i32>} : memref<128xi32, #tpu.memory_space<vmem>>, vector<16xi32>,
      %add3A_181 = arith.constant 112 : i32
      %add3A_182 = arith.addi %mul3A_112, %add3A_181 : i32
      %get3A_183 = arith.index_cast %select_n3A_95 : i32 to index
      %get3A_184 = arith.index_cast %add3A_182 : i32 to index
      %get3A_185 = tpu.vector_load %arg6[%get3A_183, %get3A_184] {strides = array<i32>} : memref<128x128xi32, #tpu.memory_space<vmem>>, vector<1x16xi32>,
      %get3A_186 = vector.shape_cast %get3A_185 : vector<1x16xi32> to vector<16xi32>
      %swap3A_187 = arith.constant 112 : index
      %swap3A_188 = tpu.vector_load %arg9[%swap3A_187] {strides = array<i32>} : memref<128xi32, #tpu.memory_space<vmem>>, vector<16xi32>,
      %swap3A_189 = vector.shape_cast %swap3A_188 : vector<16xi32> to vector<16xi32>
      %swap3A_190 = vector.shape_cast %get3A_186 : vector<16xi32> to vector<16xi32>
      tpu.vector_store %arg9[%swap3A_187], %swap3A_190 {strides = array<i32>} : memref<128xi32, #tpu.memory_space<vmem>>, vector<16xi32>,
      %gt3A_191 = arith.constant 0 : i32
      %gt3A_192 = arith.cmpi sgt, %while3A_65, %gt3A_191 : i32
      %convert_element_type3A_193 = arith.extui %gt3A_192 : i1 to i32
      %cond3A_194 = arith.constant 0 : i32
      %cond3A_195 = arith.cmpi ne, %convert_element_type3A_193, %cond3A_194 : i32
      scf.if %cond3A_195 {
        %dma_wait3A_382 = arith.constant 0 : i32
        %dma_wait3A_383 = arith.constant 0 : i32
        %dma_wait3A_384 = tpu.memref_slice %arg13[%dma_wait3A_382, %dma_wait3A_383] : memref<10112x128xf32, #tpu.memory_space<vmem_shared>> -> memref<10112x128xf32, #tpu.memory_space<vmem_shared>>
        tpu.wait_indirect_dma semaphore(%arg19 : memref<!tpu.dma_semaphore, #tpu.memory_space<semaphore_mem>>) src(%arg12 : memref<128x128xf32, #tpu.memory_space<vmem>>) dst(%dma_wait3A_384 : memref<10112x128xf32, #tpu.memory_space<vmem_shared>>)
      } else {
      }
      %mul3A_196 = arith.constant 2 : i32
      %mul3A_197 = arith.muli %mul3A_196, %while3A_65 : i32
      %add3A_198 = arith.constant 1 : i32
      %add3A_199 = arith.addi %mul3A_197, %add3A_198 : i32
      %jit3A_200 = arith.constant 1 : i32
      %div3A_201 = arith.divsi %add3A_199, %jit3A_200 : i32
      %sign3A_202 = arith.constant 0 : i32
      %sign3A_203 = arith.cmpi sgt, %add3A_199, %sign3A_202 : i32
      %sign3A_204 = arith.extui %sign3A_203 : i1 to i32
      %sign3A_205 = arith.constant 0 : i32
      %sign3A_206 = arith.cmpi slt, %add3A_199, %sign3A_205 : i32
      %sign3A_207 = arith.extui %sign3A_206 : i1 to i32
      %sign3A_208 = arith.subi %sign3A_204, %sign3A_207 : i32
      %sign3A_209 = arith.constant 0 : i32
      %sign3A_210 = arith.cmpi sgt, %jit3A_200, %sign3A_209 : i32
      %sign3A_211 = arith.extui %sign3A_210 : i1 to i32
      %sign3A_212 = arith.constant 0 : i32
      %sign3A_213 = arith.cmpi slt, %jit3A_200, %sign3A_212 : i32
      %sign3A_214 = arith.extui %sign3A_213 : i1 to i32
      %sign3A_215 = arith.subi %sign3A_211, %sign3A_214 : i32
      %ne3A_216 = arith.cmpi ne, %sign3A_208, %sign3A_215 : i32
      %rem3A_217 = arith.remsi %add3A_199, %jit3A_200 : i32
      %ne3A_218 = arith.constant 0 : i32
      %ne3A_219 = arith.cmpi ne, %rem3A_217, %ne3A_218 : i32
      %and3A_220 = arith.andi %ne3A_216, %ne3A_219 : i1
      %sub3A_221 = arith.constant 1 : i32
      %sub3A_222 = arith.subi %div3A_201, %sub3A_221 : i32
      %select_n3A_223 = arith.select %and3A_220, %sub3A_222, %div3A_201 : i32
      %jit3A_224 = arith.constant 1 : i32
      %eq3A_225 = arith.constant 0 : i32
      %eq3A_226 = arith.cmpi eq, %jit3A_224, %eq3A_225 : i32
      %jit3A_227 = arith.constant 1 : i32
      %select_n3A_228 = arith.select %eq3A_226, %jit3A_227, %jit3A_224 : i32
      %rem3A_229 = arith.remsi %add3A_199, %select_n3A_228 : i32
      %ne3A_230 = arith.constant 0 : i32
      %ne3A_231 = arith.cmpi ne, %rem3A_229, %ne3A_230 : i32
      %lt3A_232 = arith.constant 0 : i32
      %lt3A_233 = arith.cmpi slt, %rem3A_229, %lt3A_232 : i32
      %lt3A_234 = arith.constant 0 : i32
      %lt3A_235 = arith.cmpi slt, %select_n3A_228, %lt3A_234 : i32
      %ne3A_236 = arith.xori %lt3A_233, %lt3A_235 : i1
      %and3A_237 = arith.andi %ne3A_236, %ne3A_231 : i1
      %add3A_238 = arith.addi %rem3A_229, %select_n3A_228 : i32
      %select_n3A_239 = arith.select %and3A_237, %add3A_238, %rem3A_229 : i32
      %mul3A_240 = arith.constant 128 : i32
      %mul3A_241 = arith.muli %select_n3A_239, %mul3A_240 : i32
      %add3A_242 = arith.constant 0 : i32
      %add3A_243 = arith.addi %mul3A_241, %add3A_242 : i32
      %get3A_244 = arith.index_cast %select_n3A_223 : i32 to index
      %get3A_245 = arith.index_cast %add3A_243 : i32 to index
      %get3A_246 = tpu.vector_load %arg6[%get3A_244, %get3A_245] {strides = array<i32>} : memref<128x128xi32, #tpu.memory_space<vmem>>, vector<1x16xi32>,
      %get3A_247 = vector.shape_cast %get3A_246 : vector<1x16xi32> to vector<16xi32>
      %swap3A_248 = arith.constant 0 : index
      %swap3A_249 = tpu.vector_load %arg10[%swap3A_248] {strides = array<i32>} : memref<128xi32, #tpu.memory_space<vmem>>, vector<16xi32>,
      %swap3A_250 = vector.shape_cast %swap3A_249 : vector<16xi32> to vector<16xi32>
      %swap3A_251 = vector.shape_cast %get3A_247 : vector<16xi32> to vector<16xi32>
      tpu.vector_store %arg10[%swap3A_248], %swap3A_251 {strides = array<i32>} : memref<128xi32, #tpu.memory_space<vmem>>, vector<16xi32>,
      %add3A_252 = arith.constant 16 : i32
      %add3A_253 = arith.addi %mul3A_241, %add3A_252 : i32
      %get3A_254 = arith.index_cast %select_n3A_223 : i32 to index
      %get3A_255 = arith.index_cast %add3A_253 : i32 to index
      %get3A_256 = tpu.vector_load %arg6[%get3A_254, %get3A_255] {strides = array<i32>} : memref<128x128xi32, #tpu.memory_space<vmem>>, vector<1x16xi32>,
      %get3A_257 = vector.shape_cast %get3A_256 : vector<1x16xi32> to vector<16xi32>
      %swap3A_258 = arith.constant 16 : index
      %swap3A_259 = tpu.vector_load %arg10[%swap3A_258] {strides = array<i32>} : memref<128xi32, #tpu.memory_space<vmem>>, vector<16xi32>,
      %swap3A_260 = vector.shape_cast %swap3A_259 : vector<16xi32> to vector<16xi32>
      %swap3A_261 = vector.shape_cast %get3A_257 : vector<16xi32> to vector<16xi32>
      tpu.vector_store %arg10[%swap3A_258], %swap3A_261 {strides = array<i32>} : memref<128xi32, #tpu.memory_space<vmem>>, vector<16xi32>,
      %add3A_262 = arith.constant 32 : i32
      %add3A_263 = arith.addi %mul3A_241, %add3A_262 : i32
      %get3A_264 = arith.index_cast %select_n3A_223 : i32 to index
      %get3A_265 = arith.index_cast %add3A_263 : i32 to index
      %get3A_266 = tpu.vector_load %arg6[%get3A_264, %get3A_265] {strides = array<i32>} : memref<128x128xi32, #tpu.memory_space<vmem>>, vector<1x16xi32>,
      %get3A_267 = vector.shape_cast %get3A_266 : vector<1x16xi32> to vector<16xi32>
      %swap3A_268 = arith.constant 32 : index
      %swap3A_269 = tpu.vector_load %arg10[%swap3A_268] {strides = array<i32>} : memref<128xi32, #tpu.memory_space<vmem>>, vector<16xi32>,
      %swap3A_270 = vector.shape_cast %swap3A_269 : vector<16xi32> to vector<16xi32>
      %swap3A_271 = vector.shape_cast %get3A_267 : vector<16xi32> to vector<16xi32>
      tpu.vector_store %arg10[%swap3A_268], %swap3A_271 {strides = array<i32>} : memref<128xi32, #tpu.memory_space<vmem>>, vector<16xi32>,
      %add3A_272 = arith.constant 48 : i32
      %add3A_273 = arith.addi %mul3A_241, %add3A_272 : i32
      %get3A_274 = arith.index_cast %select_n3A_223 : i32 to index
      %get3A_275 = arith.index_cast %add3A_273 : i32 to index
      %get3A_276 = tpu.vector_load %arg6[%get3A_274, %get3A_275] {strides = array<i32>} : memref<128x128xi32, #tpu.memory_space<vmem>>, vector<1x16xi32>,
      %get3A_277 = vector.shape_cast %get3A_276 : vector<1x16xi32> to vector<16xi32>
      %swap3A_278 = arith.constant 48 : index
      %swap3A_279 = tpu.vector_load %arg10[%swap3A_278] {strides = array<i32>} : memref<128xi32, #tpu.memory_space<vmem>>, vector<16xi32>,
      %swap3A_280 = vector.shape_cast %swap3A_279 : vector<16xi32> to vector<16xi32>
      %swap3A_281 = vector.shape_cast %get3A_277 : vector<16xi32> to vector<16xi32>
      tpu.vector_store %arg10[%swap3A_278], %swap3A_281 {strides = array<i32>} : memref<128xi32, #tpu.memory_space<vmem>>, vector<16xi32>,
      %add3A_282 = arith.constant 64 : i32
      %add3A_283 = arith.addi %mul3A_241, %add3A_282 : i32
      %get3A_284 = arith.index_cast %select_n3A_223 : i32 to index
      %get3A_285 = arith.index_cast %add3A_283 : i32 to index
      %get3A_286 = tpu.vector_load %arg6[%get3A_284, %get3A_285] {strides = array<i32>} : memref<128x128xi32, #tpu.memory_space<vmem>>, vector<1x16xi32>,
      %get3A_287 = vector.shape_cast %get3A_286 : vector<1x16xi32> to vector<16xi32>
      %swap3A_288 = arith.constant 64 : index
      %swap3A_289 = tpu.vector_load %arg10[%swap3A_288] {strides = array<i32>} : memref<128xi32, #tpu.memory_space<vmem>>, vector<16xi32>,
      %swap3A_290 = vector.shape_cast %swap3A_289 : vector<16xi32> to vector<16xi32>
      %swap3A_291 = vector.shape_cast %get3A_287 : vector<16xi32> to vector<16xi32>
      tpu.vector_store %arg10[%swap3A_288], %swap3A_291 {strides = array<i32>} : memref<128xi32, #tpu.memory_space<vmem>>, vector<16xi32>,
      %add3A_292 = arith.constant 80 : i32
      %add3A_293 = arith.addi %mul3A_241, %add3A_292 : i32
      %get3A_294 = arith.index_cast %select_n3A_223 : i32 to index
      %get3A_295 = arith.index_cast %add3A_293 : i32 to index
      %get3A_296 = tpu.vector_load %arg6[%get3A_294, %get3A_295] {strides = array<i32>} : memref<128x128xi32, #tpu.memory_space<vmem>>, vector<1x16xi32>,
      %get3A_297 = vector.shape_cast %get3A_296 : vector<1x16xi32> to vector<16xi32>
      %swap3A_298 = arith.constant 80 : index
      %swap3A_299 = tpu.vector_load %arg10[%swap3A_298] {strides = array<i32>} : memref<128xi32, #tpu.memory_space<vmem>>, vector<16xi32>,
      %swap3A_300 = vector.shape_cast %swap3A_299 : vector<16xi32> to vector<16xi32>
      %swap3A_301 = vector.shape_cast %get3A_297 : vector<16xi32> to vector<16xi32>
      tpu.vector_store %arg10[%swap3A_298], %swap3A_301 {strides = array<i32>} : memref<128xi32, #tpu.memory_space<vmem>>, vector<16xi32>,
      %add3A_302 = arith.constant 96 : i32
      %add3A_303 = arith.addi %mul3A_241, %add3A_302 : i32
      %get3A_304 = arith.index_cast %select_n3A_223 : i32 to index
      %get3A_305 = arith.index_cast %add3A_303 : i32 to index
      %get3A_306 = tpu.vector_load %arg6[%get3A_304, %get3A_305] {strides = array<i32>} : memref<128x128xi32, #tpu.memory_space<vmem>>, vector<1x16xi32>,
      %get3A_307 = vector.shape_cast %get3A_306 : vector<1x16xi32> to vector<16xi32>
      %swap3A_308 = arith.constant 96 : index
      %swap3A_309 = tpu.vector_load %arg10[%swap3A_308] {strides = array<i32>} : memref<128xi32, #tpu.memory_space<vmem>>, vector<16xi32>,
      %swap3A_310 = vector.shape_cast %swap3A_309 : vector<16xi32> to vector<16xi32>
      %swap3A_311 = vector.shape_cast %get3A_307 : vector<16xi32> to vector<16xi32>
      tpu.vector_store %arg10[%swap3A_308], %swap3A_311 {strides = array<i32>} : memref<128xi32, #tpu.memory_space<vmem>>, vector<16xi32>,
      %add3A_312 = arith.constant 112 : i32
      %add3A_313 = arith.addi %mul3A_241, %add3A_312 : i32
      %get3A_314 = arith.index_cast %select_n3A_223 : i32 to index
      %get3A_315 = arith.index_cast %add3A_313 : i32 to index
      %get3A_316 = tpu.vector_load %arg6[%get3A_314, %get3A_315] {strides = array<i32>} : memref<128x128xi32, #tpu.memory_space<vmem>>, vector<1x16xi32>,
      %get3A_317 = vector.shape_cast %get3A_316 : vector<1x16xi32> to vector<16xi32>
      %swap3A_318 = arith.constant 112 : index
      %swap3A_319 = tpu.vector_load %arg10[%swap3A_318] {strides = array<i32>} : memref<128xi32, #tpu.memory_space<vmem>>, vector<16xi32>,
      %swap3A_320 = vector.shape_cast %swap3A_319 : vector<16xi32> to vector<16xi32>
      %swap3A_321 = vector.shape_cast %get3A_317 : vector<16xi32> to vector<16xi32>
      tpu.vector_store %arg10[%swap3A_318], %swap3A_321 {strides = array<i32>} : memref<128xi32, #tpu.memory_space<vmem>>, vector<16xi32>,
      %mul3A_322 = arith.constant 2 : i32
      %mul3A_323 = arith.muli %mul3A_322, %while3A_65 : i32
      %add3A_324 = arith.addi %select_n3A_9, %mul3A_323 : i32
      %add3A_325 = arith.constant 0 : i32
      %add3A_326 = arith.addi %add3A_324, %add3A_325 : i32
      %dma_wait3A_327 = arith.constant 0 : i32
      %dma_wait3A_328 = tpu.memref_slice %arg3[%add3A_326, %dma_wait3A_327] : memref<2560x128xi32, #tpu.memory_space<hbm>> -> memref<1x128xi32, #tpu.memory_space<hbm>>
      %dma_wait3A_329 = tpu.memref_squeeze %dma_wait3A_328 : memref<1x128xi32, #tpu.memory_space<hbm>> -> memref<128xi32, #tpu.memory_space<hbm>>
      %dma_wait3A_330 = arith.constant 0 : i32
      %dma_wait3A_331 = tpu.memref_slice %arg3[%add3A_326, %dma_wait3A_330] : memref<2560x128xi32, #tpu.memory_space<hbm>> -> memref<1x128xi32, #tpu.memory_space<hbm>>
      %dma_wait3A_332 = tpu.memref_squeeze %dma_wait3A_331 : memref<1x128xi32, #tpu.memory_space<hbm>> -> memref<128xi32, #tpu.memory_space<hbm>>
      tpu.wait_dma2 semaphore(%arg14 : memref<!tpu.dma_semaphore, #tpu.memory_space<semaphore_mem>>) src(%dma_wait3A_332 : memref<128xi32, #tpu.memory_space<hbm>>) dst(%arg7 : memref<128xi32, #tpu.memory_space<vmem>>)
      %dma_start3A_333 = arith.constant 0 : i32
      %dma_start3A_334 = arith.constant 0 : i32
      %dma_start3A_335 = tpu.memref_slice %arg2[%dma_start3A_333, %dma_start3A_334] : memref<10240x128xf32, #tpu.memory_space<hbm>> -> memref<10240x128xf32, #tpu.memory_space<hbm>>
      tpu.enqueue_indirect_dma source(%dma_start3A_335 : memref<10240x128xf32, #tpu.memory_space<hbm>>) target(%arg11 : memref<128x128xf32, #tpu.memory_space<vmem>>) offsets(%arg7 : memref<128xi32, #tpu.memory_space<vmem>>) semaphore(%arg16 : memref<!tpu.dma_semaphore, #tpu.memory_space<semaphore_mem>>)
      %mul3A_336 = arith.constant 2 : i32
      %mul3A_337 = arith.muli %mul3A_336, %while3A_65 : i32
      %add3A_338 = arith.addi %select_n3A_9, %mul3A_337 : i32
      %add3A_339 = arith.constant 1 : i32
      %add3A_340 = arith.addi %add3A_338, %add3A_339 : i32
      %dma_wait3A_341 = arith.constant 0 : i32
      %dma_wait3A_342 = tpu.memref_slice %arg3[%add3A_340, %dma_wait3A_341] : memref<2560x128xi32, #tpu.memory_space<hbm>> -> memref<1x128xi32, #tpu.memory_space<hbm>>
      %dma_wait3A_343 = tpu.memref_squeeze %dma_wait3A_342 : memref<1x128xi32, #tpu.memory_space<hbm>> -> memref<128xi32, #tpu.memory_space<hbm>>
      %dma_wait3A_344 = arith.constant 0 : i32
      %dma_wait3A_345 = tpu.memref_slice %arg3[%add3A_340, %dma_wait3A_344] : memref<2560x128xi32, #tpu.memory_space<hbm>> -> memref<1x128xi32, #tpu.memory_space<hbm>>
      %dma_wait3A_346 = tpu.memref_squeeze %dma_wait3A_345 : memref<1x128xi32, #tpu.memory_space<hbm>> -> memref<128xi32, #tpu.memory_space<hbm>>
      tpu.wait_dma2 semaphore(%arg15 : memref<!tpu.dma_semaphore, #tpu.memory_space<semaphore_mem>>) src(%dma_wait3A_346 : memref<128xi32, #tpu.memory_space<hbm>>) dst(%arg8 : memref<128xi32, #tpu.memory_space<vmem>>)
      %dma_start3A_347 = arith.constant 0 : i32
      %dma_start3A_348 = arith.constant 0 : i32
      %dma_start3A_349 = tpu.memref_slice %arg2[%dma_start3A_347, %dma_start3A_348] : memref<10240x128xf32, #tpu.memory_space<hbm>> -> memref<10240x128xf32, #tpu.memory_space<hbm>>
      tpu.enqueue_indirect_dma source(%dma_start3A_349 : memref<10240x128xf32, #tpu.memory_space<hbm>>) target(%arg12 : memref<128x128xf32, #tpu.memory_space<vmem>>) offsets(%arg8 : memref<128xi32, #tpu.memory_space<vmem>>) semaphore(%arg17 : memref<!tpu.dma_semaphore, #tpu.memory_space<semaphore_mem>>)
      %mul3A_350 = arith.constant 2 : i32
      %mul3A_351 = arith.muli %mul3A_350, %while3A_65 : i32
      %add3A_352 = arith.constant 0 : i32
      %add3A_353 = arith.addi %mul3A_351, %add3A_352 : i32
      %dma_wait3A_354 = arith.constant 0 : i32
      %dma_wait3A_355 = arith.constant 0 : i32
      %dma_wait3A_356 = tpu.memref_slice %arg2[%dma_wait3A_354, %dma_wait3A_355] : memref<10240x128xf32, #tpu.memory_space<hbm>> -> memref<10240x128xf32, #tpu.memory_space<hbm>>
      tpu.wait_indirect_dma semaphore(%arg16 : memref<!tpu.dma_semaphore, #tpu.memory_space<semaphore_mem>>) src(%dma_wait3A_356 : memref<10240x128xf32, #tpu.memory_space<hbm>>) dst(%arg11 : memref<128x128xf32, #tpu.memory_space<vmem>>)
      %dma_start3A_357 = arith.constant 0 : i32
      %dma_start3A_358 = arith.constant 0 : i32
      %dma_start3A_359 = tpu.memref_slice %arg13[%dma_start3A_357, %dma_start3A_358] : memref<10112x128xf32, #tpu.memory_space<vmem_shared>> -> memref<10112x128xf32, #tpu.memory_space<vmem_shared>>
      tpu.enqueue_indirect_dma source(%arg11 : memref<128x128xf32, #tpu.memory_space<vmem>>) target(%dma_start3A_359 : memref<10112x128xf32, #tpu.memory_space<vmem_shared>>) offsets(%arg9 : memref<128xi32, #tpu.memory_space<vmem>>) semaphore(%arg18 : memref<!tpu.dma_semaphore, #tpu.memory_space<semaphore_mem>>) {add = true}
      %add3A_360 = arith.constant 2 : i32
      %add3A_361 = arith.addi %add3A_353, %add3A_360 : i32
      %lt3A_362 = arith.cmpi slt, %add3A_361, %select_n3A_2 : i32
      %convert_element_type3A_363 = arith.extui %lt3A_362 : i1 to i32
      %cond3A_364 = arith.constant 0 : i32
      %cond3A_365 = arith.cmpi ne, %convert_element_type3A_363, %cond3A_364 : i32
      scf.if %cond3A_365 {
        %add3A_382 = arith.addi %select_n3A_9, %add3A_353 : i32
        %add3A_383 = arith.constant 2 : i32
        %add3A_384 = arith.addi %add3A_382, %add3A_383 : i32
        %dma_start3A_385 = arith.constant 0 : i32
        %dma_start3A_386 = tpu.memref_slice %arg3[%add3A_384, %dma_start3A_385] : memref<2560x128xi32, #tpu.memory_space<hbm>> -> memref<1x128xi32, #tpu.memory_space<hbm>>
        %dma_start3A_387 = tpu.memref_squeeze %dma_start3A_386 : memref<1x128xi32, #tpu.memory_space<hbm>> -> memref<128xi32, #tpu.memory_space<hbm>>
        %dma_start3A_388 = arith.constant 0 : i32
        %dma_start3A_389 = tpu.memref_slice %arg3[%add3A_384, %dma_start3A_388] : memref<2560x128xi32, #tpu.memory_space<hbm>> -> memref<1x128xi32, #tpu.memory_space<hbm>>
        %dma_start3A_390 = tpu.memref_squeeze %dma_start3A_389 : memref<1x128xi32, #tpu.memory_space<hbm>> -> memref<128xi32, #tpu.memory_space<hbm>>
        tpu.enqueue_dma source(%dma_start3A_390 : memref<128xi32, #tpu.memory_space<hbm>>) target(%arg7 : memref<128xi32, #tpu.memory_space<vmem>>) target_semaphore(%arg14 : memref<!tpu.dma_semaphore, #tpu.memory_space<semaphore_mem>>)
      } else {
      }
      %mul3A_366 = arith.constant 2 : i32
      %mul3A_367 = arith.muli %mul3A_366, %while3A_65 : i32
      %add3A_368 = arith.constant 1 : i32
      %add3A_369 = arith.addi %mul3A_367, %add3A_368 : i32
      %dma_wait3A_370 = arith.constant 0 : i32
      %dma_wait3A_371 = arith.constant 0 : i32
      %dma_wait3A_372 = tpu.memref_slice %arg2[%dma_wait3A_370, %dma_wait3A_371] : memref<10240x128xf32, #tpu.memory_space<hbm>> -> memref<10240x128xf32, #tpu.memory_space<hbm>>
      tpu.wait_indirect_dma semaphore(%arg17 : memref<!tpu.dma_semaphore, #tpu.memory_space<semaphore_mem>>) src(%dma_wait3A_372 : memref<10240x128xf32, #tpu.memory_space<hbm>>) dst(%arg12 : memref<128x128xf32, #tpu.memory_space<vmem>>)
      %dma_start3A_373 = arith.constant 0 : i32
      %dma_start3A_374 = arith.constant 0 : i32
      %dma_start3A_375 = tpu.memref_slice %arg13[%dma_start3A_373, %dma_start3A_374] : memref<10112x128xf32, #tpu.memory_space<vmem_shared>> -> memref<10112x128xf32, #tpu.memory_space<vmem_shared>>
      tpu.enqueue_indirect_dma source(%arg12 : memref<128x128xf32, #tpu.memory_space<vmem>>) target(%dma_start3A_375 : memref<10112x128xf32, #tpu.memory_space<vmem_shared>>) offsets(%arg10 : memref<128xi32, #tpu.memory_space<vmem>>) semaphore(%arg19 : memref<!tpu.dma_semaphore, #tpu.memory_space<semaphore_mem>>) {add = true}
      %add3A_376 = arith.constant 2 : i32
      %add3A_377 = arith.addi %add3A_369, %add3A_376 : i32
      %lt3A_378 = arith.cmpi slt, %add3A_377, %select_n3A_2 : i32
      %convert_element_type3A_379 = arith.extui %lt3A_378 : i1 to i32
      %cond3A_380 = arith.constant 0 : i32
      %cond3A_381 = arith.cmpi ne, %convert_element_type3A_379, %cond3A_380 : i32
      scf.if %cond3A_381 {
        %add3A_382 = arith.addi %select_n3A_9, %add3A_369 : i32
        %add3A_383 = arith.constant 2 : i32
        %add3A_384 = arith.addi %add3A_382, %add3A_383 : i32
        %dma_start3A_385 = arith.constant 0 : i32
        %dma_start3A_386 = tpu.memref_slice %arg3[%add3A_384, %dma_start3A_385] : memref<2560x128xi32, #tpu.memory_space<hbm>> -> memref<1x128xi32, #tpu.memory_space<hbm>>
        %dma_start3A_387 = tpu.memref_squeeze %dma_start3A_386 : memref<1x128xi32, #tpu.memory_space<hbm>> -> memref<128xi32, #tpu.memory_space<hbm>>
        %dma_start3A_388 = arith.constant 0 : i32
        %dma_start3A_389 = tpu.memref_slice %arg3[%add3A_384, %dma_start3A_388] : memref<2560x128xi32, #tpu.memory_space<hbm>> -> memref<1x128xi32, #tpu.memory_space<hbm>>
        %dma_start3A_390 = tpu.memref_squeeze %dma_start3A_389 : memref<1x128xi32, #tpu.memory_space<hbm>> -> memref<128xi32, #tpu.memory_space<hbm>>
        tpu.enqueue_dma source(%dma_start3A_390 : memref<128xi32, #tpu.memory_space<hbm>>) target(%arg8 : memref<128xi32, #tpu.memory_space<vmem>>) target_semaphore(%arg15 : memref<!tpu.dma_semaphore, #tpu.memory_space<semaphore_mem>>)
      } else {
      }
    }
    %while3A_54 = arith.constant 1 : i32
    scf.for %while3A_65 = %while3A_52 to %while3A_48 step %while3A_54  : i32 {
      %gt3A = arith.constant 0 : i32
      %gt3A_66 = arith.cmpi sgt, %while3A_65, %gt3A : i32
      %convert_element_type3A = arith.extui %gt3A_66 : i1 to i32
      %cond3A = arith.constant 0 : i32
      %cond3A_67 = arith.cmpi ne, %convert_element_type3A, %cond3A : i32
      scf.if %cond3A_67 {
        %dma_wait3A_382 = arith.constant 0 : i32
        %dma_wait3A_383 = arith.constant 0 : i32
        %dma_wait3A_384 = tpu.memref_slice %arg13[%dma_wait3A_382, %dma_wait3A_383] : memref<10112x128xf32, #tpu.memory_space<vmem_shared>> -> memref<10112x128xf32, #tpu.memory_space<vmem_shared>>
        tpu.wait_indirect_dma semaphore(%arg18 : memref<!tpu.dma_semaphore, #tpu.memory_space<semaphore_mem>>) src(%arg11 : memref<128x128xf32, #tpu.memory_space<vmem>>) dst(%dma_wait3A_384 : memref<10112x128xf32, #tpu.memory_space<vmem_shared>>)
      } else {
      }
      %mul3A_68 = arith.constant 2 : i32
      %mul3A_69 = arith.muli %mul3A_68, %while3A_65 : i32
      %add3A_70 = arith.constant 0 : i32
      %add3A_71 = arith.addi %mul3A_69, %add3A_70 : i32
      %jit3A_72 = arith.constant 1 : i32
      %div3A_73 = arith.divsi %add3A_71, %jit3A_72 : i32
      %sign3A_74 = arith.constant 0 : i32
      %sign3A_75 = arith.cmpi sgt, %add3A_71, %sign3A_74 : i32
      %sign3A_76 = arith.extui %sign3A_75 : i1 to i32
      %sign3A_77 = arith.constant 0 : i32
      %sign3A_78 = arith.cmpi slt, %add3A_71, %sign3A_77 : i32
      %sign3A_79 = arith.extui %sign3A_78 : i1 to i32
      %sign3A_80 = arith.subi %sign3A_76, %sign3A_79 : i32
      %sign3A_81 = arith.constant 0 : i32
      %sign3A_82 = arith.cmpi sgt, %jit3A_72, %sign3A_81 : i32
      %sign3A_83 = arith.extui %sign3A_82 : i1 to i32
      %sign3A_84 = arith.constant 0 : i32
      %sign3A_85 = arith.cmpi slt, %jit3A_72, %sign3A_84 : i32
      %sign3A_86 = arith.extui %sign3A_85 : i1 to i32
      %sign3A_87 = arith.subi %sign3A_83, %sign3A_86 : i32
      %ne3A_88 = arith.cmpi ne, %sign3A_80, %sign3A_87 : i32
      %rem3A_89 = arith.remsi %add3A_71, %jit3A_72 : i32
      %ne3A_90 = arith.constant 0 : i32
      %ne3A_91 = arith.cmpi ne, %rem3A_89, %ne3A_90 : i32
      %and3A_92 = arith.andi %ne3A_88, %ne3A_91 : i1
      %sub3A_93 = arith.constant 1 : i32
      %sub3A_94 = arith.subi %div3A_73, %sub3A_93 : i32
      %select_n3A_95 = arith.select %and3A_92, %sub3A_94, %div3A_73 : i32
      %jit3A_96 = arith.constant 1 : i32
      %eq3A_97 = arith.constant 0 : i32
      %eq3A_98 = arith.cmpi eq, %jit3A_96, %eq3A_97 : i32
      %jit3A_99 = arith.constant 1 : i32
      %select_n3A_100 = arith.select %eq3A_98, %jit3A_99, %jit3A_96 : i32
      %rem3A_101 = arith.remsi %add3A_71, %select_n3A_100 : i32
      %ne3A_102 = arith.constant 0 : i32
      %ne3A_103 = arith.cmpi ne, %rem3A_101, %ne3A_102 : i32
      %lt3A = arith.constant 0 : i32
      %lt3A_104 = arith.cmpi slt, %rem3A_101, %lt3A : i32
      %lt3A_105 = arith.constant 0 : i32
      %lt3A_106 = arith.cmpi slt, %select_n3A_100, %lt3A_105 : i32
      %ne3A_107 = arith.xori %lt3A_104, %lt3A_106 : i1
      %and3A_108 = arith.andi %ne3A_107, %ne3A_103 : i1
      %add3A_109 = arith.addi %rem3A_101, %select_n3A_100 : i32
      %select_n3A_110 = arith.select %and3A_108, %add3A_109, %rem3A_101 : i32
      %mul3A_111 = arith.constant 128 : i32
      %mul3A_112 = arith.muli %select_n3A_110, %mul3A_111 : i32
      %add3A_113 = arith.constant 0 : i32
      %add3A_114 = arith.addi %mul3A_112, %add3A_113 : i32
      %get3A = arith.index_cast %select_n3A_95 : i32 to index
      %get3A_115 = arith.index_cast %add3A_114 : i32 to index
      %get3A_116 = tpu.vector_load %arg6[%get3A, %get3A_115] {strides = array<i32>} : memref<128x128xi32, #tpu.memory_space<vmem>>, vector<1x16xi32>,
      %get3A_117 = vector.shape_cast %get3A_116 : vector<1x16xi32> to vector<16xi32>
      %swap3A = arith.constant 0 : index
      %swap3A_118 = tpu.vector_load %arg9[%swap3A] {strides = array<i32>} : memref<128xi32, #tpu.memory_space<vmem>>, vector<16xi32>,
      %swap3A_119 = vector.shape_cast %swap3A_118 : vector<16xi32> to vector<16xi32>
      %swap3A_120 = vector.shape_cast %get3A_117 : vector<16xi32> to vector<16xi32>
      tpu.vector_store %arg9[%swap3A], %swap3A_120 {strides = array<i32>} : memref<128xi32, #tpu.memory_space<vmem>>, vector<16xi32>,
      %add3A_121 = arith.constant 16 : i32
      %add3A_122 = arith.addi %mul3A_112, %add3A_121 : i32
      %get3A_123 = arith.index_cast %select_n3A_95 : i32 to index
      %get3A_124 = arith.index_cast %add3A_122 : i32 to index
      %get3A_125 = tpu.vector_load %arg6[%get3A_123, %get3A_124] {strides = array<i32>} : memref<128x128xi32, #tpu.memory_space<vmem>>, vector<1x16xi32>,
      %get3A_126 = vector.shape_cast %get3A_125 : vector<1x16xi32> to vector<16xi32>
      %swap3A_127 = arith.constant 16 : index
      %swap3A_128 = tpu.vector_load %arg9[%swap3A_127] {strides = array<i32>} : memref<128xi32, #tpu.memory_space<vmem>>, vector<16xi32>,
      %swap3A_129 = vector.shape_cast %swap3A_128 : vector<16xi32> to vector<16xi32>
      %swap3A_130 = vector.shape_cast %get3A_126 : vector<16xi32> to vector<16xi32>
      tpu.vector_store %arg9[%swap3A_127], %swap3A_130 {strides = array<i32>} : memref<128xi32, #tpu.memory_space<vmem>>, vector<16xi32>,
      %add3A_131 = arith.constant 32 : i32
      %add3A_132 = arith.addi %mul3A_112, %add3A_131 : i32
      %get3A_133 = arith.index_cast %select_n3A_95 : i32 to index
      %get3A_134 = arith.index_cast %add3A_132 : i32 to index
      %get3A_135 = tpu.vector_load %arg6[%get3A_133, %get3A_134] {strides = array<i32>} : memref<128x128xi32, #tpu.memory_space<vmem>>, vector<1x16xi32>,
      %get3A_136 = vector.shape_cast %get3A_135 : vector<1x16xi32> to vector<16xi32>
      %swap3A_137 = arith.constant 32 : index
      %swap3A_138 = tpu.vector_load %arg9[%swap3A_137] {strides = array<i32>} : memref<128xi32, #tpu.memory_space<vmem>>, vector<16xi32>,
      %swap3A_139 = vector.shape_cast %swap3A_138 : vector<16xi32> to vector<16xi32>
      %swap3A_140 = vector.shape_cast %get3A_136 : vector<16xi32> to vector<16xi32>
      tpu.vector_store %arg9[%swap3A_137], %swap3A_140 {strides = array<i32>} : memref<128xi32, #tpu.memory_space<vmem>>, vector<16xi32>,
      %add3A_141 = arith.constant 48 : i32
      %add3A_142 = arith.addi %mul3A_112, %add3A_141 : i32
      %get3A_143 = arith.index_cast %select_n3A_95 : i32 to index
      %get3A_144 = arith.index_cast %add3A_142 : i32 to index
      %get3A_145 = tpu.vector_load %arg6[%get3A_143, %get3A_144] {strides = array<i32>} : memref<128x128xi32, #tpu.memory_space<vmem>>, vector<1x16xi32>,
      %get3A_146 = vector.shape_cast %get3A_145 : vector<1x16xi32> to vector<16xi32>
      %swap3A_147 = arith.constant 48 : index
      %swap3A_148 = tpu.vector_load %arg9[%swap3A_147] {strides = array<i32>} : memref<128xi32, #tpu.memory_space<vmem>>, vector<16xi32>,
      %swap3A_149 = vector.shape_cast %swap3A_148 : vector<16xi32> to vector<16xi32>
      %swap3A_150 = vector.shape_cast %get3A_146 : vector<16xi32> to vector<16xi32>
      tpu.vector_store %arg9[%swap3A_147], %swap3A_150 {strides = array<i32>} : memref<128xi32, #tpu.memory_space<vmem>>, vector<16xi32>,
      %add3A_151 = arith.constant 64 : i32
      %add3A_152 = arith.addi %mul3A_112, %add3A_151 : i32
      %get3A_153 = arith.index_cast %select_n3A_95 : i32 to index
      %get3A_154 = arith.index_cast %add3A_152 : i32 to index
      %get3A_155 = tpu.vector_load %arg6[%get3A_153, %get3A_154] {strides = array<i32>} : memref<128x128xi32, #tpu.memory_space<vmem>>, vector<1x16xi32>,
      %get3A_156 = vector.shape_cast %get3A_155 : vector<1x16xi32> to vector<16xi32>
      %swap3A_157 = arith.constant 64 : index
      %swap3A_158 = tpu.vector_load %arg9[%swap3A_157] {strides = array<i32>} : memref<128xi32, #tpu.memory_space<vmem>>, vector<16xi32>,
      %swap3A_159 = vector.shape_cast %swap3A_158 : vector<16xi32> to vector<16xi32>
      %swap3A_160 = vector.shape_cast %get3A_156 : vector<16xi32> to vector<16xi32>
      tpu.vector_store %arg9[%swap3A_157], %swap3A_160 {strides = array<i32>} : memref<128xi32, #tpu.memory_space<vmem>>, vector<16xi32>,
      %add3A_161 = arith.constant 80 : i32
      %add3A_162 = arith.addi %mul3A_112, %add3A_161 : i32
      %get3A_163 = arith.index_cast %select_n3A_95 : i32 to index
      %get3A_164 = arith.index_cast %add3A_162 : i32 to index
      %get3A_165 = tpu.vector_load %arg6[%get3A_163, %get3A_164] {strides = array<i32>} : memref<128x128xi32, #tpu.memory_space<vmem>>, vector<1x16xi32>,
      %get3A_166 = vector.shape_cast %get3A_165 : vector<1x16xi32> to vector<16xi32>
      %swap3A_167 = arith.constant 80 : index
      %swap3A_168 = tpu.vector_load %arg9[%swap3A_167] {strides = array<i32>} : memref<128xi32, #tpu.memory_space<vmem>>, vector<16xi32>,
      %swap3A_169 = vector.shape_cast %swap3A_168 : vector<16xi32> to vector<16xi32>
      %swap3A_170 = vector.shape_cast %get3A_166 : vector<16xi32> to vector<16xi32>
      tpu.vector_store %arg9[%swap3A_167], %swap3A_170 {strides = array<i32>} : memref<128xi32, #tpu.memory_space<vmem>>, vector<16xi32>,
      %add3A_171 = arith.constant 96 : i32
      %add3A_172 = arith.addi %mul3A_112, %add3A_171 : i32
      %get3A_173 = arith.index_cast %select_n3A_95 : i32 to index
      %get3A_174 = arith.index_cast %add3A_172 : i32 to index
      %get3A_175 = tpu.vector_load %arg6[%get3A_173, %get3A_174] {strides = array<i32>} : memref<128x128xi32, #tpu.memory_space<vmem>>, vector<1x16xi32>,
      %get3A_176 = vector.shape_cast %get3A_175 : vector<1x16xi32> to vector<16xi32>
      %swap3A_177 = arith.constant 96 : index
      %swap3A_178 = tpu.vector_load %arg9[%swap3A_177] {strides = array<i32>} : memref<128xi32, #tpu.memory_space<vmem>>, vector<16xi32>,
      %swap3A_179 = vector.shape_cast %swap3A_178 : vector<16xi32> to vector<16xi32>
      %swap3A_180 = vector.shape_cast %get3A_176 : vector<16xi32> to vector<16xi32>
      tpu.vector_store %arg9[%swap3A_177], %swap3A_180 {strides = array<i32>} : memref<128xi32, #tpu.memory_space<vmem>>, vector<16xi32>,
      %add3A_181 = arith.constant 112 : i32
      %add3A_182 = arith.addi %mul3A_112, %add3A_181 : i32
      %get3A_183 = arith.index_cast %select_n3A_95 : i32 to index
      %get3A_184 = arith.index_cast %add3A_182 : i32 to index
      %get3A_185 = tpu.vector_load %arg6[%get3A_183, %get3A_184] {strides = array<i32>} : memref<128x128xi32, #tpu.memory_space<vmem>>, vector<1x16xi32>,
      %get3A_186 = vector.shape_cast %get3A_185 : vector<1x16xi32> to vector<16xi32>
      %swap3A_187 = arith.constant 112 : index
      %swap3A_188 = tpu.vector_load %arg9[%swap3A_187] {strides = array<i32>} : memref<128xi32, #tpu.memory_space<vmem>>, vector<16xi32>,
      %swap3A_189 = vector.shape_cast %swap3A_188 : vector<16xi32> to vector<16xi32>
      %swap3A_190 = vector.shape_cast %get3A_186 : vector<16xi32> to vector<16xi32>
      tpu.vector_store %arg9[%swap3A_187], %swap3A_190 {strides = array<i32>} : memref<128xi32, #tpu.memory_space<vmem>>, vector<16xi32>,
      %gt3A_191 = arith.constant 0 : i32
      %gt3A_192 = arith.cmpi sgt, %while3A_65, %gt3A_191 : i32
      %convert_element_type3A_193 = arith.extui %gt3A_192 : i1 to i32
      %cond3A_194 = arith.constant 0 : i32
      %cond3A_195 = arith.cmpi ne, %convert_element_type3A_193, %cond3A_194 : i32
      scf.if %cond3A_195 {
        %dma_wait3A_382 = arith.constant 0 : i32
        %dma_wait3A_383 = arith.constant 0 : i32
        %dma_wait3A_384 = tpu.memref_slice %arg13[%dma_wait3A_382, %dma_wait3A_383] : memref<10112x128xf32, #tpu.memory_space<vmem_shared>> -> memref<10112x128xf32, #tpu.memory_space<vmem_shared>>
        tpu.wait_indirect_dma semaphore(%arg19 : memref<!tpu.dma_semaphore, #tpu.memory_space<semaphore_mem>>) src(%arg12 : memref<128x128xf32, #tpu.memory_space<vmem>>) dst(%dma_wait3A_384 : memref<10112x128xf32, #tpu.memory_space<vmem_shared>>)
      } else {
      }
      %mul3A_196 = arith.constant 2 : i32
      %mul3A_197 = arith.muli %mul3A_196, %while3A_65 : i32
      %add3A_198 = arith.constant 1 : i32
      %add3A_199 = arith.addi %mul3A_197, %add3A_198 : i32
      %jit3A_200 = arith.constant 1 : i32
      %div3A_201 = arith.divsi %add3A_199, %jit3A_200 : i32
      %sign3A_202 = arith.constant 0 : i32
      %sign3A_203 = arith.cmpi sgt, %add3A_199, %sign3A_202 : i32
      %sign3A_204 = arith.extui %sign3A_203 : i1 to i32
      %sign3A_205 = arith.constant 0 : i32
      %sign3A_206 = arith.cmpi slt, %add3A_199, %sign3A_205 : i32
      %sign3A_207 = arith.extui %sign3A_206 : i1 to i32
      %sign3A_208 = arith.subi %sign3A_204, %sign3A_207 : i32
      %sign3A_209 = arith.constant 0 : i32
      %sign3A_210 = arith.cmpi sgt, %jit3A_200, %sign3A_209 : i32
      %sign3A_211 = arith.extui %sign3A_210 : i1 to i32
      %sign3A_212 = arith.constant 0 : i32
      %sign3A_213 = arith.cmpi slt, %jit3A_200, %sign3A_212 : i32
      %sign3A_214 = arith.extui %sign3A_213 : i1 to i32
      %sign3A_215 = arith.subi %sign3A_211, %sign3A_214 : i32
      %ne3A_216 = arith.cmpi ne, %sign3A_208, %sign3A_215 : i32
      %rem3A_217 = arith.remsi %add3A_199, %jit3A_200 : i32
      %ne3A_218 = arith.constant 0 : i32
      %ne3A_219 = arith.cmpi ne, %rem3A_217, %ne3A_218 : i32
      %and3A_220 = arith.andi %ne3A_216, %ne3A_219 : i1
      %sub3A_221 = arith.constant 1 : i32
      %sub3A_222 = arith.subi %div3A_201, %sub3A_221 : i32
      %select_n3A_223 = arith.select %and3A_220, %sub3A_222, %div3A_201 : i32
      %jit3A_224 = arith.constant 1 : i32
      %eq3A_225 = arith.constant 0 : i32
      %eq3A_226 = arith.cmpi eq, %jit3A_224, %eq3A_225 : i32
      %jit3A_227 = arith.constant 1 : i32
      %select_n3A_228 = arith.select %eq3A_226, %jit3A_227, %jit3A_224 : i32
      %rem3A_229 = arith.remsi %add3A_199, %select_n3A_228 : i32
      %ne3A_230 = arith.constant 0 : i32
      %ne3A_231 = arith.cmpi ne, %rem3A_229, %ne3A_230 : i32
      %lt3A_232 = arith.constant 0 : i32
      %lt3A_233 = arith.cmpi slt, %rem3A_229, %lt3A_232 : i32
      %lt3A_234 = arith.constant 0 : i32
      %lt3A_235 = arith.cmpi slt, %select_n3A_228, %lt3A_234 : i32
      %ne3A_236 = arith.xori %lt3A_233, %lt3A_235 : i1
      %and3A_237 = arith.andi %ne3A_236, %ne3A_231 : i1
      %add3A_238 = arith.addi %rem3A_229, %select_n3A_228 : i32
      %select_n3A_239 = arith.select %and3A_237, %add3A_238, %rem3A_229 : i32
      %mul3A_240 = arith.constant 128 : i32
      %mul3A_241 = arith.muli %select_n3A_239, %mul3A_240 : i32
      %add3A_242 = arith.constant 0 : i32
      %add3A_243 = arith.addi %mul3A_241, %add3A_242 : i32
      %get3A_244 = arith.index_cast %select_n3A_223 : i32 to index
      %get3A_245 = arith.index_cast %add3A_243 : i32 to index
      %get3A_246 = tpu.vector_load %arg6[%get3A_244, %get3A_245] {strides = array<i32>} : memref<128x128xi32, #tpu.memory_space<vmem>>, vector<1x16xi32>,
      %get3A_247 = vector.shape_cast %get3A_246 : vector<1x16xi32> to vector<16xi32>
      %swap3A_248 = arith.constant 0 : index
      %swap3A_249 = tpu.vector_load %arg10[%swap3A_248] {strides = array<i32>} : memref<128xi32, #tpu.memory_space<vmem>>, vector<16xi32>,
      %swap3A_250 = vector.shape_cast %swap3A_249 : vector<16xi32> to vector<16xi32>
      %swap3A_251 = vector.shape_cast %get3A_247 : vector<16xi32> to vector<16xi32>
      tpu.vector_store %arg10[%swap3A_248], %swap3A_251 {strides = array<i32>} : memref<128xi32, #tpu.memory_space<vmem>>, vector<16xi32>,
      %add3A_252 = arith.constant 16 : i32
      %add3A_253 = arith.addi %mul3A_241, %add3A_252 : i32
      %get3A_254 = arith.index_cast %select_n3A_223 : i32 to index
      %get3A_255 = arith.index_cast %add3A_253 : i32 to index
      %get3A_256 = tpu.vector_load %arg6[%get3A_254, %get3A_255] {strides = array<i32>} : memref<128x128xi32, #tpu.memory_space<vmem>>, vector<1x16xi32>,
      %get3A_257 = vector.shape_cast %get3A_256 : vector<1x16xi32> to vector<16xi32>
      %swap3A_258 = arith.constant 16 : index
      %swap3A_259 = tpu.vector_load %arg10[%swap3A_258] {strides = array<i32>} : memref<128xi32, #tpu.memory_space<vmem>>, vector<16xi32>,
      %swap3A_260 = vector.shape_cast %swap3A_259 : vector<16xi32> to vector<16xi32>
      %swap3A_261 = vector.shape_cast %get3A_257 : vector<16xi32> to vector<16xi32>
      tpu.vector_store %arg10[%swap3A_258], %swap3A_261 {strides = array<i32>} : memref<128xi32, #tpu.memory_space<vmem>>, vector<16xi32>,
      %add3A_262 = arith.constant 32 : i32
      %add3A_263 = arith.addi %mul3A_241, %add3A_262 : i32
      %get3A_264 = arith.index_cast %select_n3A_223 : i32 to index
      %get3A_265 = arith.index_cast %add3A_263 : i32 to index
      %get3A_266 = tpu.vector_load %arg6[%get3A_264, %get3A_265] {strides = array<i32>} : memref<128x128xi32, #tpu.memory_space<vmem>>, vector<1x16xi32>,
      %get3A_267 = vector.shape_cast %get3A_266 : vector<1x16xi32> to vector<16xi32>
      %swap3A_268 = arith.constant 32 : index
      %swap3A_269 = tpu.vector_load %arg10[%swap3A_268] {strides = array<i32>} : memref<128xi32, #tpu.memory_space<vmem>>, vector<16xi32>,
      %swap3A_270 = vector.shape_cast %swap3A_269 : vector<16xi32> to vector<16xi32>
      %swap3A_271 = vector.shape_cast %get3A_267 : vector<16xi32> to vector<16xi32>
      tpu.vector_store %arg10[%swap3A_268], %swap3A_271 {strides = array<i32>} : memref<128xi32, #tpu.memory_space<vmem>>, vector<16xi32>,
      %add3A_272 = arith.constant 48 : i32
      %add3A_273 = arith.addi %mul3A_241, %add3A_272 : i32
      %get3A_274 = arith.index_cast %select_n3A_223 : i32 to index
      %get3A_275 = arith.index_cast %add3A_273 : i32 to index
      %get3A_276 = tpu.vector_load %arg6[%get3A_274, %get3A_275] {strides = array<i32>} : memref<128x128xi32, #tpu.memory_space<vmem>>, vector<1x16xi32>,
      %get3A_277 = vector.shape_cast %get3A_276 : vector<1x16xi32> to vector<16xi32>
      %swap3A_278 = arith.constant 48 : index
      %swap3A_279 = tpu.vector_load %arg10[%swap3A_278] {strides = array<i32>} : memref<128xi32, #tpu.memory_space<vmem>>, vector<16xi32>,
      %swap3A_280 = vector.shape_cast %swap3A_279 : vector<16xi32> to vector<16xi32>
      %swap3A_281 = vector.shape_cast %get3A_277 : vector<16xi32> to vector<16xi32>
      tpu.vector_store %arg10[%swap3A_278], %swap3A_281 {strides = array<i32>} : memref<128xi32, #tpu.memory_space<vmem>>, vector<16xi32>,
      %add3A_282 = arith.constant 64 : i32
      %add3A_283 = arith.addi %mul3A_241, %add3A_282 : i32
      %get3A_284 = arith.index_cast %select_n3A_223 : i32 to index
      %get3A_285 = arith.index_cast %add3A_283 : i32 to index
      %get3A_286 = tpu.vector_load %arg6[%get3A_284, %get3A_285] {strides = array<i32>} : memref<128x128xi32, #tpu.memory_space<vmem>>, vector<1x16xi32>,
      %get3A_287 = vector.shape_cast %get3A_286 : vector<1x16xi32> to vector<16xi32>
      %swap3A_288 = arith.constant 64 : index
      %swap3A_289 = tpu.vector_load %arg10[%swap3A_288] {strides = array<i32>} : memref<128xi32, #tpu.memory_space<vmem>>, vector<16xi32>,
      %swap3A_290 = vector.shape_cast %swap3A_289 : vector<16xi32> to vector<16xi32>
      %swap3A_291 = vector.shape_cast %get3A_287 : vector<16xi32> to vector<16xi32>
      tpu.vector_store %arg10[%swap3A_288], %swap3A_291 {strides = array<i32>} : memref<128xi32, #tpu.memory_space<vmem>>, vector<16xi32>,
      %add3A_292 = arith.constant 80 : i32
      %add3A_293 = arith.addi %mul3A_241, %add3A_292 : i32
      %get3A_294 = arith.index_cast %select_n3A_223 : i32 to index
      %get3A_295 = arith.index_cast %add3A_293 : i32 to index
      %get3A_296 = tpu.vector_load %arg6[%get3A_294, %get3A_295] {strides = array<i32>} : memref<128x128xi32, #tpu.memory_space<vmem>>, vector<1x16xi32>,
      %get3A_297 = vector.shape_cast %get3A_296 : vector<1x16xi32> to vector<16xi32>
      %swap3A_298 = arith.constant 80 : index
      %swap3A_299 = tpu.vector_load %arg10[%swap3A_298] {strides = array<i32>} : memref<128xi32, #tpu.memory_space<vmem>>, vector<16xi32>,
      %swap3A_300 = vector.shape_cast %swap3A_299 : vector<16xi32> to vector<16xi32>
      %swap3A_301 = vector.shape_cast %get3A_297 : vector<16xi32> to vector<16xi32>
      tpu.vector_store %arg10[%swap3A_298], %swap3A_301 {strides = array<i32>} : memref<128xi32, #tpu.memory_space<vmem>>, vector<16xi32>,
      %add3A_302 = arith.constant 96 : i32
      %add3A_303 = arith.addi %mul3A_241, %add3A_302 : i32
      %get3A_304 = arith.index_cast %select_n3A_223 : i32 to index
      %get3A_305 = arith.index_cast %add3A_303 : i32 to index
      %get3A_306 = tpu.vector_load %arg6[%get3A_304, %get3A_305] {strides = array<i32>} : memref<128x128xi32, #tpu.memory_space<vmem>>, vector<1x16xi32>,
      %get3A_307 = vector.shape_cast %get3A_306 : vector<1x16xi32> to vector<16xi32>
      %swap3A_308 = arith.constant 96 : index
      %swap3A_309 = tpu.vector_load %arg10[%swap3A_308] {strides = array<i32>} : memref<128xi32, #tpu.memory_space<vmem>>, vector<16xi32>,
      %swap3A_310 = vector.shape_cast %swap3A_309 : vector<16xi32> to vector<16xi32>
      %swap3A_311 = vector.shape_cast %get3A_307 : vector<16xi32> to vector<16xi32>
      tpu.vector_store %arg10[%swap3A_308], %swap3A_311 {strides = array<i32>} : memref<128xi32, #tpu.memory_space<vmem>>, vector<16xi32>,
      %add3A_312 = arith.constant 112 : i32
      %add3A_313 = arith.addi %mul3A_241, %add3A_312 : i32
      %get3A_314 = arith.index_cast %select_n3A_223 : i32 to index
      %get3A_315 = arith.index_cast %add3A_313 : i32 to index
      %get3A_316 = tpu.vector_load %arg6[%get3A_314, %get3A_315] {strides = array<i32>} : memref<128x128xi32, #tpu.memory_space<vmem>>, vector<1x16xi32>,
      %get3A_317 = vector.shape_cast %get3A_316 : vector<1x16xi32> to vector<16xi32>
      %swap3A_318 = arith.constant 112 : index
      %swap3A_319 = tpu.vector_load %arg10[%swap3A_318] {strides = array<i32>} : memref<128xi32, #tpu.memory_space<vmem>>, vector<16xi32>,
      %swap3A_320 = vector.shape_cast %swap3A_319 : vector<16xi32> to vector<16xi32>
      %swap3A_321 = vector.shape_cast %get3A_317 : vector<16xi32> to vector<16xi32>
      tpu.vector_store %arg10[%swap3A_318], %swap3A_321 {strides = array<i32>} : memref<128xi32, #tpu.memory_space<vmem>>, vector<16xi32>,
      %mul3A_322 = arith.constant 2 : i32
      %mul3A_323 = arith.muli %mul3A_322, %while3A_65 : i32
      %add3A_324 = arith.addi %select_n3A_9, %mul3A_323 : i32
      %add3A_325 = arith.constant 0 : i32
      %add3A_326 = arith.addi %add3A_324, %add3A_325 : i32
      %dma_wait3A_327 = arith.constant 0 : i32
      %dma_wait3A_328 = tpu.memref_slice %arg3[%add3A_326, %dma_wait3A_327] : memref<2560x128xi32, #tpu.memory_space<hbm>> -> memref<1x128xi32, #tpu.memory_space<hbm>>
      %dma_wait3A_329 = tpu.memref_squeeze %dma_wait3A_328 : memref<1x128xi32, #tpu.memory_space<hbm>> -> memref<128xi32, #tpu.memory_space<hbm>>
      %dma_wait3A_330 = arith.constant 0 : i32
      %dma_wait3A_331 = tpu.memref_slice %arg3[%add3A_326, %dma_wait3A_330] : memref<2560x128xi32, #tpu.memory_space<hbm>> -> memref<1x128xi32, #tpu.memory_space<hbm>>
      %dma_wait3A_332 = tpu.memref_squeeze %dma_wait3A_331 : memref<1x128xi32, #tpu.memory_space<hbm>> -> memref<128xi32, #tpu.memory_space<hbm>>
      tpu.wait_dma2 semaphore(%arg14 : memref<!tpu.dma_semaphore, #tpu.memory_space<semaphore_mem>>) src(%dma_wait3A_332 : memref<128xi32, #tpu.memory_space<hbm>>) dst(%arg7 : memref<128xi32, #tpu.memory_space<vmem>>)
      %dma_start3A_333 = arith.constant 0 : i32
      %dma_start3A_334 = arith.constant 0 : i32
      %dma_start3A_335 = tpu.memref_slice %arg2[%dma_start3A_333, %dma_start3A_334] : memref<10240x128xf32, #tpu.memory_space<hbm>> -> memref<10240x128xf32, #tpu.memory_space<hbm>>
      tpu.enqueue_indirect_dma source(%dma_start3A_335 : memref<10240x128xf32, #tpu.memory_space<hbm>>) target(%arg11 : memref<128x128xf32, #tpu.memory_space<vmem>>) offsets(%arg7 : memref<128xi32, #tpu.memory_space<vmem>>) semaphore(%arg16 : memref<!tpu.dma_semaphore, #tpu.memory_space<semaphore_mem>>)
      %mul3A_336 = arith.constant 2 : i32
      %mul3A_337 = arith.muli %mul3A_336, %while3A_65 : i32
      %add3A_338 = arith.addi %select_n3A_9, %mul3A_337 : i32
      %add3A_339 = arith.constant 1 : i32
      %add3A_340 = arith.addi %add3A_338, %add3A_339 : i32
      %dma_wait3A_341 = arith.constant 0 : i32
      %dma_wait3A_342 = tpu.memref_slice %arg3[%add3A_340, %dma_wait3A_341] : memref<2560x128xi32, #tpu.memory_space<hbm>> -> memref<1x128xi32, #tpu.memory_space<hbm>>
      %dma_wait3A_343 = tpu.memref_squeeze %dma_wait3A_342 : memref<1x128xi32, #tpu.memory_space<hbm>> -> memref<128xi32, #tpu.memory_space<hbm>>
      %dma_wait3A_344 = arith.constant 0 : i32
      %dma_wait3A_345 = tpu.memref_slice %arg3[%add3A_340, %dma_wait3A_344] : memref<2560x128xi32, #tpu.memory_space<hbm>> -> memref<1x128xi32, #tpu.memory_space<hbm>>
      %dma_wait3A_346 = tpu.memref_squeeze %dma_wait3A_345 : memref<1x128xi32, #tpu.memory_space<hbm>> -> memref<128xi32, #tpu.memory_space<hbm>>
      tpu.wait_dma2 semaphore(%arg15 : memref<!tpu.dma_semaphore, #tpu.memory_space<semaphore_mem>>) src(%dma_wait3A_346 : memref<128xi32, #tpu.memory_space<hbm>>) dst(%arg8 : memref<128xi32, #tpu.memory_space<vmem>>)
      %dma_start3A_347 = arith.constant 0 : i32
      %dma_start3A_348 = arith.constant 0 : i32
      %dma_start3A_349 = tpu.memref_slice %arg2[%dma_start3A_347, %dma_start3A_348] : memref<10240x128xf32, #tpu.memory_space<hbm>> -> memref<10240x128xf32, #tpu.memory_space<hbm>>
      tpu.enqueue_indirect_dma source(%dma_start3A_349 : memref<10240x128xf32, #tpu.memory_space<hbm>>) target(%arg12 : memref<128x128xf32, #tpu.memory_space<vmem>>) offsets(%arg8 : memref<128xi32, #tpu.memory_space<vmem>>) semaphore(%arg17 : memref<!tpu.dma_semaphore, #tpu.memory_space<semaphore_mem>>)
      %mul3A_350 = arith.constant 2 : i32
      %mul3A_351 = arith.muli %mul3A_350, %while3A_65 : i32
      %add3A_352 = arith.constant 0 : i32
      %add3A_353 = arith.addi %mul3A_351, %add3A_352 : i32
      %dma_wait3A_354 = arith.constant 0 : i32
      %dma_wait3A_355 = arith.constant 0 : i32
      %dma_wait3A_356 = tpu.memref_slice %arg2[%dma_wait3A_354, %dma_wait3A_355] : memref<10240x128xf32, #tpu.memory_space<hbm>> -> memref<10240x128xf32, #tpu.memory_space<hbm>>
      tpu.wait_indirect_dma semaphore(%arg16 : memref<!tpu.dma_semaphore, #tpu.memory_space<semaphore_mem>>) src(%dma_wait3A_356 : memref<10240x128xf32, #tpu.memory_space<hbm>>) dst(%arg11 : memref<128x128xf32, #tpu.memory_space<vmem>>)
      %dma_start3A_357 = arith.constant 0 : i32
      %dma_start3A_358 = arith.constant 0 : i32
      %dma_start3A_359 = tpu.memref_slice %arg13[%dma_start3A_357, %dma_start3A_358] : memref<10112x128xf32, #tpu.memory_space<vmem_shared>> -> memref<10112x128xf32, #tpu.memory_space<vmem_shared>>
      tpu.enqueue_indirect_dma source(%arg11 : memref<128x128xf32, #tpu.memory_space<vmem>>) target(%dma_start3A_359 : memref<10112x128xf32, #tpu.memory_space<vmem_shared>>) offsets(%arg9 : memref<128xi32, #tpu.memory_space<vmem>>) semaphore(%arg18 : memref<!tpu.dma_semaphore, #tpu.memory_space<semaphore_mem>>) {add = true}
      %add3A_360 = arith.constant 2 : i32
      %add3A_361 = arith.addi %add3A_353, %add3A_360 : i32
      %lt3A_362 = arith.cmpi slt, %add3A_361, %select_n3A_2 : i32
      %convert_element_type3A_363 = arith.extui %lt3A_362 : i1 to i32
      %cond3A_364 = arith.constant 0 : i32
      %cond3A_365 = arith.cmpi ne, %convert_element_type3A_363, %cond3A_364 : i32
      scf.if %cond3A_365 {
        %add3A_382 = arith.addi %select_n3A_9, %add3A_353 : i32
        %add3A_383 = arith.constant 2 : i32
        %add3A_384 = arith.addi %add3A_382, %add3A_383 : i32
        %dma_start3A_385 = arith.constant 0 : i32
        %dma_start3A_386 = tpu.memref_slice %arg3[%add3A_384, %dma_start3A_385] : memref<2560x128xi32, #tpu.memory_space<hbm>> -> memref<1x128xi32, #tpu.memory_space<hbm>>
        %dma_start3A_387 = tpu.memref_squeeze %dma_start3A_386 : memref<1x128xi32, #tpu.memory_space<hbm>> -> memref<128xi32, #tpu.memory_space<hbm>>
        %dma_start3A_388 = arith.constant 0 : i32
        %dma_start3A_389 = tpu.memref_slice %arg3[%add3A_384, %dma_start3A_388] : memref<2560x128xi32, #tpu.memory_space<hbm>> -> memref<1x128xi32, #tpu.memory_space<hbm>>
        %dma_start3A_390 = tpu.memref_squeeze %dma_start3A_389 : memref<1x128xi32, #tpu.memory_space<hbm>> -> memref<128xi32, #tpu.memory_space<hbm>>
        tpu.enqueue_dma source(%dma_start3A_390 : memref<128xi32, #tpu.memory_space<hbm>>) target(%arg7 : memref<128xi32, #tpu.memory_space<vmem>>) target_semaphore(%arg14 : memref<!tpu.dma_semaphore, #tpu.memory_space<semaphore_mem>>)
      } else {
      }
      %mul3A_366 = arith.constant 2 : i32
      %mul3A_367 = arith.muli %mul3A_366, %while3A_65 : i32
      %add3A_368 = arith.constant 1 : i32
      %add3A_369 = arith.addi %mul3A_367, %add3A_368 : i32
      %dma_wait3A_370 = arith.constant 0 : i32
      %dma_wait3A_371 = arith.constant 0 : i32
      %dma_wait3A_372 = tpu.memref_slice %arg2[%dma_wait3A_370, %dma_wait3A_371] : memref<10240x128xf32, #tpu.memory_space<hbm>> -> memref<10240x128xf32, #tpu.memory_space<hbm>>
      tpu.wait_indirect_dma semaphore(%arg17 : memref<!tpu.dma_semaphore, #tpu.memory_space<semaphore_mem>>) src(%dma_wait3A_372 : memref<10240x128xf32, #tpu.memory_space<hbm>>) dst(%arg12 : memref<128x128xf32, #tpu.memory_space<vmem>>)
      %dma_start3A_373 = arith.constant 0 : i32
      %dma_start3A_374 = arith.constant 0 : i32
      %dma_start3A_375 = tpu.memref_slice %arg13[%dma_start3A_373, %dma_start3A_374] : memref<10112x128xf32, #tpu.memory_space<vmem_shared>> -> memref<10112x128xf32, #tpu.memory_space<vmem_shared>>
      tpu.enqueue_indirect_dma source(%arg12 : memref<128x128xf32, #tpu.memory_space<vmem>>) target(%dma_start3A_375 : memref<10112x128xf32, #tpu.memory_space<vmem_shared>>) offsets(%arg10 : memref<128xi32, #tpu.memory_space<vmem>>) semaphore(%arg19 : memref<!tpu.dma_semaphore, #tpu.memory_space<semaphore_mem>>) {add = true}
      %add3A_376 = arith.constant 2 : i32
      %add3A_377 = arith.addi %add3A_369, %add3A_376 : i32
      %lt3A_378 = arith.cmpi slt, %add3A_377, %select_n3A_2 : i32
      %convert_element_type3A_379 = arith.extui %lt3A_378 : i1 to i32
      %cond3A_380 = arith.constant 0 : i32
      %cond3A_381 = arith.cmpi ne, %convert_element_type3A_379, %cond3A_380 : i32
      scf.if %cond3A_381 {
        %add3A_382 = arith.addi %select_n3A_9, %add3A_369 : i32
        %add3A_383 = arith.constant 2 : i32
        %add3A_384 = arith.addi %add3A_382, %add3A_383 : i32
        %dma_start3A_385 = arith.constant 0 : i32
        %dma_start3A_386 = tpu.memref_slice %arg3[%add3A_384, %dma_start3A_385] : memref<2560x128xi32, #tpu.memory_space<hbm>> -> memref<1x128xi32, #tpu.memory_space<hbm>>
        %dma_start3A_387 = tpu.memref_squeeze %dma_start3A_386 : memref<1x128xi32, #tpu.memory_space<hbm>> -> memref<128xi32, #tpu.memory_space<hbm>>
        %dma_start3A_388 = arith.constant 0 : i32
        %dma_start3A_389 = tpu.memref_slice %arg3[%add3A_384, %dma_start3A_388] : memref<2560x128xi32, #tpu.memory_space<hbm>> -> memref<1x128xi32, #tpu.memory_space<hbm>>
        %dma_start3A_390 = tpu.memref_squeeze %dma_start3A_389 : memref<1x128xi32, #tpu.memory_space<hbm>> -> memref<128xi32, #tpu.memory_space<hbm>>
        tpu.enqueue_dma source(%dma_start3A_390 : memref<128xi32, #tpu.memory_space<hbm>>) target(%arg8 : memref<128xi32, #tpu.memory_space<vmem>>) target_semaphore(%arg15 : memref<!tpu.dma_semaphore, #tpu.memory_space<semaphore_mem>>)
      } else {
      }
    }
    %dma_wait3A = arith.constant 0 : i32
    %dma_wait3A_55 = arith.constant 0 : i32
    %dma_wait3A_56 = tpu.memref_slice %arg13[%dma_wait3A, %dma_wait3A_55] : memref<10112x128xf32, #tpu.memory_space<vmem_shared>> -> memref<10112x128xf32, #tpu.memory_space<vmem_shared>>
    tpu.wait_indirect_dma semaphore(%arg18 : memref<!tpu.dma_semaphore, #tpu.memory_space<semaphore_mem>>) src(%arg11 : memref<128x128xf32, #tpu.memory_space<vmem>>) dst(%dma_wait3A_56 : memref<10112x128xf32, #tpu.memory_space<vmem_shared>>)
    %dma_wait3A_57 = arith.constant 0 : i32
    %dma_wait3A_58 = arith.constant 0 : i32
    %dma_wait3A_59 = tpu.memref_slice %arg13[%dma_wait3A_57, %dma_wait3A_58] : memref<10112x128xf32, #tpu.memory_space<vmem_shared>> -> memref<10112x128xf32, #tpu.memory_space<vmem_shared>>
    tpu.wait_indirect_dma semaphore(%arg19 : memref<!tpu.dma_semaphore, #tpu.memory_space<semaphore_mem>>) src(%arg12 : memref<128x128xf32, #tpu.memory_space<vmem>>) dst(%dma_wait3A_59 : memref<10112x128xf32, #tpu.memory_space<vmem_shared>>)
    %barrier3A_60 = arith.constant 0 : index
    tpu.barrier barrier_id(%barrier3A_60)
    %mul3A_61 = arith.constant 632 : i32
    %mul3A_62 = arith.muli %arg1, %mul3A_61 : i32
    %mul3A_63 = arith.constant 632 : i32
    %mul3A_64 = arith.muli %arg1, %mul3A_63 : i32
    "tpu.region"() ({
      %run_scoped3A = tpu.sem_alloc : memref<!tpu.dma_semaphore, #tpu.memory_space<semaphore_mem>>
      %dma_start3A_65 = arith.constant 0 : i32
      %dma_start3A_66 = tpu.memref_slice %arg5[%arg0, %mul3A_64, %dma_start3A_65] : memref<2x10240x128xf32, #tpu.memory_space<hbm>> -> memref<1x632x128xf32, #tpu.memory_space<hbm>>
      %dma_start3A_67 = tpu.memref_squeeze %dma_start3A_66 : memref<1x632x128xf32, #tpu.memory_space<hbm>> -> memref<632x128xf32, #tpu.memory_space<hbm>>
      %dma_start3A_68 = arith.constant 0 : i32
      %dma_start3A_69 = tpu.memref_slice %arg13[%mul3A_62, %dma_start3A_68] : memref<10112x128xf32, #tpu.memory_space<vmem_shared>> -> memref<632x128xf32, #tpu.memory_space<vmem_shared>>
      tpu.enqueue_dma source(%dma_start3A_69 : memref<632x128xf32, #tpu.memory_space<vmem_shared>>) target(%dma_start3A_67 : memref<632x128xf32, #tpu.memory_space<hbm>>) target_semaphore(%run_scoped3A : memref<!tpu.dma_semaphore, #tpu.memory_space<semaphore_mem>>)
      %dma_wait3A_70 = arith.constant 0 : i32
      %dma_wait3A_71 = tpu.memref_slice %arg5[%arg0, %mul3A_64, %dma_wait3A_70] : memref<2x10240x128xf32, #tpu.memory_space<hbm>> -> memref<1x632x128xf32, #tpu.memory_space<hbm>>
      %dma_wait3A_72 = tpu.memref_squeeze %dma_wait3A_71 : memref<1x632x128xf32, #tpu.memory_space<hbm>> -> memref<632x128xf32, #tpu.memory_space<hbm>>
      %dma_wait3A_73 = arith.constant 0 : i32
      %dma_wait3A_74 = tpu.memref_slice %arg13[%mul3A_62, %dma_wait3A_73] : memref<10112x128xf32, #tpu.memory_space<vmem_shared>> -> memref<632x128xf32, #tpu.memory_space<vmem_shared>>
      tpu.wait_dma2 semaphore(%run_scoped3A : memref<!tpu.dma_semaphore, #tpu.memory_space<semaphore_mem>>) src(%dma_wait3A_74 : memref<632x128xf32, #tpu.memory_space<vmem_shared>>) dst(%dma_wait3A_72 : memref<632x128xf32, #tpu.memory_space<hbm>>)
      tpu.yield
    }) : () -> ()
    return
  }
}

#map = affine_map<(d0, d1) -> (0, 0)>
module attributes {stable_mosaic.version = 14 : i64} {
  func.func @_gat_body(%arg0: i32, %arg1: i32, %arg2: memref<10240x128xf32, #tpu.memory_space<hbm>>, %arg3: memref<10000x128xf32, #tpu.memory_space<hbm>>, %arg4: memref<32x80xi32, #tpu.memory_space<hbm>>, %arg5: memref<2560x128xf32, #tpu.memory_space<hbm>>, %arg6: memref<2560x128xf32, #tpu.memory_space<hbm>>, %arg7: memref<80xi32, #tpu.memory_space<vmem>>, %arg8: memref<80x128xf32, #tpu.memory_space<vmem>>, %arg9: memref<80x128xf32, #tpu.memory_space<vmem>>, %arg10: memref<!tpu.dma_semaphore, #tpu.memory_space<semaphore_mem>>) attributes {dimension_semantics = [#tpu.dimension_semantics<core_parallel>, #tpu.dimension_semantics<subcore_parallel>], iteration_bounds = array<i64: 2, 16>, scalar_prefetch = 0 : i64, scratch_operands = 4 : i64, tpu.core_type = #tpu.core_type<sc_vector_subcore>, window_params = [{transform_indices = #map}, {transform_indices = #map}, {transform_indices = #map}, {transform_indices = #map}, {transform_indices = #map}]} {
    %mul3A = arith.constant 16 : i32
    %mul3A_0 = arith.muli %arg0, %mul3A : i32
    %add3A = arith.addi %mul3A_0, %arg1 : i32
    "tpu.region"() ({
      %run_scoped3A = tpu.sem_alloc : memref<!tpu.dma_semaphore, #tpu.memory_space<semaphore_mem>>
      %dma_start3A_15 = arith.constant 0 : i32
      %dma_start3A_16 = tpu.memref_slice %arg4[%add3A, %dma_start3A_15] : memref<32x80xi32, #tpu.memory_space<hbm>> -> memref<1x80xi32, #tpu.memory_space<hbm>>
      %dma_start3A_17 = tpu.memref_squeeze %dma_start3A_16 : memref<1x80xi32, #tpu.memory_space<hbm>> -> memref<80xi32, #tpu.memory_space<hbm>>
      %dma_start3A_18 = arith.constant 0 : i32
      %dma_start3A_19 = tpu.memref_slice %arg4[%add3A, %dma_start3A_18] : memref<32x80xi32, #tpu.memory_space<hbm>> -> memref<1x80xi32, #tpu.memory_space<hbm>>
      %dma_start3A_20 = tpu.memref_squeeze %dma_start3A_19 : memref<1x80xi32, #tpu.memory_space<hbm>> -> memref<80xi32, #tpu.memory_space<hbm>>
      tpu.enqueue_dma source(%dma_start3A_20 : memref<80xi32, #tpu.memory_space<hbm>>) target(%arg7 : memref<80xi32, #tpu.memory_space<vmem>>) target_semaphore(%run_scoped3A : memref<!tpu.dma_semaphore, #tpu.memory_space<semaphore_mem>>)
      %dma_wait3A_21 = arith.constant 0 : i32
      %dma_wait3A_22 = tpu.memref_slice %arg4[%add3A, %dma_wait3A_21] : memref<32x80xi32, #tpu.memory_space<hbm>> -> memref<1x80xi32, #tpu.memory_space<hbm>>
      %dma_wait3A_23 = tpu.memref_squeeze %dma_wait3A_22 : memref<1x80xi32, #tpu.memory_space<hbm>> -> memref<80xi32, #tpu.memory_space<hbm>>
      %dma_wait3A_24 = arith.constant 0 : i32
      %dma_wait3A_25 = tpu.memref_slice %arg4[%add3A, %dma_wait3A_24] : memref<32x80xi32, #tpu.memory_space<hbm>> -> memref<1x80xi32, #tpu.memory_space<hbm>>
      %dma_wait3A_26 = tpu.memref_squeeze %dma_wait3A_25 : memref<1x80xi32, #tpu.memory_space<hbm>> -> memref<80xi32, #tpu.memory_space<hbm>>
      tpu.wait_dma2 semaphore(%run_scoped3A : memref<!tpu.dma_semaphore, #tpu.memory_space<semaphore_mem>>) src(%dma_wait3A_26 : memref<80xi32, #tpu.memory_space<hbm>>) dst(%arg7 : memref<80xi32, #tpu.memory_space<vmem>>)
      tpu.yield
    }) : () -> ()
    %dma_start3A = arith.constant 0 : i32
    %dma_start3A_1 = arith.constant 0 : i32
    %dma_start3A_2 = tpu.memref_slice %arg2[%dma_start3A, %dma_start3A_1] : memref<10240x128xf32, #tpu.memory_space<hbm>> -> memref<10240x128xf32, #tpu.memory_space<hbm>>
    tpu.enqueue_indirect_dma source(%dma_start3A_2 : memref<10240x128xf32, #tpu.memory_space<hbm>>) target(%arg8 : memref<80x128xf32, #tpu.memory_space<vmem>>) offsets(%arg7 : memref<80xi32, #tpu.memory_space<vmem>>) semaphore(%arg10 : memref<!tpu.dma_semaphore, #tpu.memory_space<semaphore_mem>>)
    %dma_wait3A = arith.constant 0 : i32
    %dma_wait3A_3 = arith.constant 0 : i32
    %dma_wait3A_4 = tpu.memref_slice %arg2[%dma_wait3A, %dma_wait3A_3] : memref<10240x128xf32, #tpu.memory_space<hbm>> -> memref<10240x128xf32, #tpu.memory_space<hbm>>
    tpu.wait_indirect_dma semaphore(%arg10 : memref<!tpu.dma_semaphore, #tpu.memory_space<semaphore_mem>>) src(%dma_wait3A_4 : memref<10240x128xf32, #tpu.memory_space<hbm>>) dst(%arg8 : memref<80x128xf32, #tpu.memory_space<vmem>>)
    %dma_start3A_5 = arith.constant 0 : i32
    %dma_start3A_6 = arith.constant 0 : i32
    %dma_start3A_7 = tpu.memref_slice %arg3[%dma_start3A_5, %dma_start3A_6] : memref<10000x128xf32, #tpu.memory_space<hbm>> -> memref<10000x128xf32, #tpu.memory_space<hbm>>
    tpu.enqueue_indirect_dma source(%dma_start3A_7 : memref<10000x128xf32, #tpu.memory_space<hbm>>) target(%arg9 : memref<80x128xf32, #tpu.memory_space<vmem>>) offsets(%arg7 : memref<80xi32, #tpu.memory_space<vmem>>) semaphore(%arg10 : memref<!tpu.dma_semaphore, #tpu.memory_space<semaphore_mem>>)
    %dma_wait3A_8 = arith.constant 0 : i32
    %dma_wait3A_9 = arith.constant 0 : i32
    %dma_wait3A_10 = tpu.memref_slice %arg3[%dma_wait3A_8, %dma_wait3A_9] : memref<10000x128xf32, #tpu.memory_space<hbm>> -> memref<10000x128xf32, #tpu.memory_space<hbm>>
    tpu.wait_indirect_dma semaphore(%arg10 : memref<!tpu.dma_semaphore, #tpu.memory_space<semaphore_mem>>) src(%dma_wait3A_10 : memref<10000x128xf32, #tpu.memory_space<hbm>>) dst(%arg9 : memref<80x128xf32, #tpu.memory_space<vmem>>)
    %mul3A_11 = arith.constant 80 : i32
    %mul3A_12 = arith.muli %add3A, %mul3A_11 : i32
    "tpu.region"() ({
      %run_scoped3A = tpu.sem_alloc : memref<!tpu.dma_semaphore, #tpu.memory_space<semaphore_mem>>
      %dma_start3A_15 = arith.constant 0 : i32
      %dma_start3A_16 = tpu.memref_slice %arg5[%mul3A_12, %dma_start3A_15] : memref<2560x128xf32, #tpu.memory_space<hbm>> -> memref<80x128xf32, #tpu.memory_space<hbm>>
      %dma_start3A_17 = arith.constant 0 : i32
      %dma_start3A_18 = tpu.memref_slice %arg5[%mul3A_12, %dma_start3A_17] : memref<2560x128xf32, #tpu.memory_space<hbm>> -> memref<80x128xf32, #tpu.memory_space<hbm>>
      tpu.enqueue_dma source(%arg8 : memref<80x128xf32, #tpu.memory_space<vmem>>) target(%dma_start3A_18 : memref<80x128xf32, #tpu.memory_space<hbm>>) target_semaphore(%run_scoped3A : memref<!tpu.dma_semaphore, #tpu.memory_space<semaphore_mem>>)
      %dma_wait3A_19 = arith.constant 0 : i32
      %dma_wait3A_20 = tpu.memref_slice %arg5[%mul3A_12, %dma_wait3A_19] : memref<2560x128xf32, #tpu.memory_space<hbm>> -> memref<80x128xf32, #tpu.memory_space<hbm>>
      %dma_wait3A_21 = arith.constant 0 : i32
      %dma_wait3A_22 = tpu.memref_slice %arg5[%mul3A_12, %dma_wait3A_21] : memref<2560x128xf32, #tpu.memory_space<hbm>> -> memref<80x128xf32, #tpu.memory_space<hbm>>
      tpu.wait_dma2 semaphore(%run_scoped3A : memref<!tpu.dma_semaphore, #tpu.memory_space<semaphore_mem>>) src(%arg8 : memref<80x128xf32, #tpu.memory_space<vmem>>) dst(%dma_wait3A_22 : memref<80x128xf32, #tpu.memory_space<hbm>>)
      tpu.yield
    }) : () -> ()
    %mul3A_13 = arith.constant 80 : i32
    %mul3A_14 = arith.muli %add3A, %mul3A_13 : i32
    "tpu.region"() ({
      %run_scoped3A = tpu.sem_alloc : memref<!tpu.dma_semaphore, #tpu.memory_space<semaphore_mem>>
      %dma_start3A_15 = arith.constant 0 : i32
      %dma_start3A_16 = tpu.memref_slice %arg6[%mul3A_14, %dma_start3A_15] : memref<2560x128xf32, #tpu.memory_space<hbm>> -> memref<80x128xf32, #tpu.memory_space<hbm>>
      %dma_start3A_17 = arith.constant 0 : i32
      %dma_start3A_18 = tpu.memref_slice %arg6[%mul3A_14, %dma_start3A_17] : memref<2560x128xf32, #tpu.memory_space<hbm>> -> memref<80x128xf32, #tpu.memory_space<hbm>>
      tpu.enqueue_dma source(%arg9 : memref<80x128xf32, #tpu.memory_space<vmem>>) target(%dma_start3A_18 : memref<80x128xf32, #tpu.memory_space<hbm>>) target_semaphore(%run_scoped3A : memref<!tpu.dma_semaphore, #tpu.memory_space<semaphore_mem>>)
      %dma_wait3A_19 = arith.constant 0 : i32
      %dma_wait3A_20 = tpu.memref_slice %arg6[%mul3A_14, %dma_wait3A_19] : memref<2560x128xf32, #tpu.memory_space<hbm>> -> memref<80x128xf32, #tpu.memory_space<hbm>>
      %dma_wait3A_21 = arith.constant 0 : i32
      %dma_wait3A_22 = tpu.memref_slice %arg6[%mul3A_14, %dma_wait3A_21] : memref<2560x128xf32, #tpu.memory_space<hbm>> -> memref<80x128xf32, #tpu.memory_space<hbm>>
      tpu.wait_dma2 semaphore(%run_scoped3A : memref<!tpu.dma_semaphore, #tpu.memory_space<semaphore_mem>>) src(%arg9 : memref<80x128xf32, #tpu.memory_space<vmem>>) dst(%dma_wait3A_22 : memref<80x128xf32, #tpu.memory_space<hbm>>)
      tpu.yield
    }) : () -> ()
    return
  }
}

module attributes {stable_mosaic.version = 14 : i64} {
  func.func @_stage1_body(%arg0: i32, %arg1: memref<2x1024x128xf32, #tpu.memory_space<vmem>>, %arg2: memref<1024x128xf32, #tpu.memory_space<vmem>>, %arg3: memref<1024x8xf32, #tpu.memory_space<vmem>>, %arg4: memref<128x128xf32, #tpu.memory_space<vmem>>, %arg5: memref<8x128xf32, #tpu.memory_space<vmem>>, %arg6: memref<1024x128xf32, #tpu.memory_space<vmem>>, %arg7: memref<1024x1xf32, #tpu.memory_space<vmem>>) attributes {dimension_semantics = [#tpu.dimension_semantics<arbitrary>], iteration_bounds = array<i64: 10>, scalar_prefetch = 0 : i64, scratch_operands = 0 : i64, tpu.core_type = #tpu.core_type<tc>, window_params = [{transform_indices = @transform_0, window_bounds = array<i64: 2, 1024, 128>}, {transform_indices = @transform_1, window_bounds = array<i64: 1024, 128>}, {transform_indices = @transform_2, window_bounds = array<i64: 1024, 8>}, {pipeline_mode = #tpu.pipeline_mode<synchronous>, transform_indices = @transform_3, window_bounds = array<i64: 128, 128>}, {pipeline_mode = #tpu.pipeline_mode<synchronous>, transform_indices = @transform_4, window_bounds = array<i64: 8, 128>}, {transform_indices = @transform_5, window_bounds = array<i64: 1024, 128>}, {transform_indices = @transform_6, window_bounds = array<i64: 1024, 1>}]} {
    %get3A = arith.constant 0 : index
    %get3A_0 = arith.constant 0 : index
    %get3A_1 = arith.constant 0 : index
    %get3A_2 = vector.load %arg1[%get3A, %get3A_0, %get3A_1] : memref<2x1024x128xf32, #tpu.memory_space<vmem>>, vector<2x1024x128xf32>
    %slice3A = vector.extract_strided_slice %get3A_2 {offsets = [0, 0, 0], sizes = [1, 1024, 128], strides = [1, 1, 1]} : vector<2x1024x128xf32> to vector<1x1024x128xf32>
    %squeeze3A = vector.shape_cast %slice3A : vector<1x1024x128xf32> to vector<1024x128xf32>
    %slice3A_3 = vector.extract_strided_slice %squeeze3A {offsets = [0, 0], sizes = [1024, 1], strides = [1, 1]} : vector<1024x128xf32> to vector<1024x1xf32>
    %slice3A_4 = vector.extract_strided_slice %get3A_2 {offsets = [1, 0, 0], sizes = [1, 1024, 128], strides = [1, 1, 1]} : vector<2x1024x128xf32> to vector<1x1024x128xf32>
    %squeeze3A_5 = vector.shape_cast %slice3A_4 : vector<1x1024x128xf32> to vector<1024x128xf32>
    %slice3A_6 = vector.extract_strided_slice %squeeze3A_5 {offsets = [0, 0], sizes = [1024, 1], strides = [1, 1]} : vector<1024x128xf32> to vector<1024x1xf32>
    %add3A = arith.addf %slice3A_3, %slice3A_6 : vector<1024x1xf32>
    %add3A_7 = arith.constant 1.000000e+00 : f32
    %add3A_8 = vector.broadcast %add3A_7 : f32 to vector<1024x1xf32>
    %add3A_9 = arith.addf %add3A, %add3A_8 : vector<1024x1xf32>
    %rsqrt3A = math.rsqrt %add3A_9 : vector<1024x1xf32>
    %get3A_10 = arith.constant 0 : index
    %get3A_11 = arith.constant 0 : index
    %get3A_12 = vector.load %arg2[%get3A_10, %get3A_11] : memref<1024x128xf32, #tpu.memory_space<vmem>>, vector<1024x128xf32>
    %get3A_13 = arith.constant 0 : index
    %get3A_14 = arith.constant 0 : index
    %get3A_15 = vector.load %arg4[%get3A_13, %get3A_14] : memref<128x128xf32, #tpu.memory_space<vmem>>, vector<128x128xf32>
    %dot_general3A = arith.constant dense<0.000000e+00> : vector<1024x128xf32>
    %dot_general3A_16 = tpu.matmul %get3A_12, %get3A_15, %dot_general3A {dimension_numbers = #tpu.dot_dimension_numbers<[1], [0], [0], [1], [0, 0, 1, 1], [], []>, precision = #tpu.contract_precision<fp32>, transpose_lhs_hint = false} : vector<1024x128xf32>, vector<128x128xf32>, vector<1024x128xf32> -> vector<1024x128xf32>
    %get3A_17 = arith.constant 0 : index
    %get3A_18 = arith.constant 0 : index
    %get3A_19 = vector.load %arg3[%get3A_17, %get3A_18] : memref<1024x8xf32, #tpu.memory_space<vmem>>, vector<1024x8xf32>
    %get3A_20 = arith.constant 0 : index
    %get3A_21 = arith.constant 0 : index
    %get3A_22 = vector.load %arg5[%get3A_20, %get3A_21] : memref<8x128xf32, #tpu.memory_space<vmem>>, vector<8x128xf32>
    %dot_general3A_23 = arith.constant dense<0.000000e+00> : vector<1024x128xf32>
    %dot_general3A_24 = tpu.matmul %get3A_19, %get3A_22, %dot_general3A_23 {dimension_numbers = #tpu.dot_dimension_numbers<[1], [0], [0], [1], [0, 0, 1, 1], [], []>, precision = #tpu.contract_precision<fp32>, transpose_lhs_hint = false} : vector<1024x8xf32>, vector<8x128xf32>, vector<1024x128xf32> -> vector<1024x128xf32>
    %add3A_25 = arith.addf %dot_general3A_16, %dot_general3A_24 : vector<1024x128xf32>
    %mul3A = vector.broadcast %rsqrt3A : vector<1024x1xf32> to vector<1024x128xf32>
    %mul3A_26 = arith.mulf %add3A_25, %mul3A : vector<1024x128xf32>
    %swap3A = arith.constant 0 : index
    %swap3A_27 = arith.constant 0 : index
    %swap3A_28 = vector.load %arg6[%swap3A, %swap3A_27] : memref<1024x128xf32, #tpu.memory_space<vmem>>, vector<1024x128xf32>
    tpu.vector_store %arg6[%swap3A, %swap3A_27], %mul3A_26 {strides = array<i32>} : memref<1024x128xf32, #tpu.memory_space<vmem>>, vector<1024x128xf32>,
    %swap3A_29 = arith.constant 0 : index
    %swap3A_30 = arith.constant 0 : index
    %swap3A_31 = vector.load %arg7[%swap3A_29, %swap3A_30] : memref<1024x1xf32, #tpu.memory_space<vmem>>, vector<1024x1xf32>
    tpu.vector_store %arg7[%swap3A_29, %swap3A_30], %rsqrt3A {strides = array<i32>} : memref<1024x1xf32, #tpu.memory_space<vmem>>, vector<1024x1xf32>,
    return
  }
  func.func @transform_0(%arg0: i32) -> (i32, i32, i32) {
    %c0_i32 = arith.constant 0 : i32
    %c0_i32_0 = arith.constant 0 : i32
    %c0_i32_1 = arith.constant 0 : i32
    return %c0_i32, %arg0, %c0_i32_0 : i32, i32, i32
  }
  func.func @transform_1(%arg0: i32) -> (i32, i32) {
    %c0_i32 = arith.constant 0 : i32
    %c0_i32_0 = arith.constant 0 : i32
    return %arg0, %c0_i32 : i32, i32
  }
  func.func @transform_2(%arg0: i32) -> (i32, i32) {
    %c0_i32 = arith.constant 0 : i32
    %c0_i32_0 = arith.constant 0 : i32
    return %arg0, %c0_i32 : i32, i32
  }
  func.func @transform_3(%arg0: i32) -> (i32, i32) {
    %c0_i32 = arith.constant 0 : i32
    %c0_i32_0 = arith.constant 0 : i32
    %c0_i32_1 = arith.constant 0 : i32
    return %c0_i32, %c0_i32_0 : i32, i32
  }
  func.func @transform_4(%arg0: i32) -> (i32, i32) {
    %c0_i32 = arith.constant 0 : i32
    %c0_i32_0 = arith.constant 0 : i32
    %c0_i32_1 = arith.constant 0 : i32
    return %c0_i32, %c0_i32_0 : i32, i32
  }
  func.func @transform_5(%arg0: i32) -> (i32, i32) {
    %c0_i32 = arith.constant 0 : i32
    %c0_i32_0 = arith.constant 0 : i32
    return %arg0, %c0_i32 : i32, i32
  }
  func.func @transform_6(%arg0: i32) -> (i32, i32) {
    %c0_i32 = arith.constant 0 : i32
    %c0_i32_0 = arith.constant 0 : i32
    return %arg0, %c0_i32 : i32, i32
  }
}

module attributes {stable_mosaic.version = 14 : i64} {
  func.func @_mid_body(%arg0: i32, %arg1: memref<2x1024x128xf32, #tpu.memory_space<vmem>>, %arg2: memref<1024x128xf32, #tpu.memory_space<vmem>>, %arg3: memref<1024x1xf32, #tpu.memory_space<vmem>>, %arg4: memref<128x128xf32, #tpu.memory_space<vmem>>, %arg5: memref<1x128xf32, #tpu.memory_space<vmem>>, %arg6: memref<1024x128xf32, #tpu.memory_space<vmem>>) attributes {dimension_semantics = [#tpu.dimension_semantics<arbitrary>], iteration_bounds = array<i64: 10>, scalar_prefetch = 0 : i64, scratch_operands = 0 : i64, tpu.core_type = #tpu.core_type<tc>, window_params = [{transform_indices = @transform_0, window_bounds = array<i64: 2, 1024, 128>}, {transform_indices = @transform_1, window_bounds = array<i64: 1024, 128>}, {transform_indices = @transform_2, window_bounds = array<i64: 1024, 1>}, {pipeline_mode = #tpu.pipeline_mode<synchronous>, transform_indices = @transform_3, window_bounds = array<i64: 128, 128>}, {pipeline_mode = #tpu.pipeline_mode<synchronous>, transform_indices = @transform_4, window_bounds = array<i64: 1, 128>}, {transform_indices = @transform_5, window_bounds = array<i64: 1024, 128>}]} {
    %get3A = arith.constant 0 : index
    %get3A_0 = arith.constant 0 : index
    %get3A_1 = arith.constant 0 : index
    %get3A_2 = vector.load %arg1[%get3A, %get3A_0, %get3A_1] : memref<2x1024x128xf32, #tpu.memory_space<vmem>>, vector<2x1024x128xf32>
    %get3A_3 = arith.constant 0 : index
    %get3A_4 = arith.constant 0 : index
    %get3A_5 = vector.load %arg3[%get3A_3, %get3A_4] : memref<1024x1xf32, #tpu.memory_space<vmem>>, vector<1024x1xf32>
    %slice3A = vector.extract_strided_slice %get3A_2 {offsets = [0, 0, 0], sizes = [1, 1024, 128], strides = [1, 1, 1]} : vector<2x1024x128xf32> to vector<1x1024x128xf32>
    %squeeze3A = vector.shape_cast %slice3A : vector<1x1024x128xf32> to vector<1024x128xf32>
    %slice3A_6 = vector.extract_strided_slice %get3A_2 {offsets = [1, 0, 0], sizes = [1, 1024, 128], strides = [1, 1, 1]} : vector<2x1024x128xf32> to vector<1x1024x128xf32>
    %squeeze3A_7 = vector.shape_cast %slice3A_6 : vector<1x1024x128xf32> to vector<1024x128xf32>
    %add3A = arith.addf %squeeze3A, %squeeze3A_7 : vector<1024x128xf32>
    %get3A_8 = arith.constant 0 : index
    %get3A_9 = arith.constant 0 : index
    %get3A_10 = vector.load %arg2[%get3A_8, %get3A_9] : memref<1024x128xf32, #tpu.memory_space<vmem>>, vector<1024x128xf32>
    %sub3A = arith.subf %add3A, %get3A_10 : vector<1024x128xf32>
    %mul3A = vector.broadcast %get3A_5 : vector<1024x1xf32> to vector<1024x128xf32>
    %mul3A_11 = arith.mulf %sub3A, %mul3A : vector<1024x128xf32>
    %get3A_12 = arith.constant 0 : index
    %get3A_13 = arith.constant 0 : index
    %get3A_14 = vector.load %arg5[%get3A_12, %get3A_13] : memref<1x128xf32, #tpu.memory_space<vmem>>, vector<1x128xf32>
    %add3A_15 = vector.broadcast %get3A_14 : vector<1x128xf32> to vector<1024x128xf32>
    %add3A_16 = arith.addf %mul3A_11, %add3A_15 : vector<1024x128xf32>
    %max3A = arith.constant 0.000000e+00 : f32
    %max3A_17 = vector.broadcast %max3A : f32 to vector<1024x128xf32>
    %max3A_18 = arith.maximumf %add3A_16, %max3A_17 : vector<1024x128xf32>
    %get3A_19 = arith.constant 0 : index
    %get3A_20 = arith.constant 0 : index
    %get3A_21 = vector.load %arg4[%get3A_19, %get3A_20] : memref<128x128xf32, #tpu.memory_space<vmem>>, vector<128x128xf32>
    %dot_general3A = arith.constant dense<0.000000e+00> : vector<1024x128xf32>
    %dot_general3A_22 = tpu.matmul %max3A_18, %get3A_21, %dot_general3A {dimension_numbers = #tpu.dot_dimension_numbers<[1], [0], [0], [1], [0, 0, 1, 1], [], []>, precision = #tpu.contract_precision<fp32>, transpose_lhs_hint = false} : vector<1024x128xf32>, vector<128x128xf32>, vector<1024x128xf32> -> vector<1024x128xf32>
    %mul3A_23 = vector.broadcast %get3A_5 : vector<1024x1xf32> to vector<1024x128xf32>
    %mul3A_24 = arith.mulf %dot_general3A_22, %mul3A_23 : vector<1024x128xf32>
    %swap3A = arith.constant 0 : index
    %swap3A_25 = arith.constant 0 : index
    %swap3A_26 = vector.load %arg6[%swap3A, %swap3A_25] : memref<1024x128xf32, #tpu.memory_space<vmem>>, vector<1024x128xf32>
    tpu.vector_store %arg6[%swap3A, %swap3A_25], %mul3A_24 {strides = array<i32>} : memref<1024x128xf32, #tpu.memory_space<vmem>>, vector<1024x128xf32>,
    return
  }
  func.func @transform_0(%arg0: i32) -> (i32, i32, i32) {
    %c0_i32 = arith.constant 0 : i32
    %c0_i32_0 = arith.constant 0 : i32
    %c0_i32_1 = arith.constant 0 : i32
    return %c0_i32, %arg0, %c0_i32_0 : i32, i32, i32
  }
  func.func @transform_1(%arg0: i32) -> (i32, i32) {
    %c0_i32 = arith.constant 0 : i32
    %c0_i32_0 = arith.constant 0 : i32
    return %arg0, %c0_i32 : i32, i32
  }
  func.func @transform_2(%arg0: i32) -> (i32, i32) {
    %c0_i32 = arith.constant 0 : i32
    %c0_i32_0 = arith.constant 0 : i32
    return %arg0, %c0_i32 : i32, i32
  }
  func.func @transform_3(%arg0: i32) -> (i32, i32) {
    %c0_i32 = arith.constant 0 : i32
    %c0_i32_0 = arith.constant 0 : i32
    %c0_i32_1 = arith.constant 0 : i32
    return %c0_i32, %c0_i32_0 : i32, i32
  }
  func.func @transform_4(%arg0: i32) -> (i32, i32) {
    %c0_i32 = arith.constant 0 : i32
    %c0_i32_0 = arith.constant 0 : i32
    %c0_i32_1 = arith.constant 0 : i32
    return %c0_i32, %c0_i32_0 : i32, i32
  }
  func.func @transform_5(%arg0: i32) -> (i32, i32) {
    %c0_i32 = arith.constant 0 : i32
    %c0_i32_0 = arith.constant 0 : i32
    return %arg0, %c0_i32 : i32, i32
  }
}

module attributes {stable_mosaic.version = 14 : i64} {
  func.func @_last_body(%arg0: i32, %arg1: memref<2x1024x128xf32, #tpu.memory_space<vmem>>, %arg2: memref<1024x128xf32, #tpu.memory_space<vmem>>, %arg3: memref<1024x1xf32, #tpu.memory_space<vmem>>, %arg4: memref<1x128xf32, #tpu.memory_space<vmem>>, %arg5: memref<1024x128xf32, #tpu.memory_space<vmem>>) attributes {dimension_semantics = [#tpu.dimension_semantics<arbitrary>], iteration_bounds = array<i64: 10>, scalar_prefetch = 0 : i64, scratch_operands = 0 : i64, tpu.core_type = #tpu.core_type<tc>, window_params = [{transform_indices = @transform_0, window_bounds = array<i64: 2, 1024, 128>}, {transform_indices = @transform_1, window_bounds = array<i64: 1024, 128>}, {transform_indices = @transform_2, window_bounds = array<i64: 1024, 1>}, {pipeline_mode = #tpu.pipeline_mode<synchronous>, transform_indices = @transform_3, window_bounds = array<i64: 1, 128>}, {transform_indices = @transform_4, window_bounds = array<i64: 1024, 128>}]} {
    %get3A = arith.constant 0 : index
    %get3A_0 = arith.constant 0 : index
    %get3A_1 = arith.constant 0 : index
    %get3A_2 = vector.load %arg1[%get3A, %get3A_0, %get3A_1] : memref<2x1024x128xf32, #tpu.memory_space<vmem>>, vector<2x1024x128xf32>
    %slice3A = vector.extract_strided_slice %get3A_2 {offsets = [0, 0, 0], sizes = [1, 1024, 128], strides = [1, 1, 1]} : vector<2x1024x128xf32> to vector<1x1024x128xf32>
    %squeeze3A = vector.shape_cast %slice3A : vector<1x1024x128xf32> to vector<1024x128xf32>
    %slice3A_3 = vector.extract_strided_slice %get3A_2 {offsets = [1, 0, 0], sizes = [1, 1024, 128], strides = [1, 1, 1]} : vector<2x1024x128xf32> to vector<1x1024x128xf32>
    %squeeze3A_4 = vector.shape_cast %slice3A_3 : vector<1x1024x128xf32> to vector<1024x128xf32>
    %add3A = arith.addf %squeeze3A, %squeeze3A_4 : vector<1024x128xf32>
    %get3A_5 = arith.constant 0 : index
    %get3A_6 = arith.constant 0 : index
    %get3A_7 = vector.load %arg2[%get3A_5, %get3A_6] : memref<1024x128xf32, #tpu.memory_space<vmem>>, vector<1024x128xf32>
    %sub3A = arith.subf %add3A, %get3A_7 : vector<1024x128xf32>
    %get3A_8 = arith.constant 0 : index
    %get3A_9 = arith.constant 0 : index
    %get3A_10 = vector.load %arg3[%get3A_8, %get3A_9] : memref<1024x1xf32, #tpu.memory_space<vmem>>, vector<1024x1xf32>
    %mul3A = vector.broadcast %get3A_10 : vector<1024x1xf32> to vector<1024x128xf32>
    %mul3A_11 = arith.mulf %sub3A, %mul3A : vector<1024x128xf32>
    %get3A_12 = arith.constant 0 : index
    %get3A_13 = arith.constant 0 : index
    %get3A_14 = vector.load %arg4[%get3A_12, %get3A_13] : memref<1x128xf32, #tpu.memory_space<vmem>>, vector<1x128xf32>
    %add3A_15 = vector.broadcast %get3A_14 : vector<1x128xf32> to vector<1024x128xf32>
    %add3A_16 = arith.addf %mul3A_11, %add3A_15 : vector<1024x128xf32>
    %max3A = arith.constant 0.000000e+00 : f32
    %max3A_17 = vector.broadcast %max3A : f32 to vector<1024x128xf32>
    %max3A_18 = arith.maximumf %add3A_16, %max3A_17 : vector<1024x128xf32>
    %swap3A = arith.constant 0 : index
    %swap3A_19 = arith.constant 0 : index
    %swap3A_20 = vector.load %arg5[%swap3A, %swap3A_19] : memref<1024x128xf32, #tpu.memory_space<vmem>>, vector<1024x128xf32>
    tpu.vector_store %arg5[%swap3A, %swap3A_19], %max3A_18 {strides = array<i32>} : memref<1024x128xf32, #tpu.memory_space<vmem>>, vector<1024x128xf32>,
    return
  }
  func.func @transform_0(%arg0: i32) -> (i32, i32, i32) {
    %c0_i32 = arith.constant 0 : i32
    %c0_i32_0 = arith.constant 0 : i32
    %c0_i32_1 = arith.constant 0 : i32
    return %c0_i32, %arg0, %c0_i32_0 : i32, i32, i32
  }
  func.func @transform_1(%arg0: i32) -> (i32, i32) {
    %c0_i32 = arith.constant 0 : i32
    %c0_i32_0 = arith.constant 0 : i32
    return %arg0, %c0_i32 : i32, i32
  }
  func.func @transform_2(%arg0: i32) -> (i32, i32) {
    %c0_i32 = arith.constant 0 : i32
    %c0_i32_0 = arith.constant 0 : i32
    return %arg0, %c0_i32 : i32, i32
  }
  func.func @transform_3(%arg0: i32) -> (i32, i32) {
    %c0_i32 = arith.constant 0 : i32
    %c0_i32_0 = arith.constant 0 : i32
    %c0_i32_1 = arith.constant 0 : i32
    return %c0_i32, %c0_i32_0 : i32, i32
  }
  func.func @transform_4(%arg0: i32) -> (i32, i32) {
    %c0_i32 = arith.constant 0 : i32
    %c0_i32_0 = arith.constant 0 : i32
    return %arg0, %c0_i32 : i32, i32
  }
}

</mosaic_0001>

<sc_bundles>
// kernel: kernel.11.cloned.1.call-start
scs
__scs_entry_jumppad:
0x0: {  	(pc) =	sbr.rel $0x88, $3  }
0x1: {  	(tag) =	ssettag $0x0;
	lr =	simm.s32 $0x1  }
0x2: {  	[smem:$0x3F96] =	sst lr;
	_ =	strace $0xD0000000  }
0x3: {  	_ = 	snop  }
0x4: {  	_ = 	snop  }
0x5: {  	_ = 	snop  }
0x6: {  	_ = 	snop  }
0x7: {  	_ = 	snop  }
__scs_overlays_trampoline_lowered:
0x8: {  	[smem:$0x3FA5] =	sst s0  }
0x9: {  	[smem:$0x3FA6] =	sst s1  }
0xa: {  	[smem:$0x3FA7] =	sst s2  }
0xb: {  	[smem:$0x3FA8] =	sst s3  }
0xc: {  	[smem:$0x3FA9] =	sst s4  }
0xd: {  	[smem:$0x3FAA] =	sst s5  }
0xe: {  	[smem:$0x3FAB] =	sst s6  }
0xf: {  	[smem:$0x3FAC] =	sst s7  }
0x10: {  	[smem:$0x3FAD] =	sst s8  }
0x11: {  	[smem:$0x3FAE] =	sst s9;
	s0 =	simm.s32 @!p0 $0x0  }
0x12: {  	s1 =	sld [smem:$0x3F94];
	s0 =	simm.s32 @p0 $0x1  }
0x13: {  	[smem:$0x3FAF] =	sst s0;
	s0 =	simm.s32 @!p1 $0x0  }
0x14: {  	s2 =	sld [smem:$0x3F93];
	s0 =	simm.s32 @p1 $0x1  }
0x15: {  	[smem:$0x3FB0] =	sst s0;
	s0 =	simm.s32 @!p2 $0x0  }
0x16: {  	s3 =	sld [smem:$0x3FDB];
	s0 =	simm.s32 @p2 $0x1  }
0x17: {  	s4 =	simm.s32 $0x1BF5;
	[smem:$0x3FB2] =	sst s0  }
0x18: {  	s0 =	sld [smem:$0x3F95];
	_ =	swait.ge [sflag:s4], $0x0  }
0x19: {  	s7 =	sld [smem:$0x3F96]  }
0x1a: {  	s8 =	sadd.s32 $0xFFFFE003, lr  }
0x1b: {  	s9 =	sadd.s32 $0xFFFFFEF7, lr;
	s5 =	simm.s32 $0xFFFFFFFF;
	p2 =	slt.u32 s8, $0xFFFFF086  }
0x1c: {  	p1 =	slt.u32 s9, $0xF7A;
	s5 =	simm.s32 @!p2 $0x0  }
0x1d: {  	s5 =	simm.s32 @p1 $0x1;
	p0 =	seq.s32 s7, s2  }
0x1e: {  	s7 =	smul.u32 @!p0 $0xF7A, s2;
	p2 =	seq.s32 @!p0 s5, $0x0  }
0x1f: {  	s9 =	smul.u32 $0xF7A, s1;
	s8 =	simm.s32 @!p0 $0x1BF5;
	p2 =	por !p2, p0  }
0x20: {  	[sflag:s8] =	ssyncset.s32 @!p0 $0xFFFFF086;
	s6 =	sadd.s32 @!p0 s3, s7;
	s7 =	simm.s32 @!p0 $0x108  }
0x21: {  	s3 =	sadd.s32 s3, s9;
	s6 =	sadd.s32 @!p0 $0x88, s6;
	s7 =	simm.s32 @p2 $0x1082  }
0x22: {  	[simem:s7], [sflag:s8] =	dma.local @!p0 [hbm:s6], $0xF7A  }
0x23: {  	s9 =	sor.u32 $0xD0000000, s2;
	s6 =	simm.s32 $0x108;
	_ =	swait.ge @!p0 [sflag:s8], $0x0  }
0x24: {  	s3 =	sadd.s32 $0x88, s3;
	s6 =	simm.s32 @!p1 $0x1082;
	[sflag:s4] =	ssyncset.s32 $0xFFFFF086  }
0x25: {  	[simem:s6], [sflag:s4] =	dma.local [hbm:s3], $0xF7A  }
0x26: {  	[smem:$0x3F96] =	sst s1;
	(tag) =	ssettag s2;
	_ =	strace s9  }
0x27: {  	s1 =	sld [smem:$0x3FA6]  }
0x28: {  	s2 =	sld [smem:$0x3FA7]  }
0x29: {  	s4 =	sld [smem:$0x3FA9]  }
0x2a: {  	p0 =	seq.s32 s5, $0x0;
	s5 =	sld [smem:$0x3FAA]  }
0x2b: {  	s6 =	sld [smem:$0x3FAB]  }
0x2c: {  	s7 =	sld [smem:$0x3FAC]  }
0x2d: {  	s3 =	simm.s32 $0x108;
	s8 =	sld [smem:$0x3FAD]  }
0x2e: {  	s3 =	simm.s32 @!p0 $0x1082;
	s9 =	sld [smem:$0x3FAE]  }
0x2f: {  	lr =	sadd.s32 s0, s3;
	s0 =	sld [smem:$0x3FA5]  }
0x30: {  	s3 =	sld [smem:$0x3FA8]  }
0x31: {  	[smem:$0x3FB1] =	sst s10  }
0x32: {  	s10 =	sld [smem:$0x3FAF];
	_ =	sdelay $0x3  }
0x33: {  	p0 =	seq.s32 s10, $0x1;
	s10 =	sld [smem:$0x3FB1];
	_ =	sdelay $0x3  }
0x34: {  	[smem:$0x3FB1] =	sst s10  }
0x35: {  	s10 =	sld [smem:$0x3FB0];
	_ =	sdelay $0x3  }
0x36: {  	p1 =	seq.s32 s10, $0x1;
	s10 =	sld [smem:$0x3FB1];
	_ =	sdelay $0x3  }
0x37: {  	[smem:$0x3FB1] =	sst s10  }
0x38: {  	s10 =	sld [smem:$0x3FB2]  }
0x39: {  	_ = 	snop;
	(pc) =	sbr.ind lr, $3  }
0x3a: {  	_ = 	snop  }
0x3b: {  	_ = 	snop  }
0x3c: {  	p2 =	seq.s32 s10, $0x1;
	s10 =	sld [smem:$0x3FB1]  }
0x3d: {  	_ =	shalt  }
0x3e: {  	_ =	shalt  }
0x3f: {  	_ =	shalt  }
0x40: {  	_ =	shalt  }
0x41: {  	_ =	shalt  }
0x42: {  	_ =	shalt  }
0x43: {  	_ =	shalt  }
0x44: {  	_ =	shalt  }
0x45: {  	_ =	shalt  }
0x46: {  	_ =	shalt  }
0x47: {  	_ =	shalt  }
0x48: {  	_ =	shalt  }
0x49: {  	_ =	shalt  }
0x4a: {  	_ =	shalt  }
0x4b: {  	_ =	shalt  }
0x4c: {  	_ =	shalt  }
0x4d: {  	_ =	shalt  }
0x4e: {  	_ =	shalt  }
0x4f: {  	_ =	shalt  }
0x50: {  	_ =	shalt  }
0x51: {  	_ =	shalt  }
0x52: {  	_ =	shalt  }
0x53: {  	_ =	shalt  }
0x54: {  	_ =	shalt  }
0x55: {  	_ =	shalt  }
0x56: {  	_ =	shalt  }
0x57: {  	_ =	shalt  }
0x58: {  	_ =	shalt  }
0x59: {  	_ =	shalt  }
0x5a: {  	_ =	shalt  }
0x5b: {  	_ =	shalt  }
0x5c: {  	_ =	shalt  }
0x5d: {  	_ =	shalt  }
0x5e: {  	_ =	shalt  }
0x5f: {  	_ =	shalt  }
0x60: {  	_ =	shalt  }
0x61: {  	_ =	shalt  }
0x62: {  	_ =	shalt  }
0x63: {  	_ =	shalt  }
0x64: {  	_ =	shalt  }
0x65: {  	_ =	shalt  }
0x66: {  	_ =	shalt  }
0x67: {  	_ =	shalt  }
0x68: {  	_ =	shalt  }
0x69: {  	_ =	shalt  }
0x6a: {  	_ =	shalt  }
0x6b: {  	_ =	shalt  }
0x6c: {  	_ =	shalt  }
0x6d: {  	_ =	shalt  }
0x6e: {  	_ =	shalt  }
0x6f: {  	_ =	shalt  }
0x70: {  	_ =	shalt  }
0x71: {  	_ =	shalt  }
0x72: {  	_ =	shalt  }
0x73: {  	_ =	shalt  }
0x74: {  	_ =	shalt  }
0x75: {  	_ =	shalt  }
0x76: {  	_ =	shalt  }
0x77: {  	_ =	shalt  }
0x78: {  	_ =	shalt  }
0x79: {  	_ =	shalt  }
0x7a: {  	_ =	shalt  }
0x7b: {  	_ =	shalt  }
0x7c: {  	_ =	shalt  }
0x7d: {  	_ =	shalt  }
0x7e: {  	_ =	shalt  }
0x7f: {  	_ =	shalt  }
0x80: {  	_ =	shalt  }
0x81: {  	_ =	shalt  }
0x82: {  	_ =	shalt  }
0x83: {  	_ =	shalt  }
0x84: {  	_ =	shalt  }
0x85: {  	_ =	shalt  }
0x86: {  	_ =	shalt  }
0x87: {  	_ =	shalt  }
.Lfunc_end0:
.L_simem_size_0:
called_computation_lowered:
.L_overlay_start_0:
0x88: {  	s2 =	sld [smem:$0x3FD9]  }
0x89: {  	s3 =	sld [smem:$0x3FFE];
	_ =	sdelay $0x1  }
0x8a: {  	s1 =	srdreg.scid  }
0x8b: {  	s0 =	sand.u32 $0x1, s1  }
0x8c: {  	s14 =	sshll.u32 s0, $0xA;
	s2 =	sadd.s32 s3, s2  }
0x8d: {  	s2 =	sadd.s32 s2, s14  }
0x8e: {  	[smem:$0x3FBD] =	sst s2  }
0x8f: {  	_ = 	snop  }
0x90: {  	s2 =	sld [smem:$0x3FD0];
	_ =	sdelay $0x2  }
0x91: {  	s15 =	simm.s32 $0xA;
	s4 =	simm.s32 $0x10  }
0x92: {  	[smem:s4], [sflag:s15] =	dma.local [hbm:s2], $0x1  }
0x93: {  	_ =	swait.eq [sflag:s15], $0x1  }
0x94: {  	[sflag:s15] =	ssyncset.done $0x0  }
0x95: {  	[sflag:s15] =	ssyncadd.s32 $0xFFFFFFFF  }
0x96: {  	s16 =	sld [smem:$0x10];
	(tm) =	ssettm $0x1  }
0x97: {  	s17 =	sld [smem:$0x3FFB];
	_ =	sdelay $0x3  }
0x98: {  	_ =	strace s17  }
0x99: {  	s3 =	sld [smem:$0x3FFC];
	_ =	sdelay $0x3  }
0x9a: {  	_ =	strace s3  }
0x9b: {  	s3 =	sld [smem:$0x3FFD];
	_ =	sdelay $0x3  }
0x9c: {  	_ =	strace s3  }
0x9d: {  	_ =	strace $0x8FFFFFFF  }
0x9e: {  	s18 =	sld [smem:$0x3FDB];
	_ =	sdelay $0x1  }
0x9f: {  	s19 =	simm.s32 $_scs_section_size  }
0xa0: {  	s5 =	simm.s32 $_size__tile_overlayer_lowered;
	s6 =	simm.s32 $_tile_overlayer_lowered  }
0xa1: {  	s22 =	simm.s32 $0x1BFF;
	s21 =	sshll.u32 s6, $0x1;
	s3 =	sadd.s32 s19, s18  }
0xa2: {  	s7 =	simm.s32 $0x0;
	s20 =	sshll.u32 s5, $0x1;
	s5 =	sadd.s32 s21, s3  }
0xa3: {  	[timem:s7], [sflag:s22] =	dma.local [hbm:s5], s20  }
0xa4: {  	_ =	swait.ge [sflag:s22], s20  }
0xa5: {  	s4 =	ssub.s32 $0x0, s20;
	[sflag:s22] =	ssyncset.done $0x0  }
0xa6: {  	[sflag:s22] =	ssyncadd.s32 s4;
	_ =	sdelay $0x1  }
0xa7: {  	s23 =	simm.s32 $0x1B8B  }
0xa8: {  	_ =	swait.ge [sflag:s23], $0x1  }
0xa9: {  	[sflag:s23] =	ssyncset.done $0x0  }
0xaa: {  	s25 =	simm.s32 $0x1B8E;
	s24 =	sld [smem:$0x3FFE];
	[sflag:s23] =	ssyncadd.s32 $0xFFFFFFFF  }
0xab: {  	s26 =	simm.s32 $execute0_lowered;
	[smem:$0x3FD2] =	sst s25  }
0xac: {  	s5 =	sshll.u32 s26, $0x1;
	_ =	strace $0x80000046;
	[dreg:$0x1] =	wrdreg $0xFFFFFFFF  }
0xad: {  	s28 =	simm.s32 $_size_execute0_lowered;
	s3 =	sadd.s32 s3, s5;
	[dreg:$0x0] =	wrdreg $0x0  }
0xae: {  	s5 =	sshll.u32 s28, $0x1;
	[dreg:$0x2] =	wrdreg s3  }
0xaf: {  	[dreg:$0x3] =	wrdreg s5  }
0xb0: {  	[dreg:$0x4] =	wrdreg $0xC0  }
0xb1: {  	_ =	task [dreg:s7], $0x5FFFF  }
0xb2: {  	[dreg:$0x1] =	wrdreg $0xFFFFFFFF  }
0xb3: {  	[dreg:$0x0] =	wrdreg $0x60  }
0xb4: {  	[dreg:$0x2] =	wrdreg s24  }
0xb5: {  	[dreg:$0x3] =	wrdreg s16  }
0xb6: {  	[dreg:$0x4] =	wrdreg $0x68800  }
0xb7: {  	[dreg:$0x5] =	wrdreg $0x9  }
0xb8: {  	_ =	task.clear_ibuf [dreg:s7], $0x6FFFF;
	_ =	strace $0x90000046  }
0xb9: {  	s29 =	simm.s32 $0x9;
	_ =	strace $0x80000048  }
0xba: {  	_ =	swait.ge [sflag:s29], $0x1  }
0xbb: {  	[sflag:s29] =	ssyncadd.s32 $0xFFFFFFFF  }
0xbc: {  	_ =	strace $0x90000048  }
0xbd: {  	_ =	sfence  }
0xbe: {  	s30 =	sld [smem:$0x0];
	_ =	sdelay $0x2  }
0xbf: {  	s31 =	sshll.u32 s1, $0xD;
	s1 =	sshrl.u32 s1, $0x2  }
0xc0: {  	s3 =	sand.u32 $0x4000, s31;
	s1 =	sadd.s32 s1, s30  }
0xc1: {  	s0 =	sor.u32 s3, s0;
	s1 =	sshll.u32 s1, $0x11  }
0xc2: {  	s0 =	sor.u32 s1, s0  }
0xc3: {  	s0 =	sadd.s32 $0x8F2B, s0  }
0xc4: {  	[sflag:s0] =	ssyncadd.remote.s32 $0x1  }
0xc5: {  	_ =	sfence.sel $0xFFFF  }
0xc6: {  	[dreg:$0x0] =	wrdreg $0xFFFFFFFF;
	(pc) =	sbr.abs _section_cstart, $3  }
0xc7: {  	[dreg:$0x1] =	wrdreg $0xFFFFFFFF  }
0xc8: {  	_ =	task.clear_ibuf [dreg:s7], $0x2FFFF;
	_ =	strace $0x9FFFFFFF  }
0xc9: {  	(tm) =	ssettm $0x7FFFFFFF  }
tec
execute0_lowered:
.L_overlay_start_1:
0x0: {  	(tag) =	ssettag $0x1  }
0x1: {  	s6 =	rddreg [dreg:$0x0]  }
0x2: {  	s2 =	rddreg [dreg:$0x1]  }
0x3: {  	s0 =	srdreg.scid;
	s3 =	rddreg [dreg:$0x2]  }
0x4: {  	s4 =	simm.s32 $0x0;
	s13 =	simm.s32 $0x80;
	s5 =	sand.u32 $0x1, s0  }
0x5: {  	s14 =	simm.s32 $0x2800;
	s0 =	stileid.u32;
	s8 =	smul.u32 $0x140000, s5  }
0x6: {  	s15 =	simm.s32 $0x0;
	[smem:$0x7FF] =	sst s4;
	s9 =	smul.u32 $0x14000, s0  }
0x7: {  	s1 =	sshll.u32 s5, $0x4;
	s30 =	ssub.s32 $0x2, s5;
	s10 =	smul.u32 $0x50000, s0  }
0x8: {  	s5 =	sadd.s32 $0x18200, s6;
	s31 =	sshll.u32 s0, $0x6;
	s1 =	sor.u32 s0, s1  }
0x9: {  	s11 =	sshrl.u32 s30, $0x1;
	s7 =	smul.u32 $0x500, s1;
	s1 =	rddreg [dreg:$0x3]  }
0xa: {  	_ =	strace $0x80000047;
	s8 =	sadd.s32 s9, s8;
	s9 =	ssub.s32 s30, s11  }
0xb: {  	s10 =	sshrl.u32 s10, $0x2;
	s11 =	sor.u32 $0x1C01, s31;
	s8 =	sshrl.u32 s8, $0x3  }
0xc: {  	s12 =	sadd.s32 s10, s3;
	s10 =	simm.s32 $0x2880;
	s7 =	sadd.s32 s7, s6  }
0xd: {  	s8 =	sadd.s32 s8, s6;
	s12 =	sshrl.u32 s12, $0x3;
	s6 =	sadd.s32 $0x4200, s7  }
0xe: {  	s7 =	sadd.s32 $0x18A00, s8;
	s8 =	smax.u32 s9, $0x1;
	s9 =	simm.s32 $0x1  }
.LBB2_1:
0xf: {  	[tilespmem:s4], [sflag:$0x1] =	stream.linear.gather [hbm4b:s6+s4], $0x2800, $0x38;
	[tilespmem:$0x1A880] =	vst v63  }
0x10: {  	_ =	swait.ge [sflag:s9], $0x2800  }
0x11: {  	[sflag:s9] =	ssyncset.done $0x0  }
0x12: {  	[sflag:s9] =	ssyncadd.s32 $0xFFFFD800  }
0x13: {  	[tilespmem:s10], [sflag:$0x1] =	stream.linear.gather [hbm4b:s5+s4], $0x4000, $0x38;
	[tilespmem:$0x1A880] =	vst v63  }
0x14: {  	_ =	swait.ge [sflag:s9], $0x4000  }
0x15: {  	[sflag:s9] =	ssyncset.done $0x0  }
0x16: {  	[sflag:s9] =	ssyncadd.s32 $0xFFFFC000  }
0x17: {  	[spmem:s12], [sflag:s11] =	dma.local [hbm:s2], $0x2800  }
0x18: {  	_ =	swait.ge [sflag:s9], $0x2800  }
0x19: {  	[sflag:s9] =	ssyncset.done $0x0  }
0x1a: {  	[sflag:s9] =	ssyncadd.s32 $0xFFFFD800  }
0x1b: {  	s16 =	simm.s32 $0x0;
	[bflag:$0x0] =	sbarrier.arrive $0xFFFF  }
0x1c: {  	v0 =	vld [tilespmem:s16+$0x0];
	_ =	sdelay $0x4  }
0x1d: {  	[tilespmem:$0x2800] =	vst v0  }
0x1e: {  	v0 =	vld [tilespmem:s16+$0x10];
	_ =	sdelay $0x4  }
0x1f: {  	[tilespmem:$0x2810] =	vst v0  }
0x20: {  	v0 =	vld [tilespmem:s16+$0x20];
	_ =	sdelay $0x4  }
0x21: {  	[tilespmem:$0x2820] =	vst v0  }
0x22: {  	v0 =	vld [tilespmem:s16+$0x30];
	_ =	sdelay $0x4  }
0x23: {  	[tilespmem:$0x2830] =	vst v0  }
0x24: {  	v0 =	vld [tilespmem:s16+$0x40];
	_ =	sdelay $0x4  }
0x25: {  	[tilespmem:$0x2840] =	vst v0  }
0x26: {  	v0 =	vld [tilespmem:s16+$0x50];
	_ =	sdelay $0x4  }
0x27: {  	[tilespmem:$0x2850] =	vst v0  }
0x28: {  	v0 =	vld [tilespmem:s16+$0x60];
	_ =	sdelay $0x4  }
0x29: {  	[tilespmem:$0x2860] =	vst v0  }
0x2a: {  	v0 =	vld [tilespmem:s16+$0x70];
	_ =	sdelay $0x4  }
0x2b: {  	[tilespmem:$0x2870] =	vst v0  }
0x2c: {  	[spmem:s3] =	stream.indirect.scatter.add.f32 [tilespmem:s10], [sflag:$0x1], $0x80, s14, s13, $0xb8;
	[tilespmem:$0x1A880] =	vst v63  }
0x2d: {  	_ =	swait.ge [sflag:s9], $0x4000  }
0x2e: {  	s18 =	simm.s32 $0x400;
	s16 =	simm.s32 $0x200;
	[sflag:s9] =	ssyncset.done $0x0  }
.LBB2_2:
0x2f: {  	s19 =	sshra.s32 s16, $0x2  }
0x30: {  	[sflag:s9] =	ssyncadd.s32 $0xFFFFC000;
	s16 =	smov.u32 s18;
	s17 =	sadd.s32 $0x200, s18  }
0x31: {  	p0 =	sne.s32 s18, $0x9E00;
	v0 =	vld [tilespmem:s19+$0x0];
	_ =	sdelay $0x4  }
0x32: {  	[tilespmem:$0x2800] =	vst v0  }
0x33: {  	v0 =	vld [tilespmem:s19+$0x10];
	_ =	sdelay $0x4  }
0x34: {  	[tilespmem:$0x2810] =	vst v0  }
0x35: {  	v0 =	vld [tilespmem:s19+$0x20];
	_ =	sdelay $0x4  }
0x36: {  	[tilespmem:$0x2820] =	vst v0  }
0x37: {  	v0 =	vld [tilespmem:s19+$0x30];
	_ =	sdelay $0x4  }
0x38: {  	[tilespmem:$0x2830] =	vst v0  }
0x39: {  	v0 =	vld [tilespmem:s19+$0x40];
	_ =	sdelay $0x4  }
0x3a: {  	[tilespmem:$0x2840] =	vst v0  }
0x3b: {  	v0 =	vld [tilespmem:s19+$0x50];
	_ =	sdelay $0x4  }
0x3c: {  	[tilespmem:$0x2850] =	vst v0  }
0x3d: {  	v0 =	vld [tilespmem:s19+$0x60];
	_ =	sdelay $0x4  }
0x3e: {  	[tilespmem:$0x2860] =	vst v0  }
0x3f: {  	v0 =	vld [tilespmem:s19+$0x70];
	_ =	sdelay $0x3  }
.Ltmp0:
0x40: {  	(pc) =	sbr.rel @p0 .LBB2_2-.Ltmp0, $4  }
0x41: {  	[tilespmem:$0x2870] =	vst v0  }
0x42: {  	[spmem:s3] =	stream.indirect.scatter.add.f32 [tilespmem:s10], [sflag:$0x1], $0x80, s14, s13, $0xb8;
	[tilespmem:$0x1A880] =	vst v63  }
0x43: {  	_ =	swait.ge [sflag:s9], $0x4000  }
0x44: {  	s18 =	smov.u32 s17;
	[sflag:s9] =	ssyncset.done $0x0  }
0x45: {  	s16 =	sshra.s32 s16, $0x2;
	[sflag:s9] =	ssyncadd.s32 $0xFFFFC000  }
0x46: {  	v0 =	vld [tilespmem:s16+$0x0];
	_ =	sdelay $0x4  }
0x47: {  	[tilespmem:$0x2800] =	vst v0  }
0x48: {  	v0 =	vld [tilespmem:s16+$0x10];
	_ =	sdelay $0x4  }
0x49: {  	[tilespmem:$0x2810] =	vst v0  }
0x4a: {  	v0 =	vld [tilespmem:s16+$0x20];
	_ =	sdelay $0x4  }
0x4b: {  	[tilespmem:$0x2820] =	vst v0  }
0x4c: {  	v0 =	vld [tilespmem:s16+$0x30];
	_ =	sdelay $0x4  }
0x4d: {  	[tilespmem:$0x2830] =	vst v0  }
0x4e: {  	v0 =	vld [tilespmem:s16+$0x40];
	_ =	sdelay $0x4  }
0x4f: {  	[tilespmem:$0x2840] =	vst v0  }
0x50: {  	v0 =	vld [tilespmem:s16+$0x50];
	_ =	sdelay $0x4  }
0x51: {  	[tilespmem:$0x2850] =	vst v0  }
0x52: {  	v0 =	vld [tilespmem:s16+$0x60];
	_ =	sdelay $0x4  }
0x53: {  	[tilespmem:$0x2860] =	vst v0  }
0x54: {  	v0 =	vld [tilespmem:s16+$0x70];
	_ =	sdelay $0x4  }
0x55: {  	[tilespmem:$0x2870] =	vst v0  }
0x56: {  	[spmem:s3] =	stream.indirect.scatter.add.f32 [tilespmem:s10], [sflag:$0x1], $0x80, s14, s13, $0xb8;
	[tilespmem:$0x1A880] =	vst v63  }
0x57: {  	_ =	swait.ge [sflag:s9], $0x4000  }
0x58: {  	s15 =	sadd.s32 $0x1, s15;
	[sflag:s9] =	ssyncset.done $0x0  }
0x59: {  	p0 =	sne.s32 s15, s8;
	[sflag:s9] =	ssyncadd.s32 $0xFFFFC000  }
.Ltmp1:
0x5a: {  	[bflag:$0x0] =	sbarrier.arrive $0xFFFF;
	(pc) =	sbr.rel @p0 .LBB2_1-.Ltmp1, $4  }
0x5b: {  	[hbm:s7], [sflag:s11] =	dma.local [spmem:s12], $0x2800  }
0x5c: {  	_ =	swait.ge [sflag:s9], $0x2800  }
0x5d: {  	[sflag:s9] =	ssyncset.done $0x0  }
0x5e: {  	[sflag:s9] =	ssyncadd.s32 $0xFFFFD800  }
0x5f: {  	_ =	sfence.sel $0x180000  }
0x60: {  	[bflag:$0x0] =	sbarrier.arrive $0xFFFF  }
0x61: {  	p0 =	sne.s32 s0, $0x0;
	_ =	strace $0x90000047  }
0x62: {  	s0 =	sadd.s32 @!p0 $0x100000, s1;
	[bflag:$0x2] =	sbarrier.arrive $0xFFFF  }
0x63: {  	[sflag:s0] =	ssyncadd.tile.s32 @!p0 $0x1;
	_ =	shalt  }
.Lfunc_end2:
_tile_overlayer_lowered:
.L_overlay_start_2:
0x64: {  	(tag) =	ssettag $0x2  }
0x65: {  	s0 =	rddreg [dreg:$0x0];
	s2 =	stileid.u32  }
0x66: {  	s1 =	rddreg [dreg:$0x1];
	p0 =	sne.s32 s2, $0x0  }
0x67: {  	s3 =	rddreg [dreg:$0x2];
	[bflag:$0x3] =	sbarrier.arrive $0xFFFF;
	s2 =	simm.s32 @!p0 $0x1C01  }
0x68: {  	[timem:s3], [sflag:s2] =	dma.local @!p0 [hbm:s0], s1  }
0x69: {  	s0 =	simm.s32 @!p0 $0x1  }
0x6a: {  	_ =	swait.ge @!p0 [sflag:s0], s1  }
0x6b: {  	s1 =	ssub.s32 @!p0 $0x0, s1;
	[sflag:s0] =	ssyncset.done @!p0 $0x0  }
0x6c: {  	[sflag:s0] =	ssyncadd.s32 @!p0 s1  }
0x6d: {  	[bflag:$0x3] =	sbarrier.arrive $0xFFFF  }
0x6e: {  	_ =	shalt  }

// kernel: kernel.14.cloned.1.call-start
scs
__scs_entry_jumppad:
0x0: {  	(pc) =	sbr.rel $0x88, $3  }
0x1: {  	(tag) =	ssettag $0x0;
	lr =	simm.s32 $0x1  }
0x2: {  	[smem:$0x3F96] =	sst lr;
	_ =	strace $0xD0000000  }
0x3: {  	_ = 	snop  }
0x4: {  	_ = 	snop  }
0x5: {  	_ = 	snop  }
0x6: {  	_ = 	snop  }
0x7: {  	_ = 	snop  }
__scs_overlays_trampoline_lowered:
0x8: {  	[smem:$0x3FA5] =	sst s0  }
0x9: {  	[smem:$0x3FA6] =	sst s1  }
0xa: {  	[smem:$0x3FA7] =	sst s2  }
0xb: {  	[smem:$0x3FA8] =	sst s3  }
0xc: {  	[smem:$0x3FA9] =	sst s4  }
0xd: {  	[smem:$0x3FAA] =	sst s5  }
0xe: {  	[smem:$0x3FAB] =	sst s6  }
0xf: {  	[smem:$0x3FAC] =	sst s7  }
0x10: {  	[smem:$0x3FAD] =	sst s8  }
0x11: {  	[smem:$0x3FAE] =	sst s9;
	s0 =	simm.s32 @!p0 $0x0  }
0x12: {  	s1 =	sld [smem:$0x3F94];
	s0 =	simm.s32 @p0 $0x1  }
0x13: {  	[smem:$0x3FAF] =	sst s0;
	s0 =	simm.s32 @!p1 $0x0  }
0x14: {  	s2 =	sld [smem:$0x3F93];
	s0 =	simm.s32 @p1 $0x1  }
0x15: {  	[smem:$0x3FB0] =	sst s0;
	s0 =	simm.s32 @!p2 $0x0  }
0x16: {  	s3 =	sld [smem:$0x3FDB];
	s0 =	simm.s32 @p2 $0x1  }
0x17: {  	s4 =	simm.s32 $0x1BF5;
	[smem:$0x3FB2] =	sst s0  }
0x18: {  	s0 =	sld [smem:$0x3F95];
	_ =	swait.ge [sflag:s4], $0x0  }
0x19: {  	s7 =	sld [smem:$0x3F96]  }
0x1a: {  	s8 =	sadd.s32 $0xFFFFE003, lr  }
0x1b: {  	s9 =	sadd.s32 $0xFFFFFEF7, lr;
	s5 =	simm.s32 $0xFFFFFFFF;
	p2 =	slt.u32 s8, $0xFFFFF086  }
0x1c: {  	p1 =	slt.u32 s9, $0xF7A;
	s5 =	simm.s32 @!p2 $0x0  }
0x1d: {  	s5 =	simm.s32 @p1 $0x1;
	p0 =	seq.s32 s7, s2  }
0x1e: {  	s7 =	smul.u32 @!p0 $0xF7A, s2;
	p2 =	seq.s32 @!p0 s5, $0x0  }
0x1f: {  	s9 =	smul.u32 $0xF7A, s1;
	s8 =	simm.s32 @!p0 $0x1BF5;
	p2 =	por !p2, p0  }
0x20: {  	[sflag:s8] =	ssyncset.s32 @!p0 $0xFFFFF086;
	s6 =	sadd.s32 @!p0 s3, s7;
	s7 =	simm.s32 @!p0 $0x108  }
0x21: {  	s3 =	sadd.s32 s3, s9;
	s6 =	sadd.s32 @!p0 $0x88, s6;
	s7 =	simm.s32 @p2 $0x1082  }
0x22: {  	[simem:s7], [sflag:s8] =	dma.local @!p0 [hbm:s6], $0xF7A  }
0x23: {  	s9 =	sor.u32 $0xD0000000, s2;
	s6 =	simm.s32 $0x108;
	_ =	swait.ge @!p0 [sflag:s8], $0x0  }
0x24: {  	s3 =	sadd.s32 $0x88, s3;
	s6 =	simm.s32 @!p1 $0x1082;
	[sflag:s4] =	ssyncset.s32 $0xFFFFF086  }
0x25: {  	[simem:s6], [sflag:s4] =	dma.local [hbm:s3], $0xF7A  }
0x26: {  	[smem:$0x3F96] =	sst s1;
	(tag) =	ssettag s2;
	_ =	strace s9  }
0x27: {  	s1 =	sld [smem:$0x3FA6]  }
0x28: {  	s2 =	sld [smem:$0x3FA7]  }
0x29: {  	s4 =	sld [smem:$0x3FA9]  }
0x2a: {  	p0 =	seq.s32 s5, $0x0;
	s5 =	sld [smem:$0x3FAA]  }
0x2b: {  	s6 =	sld [smem:$0x3FAB]  }
0x2c: {  	s7 =	sld [smem:$0x3FAC]  }
0x2d: {  	s3 =	simm.s32 $0x108;
	s8 =	sld [smem:$0x3FAD]  }
0x2e: {  	s3 =	simm.s32 @!p0 $0x1082;
	s9 =	sld [smem:$0x3FAE]  }
0x2f: {  	lr =	sadd.s32 s0, s3;
	s0 =	sld [smem:$0x3FA5]  }
0x30: {  	s3 =	sld [smem:$0x3FA8]  }
0x31: {  	[smem:$0x3FB1] =	sst s10  }
0x32: {  	s10 =	sld [smem:$0x3FAF];
	_ =	sdelay $0x3  }
0x33: {  	p0 =	seq.s32 s10, $0x1;
	s10 =	sld [smem:$0x3FB1];
	_ =	sdelay $0x3  }
0x34: {  	[smem:$0x3FB1] =	sst s10  }
0x35: {  	s10 =	sld [smem:$0x3FB0];
	_ =	sdelay $0x3  }
0x36: {  	p1 =	seq.s32 s10, $0x1;
	s10 =	sld [smem:$0x3FB1];
	_ =	sdelay $0x3  }
0x37: {  	[smem:$0x3FB1] =	sst s10  }
0x38: {  	s10 =	sld [smem:$0x3FB2]  }
0x39: {  	_ = 	snop;
	(pc) =	sbr.ind lr, $3  }
0x3a: {  	_ = 	snop  }
0x3b: {  	_ = 	snop  }
0x3c: {  	p2 =	seq.s32 s10, $0x1;
	s10 =	sld [smem:$0x3FB1]  }
0x3d: {  	_ =	shalt  }
0x3e: {  	_ =	shalt  }
0x3f: {  	_ =	shalt  }
0x40: {  	_ =	shalt  }
0x41: {  	_ =	shalt  }
0x42: {  	_ =	shalt  }
0x43: {  	_ =	shalt  }
0x44: {  	_ =	shalt  }
0x45: {  	_ =	shalt  }
0x46: {  	_ =	shalt  }
0x47: {  	_ =	shalt  }
0x48: {  	_ =	shalt  }
0x49: {  	_ =	shalt  }
0x4a: {  	_ =	shalt  }
0x4b: {  	_ =	shalt  }
0x4c: {  	_ =	shalt  }
0x4d: {  	_ =	shalt  }
0x4e: {  	_ =	shalt  }
0x4f: {  	_ =	shalt  }
0x50: {  	_ =	shalt  }
0x51: {  	_ =	shalt  }
0x52: {  	_ =	shalt  }
0x53: {  	_ =	shalt  }
0x54: {  	_ =	shalt  }
0x55: {  	_ =	shalt  }
0x56: {  	_ =	shalt  }
0x57: {  	_ =	shalt  }
0x58: {  	_ =	shalt  }
0x59: {  	_ =	shalt  }
0x5a: {  	_ =	shalt  }
0x5b: {  	_ =	shalt  }
0x5c: {  	_ =	shalt  }
0x5d: {  	_ =	shalt  }
0x5e: {  	_ =	shalt  }
0x5f: {  	_ =	shalt  }
0x60: {  	_ =	shalt  }
0x61: {  	_ =	shalt  }
0x62: {  	_ =	shalt  }
0x63: {  	_ =	shalt  }
0x64: {  	_ =	shalt  }
0x65: {  	_ =	shalt  }
0x66: {  	_ =	shalt  }
0x67: {  	_ =	shalt  }
0x68: {  	_ =	shalt  }
0x69: {  	_ =	shalt  }
0x6a: {  	_ =	shalt  }
0x6b: {  	_ =	shalt  }
0x6c: {  	_ =	shalt  }
0x6d: {  	_ =	shalt  }
0x6e: {  	_ =	shalt  }
0x6f: {  	_ =	shalt  }
0x70: {  	_ =	shalt  }
0x71: {  	_ =	shalt  }
0x72: {  	_ =	shalt  }
0x73: {  	_ =	shalt  }
0x74: {  	_ =	shalt  }
0x75: {  	_ =	shalt  }
0x76: {  	_ =	shalt  }
0x77: {  	_ =	shalt  }
0x78: {  	_ =	shalt  }
0x79: {  	_ =	shalt  }
0x7a: {  	_ =	shalt  }
0x7b: {  	_ =	shalt  }
0x7c: {  	_ =	shalt  }
0x7d: {  	_ =	shalt  }
0x7e: {  	_ =	shalt  }
0x7f: {  	_ =	shalt  }
0x80: {  	_ =	shalt  }
0x81: {  	_ =	shalt  }
0x82: {  	_ =	shalt  }
0x83: {  	_ =	shalt  }
0x84: {  	_ =	shalt  }
0x85: {  	_ =	shalt  }
0x86: {  	_ =	shalt  }
0x87: {  	_ =	shalt  }
.Lfunc_end0:
.L_simem_size_0:
called_computation.1_lowered:
.L_overlay_start_0:
0x88: {  	s2 =	sld [smem:$0x3FD9]  }
0x89: {  	s3 =	sld [smem:$0x3FFE];
	_ =	sdelay $0x1  }
0x8a: {  	s1 =	srdreg.scid  }
0x8b: {  	s0 =	sand.u32 $0x1, s1  }
0x8c: {  	s16 =	sshll.u32 s0, $0xA;
	s2 =	sadd.s32 s3, s2  }
0x8d: {  	s2 =	sadd.s32 s2, s16  }
0x8e: {  	[smem:$0x3FBD] =	sst s2  }
0x8f: {  	_ = 	snop  }
0x90: {  	(tm) =	ssettm $0x1  }
0x91: {  	s17 =	sld [smem:$0x3FFB];
	_ =	sdelay $0x3  }
0x92: {  	_ =	strace s17  }
0x93: {  	s2 =	sld [smem:$0x3FFC];
	_ =	sdelay $0x3  }
0x94: {  	_ =	strace s2  }
0x95: {  	s2 =	sld [smem:$0x3FFD];
	_ =	sdelay $0x3  }
0x96: {  	_ =	strace s2  }
0x97: {  	_ =	strace $0x8FFFFFFF  }
0x98: {  	s18 =	sld [smem:$0x3FDB];
	_ =	sdelay $0x1  }
0x99: {  	s19 =	simm.s32 $_scs_section_size  }
0x9a: {  	s4 =	simm.s32 $_size__tile_overlayer_lowered;
	s5 =	simm.s32 $_tile_overlayer_lowered  }
0x9b: {  	s22 =	simm.s32 $0x1BFF;
	s21 =	sshll.u32 s5, $0x1;
	s2 =	sadd.s32 s19, s18  }
0x9c: {  	s6 =	simm.s32 $0x0;
	s20 =	sshll.u32 s4, $0x1;
	s4 =	sadd.s32 s21, s2  }
0x9d: {  	[timem:s6], [sflag:s22] =	dma.local [hbm:s4], s20  }
0x9e: {  	_ =	swait.ge [sflag:s22], s20  }
0x9f: {  	s3 =	ssub.s32 $0x0, s20;
	[sflag:s22] =	ssyncset.done $0x0  }
0xa0: {  	[sflag:s22] =	ssyncadd.s32 s3;
	_ =	sdelay $0x1  }
0xa1: {  	s23 =	simm.s32 $0x1B8B  }
0xa2: {  	_ =	swait.ge [sflag:s23], $0x1  }
0xa3: {  	[sflag:s23] =	ssyncset.done $0x0  }
0xa4: {  	s25 =	simm.s32 $0x1B8E;
	s24 =	sld [smem:$0x3FFE];
	[sflag:s23] =	ssyncadd.s32 $0xFFFFFFFF  }
0xa5: {  	s26 =	simm.s32 $execute0_lowered;
	[smem:$0x3FD2] =	sst s25  }
0xa6: {  	s4 =	sshll.u32 s26, $0x1;
	_ =	strace $0x80000049;
	[dreg:$0x1] =	wrdreg $0xFFFFFFFF  }
0xa7: {  	s28 =	simm.s32 $_size_execute0_lowered;
	s2 =	sadd.s32 s2, s4;
	[dreg:$0x0] =	wrdreg $0x0  }
0xa8: {  	s4 =	sshll.u32 s28, $0x1;
	[dreg:$0x2] =	wrdreg s2  }
0xa9: {  	[dreg:$0x3] =	wrdreg s4  }
0xaa: {  	[dreg:$0x4] =	wrdreg $0xC0  }
0xab: {  	_ =	task [dreg:s6], $0x5FFFF  }
0xac: {  	[dreg:$0x1] =	wrdreg $0xFFFFFFFF  }
0xad: {  	[dreg:$0x0] =	wrdreg $0x60  }
0xae: {  	[dreg:$0x2] =	wrdreg s24  }
0xaf: {  	[dreg:$0x3] =	wrdreg $0xC2000  }
0xb0: {  	[dreg:$0x4] =	wrdreg $0x9  }
0xb1: {  	_ =	task.clear_ibuf [dreg:s6], $0x5FFFF;
	_ =	strace $0x90000049  }
0xb2: {  	s29 =	simm.s32 $0x9;
	_ =	strace $0x8000004B  }
0xb3: {  	_ =	swait.ge [sflag:s29], $0x1  }
0xb4: {  	[sflag:s29] =	ssyncadd.s32 $0xFFFFFFFF  }
0xb5: {  	_ =	strace $0x9000004B  }
0xb6: {  	_ =	sfence  }
0xb7: {  	s30 =	sld [smem:$0x0];
	_ =	sdelay $0x2  }
0xb8: {  	s31 =	sshll.u32 s1, $0xD;
	s1 =	sshrl.u32 s1, $0x2  }
0xb9: {  	s3 =	sand.u32 $0x4000, s31;
	s1 =	sadd.s32 s1, s30  }
0xba: {  	s0 =	sor.u32 s3, s0;
	s1 =	sshll.u32 s1, $0x11  }
0xbb: {  	s0 =	sor.u32 s1, s0  }
0xbc: {  	s0 =	sadd.s32 $0x8F2B, s0  }
0xbd: {  	[sflag:s0] =	ssyncadd.remote.s32 $0x1  }
0xbe: {  	_ =	sfence.sel $0xFFFF  }
0xbf: {  	[dreg:$0x0] =	wrdreg $0xFFFFFFFF;
	(pc) =	sbr.abs _section_cstart, $3  }
0xc0: {  	[dreg:$0x1] =	wrdreg $0xFFFFFFFF  }
0xc1: {  	_ =	task.clear_ibuf [dreg:s6], $0x2FFFF;
	_ =	strace $0x9FFFFFFF  }
0xc2: {  	(tm) =	ssettm $0x7FFFFFFF  }
0xc3: {  	_ =	shalt  }
tec
execute0_lowered:
.L_overlay_start_1:
0x0: {  	(tag) =	ssettag $0x1  }
0x1: {  	s0 =	rddreg [dreg:$0x0]  }
0x2: {  	s1 =	rddreg [dreg:$0x1];
	s3 =	simm.s32 $0x0  }
0x3: {  	s2 =	srdreg.scid;
	s15 =	stileid.u32;
	s11 =	simm.s32 $0x80  }
0x4: {  	s14 =	simm.s32 $0x7;
	s17 =	simm.s32 $0x4000;
	s18 =	simm.s32 $0x4080  }
0x5: {  	s19 =	simm.s32 $0x1;
	s28 =	simm.s32 $0x5;
	s29 =	simm.s32 $0x6  }
0x6: {  	s30 =	simm.s32 $0x0;
	[smem:$0x7FF] =	sst s3;
	s2 =	sand.u32 $0x1, s2  }
0x7: {  	s4 =	sshll.u32 s15, $0x5;
	s7 =	smul.u32 $0x13C00, s15;
	s5 =	sshll.u32 s15, $0x7  }
0x8: {  	s10 =	smul.u32 $0x4F000, s15;
	s31 =	sshll.u32 s15, $0x6;
	p0 =	seq.s32 s2, $0x0  }
0x9: {  	s13 =	sor.u32 $0x800, s4;
	s6 =	smul.u32 $0x140000, s2;
	_ =	strace $0x8000004A  }
0xa: {  	s4 =	sadd.s32 $0x18200, s0;
	s2 =	ssub.s32 $0x2, s2;
	s15 =	sor.u32 $0x1C07, s31  }
0xb: {  	s13 =	smov.u32 @p0 s5;
	s5 =	sadd.s32 $0x68A00, s0;
	s20 =	sshrl.u32 s2, $0x1  }
0xc: {  	s11 =	simm.s32 @!p0 $0x20;
	s21 =	sshrl.u32 s10, $0x2;
	s8 =	sshll.u32 s13, $0x4  }
0xd: {  	s6 =	sadd.s32 s7, s6;
	s2 =	ssub.s32 s2, s20;
	s16 =	sadd.s32 s21, s1  }
0xe: {  	s7 =	sshrl.u32 s7, $0x3;
	s23 =	sadd.s32 $0xFFFFFFFE, s11;
	s12 =	sshrl.u32 s11, $0x1  }
0xf: {  	s24 =	sadd.s32 $0xFFFFFFFD, s11;
	s26 =	sshll.u32 s13, $0x7;
	s20 =	simm.s32 $0x4200  }
0x10: {  	s21 =	simm.s32 $0x2;
	s9 =	sadd.s32 s8, s0;
	s6 =	sshrl.u32 s6, $0x3  }
0x11: {  	s8 =	sadd.s32 s5, s8;
	s7 =	sadd.s32 s4, s7;
	[dreg:$0x3] =	wrdreg s23  }
0x12: {  	[dreg:$0x4] =	wrdreg s24;
	s25 =	ssub.s32 $0x0, s12;
	s12 =	smax.u32 s2, $0x1  }
0x13: {  	s16 =	sshrl.u32 s16, $0x3;
	s23 =	simm.s32 $0x3;
	[dreg:$0x8] =	wrdreg s7  }
0x14: {  	s24 =	simm.s32 $0x4100;
	s0 =	sadd.s32 s6, s0;
	[dreg:$0x7] =	wrdreg s8  }
0x15: {  	s6 =	simm.s32 $0x80;
	s9 =	sadd.s32 $0xE200, s9;
	[dreg:$0x5] =	wrdreg s25  }
0x16: {  	s22 =	sadd.s32 $0x10, s8;
	s25 =	simm.s32 $0x4;
	[dreg:$0x6] =	wrdreg s9  }
0x17: {  	[dreg:$0x9] =	wrdreg s22;
	s0 =	sadd.s32 $0x72A00, s0;
	s22 =	simm.s32 $0x8200  }
0x18: {  	[dreg:$0xa] =	wrdreg s0;
	s0 =	sor.u32 $0x100, s26;
	s26 =	simm.s32 $0x4180  }
.LBB2_1:
0x19: {  	s2 =	rddreg [dreg:$0x6]  }
0x1a: {  	[tilespmem:s3], [sflag:$0x7] =	stream.linear.gather [hbm4b:s2+s3], $0x4000, $0x38;
	[tilespmem:$0x1FE00] =	vst v63  }
0x1b: {  	_ =	swait.ge [sflag:s14], $0x4000  }
0x1c: {  	[sflag:s14] =	ssyncset.done $0x0  }
0x1d: {  	s10 =	rddreg [dreg:$0x8];
	[sflag:s14] =	ssyncadd.s32 $0xFFFFC000  }
0x1e: {  	[spmem:s16], [sflag:s15] =	dma.local [hbm:s10], $0x2780  }
0x1f: {  	_ =	swait.ge [sflag:s14], $0x2780  }
0x20: {  	[sflag:s14] =	ssyncset.done $0x0  }
0x21: {  	s11 =	rddreg [dreg:$0x7];
	[sflag:s14] =	ssyncadd.s32 $0xFFFFD880  }
0x22: {  	[tilespmem:s17], [sflag:$0x1] =	stream.linear.gather [hbm4b:s11+s3], $0x80, $0x38;
	[tilespmem:$0x1FE00] =	vst v63  }
0x23: {  	s31 =	simm.s32 $0x80;
	s7 =	simm.s32 $0x0;
	s13 =	rddreg [dreg:$0x9]  }
0x24: {  	[tilespmem:s18], [sflag:$0x2] =	stream.linear.gather [hbm4b:s13+s3], $0x80, $0x38;
	[tilespmem:$0x1FE00] =	vst v63  }
0x25: {  	s2 =	simm.s32 $0x0;
	s13 =	smov.u32 s0;
	[bflag:$0x0] =	sbarrier.arrive $0xFFFF  }
.LBB2_2:
0x26: {  	p0 =	seq.s32 s7, $0x0  }
0x27: {  	s9 =	simm.s32 @!p0 $0x5  }
0x28: {  	_ =	swait.ge @!p0 [sflag:s9], $0x4000  }
0x29: {  	[sflag:s9] =	ssyncset.done @!p0 $0x0  }
0x2a: {  	[sflag:s9] =	ssyncadd.s32 @!p0 $0xFFFFC000  }
0x2b: {  	v0 =	vld [tilespmem:s31+$0xFFFFFF80];
	_ =	sdelay $0x4  }
0x2c: {  	[tilespmem:$0x4100] =	vst v0  }
0x2d: {  	v0 =	vld [tilespmem:s31+$0xFFFFFF90];
	_ =	sdelay $0x4  }
0x2e: {  	[tilespmem:$0x4110] =	vst v0  }
0x2f: {  	v0 =	vld [tilespmem:s31+$0xFFFFFFA0];
	_ =	sdelay $0x4  }
0x30: {  	[tilespmem:$0x4120] =	vst v0  }
0x31: {  	v0 =	vld [tilespmem:s31+$0xFFFFFFB0];
	_ =	sdelay $0x4  }
0x32: {  	[tilespmem:$0x4130] =	vst v0  }
0x33: {  	v0 =	vld [tilespmem:s31+$0xFFFFFFC0];
	_ =	sdelay $0x4  }
0x34: {  	[tilespmem:$0x4140] =	vst v0  }
0x35: {  	v0 =	vld [tilespmem:s31+$0xFFFFFFD0];
	_ =	sdelay $0x4  }
0x36: {  	[tilespmem:$0x4150] =	vst v0  }
0x37: {  	v0 =	vld [tilespmem:s31+$0xFFFFFFE0];
	_ =	sdelay $0x4  }
0x38: {  	[tilespmem:$0x4160] =	vst v0  }
0x39: {  	v0 =	vld [tilespmem:s31+$0xFFFFFFF0];
	_ =	sdelay $0x4  }
0x3a: {  	s9 =	simm.s32 @!p0 $0x6;
	[tilespmem:$0x4170] =	vst v0  }
0x3b: {  	_ =	swait.ge @!p0 [sflag:s9], $0x4000  }
0x3c: {  	[sflag:s9] =	ssyncset.done @!p0 $0x0  }
0x3d: {  	[sflag:s9] =	ssyncadd.s32 @!p0 $0xFFFFC000  }
0x3e: {  	v63 =	vld [tilespmem:s31+$0x0];
	_ =	sdelay $0x4  }
0x3f: {  	[tilespmem:$0x4180] =	vst v63  }
0x40: {  	v0 =	vld [tilespmem:s31+$0x10];
	_ =	sdelay $0x4  }
0x41: {  	[tilespmem:$0x4190] =	vst v0  }
0x42: {  	v0 =	vld [tilespmem:s31+$0x20];
	_ =	sdelay $0x4  }
0x43: {  	[tilespmem:$0x41A0] =	vst v0  }
0x44: {  	v0 =	vld [tilespmem:s31+$0x30];
	_ =	sdelay $0x4  }
0x45: {  	[tilespmem:$0x41B0] =	vst v0  }
0x46: {  	v0 =	vld [tilespmem:s31+$0x40];
	_ =	sdelay $0x4  }
0x47: {  	[tilespmem:$0x41C0] =	vst v0  }
0x48: {  	v0 =	vld [tilespmem:s31+$0x50];
	_ =	sdelay $0x4  }
0x49: {  	[tilespmem:$0x41D0] =	vst v0  }
0x4a: {  	v0 =	vld [tilespmem:s31+$0x60];
	_ =	sdelay $0x4  }
0x4b: {  	[tilespmem:$0x41E0] =	vst v0  }
0x4c: {  	v0 =	vld [tilespmem:s31+$0x70];
	_ =	sdelay $0x4  }
0x4d: {  	[tilespmem:$0x41F0] =	vst v0  }
0x4e: {  	_ =	swait.ge [sflag:s19], $0x80  }
0x4f: {  	[sflag:s19] =	ssyncset.done $0x0  }
0x50: {  	[sflag:s19] =	ssyncadd.s32 $0xFFFFFF80  }
0x51: {  	[tilespmem:s20], [sflag:$0x3] =	stream.indirect.gather [hbm4b:s4+s6], $0x80, s17, s6, $0xb8;
	[tilespmem:$0x1FE00] =	vst v63  }
0x52: {  	_ =	swait.ge [sflag:s21], $0x80  }
0x53: {  	[sflag:s21] =	ssyncset.done $0x0  }
0x54: {  	[sflag:s21] =	ssyncadd.s32 $0xFFFFFF80  }
0x55: {  	[tilespmem:s22], [sflag:$0x4] =	stream.indirect.gather [hbm4b:s4+s6], $0x80, s18, s6, $0xb8;
	[tilespmem:$0x1FE00] =	vst v63  }
0x56: {  	_ =	swait.ge [sflag:s23], $0x4000  }
0x57: {  	[sflag:s23] =	ssyncset.done $0x0;
	s10 =	rddreg [dreg:$0x3]  }
0x58: {  	[sflag:s23] =	ssyncadd.s32 $0xFFFFC000;
	p0 =	sge.u32 s2, s10  }
0x59: {  	[spmem:s1] =	stream.indirect.scatter.add.f32 [tilespmem:s20], [sflag:$0x5], $0x80, s24, s6, $0xb8;
	[tilespmem:$0x1FE00] =	vst v63  }
0x5a: {  	s9 =	sshrl.u32 @!p0 s13, $0x3  }
0x5b: {  	s10 =	simm.s32 @!p0 $0x0;
	s8 =	simm.s32 @!p0 $0x4000;
	s9 =	sadd.s32 @!p0 s5, s9  }
0x5c: {  	[tilespmem:s8], [sflag:$0x1] =	stream.linear.gather @!p0 [hbm4b:s9+s10], $0x80, $0x38;
	[tilespmem:$0x1FE00] =	vst v63  }
0x5d: {  	_ =	swait.ge [sflag:s25], $0x4000  }
0x5e: {  	[sflag:s25] =	ssyncset.done $0x0;
	s11 =	rddreg [dreg:$0x4]  }
0x5f: {  	[sflag:s25] =	ssyncadd.s32 $0xFFFFC000;
	p0 =	sge.u32 s2, s11  }
0x60: {  	[spmem:s1] =	stream.indirect.scatter.add.f32 [tilespmem:s22], [sflag:$0x6], $0x80, s26, s6, $0xb8;
	[tilespmem:$0x1FE00] =	vst v63  }
0x61: {  	s8 =	sadd.s32 @!p0 $0x80, s13  }
0x62: {  	s7 =	sadd.s32 $0xFFFFFFFF, s7;
	s11 =	rddreg [dreg:$0x5];
	s8 =	sshrl.u32 @!p0 s8, $0x3  }
0x63: {  	s9 =	simm.s32 @!p0 $0x0;
	s10 =	simm.s32 @!p0 $0x4080;
	s8 =	sadd.s32 @!p0 s5, s8  }
0x64: {  	[tilespmem:s10], [sflag:$0x2] =	stream.linear.gather @!p0 [hbm4b:s8+s9], $0x80, $0x38;
	[tilespmem:$0x1FE00] =	vst v63  }
0x65: {  	p0 =	sne.s32 s11, s7  }
.Ltmp0:
0x66: {  	_ = 	snop;
	(pc) =	sbr.rel @p0 .LBB2_2-.Ltmp0, $2  }
0x67: {  	_ =	sdelay $0x2  }
0x68: {  	s31 =	sadd.s32 $0x100, s31;
	s2 =	sadd.s32 $0x2, s2;
	s13 =	sadd.s32 $0x100, s13  }
0x69: {  	_ =	swait.ge [sflag:s28], $0x4000  }
0x6a: {  	[sflag:s28] =	ssyncset.done $0x0  }
0x6b: {  	[sflag:s28] =	ssyncadd.s32 $0xFFFFC000  }
0x6c: {  	_ =	swait.ge [sflag:s29], $0x4000  }
0x6d: {  	[sflag:s29] =	ssyncset.done $0x0  }
0x6e: {  	s30 =	sadd.s32 $0x1, s30;
	[sflag:s29] =	ssyncadd.s32 $0xFFFFC000  }
0x6f: {  	p0 =	sne.s32 s30, s12;
	[bflag:$0x0] =	sbarrier.arrive $0xFFFF  }
.Ltmp1:
0x70: {  	s2 =	rddreg [dreg:$0xa];
	(pc) =	sbr.rel @p0 .LBB2_1-.Ltmp1, $4  }
0x71: {  	[hbm:s2], [sflag:s15] =	dma.local [spmem:s16], $0x2780  }
0x72: {  	_ =	swait.ge [sflag:s14], $0x2780  }
0x73: {  	[sflag:s14] =	ssyncset.done $0x0  }
0x74: {  	[sflag:s14] =	ssyncadd.s32 $0xFFFFD880  }
0x75: {  	_ =	sfence.sel $0x180000  }
0x76: {  	[bflag:$0x0] =	sbarrier.arrive $0xFFFF  }
0x77: {  	_ =	strace $0x9000004A  }
0x78: {  	s0 =	stileid.u32;
	[bflag:$0x2] =	sbarrier.arrive $0xFFFF  }
0x79: {  	p0 =	sne.s32 s0, $0x0;
	s0 =	rddreg [dreg:$0x2]  }
0x7a: {  	s0 =	sadd.s32 @!p0 $0x100000, s0  }
0x7b: {  	[sflag:s0] =	ssyncadd.tile.s32 @!p0 $0x1;
	_ =	shalt  }
.Lfunc_end2:
_tile_overlayer_lowered:
.L_overlay_start_2:
0x7c: {  	(tag) =	ssettag $0x2  }
0x7d: {  	s0 =	rddreg [dreg:$0x0];
	s2 =	stileid.u32  }
0x7e: {  	s1 =	rddreg [dreg:$0x1];
	p0 =	sne.s32 s2, $0x0  }
0x7f: {  	s3 =	rddreg [dreg:$0x2];
	[bflag:$0x3] =	sbarrier.arrive $0xFFFF;
	s2 =	simm.s32 @!p0 $0x1C07  }
0x80: {  	[timem:s3], [sflag:s2] =	dma.local @!p0 [hbm:s0], s1  }
0x81: {  	s0 =	simm.s32 @!p0 $0x7  }
0x82: {  	_ =	swait.ge @!p0 [sflag:s0], s1  }
0x83: {  	s1 =	ssub.s32 @!p0 $0x0, s1;
	[sflag:s0] =	ssyncset.done @!p0 $0x0  }
0x84: {  	[sflag:s0] =	ssyncadd.s32 @!p0 s1  }
0x85: {  	[bflag:$0x3] =	sbarrier.arrive $0xFFFF  }
0x86: {  	_ =	shalt  }

// kernel: kernel.17.cloned.1.call-start
scs
__scs_entry_jumppad:
0x0: {  	(pc) =	sbr.rel $0x88, $3  }
0x1: {  	(tag) =	ssettag $0x0;
	lr =	simm.s32 $0x1  }
0x2: {  	[smem:$0x3F96] =	sst lr;
	_ =	strace $0xD0000000  }
0x3: {  	_ = 	snop  }
0x4: {  	_ = 	snop  }
0x5: {  	_ = 	snop  }
0x6: {  	_ = 	snop  }
0x7: {  	_ = 	snop  }
__scs_overlays_trampoline_lowered:
0x8: {  	[smem:$0x3FA5] =	sst s0  }
0x9: {  	[smem:$0x3FA6] =	sst s1  }
0xa: {  	[smem:$0x3FA7] =	sst s2  }
0xb: {  	[smem:$0x3FA8] =	sst s3  }
0xc: {  	[smem:$0x3FA9] =	sst s4  }
0xd: {  	[smem:$0x3FAA] =	sst s5  }
0xe: {  	[smem:$0x3FAB] =	sst s6  }
0xf: {  	[smem:$0x3FAC] =	sst s7  }
0x10: {  	[smem:$0x3FAD] =	sst s8  }
0x11: {  	[smem:$0x3FAE] =	sst s9;
	s0 =	simm.s32 @!p0 $0x0  }
0x12: {  	s1 =	sld [smem:$0x3F94];
	s0 =	simm.s32 @p0 $0x1  }
0x13: {  	[smem:$0x3FAF] =	sst s0;
	s0 =	simm.s32 @!p1 $0x0  }
0x14: {  	s2 =	sld [smem:$0x3F93];
	s0 =	simm.s32 @p1 $0x1  }
0x15: {  	[smem:$0x3FB0] =	sst s0;
	s0 =	simm.s32 @!p2 $0x0  }
0x16: {  	s3 =	sld [smem:$0x3FDB];
	s0 =	simm.s32 @p2 $0x1  }
0x17: {  	s4 =	simm.s32 $0x1BF5;
	[smem:$0x3FB2] =	sst s0  }
0x18: {  	s0 =	sld [smem:$0x3F95];
	_ =	swait.ge [sflag:s4], $0x0  }
0x19: {  	s7 =	sld [smem:$0x3F96]  }
0x1a: {  	s8 =	sadd.s32 $0xFFFFE003, lr  }
0x1b: {  	s9 =	sadd.s32 $0xFFFFFEF7, lr;
	s5 =	simm.s32 $0xFFFFFFFF;
	p2 =	slt.u32 s8, $0xFFFFF086  }
0x1c: {  	p1 =	slt.u32 s9, $0xF7A;
	s5 =	simm.s32 @!p2 $0x0  }
0x1d: {  	s5 =	simm.s32 @p1 $0x1;
	p0 =	seq.s32 s7, s2  }
0x1e: {  	s7 =	smul.u32 @!p0 $0xF7A, s2;
	p2 =	seq.s32 @!p0 s5, $0x0  }
0x1f: {  	s9 =	smul.u32 $0xF7A, s1;
	s8 =	simm.s32 @!p0 $0x1BF5;
	p2 =	por !p2, p0  }
0x20: {  	[sflag:s8] =	ssyncset.s32 @!p0 $0xFFFFF086;
	s6 =	sadd.s32 @!p0 s3, s7;
	s7 =	simm.s32 @!p0 $0x108  }
0x21: {  	s3 =	sadd.s32 s3, s9;
	s6 =	sadd.s32 @!p0 $0x88, s6;
	s7 =	simm.s32 @p2 $0x1082  }
0x22: {  	[simem:s7], [sflag:s8] =	dma.local @!p0 [hbm:s6], $0xF7A  }
0x23: {  	s9 =	sor.u32 $0xD0000000, s2;
	s6 =	simm.s32 $0x108;
	_ =	swait.ge @!p0 [sflag:s8], $0x0  }
0x24: {  	s3 =	sadd.s32 $0x88, s3;
	s6 =	simm.s32 @!p1 $0x1082;
	[sflag:s4] =	ssyncset.s32 $0xFFFFF086  }
0x25: {  	[simem:s6], [sflag:s4] =	dma.local [hbm:s3], $0xF7A  }
0x26: {  	[smem:$0x3F96] =	sst s1;
	(tag) =	ssettag s2;
	_ =	strace s9  }
0x27: {  	s1 =	sld [smem:$0x3FA6]  }
0x28: {  	s2 =	sld [smem:$0x3FA7]  }
0x29: {  	s4 =	sld [smem:$0x3FA9]  }
0x2a: {  	p0 =	seq.s32 s5, $0x0;
	s5 =	sld [smem:$0x3FAA]  }
0x2b: {  	s6 =	sld [smem:$0x3FAB]  }
0x2c: {  	s7 =	sld [smem:$0x3FAC]  }
0x2d: {  	s3 =	simm.s32 $0x108;
	s8 =	sld [smem:$0x3FAD]  }
0x2e: {  	s3 =	simm.s32 @!p0 $0x1082;
	s9 =	sld [smem:$0x3FAE]  }
0x2f: {  	lr =	sadd.s32 s0, s3;
	s0 =	sld [smem:$0x3FA5]  }
0x30: {  	s3 =	sld [smem:$0x3FA8]  }
0x31: {  	[smem:$0x3FB1] =	sst s10  }
0x32: {  	s10 =	sld [smem:$0x3FAF];
	_ =	sdelay $0x3  }
0x33: {  	p0 =	seq.s32 s10, $0x1;
	s10 =	sld [smem:$0x3FB1];
	_ =	sdelay $0x3  }
0x34: {  	[smem:$0x3FB1] =	sst s10  }
0x35: {  	s10 =	sld [smem:$0x3FB0];
	_ =	sdelay $0x3  }
0x36: {  	p1 =	seq.s32 s10, $0x1;
	s10 =	sld [smem:$0x3FB1];
	_ =	sdelay $0x3  }
0x37: {  	[smem:$0x3FB1] =	sst s10  }
0x38: {  	s10 =	sld [smem:$0x3FB2]  }
0x39: {  	_ = 	snop;
	(pc) =	sbr.ind lr, $3  }
0x3a: {  	_ = 	snop  }
0x3b: {  	_ = 	snop  }
0x3c: {  	p2 =	seq.s32 s10, $0x1;
	s10 =	sld [smem:$0x3FB1]  }
0x3d: {  	_ =	shalt  }
0x3e: {  	_ =	shalt  }
0x3f: {  	_ =	shalt  }
0x40: {  	_ =	shalt  }
0x41: {  	_ =	shalt  }
0x42: {  	_ =	shalt  }
0x43: {  	_ =	shalt  }
0x44: {  	_ =	shalt  }
0x45: {  	_ =	shalt  }
0x46: {  	_ =	shalt  }
0x47: {  	_ =	shalt  }
0x48: {  	_ =	shalt  }
0x49: {  	_ =	shalt  }
0x4a: {  	_ =	shalt  }
0x4b: {  	_ =	shalt  }
0x4c: {  	_ =	shalt  }
0x4d: {  	_ =	shalt  }
0x4e: {  	_ =	shalt  }
0x4f: {  	_ =	shalt  }
0x50: {  	_ =	shalt  }
0x51: {  	_ =	shalt  }
0x52: {  	_ =	shalt  }
0x53: {  	_ =	shalt  }
0x54: {  	_ =	shalt  }
0x55: {  	_ =	shalt  }
0x56: {  	_ =	shalt  }
0x57: {  	_ =	shalt  }
0x58: {  	_ =	shalt  }
0x59: {  	_ =	shalt  }
0x5a: {  	_ =	shalt  }
0x5b: {  	_ =	shalt  }
0x5c: {  	_ =	shalt  }
0x5d: {  	_ =	shalt  }
0x5e: {  	_ =	shalt  }
0x5f: {  	_ =	shalt  }
0x60: {  	_ =	shalt  }
0x61: {  	_ =	shalt  }
0x62: {  	_ =	shalt  }
0x63: {  	_ =	shalt  }
0x64: {  	_ =	shalt  }
0x65: {  	_ =	shalt  }
0x66: {  	_ =	shalt  }
0x67: {  	_ =	shalt  }
0x68: {  	_ =	shalt  }
0x69: {  	_ =	shalt  }
0x6a: {  	_ =	shalt  }
0x6b: {  	_ =	shalt  }
0x6c: {  	_ =	shalt  }
0x6d: {  	_ =	shalt  }
0x6e: {  	_ =	shalt  }
0x6f: {  	_ =	shalt  }
0x70: {  	_ =	shalt  }
0x71: {  	_ =	shalt  }
0x72: {  	_ =	shalt  }
0x73: {  	_ =	shalt  }
0x74: {  	_ =	shalt  }
0x75: {  	_ =	shalt  }
0x76: {  	_ =	shalt  }
0x77: {  	_ =	shalt  }
0x78: {  	_ =	shalt  }
0x79: {  	_ =	shalt  }
0x7a: {  	_ =	shalt  }
0x7b: {  	_ =	shalt  }
0x7c: {  	_ =	shalt  }
0x7d: {  	_ =	shalt  }
0x7e: {  	_ =	shalt  }
0x7f: {  	_ =	shalt  }
0x80: {  	_ =	shalt  }
0x81: {  	_ =	shalt  }
0x82: {  	_ =	shalt  }
0x83: {  	_ =	shalt  }
0x84: {  	_ =	shalt  }
0x85: {  	_ =	shalt  }
0x86: {  	_ =	shalt  }
0x87: {  	_ =	shalt  }
.Lfunc_end0:
.L_simem_size_0:
called_computation.2_lowered:
.L_overlay_start_0:
0x88: {  	s2 =	sld [smem:$0x3FD9]  }
0x89: {  	s3 =	sld [smem:$0x3FFE];
	_ =	sdelay $0x1  }
0x8a: {  	s1 =	srdreg.scid  }
0x8b: {  	s0 =	sand.u32 $0x1, s1  }
0x8c: {  	s16 =	sshll.u32 s0, $0xA;
	s2 =	sadd.s32 s3, s2  }
0x8d: {  	s2 =	sadd.s32 s2, s16  }
0x8e: {  	[smem:$0x3FBD] =	sst s2  }
0x8f: {  	_ = 	snop  }
0x90: {  	(tm) =	ssettm $0x1  }
0x91: {  	s17 =	sld [smem:$0x3FFB];
	_ =	sdelay $0x3  }
0x92: {  	_ =	strace s17  }
0x93: {  	s2 =	sld [smem:$0x3FFC];
	_ =	sdelay $0x3  }
0x94: {  	_ =	strace s2  }
0x95: {  	s2 =	sld [smem:$0x3FFD];
	_ =	sdelay $0x3  }
0x96: {  	_ =	strace s2  }
0x97: {  	_ =	strace $0x8FFFFFFF  }
0x98: {  	s18 =	sld [smem:$0x3FDB];
	_ =	sdelay $0x1  }
0x99: {  	s19 =	simm.s32 $_scs_section_size  }
0x9a: {  	s4 =	simm.s32 $_size__tile_overlayer_lowered;
	s5 =	simm.s32 $_tile_overlayer_lowered  }
0x9b: {  	s22 =	simm.s32 $0x1BFF;
	s21 =	sshll.u32 s5, $0x1;
	s2 =	sadd.s32 s19, s18  }
0x9c: {  	s6 =	simm.s32 $0x0;
	s20 =	sshll.u32 s4, $0x1;
	s4 =	sadd.s32 s21, s2  }
0x9d: {  	[timem:s6], [sflag:s22] =	dma.local [hbm:s4], s20  }
0x9e: {  	_ =	swait.ge [sflag:s22], s20  }
0x9f: {  	s3 =	ssub.s32 $0x0, s20;
	[sflag:s22] =	ssyncset.done $0x0  }
0xa0: {  	[sflag:s22] =	ssyncadd.s32 s3;
	_ =	sdelay $0x1  }
0xa1: {  	s23 =	simm.s32 $0x1B8B  }
0xa2: {  	_ =	swait.ge [sflag:s23], $0x1  }
0xa3: {  	[sflag:s23] =	ssyncset.done $0x0  }
0xa4: {  	s25 =	simm.s32 $0x1B8E;
	s24 =	sld [smem:$0x3FFE];
	[sflag:s23] =	ssyncadd.s32 $0xFFFFFFFF  }
0xa5: {  	s26 =	simm.s32 $execute0_lowered;
	[smem:$0x3FD2] =	sst s25  }
0xa6: {  	s4 =	sshll.u32 s26, $0x1;
	_ =	strace $0x8000004C;
	[dreg:$0x1] =	wrdreg $0xFFFFFFFF  }
0xa7: {  	s28 =	simm.s32 $_size_execute0_lowered;
	s2 =	sadd.s32 s2, s4;
	[dreg:$0x0] =	wrdreg $0x0  }
0xa8: {  	s4 =	sshll.u32 s28, $0x1;
	[dreg:$0x2] =	wrdreg s2  }
0xa9: {  	[dreg:$0x3] =	wrdreg s4  }
0xaa: {  	[dreg:$0x4] =	wrdreg $0xC0  }
0xab: {  	_ =	task [dreg:s6], $0x5FFFF  }
0xac: {  	[dreg:$0x1] =	wrdreg $0xFFFFFFFF  }
0xad: {  	[dreg:$0x0] =	wrdreg $0x60  }
0xae: {  	[dreg:$0x2] =	wrdreg s24  }
0xaf: {  	[dreg:$0x3] =	wrdreg $0xC2000  }
0xb0: {  	[dreg:$0x4] =	wrdreg $0x9  }
0xb1: {  	_ =	task.clear_ibuf [dreg:s6], $0x5FFFF;
	_ =	strace $0x9000004C  }
0xb2: {  	s29 =	simm.s32 $0x9;
	_ =	strace $0x8000004E  }
0xb3: {  	_ =	swait.ge [sflag:s29], $0x1  }
0xb4: {  	[sflag:s29] =	ssyncadd.s32 $0xFFFFFFFF  }
0xb5: {  	_ =	strace $0x9000004E  }
0xb6: {  	_ =	sfence  }
0xb7: {  	s30 =	sld [smem:$0x0];
	_ =	sdelay $0x2  }
0xb8: {  	s31 =	sshll.u32 s1, $0xD;
	s1 =	sshrl.u32 s1, $0x2  }
0xb9: {  	s3 =	sand.u32 $0x4000, s31;
	s1 =	sadd.s32 s1, s30  }
0xba: {  	s0 =	sor.u32 s3, s0;
	s1 =	sshll.u32 s1, $0x11  }
0xbb: {  	s0 =	sor.u32 s1, s0  }
0xbc: {  	s0 =	sadd.s32 $0x8F2B, s0  }
0xbd: {  	[sflag:s0] =	ssyncadd.remote.s32 $0x1  }
0xbe: {  	_ =	sfence.sel $0xFFFF  }
0xbf: {  	[dreg:$0x0] =	wrdreg $0xFFFFFFFF;
	(pc) =	sbr.abs _section_cstart, $3  }
0xc0: {  	[dreg:$0x1] =	wrdreg $0xFFFFFFFF  }
0xc1: {  	_ =	task.clear_ibuf [dreg:s6], $0x2FFFF;
	_ =	strace $0x9FFFFFFF  }
0xc2: {  	(tm) =	ssettm $0x7FFFFFFF  }
0xc3: {  	_ =	shalt  }
tec
execute0_lowered:
.L_overlay_start_1:
0x0: {  	(tag) =	ssettag $0x1  }
0x1: {  	s0 =	rddreg [dreg:$0x0]  }
0x2: {  	s1 =	rddreg [dreg:$0x1];
	s3 =	simm.s32 $0x0  }
0x3: {  	s2 =	srdreg.scid;
	s15 =	stileid.u32;
	s11 =	simm.s32 $0x80  }
0x4: {  	s14 =	simm.s32 $0x7;
	s17 =	simm.s32 $0x4000;
	s18 =	simm.s32 $0x4080  }
0x5: {  	s19 =	simm.s32 $0x1;
	s28 =	simm.s32 $0x5;
	s29 =	simm.s32 $0x6  }
0x6: {  	s30 =	simm.s32 $0x0;
	[smem:$0x7FF] =	sst s3;
	s2 =	sand.u32 $0x1, s2  }
0x7: {  	s4 =	sshll.u32 s15, $0x5;
	s7 =	smul.u32 $0x13C00, s15;
	s5 =	sshll.u32 s15, $0x7  }
0x8: {  	s10 =	smul.u32 $0x4F000, s15;
	s31 =	sshll.u32 s15, $0x6;
	p0 =	seq.s32 s2, $0x0  }
0x9: {  	s13 =	sor.u32 $0x800, s4;
	s6 =	smul.u32 $0x140000, s2;
	_ =	strace $0x8000004D  }
0xa: {  	s4 =	sadd.s32 $0x18200, s0;
	s2 =	ssub.s32 $0x2, s2;
	s15 =	sor.u32 $0x1C07, s31  }
0xb: {  	s13 =	smov.u32 @p0 s5;
	s5 =	sadd.s32 $0x68A00, s0;
	s20 =	sshrl.u32 s2, $0x1  }
0xc: {  	s11 =	simm.s32 @!p0 $0x20;
	s21 =	sshrl.u32 s10, $0x2;
	s8 =	sshll.u32 s13, $0x4  }
0xd: {  	s6 =	sadd.s32 s7, s6;
	s2 =	ssub.s32 s2, s20;
	s16 =	sadd.s32 s21, s1  }
0xe: {  	s7 =	sshrl.u32 s7, $0x3;
	s23 =	sadd.s32 $0xFFFFFFFE, s11;
	s12 =	sshrl.u32 s11, $0x1  }
0xf: {  	s24 =	sadd.s32 $0xFFFFFFFD, s11;
	s26 =	sshll.u32 s13, $0x7;
	s20 =	simm.s32 $0x4200  }
0x10: {  	s21 =	simm.s32 $0x2;
	s9 =	sadd.s32 s8, s0;
	s6 =	sshrl.u32 s6, $0x3  }
0x11: {  	s8 =	sadd.s32 s5, s8;
	s7 =	sadd.s32 s4, s7;
	[dreg:$0x3] =	wrdreg s23  }
0x12: {  	[dreg:$0x4] =	wrdreg s24;
	s25 =	ssub.s32 $0x0, s12;
	s12 =	smax.u32 s2, $0x1  }
0x13: {  	s16 =	sshrl.u32 s16, $0x3;
	s23 =	simm.s32 $0x3;
	[dreg:$0x8] =	wrdreg s7  }
0x14: {  	s24 =	simm.s32 $0x4100;
	s0 =	sadd.s32 s6, s0;
	[dreg:$0x7] =	wrdreg s8  }
0x15: {  	s6 =	simm.s32 $0x80;
	s9 =	sadd.s32 $0xE200, s9;
	[dreg:$0x5] =	wrdreg s25  }
0x16: {  	s22 =	sadd.s32 $0x10, s8;
	s25 =	simm.s32 $0x4;
	[dreg:$0x6] =	wrdreg s9  }
0x17: {  	[dreg:$0x9] =	wrdreg s22;
	s0 =	sadd.s32 $0x72A00, s0;
	s22 =	simm.s32 $0x8200  }
0x18: {  	[dreg:$0xa] =	wrdreg s0;
	s0 =	sor.u32 $0x100, s26;
	s26 =	simm.s32 $0x4180  }
.LBB2_1:
0x19: {  	s2 =	rddreg [dreg:$0x6]  }
0x1a: {  	[tilespmem:s3], [sflag:$0x7] =	stream.linear.gather [hbm4b:s2+s3], $0x4000, $0x38;
	[tilespmem:$0x1FE00] =	vst v63  }
0x1b: {  	_ =	swait.ge [sflag:s14], $0x4000  }
0x1c: {  	[sflag:s14] =	ssyncset.done $0x0  }
0x1d: {  	s10 =	rddreg [dreg:$0x8];
	[sflag:s14] =	ssyncadd.s32 $0xFFFFC000  }
0x1e: {  	[spmem:s16], [sflag:s15] =	dma.local [hbm:s10], $0x2780  }
0x1f: {  	_ =	swait.ge [sflag:s14], $0x2780  }
0x20: {  	[sflag:s14] =	ssyncset.done $0x0  }
0x21: {  	s11 =	rddreg [dreg:$0x7];
	[sflag:s14] =	ssyncadd.s32 $0xFFFFD880  }
0x22: {  	[tilespmem:s17], [sflag:$0x1] =	stream.linear.gather [hbm4b:s11+s3], $0x80, $0x38;
	[tilespmem:$0x1FE00] =	vst v63  }
0x23: {  	s31 =	simm.s32 $0x80;
	s7 =	simm.s32 $0x0;
	s13 =	rddreg [dreg:$0x9]  }
0x24: {  	[tilespmem:s18], [sflag:$0x2] =	stream.linear.gather [hbm4b:s13+s3], $0x80, $0x38;
	[tilespmem:$0x1FE00] =	vst v63  }
0x25: {  	s2 =	simm.s32 $0x0;
	s13 =	smov.u32 s0;
	[bflag:$0x0] =	sbarrier.arrive $0xFFFF  }
.LBB2_2:
0x26: {  	p0 =	seq.s32 s7, $0x0  }
0x27: {  	s9 =	simm.s32 @!p0 $0x5  }
0x28: {  	_ =	swait.ge @!p0 [sflag:s9], $0x4000  }
0x29: {  	[sflag:s9] =	ssyncset.done @!p0 $0x0  }
0x2a: {  	[sflag:s9] =	ssyncadd.s32 @!p0 $0xFFFFC000  }
0x2b: {  	v0 =	vld [tilespmem:s31+$0xFFFFFF80];
	_ =	sdelay $0x4  }
0x2c: {  	[tilespmem:$0x4100] =	vst v0  }
0x2d: {  	v0 =	vld [tilespmem:s31+$0xFFFFFF90];
	_ =	sdelay $0x4  }
0x2e: {  	[tilespmem:$0x4110] =	vst v0  }
0x2f: {  	v0 =	vld [tilespmem:s31+$0xFFFFFFA0];
	_ =	sdelay $0x4  }
0x30: {  	[tilespmem:$0x4120] =	vst v0  }
0x31: {  	v0 =	vld [tilespmem:s31+$0xFFFFFFB0];
	_ =	sdelay $0x4  }
0x32: {  	[tilespmem:$0x4130] =	vst v0  }
0x33: {  	v0 =	vld [tilespmem:s31+$0xFFFFFFC0];
	_ =	sdelay $0x4  }
0x34: {  	[tilespmem:$0x4140] =	vst v0  }
0x35: {  	v0 =	vld [tilespmem:s31+$0xFFFFFFD0];
	_ =	sdelay $0x4  }
0x36: {  	[tilespmem:$0x4150] =	vst v0  }
0x37: {  	v0 =	vld [tilespmem:s31+$0xFFFFFFE0];
	_ =	sdelay $0x4  }
0x38: {  	[tilespmem:$0x4160] =	vst v0  }
0x39: {  	v0 =	vld [tilespmem:s31+$0xFFFFFFF0];
	_ =	sdelay $0x4  }
0x3a: {  	s9 =	simm.s32 @!p0 $0x6;
	[tilespmem:$0x4170] =	vst v0  }
0x3b: {  	_ =	swait.ge @!p0 [sflag:s9], $0x4000  }
0x3c: {  	[sflag:s9] =	ssyncset.done @!p0 $0x0  }
0x3d: {  	[sflag:s9] =	ssyncadd.s32 @!p0 $0xFFFFC000  }
0x3e: {  	v63 =	vld [tilespmem:s31+$0x0];
	_ =	sdelay $0x4  }
0x3f: {  	[tilespmem:$0x4180] =	vst v63  }
0x40: {  	v0 =	vld [tilespmem:s31+$0x10];
	_ =	sdelay $0x4  }
0x41: {  	[tilespmem:$0x4190] =	vst v0  }
0x42: {  	v0 =	vld [tilespmem:s31+$0x20];
	_ =	sdelay $0x4  }
0x43: {  	[tilespmem:$0x41A0] =	vst v0  }
0x44: {  	v0 =	vld [tilespmem:s31+$0x30];
	_ =	sdelay $0x4  }
0x45: {  	[tilespmem:$0x41B0] =	vst v0  }
0x46: {  	v0 =	vld [tilespmem:s31+$0x40];
	_ =	sdelay $0x4  }
0x47: {  	[tilespmem:$0x41C0] =	vst v0  }
0x48: {  	v0 =	vld [tilespmem:s31+$0x50];
	_ =	sdelay $0x4  }
0x49: {  	[tilespmem:$0x41D0] =	vst v0  }
0x4a: {  	v0 =	vld [tilespmem:s31+$0x60];
	_ =	sdelay $0x4  }
0x4b: {  	[tilespmem:$0x41E0] =	vst v0  }
0x4c: {  	v0 =	vld [tilespmem:s31+$0x70];
	_ =	sdelay $0x4  }
0x4d: {  	[tilespmem:$0x41F0] =	vst v0  }
0x4e: {  	_ =	swait.ge [sflag:s19], $0x80  }
0x4f: {  	[sflag:s19] =	ssyncset.done $0x0  }
0x50: {  	[sflag:s19] =	ssyncadd.s32 $0xFFFFFF80  }
0x51: {  	[tilespmem:s20], [sflag:$0x3] =	stream.indirect.gather [hbm4b:s4+s6], $0x80, s17, s6, $0xb8;
	[tilespmem:$0x1FE00] =	vst v63  }
0x52: {  	_ =	swait.ge [sflag:s21], $0x80  }
0x53: {  	[sflag:s21] =	ssyncset.done $0x0  }
0x54: {  	[sflag:s21] =	ssyncadd.s32 $0xFFFFFF80  }
0x55: {  	[tilespmem:s22], [sflag:$0x4] =	stream.indirect.gather [hbm4b:s4+s6], $0x80, s18, s6, $0xb8;
	[tilespmem:$0x1FE00] =	vst v63  }
0x56: {  	_ =	swait.ge [sflag:s23], $0x4000  }
0x57: {  	[sflag:s23] =	ssyncset.done $0x0;
	s10 =	rddreg [dreg:$0x3]  }
0x58: {  	[sflag:s23] =	ssyncadd.s32 $0xFFFFC000;
	p0 =	sge.u32 s2, s10  }
0x59: {  	[spmem:s1] =	stream.indirect.scatter.add.f32 [tilespmem:s20], [sflag:$0x5], $0x80, s24, s6, $0xb8;
	[tilespmem:$0x1FE00] =	vst v63  }
0x5a: {  	s9 =	sshrl.u32 @!p0 s13, $0x3  }
0x5b: {  	s10 =	simm.s32 @!p0 $0x0;
	s8 =	simm.s32 @!p0 $0x4000;
	s9 =	sadd.s32 @!p0 s5, s9  }
0x5c: {  	[tilespmem:s8], [sflag:$0x1] =	stream.linear.gather @!p0 [hbm4b:s9+s10], $0x80, $0x38;
	[tilespmem:$0x1FE00] =	vst v63  }
0x5d: {  	_ =	swait.ge [sflag:s25], $0x4000  }
0x5e: {  	[sflag:s25] =	ssyncset.done $0x0;
	s11 =	rddreg [dreg:$0x4]  }
0x5f: {  	[sflag:s25] =	ssyncadd.s32 $0xFFFFC000;
	p0 =	sge.u32 s2, s11  }
0x60: {  	[spmem:s1] =	stream.indirect.scatter.add.f32 [tilespmem:s22], [sflag:$0x6], $0x80, s26, s6, $0xb8;
	[tilespmem:$0x1FE00] =	vst v63  }
0x61: {  	s8 =	sadd.s32 @!p0 $0x80, s13  }
0x62: {  	s7 =	sadd.s32 $0xFFFFFFFF, s7;
	s11 =	rddreg [dreg:$0x5];
	s8 =	sshrl.u32 @!p0 s8, $0x3  }
0x63: {  	s9 =	simm.s32 @!p0 $0x0;
	s10 =	simm.s32 @!p0 $0x4080;
	s8 =	sadd.s32 @!p0 s5, s8  }
0x64: {  	[tilespmem:s10], [sflag:$0x2] =	stream.linear.gather @!p0 [hbm4b:s8+s9], $0x80, $0x38;
	[tilespmem:$0x1FE00] =	vst v63  }
0x65: {  	p0 =	sne.s32 s11, s7  }
.Ltmp0:
0x66: {  	_ = 	snop;
	(pc) =	sbr.rel @p0 .LBB2_2-.Ltmp0, $2  }
0x67: {  	_ =	sdelay $0x2  }
0x68: {  	s31 =	sadd.s32 $0x100, s31;
	s2 =	sadd.s32 $0x2, s2;
	s13 =	sadd.s32 $0x100, s13  }
0x69: {  	_ =	swait.ge [sflag:s28], $0x4000  }
0x6a: {  	[sflag:s28] =	ssyncset.done $0x0  }
0x6b: {  	[sflag:s28] =	ssyncadd.s32 $0xFFFFC000  }
0x6c: {  	_ =	swait.ge [sflag:s29], $0x4000  }
0x6d: {  	[sflag:s29] =	ssyncset.done $0x0  }
0x6e: {  	s30 =	sadd.s32 $0x1, s30;
	[sflag:s29] =	ssyncadd.s32 $0xFFFFC000  }
0x6f: {  	p0 =	sne.s32 s30, s12;
	[bflag:$0x0] =	sbarrier.arrive $0xFFFF  }
.Ltmp1:
0x70: {  	s2 =	rddreg [dreg:$0xa];
	(pc) =	sbr.rel @p0 .LBB2_1-.Ltmp1, $4  }
0x71: {  	[hbm:s2], [sflag:s15] =	dma.local [spmem:s16], $0x2780  }
0x72: {  	_ =	swait.ge [sflag:s14], $0x2780  }
0x73: {  	[sflag:s14] =	ssyncset.done $0x0  }
0x74: {  	[sflag:s14] =	ssyncadd.s32 $0xFFFFD880  }
0x75: {  	_ =	sfence.sel $0x180000  }
0x76: {  	[bflag:$0x0] =	sbarrier.arrive $0xFFFF  }
0x77: {  	_ =	strace $0x9000004D  }
0x78: {  	s0 =	stileid.u32;
	[bflag:$0x2] =	sbarrier.arrive $0xFFFF  }
0x79: {  	p0 =	sne.s32 s0, $0x0;
	s0 =	rddreg [dreg:$0x2]  }
0x7a: {  	s0 =	sadd.s32 @!p0 $0x100000, s0  }
0x7b: {  	[sflag:s0] =	ssyncadd.tile.s32 @!p0 $0x1;
	_ =	shalt  }
.Lfunc_end2:
_tile_overlayer_lowered:
.L_overlay_start_2:
0x7c: {  	(tag) =	ssettag $0x2  }
0x7d: {  	s0 =	rddreg [dreg:$0x0];
	s2 =	stileid.u32  }
0x7e: {  	s1 =	rddreg [dreg:$0x1];
	p0 =	sne.s32 s2, $0x0  }
0x7f: {  	s3 =	rddreg [dreg:$0x2];
	[bflag:$0x3] =	sbarrier.arrive $0xFFFF;
	s2 =	simm.s32 @!p0 $0x1C07  }
0x80: {  	[timem:s3], [sflag:s2] =	dma.local @!p0 [hbm:s0], s1  }
0x81: {  	s0 =	simm.s32 @!p0 $0x7  }
0x82: {  	_ =	swait.ge @!p0 [sflag:s0], s1  }
0x83: {  	s1 =	ssub.s32 @!p0 $0x0, s1;
	[sflag:s0] =	ssyncset.done @!p0 $0x0  }
0x84: {  	[sflag:s0] =	ssyncadd.s32 @!p0 s1  }
0x85: {  	[bflag:$0x3] =	sbarrier.arrive $0xFFFF  }
0x86: {  	_ =	shalt  }

// kernel: kernel.20.cloned.1.call-start
scs
__scs_entry_jumppad:
0x0: {  	(pc) =	sbr.rel $0x88, $3  }
0x1: {  	(tag) =	ssettag $0x0;
	lr =	simm.s32 $0x1  }
0x2: {  	[smem:$0x3F96] =	sst lr;
	_ =	strace $0xD0000000  }
0x3: {  	_ = 	snop  }
0x4: {  	_ = 	snop  }
0x5: {  	_ = 	snop  }
0x6: {  	_ = 	snop  }
0x7: {  	_ = 	snop  }
__scs_overlays_trampoline_lowered:
0x8: {  	[smem:$0x3FA5] =	sst s0  }
0x9: {  	[smem:$0x3FA6] =	sst s1  }
0xa: {  	[smem:$0x3FA7] =	sst s2  }
0xb: {  	[smem:$0x3FA8] =	sst s3  }
0xc: {  	[smem:$0x3FA9] =	sst s4  }
0xd: {  	[smem:$0x3FAA] =	sst s5  }
0xe: {  	[smem:$0x3FAB] =	sst s6  }
0xf: {  	[smem:$0x3FAC] =	sst s7  }
0x10: {  	[smem:$0x3FAD] =	sst s8  }
0x11: {  	[smem:$0x3FAE] =	sst s9;
	s0 =	simm.s32 @!p0 $0x0  }
0x12: {  	s1 =	sld [smem:$0x3F94];
	s0 =	simm.s32 @p0 $0x1  }
0x13: {  	[smem:$0x3FAF] =	sst s0;
	s0 =	simm.s32 @!p1 $0x0  }
0x14: {  	s2 =	sld [smem:$0x3F93];
	s0 =	simm.s32 @p1 $0x1  }
0x15: {  	[smem:$0x3FB0] =	sst s0;
	s0 =	simm.s32 @!p2 $0x0  }
0x16: {  	s3 =	sld [smem:$0x3FDB];
	s0 =	simm.s32 @p2 $0x1  }
0x17: {  	s4 =	simm.s32 $0x1BF5;
	[smem:$0x3FB2] =	sst s0  }
0x18: {  	s0 =	sld [smem:$0x3F95];
	_ =	swait.ge [sflag:s4], $0x0  }
0x19: {  	s7 =	sld [smem:$0x3F96]  }
0x1a: {  	s8 =	sadd.s32 $0xFFFFE003, lr  }
0x1b: {  	s9 =	sadd.s32 $0xFFFFFEF7, lr;
	s5 =	simm.s32 $0xFFFFFFFF;
	p2 =	slt.u32 s8, $0xFFFFF086  }
0x1c: {  	p1 =	slt.u32 s9, $0xF7A;
	s5 =	simm.s32 @!p2 $0x0  }
0x1d: {  	s5 =	simm.s32 @p1 $0x1;
	p0 =	seq.s32 s7, s2  }
0x1e: {  	s7 =	smul.u32 @!p0 $0xF7A, s2;
	p2 =	seq.s32 @!p0 s5, $0x0  }
0x1f: {  	s9 =	smul.u32 $0xF7A, s1;
	s8 =	simm.s32 @!p0 $0x1BF5;
	p2 =	por !p2, p0  }
0x20: {  	[sflag:s8] =	ssyncset.s32 @!p0 $0xFFFFF086;
	s6 =	sadd.s32 @!p0 s3, s7;
	s7 =	simm.s32 @!p0 $0x108  }
0x21: {  	s3 =	sadd.s32 s3, s9;
	s6 =	sadd.s32 @!p0 $0x88, s6;
	s7 =	simm.s32 @p2 $0x1082  }
0x22: {  	[simem:s7], [sflag:s8] =	dma.local @!p0 [hbm:s6], $0xF7A  }
0x23: {  	s9 =	sor.u32 $0xD0000000, s2;
	s6 =	simm.s32 $0x108;
	_ =	swait.ge @!p0 [sflag:s8], $0x0  }
0x24: {  	s3 =	sadd.s32 $0x88, s3;
	s6 =	simm.s32 @!p1 $0x1082;
	[sflag:s4] =	ssyncset.s32 $0xFFFFF086  }
0x25: {  	[simem:s6], [sflag:s4] =	dma.local [hbm:s3], $0xF7A  }
0x26: {  	[smem:$0x3F96] =	sst s1;
	(tag) =	ssettag s2;
	_ =	strace s9  }
0x27: {  	s1 =	sld [smem:$0x3FA6]  }
0x28: {  	s2 =	sld [smem:$0x3FA7]  }
0x29: {  	s4 =	sld [smem:$0x3FA9]  }
0x2a: {  	p0 =	seq.s32 s5, $0x0;
	s5 =	sld [smem:$0x3FAA]  }
0x2b: {  	s6 =	sld [smem:$0x3FAB]  }
0x2c: {  	s7 =	sld [smem:$0x3FAC]  }
0x2d: {  	s3 =	simm.s32 $0x108;
	s8 =	sld [smem:$0x3FAD]  }
0x2e: {  	s3 =	simm.s32 @!p0 $0x1082;
	s9 =	sld [smem:$0x3FAE]  }
0x2f: {  	lr =	sadd.s32 s0, s3;
	s0 =	sld [smem:$0x3FA5]  }
0x30: {  	s3 =	sld [smem:$0x3FA8]  }
0x31: {  	[smem:$0x3FB1] =	sst s10  }
0x32: {  	s10 =	sld [smem:$0x3FAF];
	_ =	sdelay $0x3  }
0x33: {  	p0 =	seq.s32 s10, $0x1;
	s10 =	sld [smem:$0x3FB1];
	_ =	sdelay $0x3  }
0x34: {  	[smem:$0x3FB1] =	sst s10  }
0x35: {  	s10 =	sld [smem:$0x3FB0];
	_ =	sdelay $0x3  }
0x36: {  	p1 =	seq.s32 s10, $0x1;
	s10 =	sld [smem:$0x3FB1];
	_ =	sdelay $0x3  }
0x37: {  	[smem:$0x3FB1] =	sst s10  }
0x38: {  	s10 =	sld [smem:$0x3FB2]  }
0x39: {  	_ = 	snop;
	(pc) =	sbr.ind lr, $3  }
0x3a: {  	_ = 	snop  }
0x3b: {  	_ = 	snop  }
0x3c: {  	p2 =	seq.s32 s10, $0x1;
	s10 =	sld [smem:$0x3FB1]  }
0x3d: {  	_ =	shalt  }
0x3e: {  	_ =	shalt  }
0x3f: {  	_ =	shalt  }
0x40: {  	_ =	shalt  }
0x41: {  	_ =	shalt  }
0x42: {  	_ =	shalt  }
0x43: {  	_ =	shalt  }
0x44: {  	_ =	shalt  }
0x45: {  	_ =	shalt  }
0x46: {  	_ =	shalt  }
0x47: {  	_ =	shalt  }
0x48: {  	_ =	shalt  }
0x49: {  	_ =	shalt  }
0x4a: {  	_ =	shalt  }
0x4b: {  	_ =	shalt  }
0x4c: {  	_ =	shalt  }
0x4d: {  	_ =	shalt  }
0x4e: {  	_ =	shalt  }
0x4f: {  	_ =	shalt  }
0x50: {  	_ =	shalt  }
0x51: {  	_ =	shalt  }
0x52: {  	_ =	shalt  }
0x53: {  	_ =	shalt  }
0x54: {  	_ =	shalt  }
0x55: {  	_ =	shalt  }
0x56: {  	_ =	shalt  }
0x57: {  	_ =	shalt  }
0x58: {  	_ =	shalt  }
0x59: {  	_ =	shalt  }
0x5a: {  	_ =	shalt  }
0x5b: {  	_ =	shalt  }
0x5c: {  	_ =	shalt  }
0x5d: {  	_ =	shalt  }
0x5e: {  	_ =	shalt  }
0x5f: {  	_ =	shalt  }
0x60: {  	_ =	shalt  }
0x61: {  	_ =	shalt  }
0x62: {  	_ =	shalt  }
0x63: {  	_ =	shalt  }
0x64: {  	_ =	shalt  }
0x65: {  	_ =	shalt  }
0x66: {  	_ =	shalt  }
0x67: {  	_ =	shalt  }
0x68: {  	_ =	shalt  }
0x69: {  	_ =	shalt  }
0x6a: {  	_ =	shalt  }
0x6b: {  	_ =	shalt  }
0x6c: {  	_ =	shalt  }
0x6d: {  	_ =	shalt  }
0x6e: {  	_ =	shalt  }
0x6f: {  	_ =	shalt  }
0x70: {  	_ =	shalt  }
0x71: {  	_ =	shalt  }
0x72: {  	_ =	shalt  }
0x73: {  	_ =	shalt  }
0x74: {  	_ =	shalt  }
0x75: {  	_ =	shalt  }
0x76: {  	_ =	shalt  }
0x77: {  	_ =	shalt  }
0x78: {  	_ =	shalt  }
0x79: {  	_ =	shalt  }
0x7a: {  	_ =	shalt  }
0x7b: {  	_ =	shalt  }
0x7c: {  	_ =	shalt  }
0x7d: {  	_ =	shalt  }
0x7e: {  	_ =	shalt  }
0x7f: {  	_ =	shalt  }
0x80: {  	_ =	shalt  }
0x81: {  	_ =	shalt  }
0x82: {  	_ =	shalt  }
0x83: {  	_ =	shalt  }
0x84: {  	_ =	shalt  }
0x85: {  	_ =	shalt  }
0x86: {  	_ =	shalt  }
0x87: {  	_ =	shalt  }
.Lfunc_end0:
.L_simem_size_0:
called_computation.3_lowered:
.L_overlay_start_0:
0x88: {  	s2 =	sld [smem:$0x3FD9]  }
0x89: {  	s3 =	sld [smem:$0x3FFE];
	_ =	sdelay $0x1  }
0x8a: {  	s1 =	srdreg.scid  }
0x8b: {  	s0 =	sand.u32 $0x1, s1  }
0x8c: {  	s16 =	sshll.u32 s0, $0xA;
	s2 =	sadd.s32 s3, s2  }
0x8d: {  	s2 =	sadd.s32 s2, s16  }
0x8e: {  	[smem:$0x3FBD] =	sst s2  }
0x8f: {  	_ = 	snop  }
0x90: {  	(tm) =	ssettm $0x1  }
0x91: {  	s17 =	sld [smem:$0x3FFB];
	_ =	sdelay $0x3  }
0x92: {  	_ =	strace s17  }
0x93: {  	s2 =	sld [smem:$0x3FFC];
	_ =	sdelay $0x3  }
0x94: {  	_ =	strace s2  }
0x95: {  	s2 =	sld [smem:$0x3FFD];
	_ =	sdelay $0x3  }
0x96: {  	_ =	strace s2  }
0x97: {  	_ =	strace $0x8FFFFFFF  }
0x98: {  	s18 =	sld [smem:$0x3FDB];
	_ =	sdelay $0x1  }
0x99: {  	s19 =	simm.s32 $_scs_section_size  }
0x9a: {  	s4 =	simm.s32 $_size__tile_overlayer_lowered;
	s5 =	simm.s32 $_tile_overlayer_lowered  }
0x9b: {  	s22 =	simm.s32 $0x1BFF;
	s21 =	sshll.u32 s5, $0x1;
	s2 =	sadd.s32 s19, s18  }
0x9c: {  	s6 =	simm.s32 $0x0;
	s20 =	sshll.u32 s4, $0x1;
	s4 =	sadd.s32 s21, s2  }
0x9d: {  	[timem:s6], [sflag:s22] =	dma.local [hbm:s4], s20  }
0x9e: {  	_ =	swait.ge [sflag:s22], s20  }
0x9f: {  	s3 =	ssub.s32 $0x0, s20;
	[sflag:s22] =	ssyncset.done $0x0  }
0xa0: {  	[sflag:s22] =	ssyncadd.s32 s3;
	_ =	sdelay $0x1  }
0xa1: {  	s23 =	simm.s32 $0x1B8B  }
0xa2: {  	_ =	swait.ge [sflag:s23], $0x1  }
0xa3: {  	[sflag:s23] =	ssyncset.done $0x0  }
0xa4: {  	s25 =	simm.s32 $0x1B8E;
	s24 =	sld [smem:$0x3FFE];
	[sflag:s23] =	ssyncadd.s32 $0xFFFFFFFF  }
0xa5: {  	s26 =	simm.s32 $execute0_lowered;
	[smem:$0x3FD2] =	sst s25  }
0xa6: {  	s4 =	sshll.u32 s26, $0x1;
	_ =	strace $0x8000004F;
	[dreg:$0x1] =	wrdreg $0xFFFFFFFF  }
0xa7: {  	s28 =	simm.s32 $_size_execute0_lowered;
	s2 =	sadd.s32 s2, s4;
	[dreg:$0x0] =	wrdreg $0x0  }
0xa8: {  	s4 =	sshll.u32 s28, $0x1;
	[dreg:$0x2] =	wrdreg s2  }
0xa9: {  	[dreg:$0x3] =	wrdreg s4  }
0xaa: {  	[dreg:$0x4] =	wrdreg $0xC0  }
0xab: {  	_ =	task [dreg:s6], $0x5FFFF  }
0xac: {  	[dreg:$0x1] =	wrdreg $0xFFFFFFFF  }
0xad: {  	[dreg:$0x0] =	wrdreg $0x60  }
0xae: {  	[dreg:$0x2] =	wrdreg s24  }
0xaf: {  	[dreg:$0x3] =	wrdreg $0xC2000  }
0xb0: {  	[dreg:$0x4] =	wrdreg $0x9  }
0xb1: {  	_ =	task.clear_ibuf [dreg:s6], $0x5FFFF;
	_ =	strace $0x9000004F  }
0xb2: {  	s29 =	simm.s32 $0x9;
	_ =	strace $0x80000051  }
0xb3: {  	_ =	swait.ge [sflag:s29], $0x1  }
0xb4: {  	[sflag:s29] =	ssyncadd.s32 $0xFFFFFFFF  }
0xb5: {  	_ =	strace $0x90000051  }
0xb6: {  	_ =	sfence  }
0xb7: {  	s30 =	sld [smem:$0x0];
	_ =	sdelay $0x2  }
0xb8: {  	s31 =	sshll.u32 s1, $0xD;
	s1 =	sshrl.u32 s1, $0x2  }
0xb9: {  	s3 =	sand.u32 $0x4000, s31;
	s1 =	sadd.s32 s1, s30  }
0xba: {  	s0 =	sor.u32 s3, s0;
	s1 =	sshll.u32 s1, $0x11  }
0xbb: {  	s0 =	sor.u32 s1, s0  }
0xbc: {  	s0 =	sadd.s32 $0x8F2B, s0  }
0xbd: {  	[sflag:s0] =	ssyncadd.remote.s32 $0x1  }
0xbe: {  	_ =	sfence.sel $0xFFFF  }
0xbf: {  	[dreg:$0x0] =	wrdreg $0xFFFFFFFF;
	(pc) =	sbr.abs _section_cstart, $3  }
0xc0: {  	[dreg:$0x1] =	wrdreg $0xFFFFFFFF  }
0xc1: {  	_ =	task.clear_ibuf [dreg:s6], $0x2FFFF;
	_ =	strace $0x9FFFFFFF  }
0xc2: {  	(tm) =	ssettm $0x7FFFFFFF  }
0xc3: {  	_ =	shalt  }
tec
execute0_lowered:
.L_overlay_start_1:
0x0: {  	(tag) =	ssettag $0x1  }
0x1: {  	s0 =	rddreg [dreg:$0x0]  }
0x2: {  	s1 =	rddreg [dreg:$0x1];
	s3 =	simm.s32 $0x0  }
0x3: {  	s2 =	srdreg.scid;
	s15 =	stileid.u32;
	s11 =	simm.s32 $0x80  }
0x4: {  	s14 =	simm.s32 $0x7;
	s17 =	simm.s32 $0x4000;
	s18 =	simm.s32 $0x4080  }
0x5: {  	s19 =	simm.s32 $0x1;
	s28 =	simm.s32 $0x5;
	s29 =	simm.s32 $0x6  }
0x6: {  	s30 =	simm.s32 $0x0;
	[smem:$0x7FF] =	sst s3;
	s2 =	sand.u32 $0x1, s2  }
0x7: {  	s4 =	sshll.u32 s15, $0x5;
	s7 =	smul.u32 $0x13C00, s15;
	s5 =	sshll.u32 s15, $0x7  }
0x8: {  	s10 =	smul.u32 $0x4F000, s15;
	s31 =	sshll.u32 s15, $0x6;
	p0 =	seq.s32 s2, $0x0  }
0x9: {  	s13 =	sor.u32 $0x800, s4;
	s6 =	smul.u32 $0x140000, s2;
	_ =	strace $0x80000050  }
0xa: {  	s4 =	sadd.s32 $0x18200, s0;
	s2 =	ssub.s32 $0x2, s2;
	s15 =	sor.u32 $0x1C07, s31  }
0xb: {  	s13 =	smov.u32 @p0 s5;
	s5 =	sadd.s32 $0x68A00, s0;
	s20 =	sshrl.u32 s2, $0x1  }
0xc: {  	s11 =	simm.s32 @!p0 $0x20;
	s21 =	sshrl.u32 s10, $0x2;
	s8 =	sshll.u32 s13, $0x4  }
0xd: {  	s6 =	sadd.s32 s7, s6;
	s2 =	ssub.s32 s2, s20;
	s16 =	sadd.s32 s21, s1  }
0xe: {  	s7 =	sshrl.u32 s7, $0x3;
	s23 =	sadd.s32 $0xFFFFFFFE, s11;
	s12 =	sshrl.u32 s11, $0x1  }
0xf: {  	s24 =	sadd.s32 $0xFFFFFFFD, s11;
	s26 =	sshll.u32 s13, $0x7;
	s20 =	simm.s32 $0x4200  }
0x10: {  	s21 =	simm.s32 $0x2;
	s9 =	sadd.s32 s8, s0;
	s6 =	sshrl.u32 s6, $0x3  }
0x11: {  	s8 =	sadd.s32 s5, s8;
	s7 =	sadd.s32 s4, s7;
	[dreg:$0x3] =	wrdreg s23  }
0x12: {  	[dreg:$0x4] =	wrdreg s24;
	s25 =	ssub.s32 $0x0, s12;
	s12 =	smax.u32 s2, $0x1  }
0x13: {  	s16 =	sshrl.u32 s16, $0x3;
	s23 =	simm.s32 $0x3;
	[dreg:$0x8] =	wrdreg s7  }
0x14: {  	s24 =	simm.s32 $0x4100;
	s0 =	sadd.s32 s6, s0;
	[dreg:$0x7] =	wrdreg s8  }
0x15: {  	s6 =	simm.s32 $0x80;
	s9 =	sadd.s32 $0xE200, s9;
	[dreg:$0x5] =	wrdreg s25  }
0x16: {  	s22 =	sadd.s32 $0x10, s8;
	s25 =	simm.s32 $0x4;
	[dreg:$0x6] =	wrdreg s9  }
0x17: {  	[dreg:$0x9] =	wrdreg s22;
	s0 =	sadd.s32 $0x72A00, s0;
	s22 =	simm.s32 $0x8200  }
0x18: {  	[dreg:$0xa] =	wrdreg s0;
	s0 =	sor.u32 $0x100, s26;
	s26 =	simm.s32 $0x4180  }
.LBB2_1:
0x19: {  	s2 =	rddreg [dreg:$0x6]  }
0x1a: {  	[tilespmem:s3], [sflag:$0x7] =	stream.linear.gather [hbm4b:s2+s3], $0x4000, $0x38;
	[tilespmem:$0x1FE00] =	vst v63  }
0x1b: {  	_ =	swait.ge [sflag:s14], $0x4000  }
0x1c: {  	[sflag:s14] =	ssyncset.done $0x0  }
0x1d: {  	s10 =	rddreg [dreg:$0x8];
	[sflag:s14] =	ssyncadd.s32 $0xFFFFC000  }
0x1e: {  	[spmem:s16], [sflag:s15] =	dma.local [hbm:s10], $0x2780  }
0x1f: {  	_ =	swait.ge [sflag:s14], $0x2780  }
0x20: {  	[sflag:s14] =	ssyncset.done $0x0  }
0x21: {  	s11 =	rddreg [dreg:$0x7];
	[sflag:s14] =	ssyncadd.s32 $0xFFFFD880  }
0x22: {  	[tilespmem:s17], [sflag:$0x1] =	stream.linear.gather [hbm4b:s11+s3], $0x80, $0x38;
	[tilespmem:$0x1FE00] =	vst v63  }
0x23: {  	s31 =	simm.s32 $0x80;
	s7 =	simm.s32 $0x0;
	s13 =	rddreg [dreg:$0x9]  }
0x24: {  	[tilespmem:s18], [sflag:$0x2] =	stream.linear.gather [hbm4b:s13+s3], $0x80, $0x38;
	[tilespmem:$0x1FE00] =	vst v63  }
0x25: {  	s2 =	simm.s32 $0x0;
	s13 =	smov.u32 s0;
	[bflag:$0x0] =	sbarrier.arrive $0xFFFF  }
.LBB2_2:
0x26: {  	p0 =	seq.s32 s7, $0x0  }
0x27: {  	s9 =	simm.s32 @!p0 $0x5  }
0x28: {  	_ =	swait.ge @!p0 [sflag:s9], $0x4000  }
0x29: {  	[sflag:s9] =	ssyncset.done @!p0 $0x0  }
0x2a: {  	[sflag:s9] =	ssyncadd.s32 @!p0 $0xFFFFC000  }
0x2b: {  	v0 =	vld [tilespmem:s31+$0xFFFFFF80];
	_ =	sdelay $0x4  }
0x2c: {  	[tilespmem:$0x4100] =	vst v0  }
0x2d: {  	v0 =	vld [tilespmem:s31+$0xFFFFFF90];
	_ =	sdelay $0x4  }
0x2e: {  	[tilespmem:$0x4110] =	vst v0  }
0x2f: {  	v0 =	vld [tilespmem:s31+$0xFFFFFFA0];
	_ =	sdelay $0x4  }
0x30: {  	[tilespmem:$0x4120] =	vst v0  }
0x31: {  	v0 =	vld [tilespmem:s31+$0xFFFFFFB0];
	_ =	sdelay $0x4  }
0x32: {  	[tilespmem:$0x4130] =	vst v0  }
0x33: {  	v0 =	vld [tilespmem:s31+$0xFFFFFFC0];
	_ =	sdelay $0x4  }
0x34: {  	[tilespmem:$0x4140] =	vst v0  }
0x35: {  	v0 =	vld [tilespmem:s31+$0xFFFFFFD0];
	_ =	sdelay $0x4  }
0x36: {  	[tilespmem:$0x4150] =	vst v0  }
0x37: {  	v0 =	vld [tilespmem:s31+$0xFFFFFFE0];
	_ =	sdelay $0x4  }
0x38: {  	[tilespmem:$0x4160] =	vst v0  }
0x39: {  	v0 =	vld [tilespmem:s31+$0xFFFFFFF0];
	_ =	sdelay $0x4  }
0x3a: {  	s9 =	simm.s32 @!p0 $0x6;
	[tilespmem:$0x4170] =	vst v0  }
0x3b: {  	_ =	swait.ge @!p0 [sflag:s9], $0x4000  }
0x3c: {  	[sflag:s9] =	ssyncset.done @!p0 $0x0  }
0x3d: {  	[sflag:s9] =	ssyncadd.s32 @!p0 $0xFFFFC000  }
0x3e: {  	v63 =	vld [tilespmem:s31+$0x0];
	_ =	sdelay $0x4  }
0x3f: {  	[tilespmem:$0x4180] =	vst v63  }
0x40: {  	v0 =	vld [tilespmem:s31+$0x10];
	_ =	sdelay $0x4  }
0x41: {  	[tilespmem:$0x4190] =	vst v0  }
0x42: {  	v0 =	vld [tilespmem:s31+$0x20];
	_ =	sdelay $0x4  }
0x43: {  	[tilespmem:$0x41A0] =	vst v0  }
0x44: {  	v0 =	vld [tilespmem:s31+$0x30];
	_ =	sdelay $0x4  }
0x45: {  	[tilespmem:$0x41B0] =	vst v0  }
0x46: {  	v0 =	vld [tilespmem:s31+$0x40];
	_ =	sdelay $0x4  }
0x47: {  	[tilespmem:$0x41C0] =	vst v0  }
0x48: {  	v0 =	vld [tilespmem:s31+$0x50];
	_ =	sdelay $0x4  }
0x49: {  	[tilespmem:$0x41D0] =	vst v0  }
0x4a: {  	v0 =	vld [tilespmem:s31+$0x60];
	_ =	sdelay $0x4  }
0x4b: {  	[tilespmem:$0x41E0] =	vst v0  }
0x4c: {  	v0 =	vld [tilespmem:s31+$0x70];
	_ =	sdelay $0x4  }
0x4d: {  	[tilespmem:$0x41F0] =	vst v0  }
0x4e: {  	_ =	swait.ge [sflag:s19], $0x80  }
0x4f: {  	[sflag:s19] =	ssyncset.done $0x0  }
0x50: {  	[sflag:s19] =	ssyncadd.s32 $0xFFFFFF80  }
0x51: {  	[tilespmem:s20], [sflag:$0x3] =	stream.indirect.gather [hbm4b:s4+s6], $0x80, s17, s6, $0xb8;
	[tilespmem:$0x1FE00] =	vst v63  }
0x52: {  	_ =	swait.ge [sflag:s21], $0x80  }
0x53: {  	[sflag:s21] =	ssyncset.done $0x0  }
0x54: {  	[sflag:s21] =	ssyncadd.s32 $0xFFFFFF80  }
0x55: {  	[tilespmem:s22], [sflag:$0x4] =	stream.indirect.gather [hbm4b:s4+s6], $0x80, s18, s6, $0xb8;
	[tilespmem:$0x1FE00] =	vst v63  }
0x56: {  	_ =	swait.ge [sflag:s23], $0x4000  }
0x57: {  	[sflag:s23] =	ssyncset.done $0x0;
	s10 =	rddreg [dreg:$0x3]  }
0x58: {  	[sflag:s23] =	ssyncadd.s32 $0xFFFFC000;
	p0 =	sge.u32 s2, s10  }
0x59: {  	[spmem:s1] =	stream.indirect.scatter.add.f32 [tilespmem:s20], [sflag:$0x5], $0x80, s24, s6, $0xb8;
	[tilespmem:$0x1FE00] =	vst v63  }
0x5a: {  	s9 =	sshrl.u32 @!p0 s13, $0x3  }
0x5b: {  	s10 =	simm.s32 @!p0 $0x0;
	s8 =	simm.s32 @!p0 $0x4000;
	s9 =	sadd.s32 @!p0 s5, s9  }
0x5c: {  	[tilespmem:s8], [sflag:$0x1] =	stream.linear.gather @!p0 [hbm4b:s9+s10], $0x80, $0x38;
	[tilespmem:$0x1FE00] =	vst v63  }
0x5d: {  	_ =	swait.ge [sflag:s25], $0x4000  }
0x5e: {  	[sflag:s25] =	ssyncset.done $0x0;
	s11 =	rddreg [dreg:$0x4]  }
0x5f: {  	[sflag:s25] =	ssyncadd.s32 $0xFFFFC000;
	p0 =	sge.u32 s2, s11  }
0x60: {  	[spmem:s1] =	stream.indirect.scatter.add.f32 [tilespmem:s22], [sflag:$0x6], $0x80, s26, s6, $0xb8;
	[tilespmem:$0x1FE00] =	vst v63  }
0x61: {  	s8 =	sadd.s32 @!p0 $0x80, s13  }
0x62: {  	s7 =	sadd.s32 $0xFFFFFFFF, s7;
	s11 =	rddreg [dreg:$0x5];
	s8 =	sshrl.u32 @!p0 s8, $0x3  }
0x63: {  	s9 =	simm.s32 @!p0 $0x0;
	s10 =	simm.s32 @!p0 $0x4080;
	s8 =	sadd.s32 @!p0 s5, s8  }
0x64: {  	[tilespmem:s10], [sflag:$0x2] =	stream.linear.gather @!p0 [hbm4b:s8+s9], $0x80, $0x38;
	[tilespmem:$0x1FE00] =	vst v63  }
0x65: {  	p0 =	sne.s32 s11, s7  }
.Ltmp0:
0x66: {  	_ = 	snop;
	(pc) =	sbr.rel @p0 .LBB2_2-.Ltmp0, $2  }
0x67: {  	_ =	sdelay $0x2  }
0x68: {  	s31 =	sadd.s32 $0x100, s31;
	s2 =	sadd.s32 $0x2, s2;
	s13 =	sadd.s32 $0x100, s13  }
0x69: {  	_ =	swait.ge [sflag:s28], $0x4000  }
0x6a: {  	[sflag:s28] =	ssyncset.done $0x0  }
0x6b: {  	[sflag:s28] =	ssyncadd.s32 $0xFFFFC000  }
0x6c: {  	_ =	swait.ge [sflag:s29], $0x4000  }
0x6d: {  	[sflag:s29] =	ssyncset.done $0x0  }
0x6e: {  	s30 =	sadd.s32 $0x1, s30;
	[sflag:s29] =	ssyncadd.s32 $0xFFFFC000  }
0x6f: {  	p0 =	sne.s32 s30, s12;
	[bflag:$0x0] =	sbarrier.arrive $0xFFFF  }
.Ltmp1:
0x70: {  	s2 =	rddreg [dreg:$0xa];
	(pc) =	sbr.rel @p0 .LBB2_1-.Ltmp1, $4  }
0x71: {  	[hbm:s2], [sflag:s15] =	dma.local [spmem:s16], $0x2780  }
0x72: {  	_ =	swait.ge [sflag:s14], $0x2780  }
0x73: {  	[sflag:s14] =	ssyncset.done $0x0  }
0x74: {  	[sflag:s14] =	ssyncadd.s32 $0xFFFFD880  }
0x75: {  	_ =	sfence.sel $0x180000  }
0x76: {  	[bflag:$0x0] =	sbarrier.arrive $0xFFFF  }
0x77: {  	_ =	strace $0x90000050  }
0x78: {  	s0 =	stileid.u32;
	[bflag:$0x2] =	sbarrier.arrive $0xFFFF  }
0x79: {  	p0 =	sne.s32 s0, $0x0;
	s0 =	rddreg [dreg:$0x2]  }
0x7a: {  	s0 =	sadd.s32 @!p0 $0x100000, s0  }
0x7b: {  	[sflag:s0] =	ssyncadd.tile.s32 @!p0 $0x1;
	_ =	shalt  }
.Lfunc_end2:
_tile_overlayer_lowered:
.L_overlay_start_2:
0x7c: {  	(tag) =	ssettag $0x2  }
0x7d: {  	s0 =	rddreg [dreg:$0x0];
	s2 =	stileid.u32  }
0x7e: {  	s1 =	rddreg [dreg:$0x1];
	p0 =	sne.s32 s2, $0x0  }
0x7f: {  	s3 =	rddreg [dreg:$0x2];
	[bflag:$0x3] =	sbarrier.arrive $0xFFFF;
	s2 =	simm.s32 @!p0 $0x1C07  }
0x80: {  	[timem:s3], [sflag:s2] =	dma.local @!p0 [hbm:s0], s1  }
0x81: {  	s0 =	simm.s32 @!p0 $0x7  }
0x82: {  	_ =	swait.ge @!p0 [sflag:s0], s1  }
0x83: {  	s1 =	ssub.s32 @!p0 $0x0, s1;
	[sflag:s0] =	ssyncset.done @!p0 $0x0  }
0x84: {  	[sflag:s0] =	ssyncadd.s32 @!p0 s1  }
0x85: {  	[bflag:$0x3] =	sbarrier.arrive $0xFFFF  }
0x86: {  	_ =	shalt  }

// kernel: kernel.23.cloned.1.call-start
scs
__scs_entry_jumppad:
0x0: {  	(pc) =	sbr.rel $0x88, $3  }
0x1: {  	(tag) =	ssettag $0x0;
	lr =	simm.s32 $0x1  }
0x2: {  	[smem:$0x3F96] =	sst lr;
	_ =	strace $0xD0000000  }
0x3: {  	_ = 	snop  }
0x4: {  	_ = 	snop  }
0x5: {  	_ = 	snop  }
0x6: {  	_ = 	snop  }
0x7: {  	_ = 	snop  }
__scs_overlays_trampoline_lowered:
0x8: {  	[smem:$0x3FA5] =	sst s0  }
0x9: {  	[smem:$0x3FA6] =	sst s1  }
0xa: {  	[smem:$0x3FA7] =	sst s2  }
0xb: {  	[smem:$0x3FA8] =	sst s3  }
0xc: {  	[smem:$0x3FA9] =	sst s4  }
0xd: {  	[smem:$0x3FAA] =	sst s5  }
0xe: {  	[smem:$0x3FAB] =	sst s6  }
0xf: {  	[smem:$0x3FAC] =	sst s7  }
0x10: {  	[smem:$0x3FAD] =	sst s8  }
0x11: {  	[smem:$0x3FAE] =	sst s9;
	s0 =	simm.s32 @!p0 $0x0  }
0x12: {  	s1 =	sld [smem:$0x3F94];
	s0 =	simm.s32 @p0 $0x1  }
0x13: {  	[smem:$0x3FAF] =	sst s0;
	s0 =	simm.s32 @!p1 $0x0  }
0x14: {  	s2 =	sld [smem:$0x3F93];
	s0 =	simm.s32 @p1 $0x1  }
0x15: {  	[smem:$0x3FB0] =	sst s0;
	s0 =	simm.s32 @!p2 $0x0  }
0x16: {  	s3 =	sld [smem:$0x3FDB];
	s0 =	simm.s32 @p2 $0x1  }
0x17: {  	s4 =	simm.s32 $0x1BF5;
	[smem:$0x3FB2] =	sst s0  }
0x18: {  	s0 =	sld [smem:$0x3F95];
	_ =	swait.ge [sflag:s4], $0x0  }
0x19: {  	s7 =	sld [smem:$0x3F96]  }
0x1a: {  	s8 =	sadd.s32 $0xFFFFE003, lr  }
0x1b: {  	s9 =	sadd.s32 $0xFFFFFEF7, lr;
	s5 =	simm.s32 $0xFFFFFFFF;
	p2 =	slt.u32 s8, $0xFFFFF086  }
0x1c: {  	p1 =	slt.u32 s9, $0xF7A;
	s5 =	simm.s32 @!p2 $0x0  }
0x1d: {  	s5 =	simm.s32 @p1 $0x1;
	p0 =	seq.s32 s7, s2  }
0x1e: {  	s7 =	smul.u32 @!p0 $0xF7A, s2;
	p2 =	seq.s32 @!p0 s5, $0x0  }
0x1f: {  	s9 =	smul.u32 $0xF7A, s1;
	s8 =	simm.s32 @!p0 $0x1BF5;
	p2 =	por !p2, p0  }
0x20: {  	[sflag:s8] =	ssyncset.s32 @!p0 $0xFFFFF086;
	s6 =	sadd.s32 @!p0 s3, s7;
	s7 =	simm.s32 @!p0 $0x108  }
0x21: {  	s3 =	sadd.s32 s3, s9;
	s6 =	sadd.s32 @!p0 $0x88, s6;
	s7 =	simm.s32 @p2 $0x1082  }
0x22: {  	[simem:s7], [sflag:s8] =	dma.local @!p0 [hbm:s6], $0xF7A  }
0x23: {  	s9 =	sor.u32 $0xD0000000, s2;
	s6 =	simm.s32 $0x108;
	_ =	swait.ge @!p0 [sflag:s8], $0x0  }
0x24: {  	s3 =	sadd.s32 $0x88, s3;
	s6 =	simm.s32 @!p1 $0x1082;
	[sflag:s4] =	ssyncset.s32 $0xFFFFF086  }
0x25: {  	[simem:s6], [sflag:s4] =	dma.local [hbm:s3], $0xF7A  }
0x26: {  	[smem:$0x3F96] =	sst s1;
	(tag) =	ssettag s2;
	_ =	strace s9  }
0x27: {  	s1 =	sld [smem:$0x3FA6]  }
0x28: {  	s2 =	sld [smem:$0x3FA7]  }
0x29: {  	s4 =	sld [smem:$0x3FA9]  }
0x2a: {  	p0 =	seq.s32 s5, $0x0;
	s5 =	sld [smem:$0x3FAA]  }
0x2b: {  	s6 =	sld [smem:$0x3FAB]  }
0x2c: {  	s7 =	sld [smem:$0x3FAC]  }
0x2d: {  	s3 =	simm.s32 $0x108;
	s8 =	sld [smem:$0x3FAD]  }
0x2e: {  	s3 =	simm.s32 @!p0 $0x1082;
	s9 =	sld [smem:$0x3FAE]  }
0x2f: {  	lr =	sadd.s32 s0, s3;
	s0 =	sld [smem:$0x3FA5]  }
0x30: {  	s3 =	sld [smem:$0x3FA8]  }
0x31: {  	[smem:$0x3FB1] =	sst s10  }
0x32: {  	s10 =	sld [smem:$0x3FAF];
	_ =	sdelay $0x3  }
0x33: {  	p0 =	seq.s32 s10, $0x1;
	s10 =	sld [smem:$0x3FB1];
	_ =	sdelay $0x3  }
0x34: {  	[smem:$0x3FB1] =	sst s10  }
0x35: {  	s10 =	sld [smem:$0x3FB0];
	_ =	sdelay $0x3  }
0x36: {  	p1 =	seq.s32 s10, $0x1;
	s10 =	sld [smem:$0x3FB1];
	_ =	sdelay $0x3  }
0x37: {  	[smem:$0x3FB1] =	sst s10  }
0x38: {  	s10 =	sld [smem:$0x3FB2]  }
0x39: {  	_ = 	snop;
	(pc) =	sbr.ind lr, $3  }
0x3a: {  	_ = 	snop  }
0x3b: {  	_ = 	snop  }
0x3c: {  	p2 =	seq.s32 s10, $0x1;
	s10 =	sld [smem:$0x3FB1]  }
0x3d: {  	_ =	shalt  }
0x3e: {  	_ =	shalt  }
0x3f: {  	_ =	shalt  }
0x40: {  	_ =	shalt  }
0x41: {  	_ =	shalt  }
0x42: {  	_ =	shalt  }
0x43: {  	_ =	shalt  }
0x44: {  	_ =	shalt  }
0x45: {  	_ =	shalt  }
0x46: {  	_ =	shalt  }
0x47: {  	_ =	shalt  }
0x48: {  	_ =	shalt  }
0x49: {  	_ =	shalt  }
0x4a: {  	_ =	shalt  }
0x4b: {  	_ =	shalt  }
0x4c: {  	_ =	shalt  }
0x4d: {  	_ =	shalt  }
0x4e: {  	_ =	shalt  }
0x4f: {  	_ =	shalt  }
0x50: {  	_ =	shalt  }
0x51: {  	_ =	shalt  }
0x52: {  	_ =	shalt  }
0x53: {  	_ =	shalt  }
0x54: {  	_ =	shalt  }
0x55: {  	_ =	shalt  }
0x56: {  	_ =	shalt  }
0x57: {  	_ =	shalt  }
0x58: {  	_ =	shalt  }
0x59: {  	_ =	shalt  }
0x5a: {  	_ =	shalt  }
0x5b: {  	_ =	shalt  }
0x5c: {  	_ =	shalt  }
0x5d: {  	_ =	shalt  }
0x5e: {  	_ =	shalt  }
0x5f: {  	_ =	shalt  }
0x60: {  	_ =	shalt  }
0x61: {  	_ =	shalt  }
0x62: {  	_ =	shalt  }
0x63: {  	_ =	shalt  }
0x64: {  	_ =	shalt  }
0x65: {  	_ =	shalt  }
0x66: {  	_ =	shalt  }
0x67: {  	_ =	shalt  }
0x68: {  	_ =	shalt  }
0x69: {  	_ =	shalt  }
0x6a: {  	_ =	shalt  }
0x6b: {  	_ =	shalt  }
0x6c: {  	_ =	shalt  }
0x6d: {  	_ =	shalt  }
0x6e: {  	_ =	shalt  }
0x6f: {  	_ =	shalt  }
0x70: {  	_ =	shalt  }
0x71: {  	_ =	shalt  }
0x72: {  	_ =	shalt  }
0x73: {  	_ =	shalt  }
0x74: {  	_ =	shalt  }
0x75: {  	_ =	shalt  }
0x76: {  	_ =	shalt  }
0x77: {  	_ =	shalt  }
0x78: {  	_ =	shalt  }
0x79: {  	_ =	shalt  }
0x7a: {  	_ =	shalt  }
0x7b: {  	_ =	shalt  }
0x7c: {  	_ =	shalt  }
0x7d: {  	_ =	shalt  }
0x7e: {  	_ =	shalt  }
0x7f: {  	_ =	shalt  }
0x80: {  	_ =	shalt  }
0x81: {  	_ =	shalt  }
0x82: {  	_ =	shalt  }
0x83: {  	_ =	shalt  }
0x84: {  	_ =	shalt  }
0x85: {  	_ =	shalt  }
0x86: {  	_ =	shalt  }
0x87: {  	_ =	shalt  }
.Lfunc_end0:
.L_simem_size_0:
called_computation.4_lowered:
.L_overlay_start_0:
0x88: {  	s2 =	sld [smem:$0x3FD9]  }
0x89: {  	s3 =	sld [smem:$0x3FFE];
	_ =	sdelay $0x1  }
0x8a: {  	s1 =	srdreg.scid  }
0x8b: {  	s0 =	sand.u32 $0x1, s1  }
0x8c: {  	s14 =	sshll.u32 s0, $0xA;
	s2 =	sadd.s32 s3, s2  }
0x8d: {  	s2 =	sadd.s32 s2, s14  }
0x8e: {  	[smem:$0x3FBD] =	sst s2  }
0x8f: {  	_ = 	snop  }
0x90: {  	s2 =	sld [smem:$0x3FD0];
	_ =	sdelay $0x2  }
0x91: {  	s15 =	simm.s32 $0xA;
	s4 =	simm.s32 $0x10  }
0x92: {  	[smem:s4], [sflag:s15] =	dma.local [hbm:s2], $0x1  }
0x93: {  	_ =	swait.eq [sflag:s15], $0x1  }
0x94: {  	[sflag:s15] =	ssyncset.done $0x0  }
0x95: {  	[sflag:s15] =	ssyncadd.s32 $0xFFFFFFFF  }
0x96: {  	s16 =	sld [smem:$0x11];
	(tm) =	ssettm $0x1  }
0x97: {  	s17 =	sld [smem:$0x3FFB];
	_ =	sdelay $0x3  }
0x98: {  	_ =	strace s17  }
0x99: {  	s3 =	sld [smem:$0x3FFC];
	_ =	sdelay $0x3  }
0x9a: {  	_ =	strace s3  }
0x9b: {  	s3 =	sld [smem:$0x3FFD];
	_ =	sdelay $0x3  }
0x9c: {  	_ =	strace s3  }
0x9d: {  	_ =	strace $0x8FFFFFFF  }
0x9e: {  	s18 =	sld [smem:$0x3FDB];
	_ =	sdelay $0x1  }
0x9f: {  	s19 =	simm.s32 $_scs_section_size  }
0xa0: {  	s5 =	simm.s32 $_size__tile_overlayer_lowered;
	s6 =	simm.s32 $_tile_overlayer_lowered  }
0xa1: {  	s22 =	simm.s32 $0x1BFF;
	s21 =	sshll.u32 s6, $0x1;
	s3 =	sadd.s32 s19, s18  }
0xa2: {  	s7 =	simm.s32 $0x0;
	s20 =	sshll.u32 s5, $0x1;
	s5 =	sadd.s32 s21, s3  }
0xa3: {  	[timem:s7], [sflag:s22] =	dma.local [hbm:s5], s20  }
0xa4: {  	_ =	swait.ge [sflag:s22], s20  }
0xa5: {  	s4 =	ssub.s32 $0x0, s20;
	[sflag:s22] =	ssyncset.done $0x0  }
0xa6: {  	[sflag:s22] =	ssyncadd.s32 s4;
	_ =	sdelay $0x1  }
0xa7: {  	s23 =	simm.s32 $0x1B8B  }
0xa8: {  	_ =	swait.ge [sflag:s23], $0x1  }
0xa9: {  	[sflag:s23] =	ssyncset.done $0x0  }
0xaa: {  	s25 =	simm.s32 $0x1B8E;
	s24 =	sld [smem:$0x3FFE];
	[sflag:s23] =	ssyncadd.s32 $0xFFFFFFFF  }
0xab: {  	s26 =	simm.s32 $execute0_lowered;
	[smem:$0x3FD2] =	sst s25  }
0xac: {  	s5 =	sshll.u32 s26, $0x1;
	_ =	strace $0x80000052;
	[dreg:$0x1] =	wrdreg $0xFFFFFFFF  }
0xad: {  	s28 =	simm.s32 $_size_execute0_lowered;
	s3 =	sadd.s32 s3, s5;
	[dreg:$0x0] =	wrdreg $0x0  }
0xae: {  	s5 =	sshll.u32 s28, $0x1;
	[dreg:$0x2] =	wrdreg s3  }
0xaf: {  	[dreg:$0x3] =	wrdreg s5  }
0xb0: {  	[dreg:$0x4] =	wrdreg $0xC0  }
0xb1: {  	_ =	task [dreg:s7], $0x5FFFF  }
0xb2: {  	[dreg:$0x1] =	wrdreg $0xFFFFFFFF  }
0xb3: {  	[dreg:$0x0] =	wrdreg $0x60  }
0xb4: {  	[dreg:$0x2] =	wrdreg s24  }
0xb5: {  	[dreg:$0x3] =	wrdreg s16  }
0xb6: {  	[dreg:$0x4] =	wrdreg $0x9  }
0xb7: {  	_ =	task.clear_ibuf [dreg:s7], $0x5FFFF;
	_ =	strace $0x90000052  }
0xb8: {  	s29 =	simm.s32 $0x9;
	_ =	strace $0x80000054  }
0xb9: {  	_ =	swait.ge [sflag:s29], $0x1  }
0xba: {  	[sflag:s29] =	ssyncadd.s32 $0xFFFFFFFF  }
0xbb: {  	_ =	strace $0x90000054  }
0xbc: {  	_ =	sfence  }
0xbd: {  	s30 =	sld [smem:$0x0];
	_ =	sdelay $0x2  }
0xbe: {  	s31 =	sshll.u32 s1, $0xD;
	s1 =	sshrl.u32 s1, $0x2  }
0xbf: {  	s3 =	sand.u32 $0x4000, s31;
	s1 =	sadd.s32 s1, s30  }
0xc0: {  	s0 =	sor.u32 s3, s0;
	s1 =	sshll.u32 s1, $0x11  }
0xc1: {  	s0 =	sor.u32 s1, s0  }
0xc2: {  	s0 =	sadd.s32 $0x8F2B, s0  }
0xc3: {  	[sflag:s0] =	ssyncadd.remote.s32 $0x1  }
0xc4: {  	_ =	sfence.sel $0xFFFF  }
0xc5: {  	[dreg:$0x0] =	wrdreg $0xFFFFFFFF;
	(pc) =	sbr.abs _section_cstart, $3  }
0xc6: {  	[dreg:$0x1] =	wrdreg $0xFFFFFFFF  }
0xc7: {  	_ =	task.clear_ibuf [dreg:s7], $0x2FFFF;
	_ =	strace $0x9FFFFFFF  }
0xc8: {  	(tm) =	ssettm $0x7FFFFFFF  }
0xc9: {  	_ =	shalt  }
tec
execute0_lowered:
.L_overlay_start_1:
0x0: {  	(tag) =	ssettag $0x1  }
0x1: {  	s0 =	srdreg.scid  }
0x2: {  	s11 =	rddreg [dreg:$0x0];
	s12 =	sand.u32 $0x1, s0  }
0x3: {  	s3 =	rddreg [dreg:$0x1];
	s1 =	stileid.u32;
	s2 =	sshll.u32 s12, $0x4  }
0x4: {  	s0 =	rddreg [dreg:$0x2];
	s4 =	sshll.u32 s1, $0x4;
	s10 =	sor.u32 s1, s2  }
0x5: {  	s4 =	sand.u32 $0x70, s4;
	s2 =	simm.s32 $0x0;
	s5 =	sshll.u32 s10, $0x4  }
0x6: {  	s3 =	sadd.s32 s3, s4;
	[smem:$0x7FF] =	sst s2;
	s5 =	sand.u32 $0x180, s5  }
0x7: {  	_ =	strace $0x80000053;
	s4 =	sadd.s32 s5, s3;
	s3 =	simm.s32 $0x2  }
0x8: {  	[tilespmem:s2], [sflag:$0x2] =	stream.linear.gather [hbm4b:s4+s2], $0x80, $0x38;
	[tilespmem:$0x5080] =	vst v63  }
0x9: {  	_ =	swait.ge [sflag:s3], $0x80  }
0xa: {  	s6 =	simm.s32 $0x50;
	s7 =	simm.s32 $0x80;
	[sflag:s3] =	ssyncset.done $0x0  }
0xb: {  	s8 =	simm.s32 $0x1;
	s5 =	sadd.s32 $0x4200, s11;
	[sflag:s3] =	ssyncadd.s32 $0xFFFFFF80  }
0xc: {  	[tilespmem:s7], [sflag:$0x1] =	stream.indirect.gather [hbm4b:s5+s6], $0x80, s2, s6, $0xb8;
	[tilespmem:$0x5080] =	vst v63  }
0xd: {  	_ =	swait.ge [sflag:s8], $0x2800  }
0xe: {  	s9 =	sadd.s32 $0x40200, s11;
	s12 =	ssub.s32 $0x2, s12;
	[sflag:s8] =	ssyncset.done $0x0  }
0xf: {  	s13 =	smul.u32 $0x500, s10;
	s10 =	simm.s32 $0x2880;
	[sflag:s8] =	ssyncadd.s32 $0xFFFFD800  }
0x10: {  	[tilespmem:s10], [sflag:$0x1] =	stream.indirect.gather [hbm4b:s9+s6], $0x80, s2, s6, $0xb8;
	[tilespmem:$0x5080] =	vst v63  }
0x11: {  	s14 =	sshrl.u32 s12, $0x1;
	_ =	swait.ge [sflag:s8], $0x2800  }
0x12: {  	s14 =	ssub.s32 s12, s14;
	s13 =	sadd.s32 s13, s11;
	[sflag:s8] =	ssyncset.done $0x0  }
0x13: {  	s31 =	smax.u32 s14, $0x1;
	s11 =	sadd.s32 $0x36200, s13;
	[sflag:s8] =	ssyncadd.s32 $0xFFFFD800  }
0x14: {  	[hbm4b:s11+s2] =	stream.linear.scatter [tilespmem:s7], [sflag:$0x2], $0x2800, $0x38;
	[tilespmem:$0x5080] =	vst v63  }
0x15: {  	p0 =	sne.s32 s31, $0x1;
	_ =	swait.ge [sflag:s3], $0x2800  }
.Ltmp0:
0x16: {  	[sflag:s3] =	ssyncset.done $0x0;
	(pc) =	sbr.rel @!p0 .LBB2_2-.Ltmp0, $4  }
0x17: {  	s12 =	sadd.s32 $0x2C200, s13;
	[sflag:s3] =	ssyncadd.s32 $0xFFFFD800  }
0x18: {  	[hbm4b:s12+s2] =	stream.linear.scatter [tilespmem:s10], [sflag:$0x2], $0x2800, $0x38;
	[tilespmem:$0x5080] =	vst v63  }
0x19: {  	_ =	swait.ge [sflag:s3], $0x2800  }
0x1a: {  	s13 =	sadd.s32 $0xFFFFFFFF, s31;
	[sflag:s3] =	ssyncset.done $0x0  }
.LBB2_1:
0x1b: {  	p0 =	sne.s32 s13, $0x1;
	s13 =	sadd.s32 $0xFFFFFFFF, s13;
	[sflag:s3] =	ssyncadd.s32 $0xFFFFD800  }
0x1c: {  	[tilespmem:s2], [sflag:$0x2] =	stream.linear.gather [hbm4b:s4+s2], $0x80, $0x38;
	[tilespmem:$0x5080] =	vst v63  }
0x1d: {  	_ =	swait.ge [sflag:s3], $0x80  }
0x1e: {  	[sflag:s3] =	ssyncset.done $0x0  }
0x1f: {  	[sflag:s3] =	ssyncadd.s32 $0xFFFFFF80  }
0x20: {  	[tilespmem:s7], [sflag:$0x1] =	stream.indirect.gather [hbm4b:s5+s6], $0x80, s2, s6, $0xb8;
	[tilespmem:$0x5080] =	vst v63  }
0x21: {  	_ =	swait.ge [sflag:s8], $0x2800  }
0x22: {  	[sflag:s8] =	ssyncset.done $0x0  }
0x23: {  	[sflag:s8] =	ssyncadd.s32 $0xFFFFD800  }
0x24: {  	[tilespmem:s10], [sflag:$0x1] =	stream.indirect.gather [hbm4b:s9+s6], $0x80, s2, s6, $0xb8;
	[tilespmem:$0x5080] =	vst v63  }
0x25: {  	_ =	swait.ge [sflag:s8], $0x2800  }
0x26: {  	[sflag:s8] =	ssyncset.done $0x0  }
0x27: {  	[sflag:s8] =	ssyncadd.s32 $0xFFFFD800  }
0x28: {  	[hbm4b:s11+s2] =	stream.linear.scatter [tilespmem:s7], [sflag:$0x2], $0x2800, $0x38;
	[tilespmem:$0x5080] =	vst v63  }
0x29: {  	_ =	swait.ge [sflag:s3], $0x2800  }
.Ltmp1:
0x2a: {  	[sflag:s3] =	ssyncset.done $0x0;
	(pc) =	sbr.rel @p0 .LBB2_1-.Ltmp1, $4  }
0x2b: {  	[sflag:s3] =	ssyncadd.s32 $0xFFFFD800  }
0x2c: {  	[hbm4b:s12+s2] =	stream.linear.scatter [tilespmem:s10], [sflag:$0x2], $0x2800, $0x38;
	[tilespmem:$0x5080] =	vst v63  }
0x2d: {  	_ =	swait.ge [sflag:s3], $0x2800  }
0x2e: {  	[sflag:s3] =	ssyncset.done $0x0  }
.LBB2_2:
0x2f: {  	[sflag:s3] =	ssyncadd.s32 $0xFFFFD800  }
0x30: {  	_ =	sfence.sel $0x180000  }
0x31: {  	[bflag:$0x0] =	sbarrier.arrive $0xFFFF  }
0x32: {  	p0 =	sne.s32 s1, $0x0;
	_ =	strace $0x90000053  }
0x33: {  	s0 =	sadd.s32 @!p0 $0x100000, s0;
	[bflag:$0x2] =	sbarrier.arrive $0xFFFF  }
0x34: {  	[sflag:s0] =	ssyncadd.tile.s32 @!p0 $0x1;
	_ =	shalt  }
.Lfunc_end2:
_tile_overlayer_lowered:
.L_overlay_start_2:
0x35: {  	(tag) =	ssettag $0x2  }
0x36: {  	s0 =	rddreg [dreg:$0x0];
	s2 =	stileid.u32  }
0x37: {  	s1 =	rddreg [dreg:$0x1];
	p0 =	sne.s32 s2, $0x0  }
0x38: {  	s3 =	rddreg [dreg:$0x2];
	[bflag:$0x3] =	sbarrier.arrive $0xFFFF;
	s2 =	simm.s32 @!p0 $0x1C02  }
0x39: {  	[timem:s3], [sflag:s2] =	dma.local @!p0 [hbm:s0], s1  }
0x3a: {  	s0 =	simm.s32 @!p0 $0x2  }
0x3b: {  	_ =	swait.ge @!p0 [sflag:s0], s1  }
0x3c: {  	s1 =	ssub.s32 @!p0 $0x0, s1;
	[sflag:s0] =	ssyncset.done @!p0 $0x0  }
0x3d: {  	[sflag:s0] =	ssyncadd.s32 @!p0 s1  }
0x3e: {  	[bflag:$0x3] =	sbarrier.arrive $0xFFFF  }
0x3f: {  	_ =	shalt  }

</sc_bundles>
